<compile_context>
chip_gen: v7x
topology: tpu7x:2x2x1
jax: 0.10.2.dev20260603
libtpu: 0.0.44.dev20260713+nightly
codegen_flags: <defaults>
</compile_context>

<pallas_src>
import functools

import jax
import jax.numpy as jnp
from jax import lax
from jax.experimental import pallas as pl
from jax.experimental.pallas import tpu as pltpu
from jax.experimental.pallas import tpu_sc as plsc

N1 = 5000
N2 = 1024
D = 128
E0 = 160000
E1 = 32768
NC, NS = 2, 16
NW = NC * NS
CH = 128

L0_CHUNKS = -(-E0 // (NW * CH))
L0_PAD = NW * CH * L0_CHUNKS - E0
L1_CHUNKS = E1 // (NW * CH)


def _make_sc_agg(n_chunks: int, acc_rows: int):
    rows_per_tile = acc_rows // NS
    assert rows_per_tile % 16 == 0
    mesh = plsc.VectorSubcoreMesh(
        core_axis_name="c", subcore_axis_name="s",
        num_cores=NC, num_subcores=NS)

    @functools.partial(
        pl.kernel, mesh=mesh,
        out_type=(jax.ShapeDtypeStruct((NC, N2, D), jnp.float32),
                  jax.ShapeDtypeStruct((NC, N2), jnp.float32)),
        scratch_types=[
            pltpu.VMEM((n_chunks, CH), jnp.int32),
            pltpu.VMEM((n_chunks, CH), jnp.int32),
            pltpu.VMEM((CH, D), jnp.float32),
            pltpu.VMEM((CH,), jnp.float32),
            pltpu.VMEM((CH,), jnp.float32),
            pltpu.VMEM((16, 128), jnp.float32),
            pltpu.VMEM_SHARED((acc_rows, D), jnp.float32),
            pltpu.VMEM_SHARED((2048,), jnp.float32),
            pltpu.SemaphoreType.DMA,
        ])
    def sc_agg(table, src_idx, dst_idx, sum_out, cnt_out,
               idx_s, idx_d, rows, ones_b, zrow, zbuf, acc, cnt_sh, sem):
        c = lax.axis_index("c")
        s = lax.axis_index("s")
        wid = c * NS + s

        zero16 = jnp.zeros((16,), jnp.float32)
        ones16 = jnp.ones((16,), jnp.float32)
        for k in range(CH // 16):
            ones_b[pl.ds(k * 16, 16)] = ones16
            zrow[pl.ds(k * 16, 16)] = zero16
        for r in range(16):
            for l in range(8):
                zbuf[r, pl.ds(l * 16, 16)] = zero16
        for b in range(rows_per_tile // 16):
            pltpu.sync_copy(zbuf,
                            acc.at[pl.ds(s * rows_per_tile + b * 16, 16)])
        pltpu.sync_copy(zrow, cnt_sh.at[pl.ds(s * 128, 128)])

        pltpu.sync_copy(src_idx.at[wid], idx_s)
        pltpu.sync_copy(dst_idx.at[wid], idx_d)
        plsc.subcore_barrier()

        def body(j, carry):
            pltpu.async_copy(table.at[idx_s.at[j]], rows, sem).wait()
            pltpu.sync_copy(rows, acc.at[idx_d.at[j]], add=True)
            pltpu.sync_copy(ones_b, cnt_sh.at[idx_d.at[j]], add=True)
            return carry

        lax.fori_loop(0, n_chunks, body, 0)

        plsc.subcore_barrier()
        nr = N2 // NS
        pltpu.sync_copy(acc.at[pl.ds(s * nr, nr)], rows.at[pl.ds(0, nr)])
        pltpu.sync_copy(rows.at[pl.ds(0, nr)],
                        sum_out.at[c, pl.ds(s * nr, nr)])
        pltpu.sync_copy(cnt_sh.at[pl.ds(s * nr, nr)], zrow.at[pl.ds(0, nr)])
        pltpu.sync_copy(zrow.at[pl.ds(0, nr)],
                        cnt_out.at[c, pl.ds(s * nr, nr)])

    return sc_agg


_SC_AGG_L1 = _make_sc_agg(L1_CHUNKS, N2)

EPW = L0_CHUNKS * CH
SRC_BITS = 13


def _make_sc_agg_filtered(acc_rows: int):
    rows_per_tile = acc_rows // NS
    assert rows_per_tile % 16 == 0
    mesh = plsc.VectorSubcoreMesh(
        core_axis_name="c", subcore_axis_name="s",
        num_cores=NC, num_subcores=NS)
    thresh = N2 << SRC_BITS
    smask = (1 << SRC_BITS) - 1

    @functools.partial(
        pl.kernel, mesh=mesh,
        out_type=(jax.ShapeDtypeStruct((NC, N2, D), jnp.float32),
                  jax.ShapeDtypeStruct((NC, N2), jnp.float32)),
        scratch_types=[
            pltpu.VMEM((EPW,), jnp.int32),
            pltpu.VMEM((EPW + CH,), jnp.int32),
            pltpu.VMEM((1, CH), jnp.int32),
            pltpu.VMEM((1, CH), jnp.int32),
            pltpu.VMEM((CH, D), jnp.float32),
            pltpu.VMEM((CH,), jnp.float32),
            pltpu.VMEM((CH,), jnp.float32),
            pltpu.VMEM((16, 128), jnp.float32),
            pltpu.VMEM_SHARED((acc_rows, D), jnp.float32),
            pltpu.VMEM_SHARED((2048,), jnp.float32),
            pltpu.SemaphoreType.DMA,
        ])
    def sc_agg_f(table, edges, sum_out, cnt_out,
                 slab, comp, sstage, dstage, rows, ones_b, zrow, zbuf,
                 acc, cnt_sh, sem):
        c = lax.axis_index("c")
        s = lax.axis_index("s")
        wid = c * NS + s

        zero16 = jnp.zeros((16,), jnp.float32)
        ones16 = jnp.ones((16,), jnp.float32)
        for k in range(CH // 16):
            ones_b[pl.ds(k * 16, 16)] = ones16
            zrow[pl.ds(k * 16, 16)] = zero16
        for r in range(16):
            for l in range(8):
                zbuf[r, pl.ds(l * 16, 16)] = zero16
        for b in range(rows_per_tile // 16):
            pltpu.sync_copy(zbuf,
                            acc.at[pl.ds(s * rows_per_tile + b * 16, 16)])
        pltpu.sync_copy(zrow, cnt_sh.at[pl.ds(s * 128, 128)])

        pltpu.sync_copy(edges.at[wid], slab)
        plsc.subcore_barrier()

        one16i = jnp.ones((16,), jnp.int32)

        def compact(t, off):
            pv = slab[pl.ds(t * 16, 16)]
            o = off
            for k in range(16):
                e = pv[k]
                comp[pl.ds(o, 16)] = one16i * e
                o = o + jnp.where(e < thresh, 1, 0).astype(jnp.int32)
            return o

        off = lax.fori_loop(0, EPW // 16, compact, jnp.int32(0))
        pad16 = jnp.full((16,), N2 << SRC_BITS, jnp.int32)
        for t in range(CH // 16):
            comp[pl.ds(off + t * 16, 16)] = pad16
        n_ch = lax.shift_right_logical(off + (CH - 1), 7)

        def body(j, carry):
            for l in range(CH // 16):
                p = comp[pl.ds(j * CH + l * 16, 16)]
                sstage[0, pl.ds(l * 16, 16)] = jnp.bitwise_and(p, smask)
                dstage[0, pl.ds(l * 16, 16)] = lax.shift_right_logical(
                    p, SRC_BITS)
            pltpu.async_copy(table.at[sstage.at[0]], rows, sem).wait()
            pltpu.sync_copy(rows, acc.at[dstage.at[0]], add=True)
            pltpu.sync_copy(ones_b, cnt_sh.at[dstage.at[0]], add=True)
            return carry

        lax.fori_loop(0, n_ch, body, 0)

        plsc.subcore_barrier()
        nr = N2 // NS
        pltpu.sync_copy(acc.at[pl.ds(s * nr, nr)], rows.at[pl.ds(0, nr)])
        pltpu.sync_copy(rows.at[pl.ds(0, nr)],
                        sum_out.at[c, pl.ds(s * nr, nr)])
        pltpu.sync_copy(cnt_sh.at[pl.ds(s * nr, nr)], zrow.at[pl.ds(0, nr)])
        pltpu.sync_copy(zrow.at[pl.ds(0, nr)],
                        cnt_out.at[c, pl.ds(s * nr, nr)])

    return sc_agg_f


_SC_AGG_L0F = _make_sc_agg_filtered(1280)


def _dense(sums, cnts, xt, wl, wr, b, do_relu: bool):
    def body(s_ref, c_ref, x_ref, wl_ref, wr_ref, b_ref, o_ref):
        sm = s_ref[0] + s_ref[1]
        cn = c_ref[0] + c_ref[1]
        agg = sm / jnp.maximum(cn, 1.0)
        r = (jnp.dot(agg, wl_ref[...], preferred_element_type=jnp.float32)
             + jnp.dot(x_ref[...], wr_ref[...],
                       preferred_element_type=jnp.float32)
             + b_ref[...])
        o_ref[...] = jnp.maximum(r, 0.0) if do_relu else r

    return pl.pallas_call(
        body,
        out_shape=jax.ShapeDtypeStruct((N2, D), jnp.float32),
    )(sums, cnts, xt, wl, wr, b)


def kernel(x, edge_index_0, edge_index_1, W_l0, W_r0, b0, W_l1, W_r1, b1):
    src0 = edge_index_0[0].astype(jnp.int32)
    dst0 = edge_index_0[1].astype(jnp.int32)
    dst0 = jnp.where(dst0 < N2, dst0, N2)
    packed0 = jnp.concatenate([
        (dst0 << SRC_BITS) | src0,
        jnp.full((L0_PAD,), N2 << SRC_BITS, jnp.int32),
    ]).reshape(NW, EPW)

    sum0, cnt0 = _SC_AGG_L0F(x, packed0)
    xt0 = lax.slice(x, (0, 0), (N2, D))
    h = _dense(sum0, cnt0[..., None], xt0,
               W_l0, W_r0, b0.reshape(1, D), True)

    src1 = edge_index_1[0].astype(jnp.int32).reshape(NW, L1_CHUNKS, CH)
    dst1 = edge_index_1[1].astype(jnp.int32).reshape(NW, L1_CHUNKS, CH)
    sum1, cnt1 = _SC_AGG_L1(h, src1, dst1)
    out = _dense(sum1, cnt1[..., None], h,
                 W_l1, W_r1, b1.reshape(1, D), False)
    return out

# --- scband reference (transcript-rebuilt; emitter-appended) ---
"""Pipeline reference for scband-encoder-26053271618045 (READ-ONLY COPY).

The authoritative reference and input builder live on the scoring server;
editing this copy changes nothing except your own understanding.
"""

import jax, jax.numpy as jnp
import numpy as np

N0, N1, N2 = 10000, 5000, 1024
E0, E1 = 160000, 32768
D_IN, D_HID = 128, 128


def _seg_mean(msgs, dst, num_segments):
    s = jax.ops.segment_sum(msgs, dst, num_segments=num_segments)
    cnt = jax.ops.segment_sum(jnp.ones((msgs.shape[0],), msgs.dtype), dst, num_segments=num_segments)
    return s / jnp.clip(cnt, 1.0)[:, None]


def setup_inputs(seed: int = 0) -> dict:
    key = jax.random.key(seed)
    ks = jax.random.split(key, 10)
    x = jax.random.normal(ks[0], (N0, D_IN), dtype=jnp.float32)
    edge_index_0 = jax.random.randint(ks[1], (2, E0), 0, N1, dtype=jnp.int64)
    edge_index_1 = jax.random.randint(ks[2], (2, E1), 0, N2, dtype=jnp.int64)
    sc_in = 1.0 / np.sqrt(D_IN)
    sc_h = 1.0 / np.sqrt(D_HID)
    W_l0 = jax.random.normal(ks[3], (D_IN, D_HID), dtype=jnp.float32) * sc_in
    W_r0 = jax.random.normal(ks[4], (D_IN, D_HID), dtype=jnp.float32) * sc_in
    b0 = jnp.zeros((D_HID,), dtype=jnp.float32)
    W_l1 = jax.random.normal(ks[5], (D_HID, D_HID), dtype=jnp.float32) * sc_h
    W_r1 = jax.random.normal(ks[6], (D_HID, D_HID), dtype=jnp.float32) * sc_h
    b1 = jnp.zeros((D_HID,), dtype=jnp.float32)
    return {"x": x, "edge_index_0": edge_index_0, "edge_index_1": edge_index_1,
            "W_l0": W_l0, "W_r0": W_r0, "b0": b0,
            "W_l1": W_l1, "W_r1": W_r1, "b1": b1}


def reference(x, edge_index_0, edge_index_1, W_l0, W_r0, b0, W_l1, W_r1, b1):
    # Layer 0: bipartite SAGEConv (x -> x[:N1]) with mean aggregation
    x_t0 = x[:N1]
    msg0 = jnp.take(x, edge_index_0[0], axis=0)            # gather sources [E0, D_IN]
    agg0 = _seg_mean(msg0, edge_index_0[1], N1)            # scatter-mean to dst [N1, D_IN]
    h = agg0 @ W_l0 + x_t0 @ W_r0 + b0
    h = jax.nn.relu(h)
    # dropout p=0.5 is identity in eval mode (training=False)
    # Layer 1: bipartite SAGEConv (h -> h[:N2])
    x_t1 = h[:N2]
    msg1 = jnp.take(h, edge_index_1[0], axis=0)            # [E1, D_HID]
    agg1 = _seg_mean(msg1, edge_index_1[1], N2)            # [N2, D_HID]
    out = agg1 @ W_l1 + x_t1 @ W_r1 + b1
    return out

if __name__ == "__main__":
    import jax
    _d = setup_inputs()
    print(jax.jit(kernel)(*tuple(_d.values())))

</pallas_src>

<mosaic_0001>
#map = affine_map<(d0, d1) -> (0, 0)>
#map1 = affine_map<(d0, d1) -> (0, 0, 0)>
module attributes {stable_mosaic.version = 14 : i64} {
  func.func @sc_agg_f(%arg0: i32, %arg1: i32, %arg2: memref<10000x128xf32, #tpu.memory_space<hbm>>, %arg3: memref<32x5120xi32, #tpu.memory_space<hbm>>, %arg4: memref<2x1024x128xf32, #tpu.memory_space<hbm>>, %arg5: memref<2x1024xf32, #tpu.memory_space<hbm>>, %arg6: memref<5120xi32, #tpu.memory_space<vmem>>, %arg7: memref<5248xi32, #tpu.memory_space<vmem>>, %arg8: memref<1x128xi32, #tpu.memory_space<vmem>>, %arg9: memref<1x128xi32, #tpu.memory_space<vmem>>, %arg10: memref<128x128xf32, #tpu.memory_space<vmem>>, %arg11: memref<128xf32, #tpu.memory_space<vmem>>, %arg12: memref<128xf32, #tpu.memory_space<vmem>>, %arg13: memref<16x128xf32, #tpu.memory_space<vmem>>, %arg14: memref<1280x128xf32, #tpu.memory_space<vmem_shared>>, %arg15: memref<2048xf32, #tpu.memory_space<vmem_shared>>, %arg16: memref<!tpu.dma_semaphore, #tpu.memory_space<semaphore_mem>>) attributes {dimension_semantics = [#tpu.dimension_semantics<core_parallel>, #tpu.dimension_semantics<subcore_parallel>], iteration_bounds = array<i64: 2, 16>, scalar_prefetch = 0 : i64, scratch_operands = 11 : i64, tpu.core_type = #tpu.core_type<sc_vector_subcore>, window_params = [{transform_indices = #map}, {transform_indices = #map}, {transform_indices = #map1}, {transform_indices = #map}]} {
    %mul3A = arith.constant 16 : i32
    %mul3A_0 = arith.muli %arg0, %mul3A : i32
    %add3A = arith.addi %mul3A_0, %arg1 : i32
    %broadcast_in_dim3A = arith.constant 0.000000e+00 : f32
    %broadcast_in_dim3A_1 = vector.broadcast %broadcast_in_dim3A : f32 to vector<16xf32>
    %broadcast_in_dim3A_2 = arith.constant 1.000000e+00 : f32
    %broadcast_in_dim3A_3 = vector.broadcast %broadcast_in_dim3A_2 : f32 to vector<16xf32>
    %swap3A = arith.constant 0 : index
    %swap3A_4 = tpu.vector_load %arg11[%swap3A] {strides = array<i32>} : memref<128xf32, #tpu.memory_space<vmem>>, vector<16xf32>,
    %swap3A_5 = vector.shape_cast %swap3A_4 : vector<16xf32> to vector<16xf32>
    %swap3A_6 = vector.shape_cast %broadcast_in_dim3A_3 : vector<16xf32> to vector<16xf32>
    tpu.vector_store %arg11[%swap3A], %swap3A_6 {strides = array<i32>} : memref<128xf32, #tpu.memory_space<vmem>>, vector<16xf32>,
    %swap3A_7 = arith.constant 0 : index
    %swap3A_8 = tpu.vector_load %arg12[%swap3A_7] {strides = array<i32>} : memref<128xf32, #tpu.memory_space<vmem>>, vector<16xf32>,
    %swap3A_9 = vector.shape_cast %swap3A_8 : vector<16xf32> to vector<16xf32>
    %swap3A_10 = vector.shape_cast %broadcast_in_dim3A_1 : vector<16xf32> to vector<16xf32>
    tpu.vector_store %arg12[%swap3A_7], %swap3A_10 {strides = array<i32>} : memref<128xf32, #tpu.memory_space<vmem>>, vector<16xf32>,
    %swap3A_11 = arith.constant 16 : index
    %swap3A_12 = tpu.vector_load %arg11[%swap3A_11] {strides = array<i32>} : memref<128xf32, #tpu.memory_space<vmem>>, vector<16xf32>,
    %swap3A_13 = vector.shape_cast %swap3A_12 : vector<16xf32> to vector<16xf32>
    %swap3A_14 = vector.shape_cast %broadcast_in_dim3A_3 : vector<16xf32> to vector<16xf32>
    tpu.vector_store %arg11[%swap3A_11], %swap3A_14 {strides = array<i32>} : memref<128xf32, #tpu.memory_space<vmem>>, vector<16xf32>,
    %swap3A_15 = arith.constant 16 : index
    %swap3A_16 = tpu.vector_load %arg12[%swap3A_15] {strides = array<i32>} : memref<128xf32, #tpu.memory_space<vmem>>, vector<16xf32>,
    %swap3A_17 = vector.shape_cast %swap3A_16 : vector<16xf32> to vector<16xf32>
    %swap3A_18 = vector.shape_cast %broadcast_in_dim3A_1 : vector<16xf32> to vector<16xf32>
    tpu.vector_store %arg12[%swap3A_15], %swap3A_18 {strides = array<i32>} : memref<128xf32, #tpu.memory_space<vmem>>, vector<16xf32>,
    %swap3A_19 = arith.constant 32 : index
    %swap3A_20 = tpu.vector_load %arg11[%swap3A_19] {strides = array<i32>} : memref<128xf32, #tpu.memory_space<vmem>>, vector<16xf32>,
    %swap3A_21 = vector.shape_cast %swap3A_20 : vector<16xf32> to vector<16xf32>
    %swap3A_22 = vector.shape_cast %broadcast_in_dim3A_3 : vector<16xf32> to vector<16xf32>
    tpu.vector_store %arg11[%swap3A_19], %swap3A_22 {strides = array<i32>} : memref<128xf32, #tpu.memory_space<vmem>>, vector<16xf32>,
    %swap3A_23 = arith.constant 32 : index
    %swap3A_24 = tpu.vector_load %arg12[%swap3A_23] {strides = array<i32>} : memref<128xf32, #tpu.memory_space<vmem>>, vector<16xf32>,
    %swap3A_25 = vector.shape_cast %swap3A_24 : vector<16xf32> to vector<16xf32>
    %swap3A_26 = vector.shape_cast %broadcast_in_dim3A_1 : vector<16xf32> to vector<16xf32>
    tpu.vector_store %arg12[%swap3A_23], %swap3A_26 {strides = array<i32>} : memref<128xf32, #tpu.memory_space<vmem>>, vector<16xf32>,
    %swap3A_27 = arith.constant 48 : index
    %swap3A_28 = tpu.vector_load %arg11[%swap3A_27] {strides = array<i32>} : memref<128xf32, #tpu.memory_space<vmem>>, vector<16xf32>,
    %swap3A_29 = vector.shape_cast %swap3A_28 : vector<16xf32> to vector<16xf32>
    %swap3A_30 = vector.shape_cast %broadcast_in_dim3A_3 : vector<16xf32> to vector<16xf32>
    tpu.vector_store %arg11[%swap3A_27], %swap3A_30 {strides = array<i32>} : memref<128xf32, #tpu.memory_space<vmem>>, vector<16xf32>,
    %swap3A_31 = arith.constant 48 : index
    %swap3A_32 = tpu.vector_load %arg12[%swap3A_31] {strides = array<i32>} : memref<128xf32, #tpu.memory_space<vmem>>, vector<16xf32>,
    %swap3A_33 = vector.shape_cast %swap3A_32 : vector<16xf32> to vector<16xf32>
    %swap3A_34 = vector.shape_cast %broadcast_in_dim3A_1 : vector<16xf32> to vector<16xf32>
    tpu.vector_store %arg12[%swap3A_31], %swap3A_34 {strides = array<i32>} : memref<128xf32, #tpu.memory_space<vmem>>, vector<16xf32>,
    %swap3A_35 = arith.constant 64 : index
    %swap3A_36 = tpu.vector_load %arg11[%swap3A_35] {strides = array<i32>} : memref<128xf32, #tpu.memory_space<vmem>>, vector<16xf32>,
    %swap3A_37 = vector.shape_cast %swap3A_36 : vector<16xf32> to vector<16xf32>
    %swap3A_38 = vector.shape_cast %broadcast_in_dim3A_3 : vector<16xf32> to vector<16xf32>
    tpu.vector_store %arg11[%swap3A_35], %swap3A_38 {strides = array<i32>} : memref<128xf32, #tpu.memory_space<vmem>>, vector<16xf32>,
    %swap3A_39 = arith.constant 64 : index
    %swap3A_40 = tpu.vector_load %arg12[%swap3A_39] {strides = array<i32>} : memref<128xf32, #tpu.memory_space<vmem>>, vector<16xf32>,
    %swap3A_41 = vector.shape_cast %swap3A_40 : vector<16xf32> to vector<16xf32>
    %swap3A_42 = vector.shape_cast %broadcast_in_dim3A_1 : vector<16xf32> to vector<16xf32>
    tpu.vector_store %arg12[%swap3A_39], %swap3A_42 {strides = array<i32>} : memref<128xf32, #tpu.memory_space<vmem>>, vector<16xf32>,
    %swap3A_43 = arith.constant 80 : index
    %swap3A_44 = tpu.vector_load %arg11[%swap3A_43] {strides = array<i32>} : memref<128xf32, #tpu.memory_space<vmem>>, vector<16xf32>,
    %swap3A_45 = vector.shape_cast %swap3A_44 : vector<16xf32> to vector<16xf32>
    %swap3A_46 = vector.shape_cast %broadcast_in_dim3A_3 : vector<16xf32> to vector<16xf32>
    tpu.vector_store %arg11[%swap3A_43], %swap3A_46 {strides = array<i32>} : memref<128xf32, #tpu.memory_space<vmem>>, vector<16xf32>,
    %swap3A_47 = arith.constant 80 : index
    %swap3A_48 = tpu.vector_load %arg12[%swap3A_47] {strides = array<i32>} : memref<128xf32, #tpu.memory_space<vmem>>, vector<16xf32>,
    %swap3A_49 = vector.shape_cast %swap3A_48 : vector<16xf32> to vector<16xf32>
    %swap3A_50 = vector.shape_cast %broadcast_in_dim3A_1 : vector<16xf32> to vector<16xf32>
    tpu.vector_store %arg12[%swap3A_47], %swap3A_50 {strides = array<i32>} : memref<128xf32, #tpu.memory_space<vmem>>, vector<16xf32>,
    %swap3A_51 = arith.constant 96 : index
    %swap3A_52 = tpu.vector_load %arg11[%swap3A_51] {strides = array<i32>} : memref<128xf32, #tpu.memory_space<vmem>>, vector<16xf32>,
    %swap3A_53 = vector.shape_cast %swap3A_52 : vector<16xf32> to vector<16xf32>
    %swap3A_54 = vector.shape_cast %broadcast_in_dim3A_3 : vector<16xf32> to vector<16xf32>
    tpu.vector_store %arg11[%swap3A_51], %swap3A_54 {strides = array<i32>} : memref<128xf32, #tpu.memory_space<vmem>>, vector<16xf32>,
    %swap3A_55 = arith.constant 96 : index
    %swap3A_56 = tpu.vector_load %arg12[%swap3A_55] {strides = array<i32>} : memref<128xf32, #tpu.memory_space<vmem>>, vector<16xf32>,
    %swap3A_57 = vector.shape_cast %swap3A_56 : vector<16xf32> to vector<16xf32>
    %swap3A_58 = vector.shape_cast %broadcast_in_dim3A_1 : vector<16xf32> to vector<16xf32>
    tpu.vector_store %arg12[%swap3A_55], %swap3A_58 {strides = array<i32>} : memref<128xf32, #tpu.memory_space<vmem>>, vector<16xf32>,
    %swap3A_59 = arith.constant 112 : index
    %swap3A_60 = tpu.vector_load %arg11[%swap3A_59] {strides = array<i32>} : memref<128xf32, #tpu.memory_space<vmem>>, vector<16xf32>,
    %swap3A_61 = vector.shape_cast %swap3A_60 : vector<16xf32> to vector<16xf32>
    %swap3A_62 = vector.shape_cast %broadcast_in_dim3A_3 : vector<16xf32> to vector<16xf32>
    tpu.vector_store %arg11[%swap3A_59], %swap3A_62 {strides = array<i32>} : memref<128xf32, #tpu.memory_space<vmem>>, vector<16xf32>,
    %swap3A_63 = arith.constant 112 : index
    %swap3A_64 = tpu.vector_load %arg12[%swap3A_63] {strides = array<i32>} : memref<128xf32, #tpu.memory_space<vmem>>, vector<16xf32>,
    %swap3A_65 = vector.shape_cast %swap3A_64 : vector<16xf32> to vector<16xf32>
    %swap3A_66 = vector.shape_cast %broadcast_in_dim3A_1 : vector<16xf32> to vector<16xf32>
    tpu.vector_store %arg12[%swap3A_63], %swap3A_66 {strides = array<i32>} : memref<128xf32, #tpu.memory_space<vmem>>, vector<16xf32>,
    %swap3A_67 = arith.constant 0 : i32
    %swap3A_68 = arith.index_cast %swap3A_67 : i32 to index
    %swap3A_69 = arith.constant 0 : index
    %swap3A_70 = tpu.vector_load %arg13[%swap3A_68, %swap3A_69] {strides = array<i32>} : memref<16x128xf32, #tpu.memory_space<vmem>>, vector<1x16xf32>,
    %swap3A_71 = vector.shape_cast %swap3A_70 : vector<1x16xf32> to vector<16xf32>
    %swap3A_72 = vector.shape_cast %broadcast_in_dim3A_1 : vector<16xf32> to vector<1x16xf32>
    tpu.vector_store %arg13[%swap3A_68, %swap3A_69], %swap3A_72 {strides = array<i32>} : memref<16x128xf32, #tpu.memory_space<vmem>>, vector<1x16xf32>,
    %swap3A_73 = arith.constant 0 : i32
    %swap3A_74 = arith.index_cast %swap3A_73 : i32 to index
    %swap3A_75 = arith.constant 16 : index
    %swap3A_76 = tpu.vector_load %arg13[%swap3A_74, %swap3A_75] {strides = array<i32>} : memref<16x128xf32, #tpu.memory_space<vmem>>, vector<1x16xf32>,
    %swap3A_77 = vector.shape_cast %swap3A_76 : vector<1x16xf32> to vector<16xf32>
    %swap3A_78 = vector.shape_cast %broadcast_in_dim3A_1 : vector<16xf32> to vector<1x16xf32>
    tpu.vector_store %arg13[%swap3A_74, %swap3A_75], %swap3A_78 {strides = array<i32>} : memref<16x128xf32, #tpu.memory_space<vmem>>, vector<1x16xf32>,
    %swap3A_79 = arith.constant 0 : i32
    %swap3A_80 = arith.index_cast %swap3A_79 : i32 to index
    %swap3A_81 = arith.constant 32 : index
    %swap3A_82 = tpu.vector_load %arg13[%swap3A_80, %swap3A_81] {strides = array<i32>} : memref<16x128xf32, #tpu.memory_space<vmem>>, vector<1x16xf32>,
    %swap3A_83 = vector.shape_cast %swap3A_82 : vector<1x16xf32> to vector<16xf32>
    %swap3A_84 = vector.shape_cast %broadcast_in_dim3A_1 : vector<16xf32> to vector<1x16xf32>
    tpu.vector_store %arg13[%swap3A_80, %swap3A_81], %swap3A_84 {strides = array<i32>} : memref<16x128xf32, #tpu.memory_space<vmem>>, vector<1x16xf32>,
    %swap3A_85 = arith.constant 0 : i32
    %swap3A_86 = arith.index_cast %swap3A_85 : i32 to index
    %swap3A_87 = arith.constant 48 : index
    %swap3A_88 = tpu.vector_load %arg13[%swap3A_86, %swap3A_87] {strides = array<i32>} : memref<16x128xf32, #tpu.memory_space<vmem>>, vector<1x16xf32>,
    %swap3A_89 = vector.shape_cast %swap3A_88 : vector<1x16xf32> to vector<16xf32>
    %swap3A_90 = vector.shape_cast %broadcast_in_dim3A_1 : vector<16xf32> to vector<1x16xf32>
    tpu.vector_store %arg13[%swap3A_86, %swap3A_87], %swap3A_90 {strides = array<i32>} : memref<16x128xf32, #tpu.memory_space<vmem>>, vector<1x16xf32>,
    %swap3A_91 = arith.constant 0 : i32
    %swap3A_92 = arith.index_cast %swap3A_91 : i32 to index
    %swap3A_93 = arith.constant 64 : index
    %swap3A_94 = tpu.vector_load %arg13[%swap3A_92, %swap3A_93] {strides = array<i32>} : memref<16x128xf32, #tpu.memory_space<vmem>>, vector<1x16xf32>,
    %swap3A_95 = vector.shape_cast %swap3A_94 : vector<1x16xf32> to vector<16xf32>
    %swap3A_96 = vector.shape_cast %broadcast_in_dim3A_1 : vector<16xf32> to vector<1x16xf32>
    tpu.vector_store %arg13[%swap3A_92, %swap3A_93], %swap3A_96 {strides = array<i32>} : memref<16x128xf32, #tpu.memory_space<vmem>>, vector<1x16xf32>,
    %swap3A_97 = arith.constant 0 : i32
    %swap3A_98 = arith.index_cast %swap3A_97 : i32 to index
    %swap3A_99 = arith.constant 80 : index
    %swap3A_100 = tpu.vector_load %arg13[%swap3A_98, %swap3A_99] {strides = array<i32>} : memref<16x128xf32, #tpu.memory_space<vmem>>, vector<1x16xf32>,
    %swap3A_101 = vector.shape_cast %swap3A_100 : vector<1x16xf32> to vector<16xf32>
    %swap3A_102 = vector.shape_cast %broadcast_in_dim3A_1 : vector<16xf32> to vector<1x16xf32>
    tpu.vector_store %arg13[%swap3A_98, %swap3A_99], %swap3A_102 {strides = array<i32>} : memref<16x128xf32, #tpu.memory_space<vmem>>, vector<1x16xf32>,
    %swap3A_103 = arith.constant 0 : i32
    %swap3A_104 = arith.index_cast %swap3A_103 : i32 to index
    %swap3A_105 = arith.constant 96 : index
    %swap3A_106 = tpu.vector_load %arg13[%swap3A_104, %swap3A_105] {strides = array<i32>} : memref<16x128xf32, #tpu.memory_space<vmem>>, vector<1x16xf32>,
    %swap3A_107 = vector.shape_cast %swap3A_106 : vector<1x16xf32> to vector<16xf32>
    %swap3A_108 = vector.shape_cast %broadcast_in_dim3A_1 : vector<16xf32> to vector<1x16xf32>
    tpu.vector_store %arg13[%swap3A_104, %swap3A_105], %swap3A_108 {strides = array<i32>} : memref<16x128xf32, #tpu.memory_space<vmem>>, vector<1x16xf32>,
    %swap3A_109 = arith.constant 0 : i32
    %swap3A_110 = arith.index_cast %swap3A_109 : i32 to index
    %swap3A_111 = arith.constant 112 : index
    %swap3A_112 = tpu.vector_load %arg13[%swap3A_110, %swap3A_111] {strides = array<i32>} : memref<16x128xf32, #tpu.memory_space<vmem>>, vector<1x16xf32>,
    %swap3A_113 = vector.shape_cast %swap3A_112 : vector<1x16xf32> to vector<16xf32>
    %swap3A_114 = vector.shape_cast %broadcast_in_dim3A_1 : vector<16xf32> to vector<1x16xf32>
    tpu.vector_store %arg13[%swap3A_110, %swap3A_111], %swap3A_114 {strides = array<i32>} : memref<16x128xf32, #tpu.memory_space<vmem>>, vector<1x16xf32>,
    %swap3A_115 = arith.constant 1 : i32
    %swap3A_116 = arith.index_cast %swap3A_115 : i32 to index
    %swap3A_117 = arith.constant 0 : index
    %swap3A_118 = tpu.vector_load %arg13[%swap3A_116, %swap3A_117] {strides = array<i32>} : memref<16x128xf32, #tpu.memory_space<vmem>>, vector<1x16xf32>,
    %swap3A_119 = vector.shape_cast %swap3A_118 : vector<1x16xf32> to vector<16xf32>
    %swap3A_120 = vector.shape_cast %broadcast_in_dim3A_1 : vector<16xf32> to vector<1x16xf32>
    tpu.vector_store %arg13[%swap3A_116, %swap3A_117], %swap3A_120 {strides = array<i32>} : memref<16x128xf32, #tpu.memory_space<vmem>>, vector<1x16xf32>,
    %swap3A_121 = arith.constant 1 : i32
    %swap3A_122 = arith.index_cast %swap3A_121 : i32 to index
    %swap3A_123 = arith.constant 16 : index
    %swap3A_124 = tpu.vector_load %arg13[%swap3A_122, %swap3A_123] {strides = array<i32>} : memref<16x128xf32, #tpu.memory_space<vmem>>, vector<1x16xf32>,
    %swap3A_125 = vector.shape_cast %swap3A_124 : vector<1x16xf32> to vector<16xf32>
    %swap3A_126 = vector.shape_cast %broadcast_in_dim3A_1 : vector<16xf32> to vector<1x16xf32>
    tpu.vector_store %arg13[%swap3A_122, %swap3A_123], %swap3A_126 {strides = array<i32>} : memref<16x128xf32, #tpu.memory_space<vmem>>, vector<1x16xf32>,
    %swap3A_127 = arith.constant 1 : i32
    %swap3A_128 = arith.index_cast %swap3A_127 : i32 to index
    %swap3A_129 = arith.constant 32 : index
    %swap3A_130 = tpu.vector_load %arg13[%swap3A_128, %swap3A_129] {strides = array<i32>} : memref<16x128xf32, #tpu.memory_space<vmem>>, vector<1x16xf32>,
    %swap3A_131 = vector.shape_cast %swap3A_130 : vector<1x16xf32> to vector<16xf32>
    %swap3A_132 = vector.shape_cast %broadcast_in_dim3A_1 : vector<16xf32> to vector<1x16xf32>
    tpu.vector_store %arg13[%swap3A_128, %swap3A_129], %swap3A_132 {strides = array<i32>} : memref<16x128xf32, #tpu.memory_space<vmem>>, vector<1x16xf32>,
    %swap3A_133 = arith.constant 1 : i32
    %swap3A_134 = arith.index_cast %swap3A_133 : i32 to index
    %swap3A_135 = arith.constant 48 : index
    %swap3A_136 = tpu.vector_load %arg13[%swap3A_134, %swap3A_135] {strides = array<i32>} : memref<16x128xf32, #tpu.memory_space<vmem>>, vector<1x16xf32>,
    %swap3A_137 = vector.shape_cast %swap3A_136 : vector<1x16xf32> to vector<16xf32>
    %swap3A_138 = vector.shape_cast %broadcast_in_dim3A_1 : vector<16xf32> to vector<1x16xf32>
    tpu.vector_store %arg13[%swap3A_134, %swap3A_135], %swap3A_138 {strides = array<i32>} : memref<16x128xf32, #tpu.memory_space<vmem>>, vector<1x16xf32>,
    %swap3A_139 = arith.constant 1 : i32
    %swap3A_140 = arith.index_cast %swap3A_139 : i32 to index
    %swap3A_141 = arith.constant 64 : index
    %swap3A_142 = tpu.vector_load %arg13[%swap3A_140, %swap3A_141] {strides = array<i32>} : memref<16x128xf32, #tpu.memory_space<vmem>>, vector<1x16xf32>,
    %swap3A_143 = vector.shape_cast %swap3A_142 : vector<1x16xf32> to vector<16xf32>
    %swap3A_144 = vector.shape_cast %broadcast_in_dim3A_1 : vector<16xf32> to vector<1x16xf32>
    tpu.vector_store %arg13[%swap3A_140, %swap3A_141], %swap3A_144 {strides = array<i32>} : memref<16x128xf32, #tpu.memory_space<vmem>>, vector<1x16xf32>,
    %swap3A_145 = arith.constant 1 : i32
    %swap3A_146 = arith.index_cast %swap3A_145 : i32 to index
    %swap3A_147 = arith.constant 80 : index
    %swap3A_148 = tpu.vector_load %arg13[%swap3A_146, %swap3A_147] {strides = array<i32>} : memref<16x128xf32, #tpu.memory_space<vmem>>, vector<1x16xf32>,
    %swap3A_149 = vector.shape_cast %swap3A_148 : vector<1x16xf32> to vector<16xf32>
    %swap3A_150 = vector.shape_cast %broadcast_in_dim3A_1 : vector<16xf32> to vector<1x16xf32>
    tpu.vector_store %arg13[%swap3A_146, %swap3A_147], %swap3A_150 {strides = array<i32>} : memref<16x128xf32, #tpu.memory_space<vmem>>, vector<1x16xf32>,
    %swap3A_151 = arith.constant 1 : i32
    %swap3A_152 = arith.index_cast %swap3A_151 : i32 to index
    %swap3A_153 = arith.constant 96 : index
    %swap3A_154 = tpu.vector_load %arg13[%swap3A_152, %swap3A_153] {strides = array<i32>} : memref<16x128xf32, #tpu.memory_space<vmem>>, vector<1x16xf32>,
    %swap3A_155 = vector.shape_cast %swap3A_154 : vector<1x16xf32> to vector<16xf32>
    %swap3A_156 = vector.shape_cast %broadcast_in_dim3A_1 : vector<16xf32> to vector<1x16xf32>
    tpu.vector_store %arg13[%swap3A_152, %swap3A_153], %swap3A_156 {strides = array<i32>} : memref<16x128xf32, #tpu.memory_space<vmem>>, vector<1x16xf32>,
    %swap3A_157 = arith.constant 1 : i32
    %swap3A_158 = arith.index_cast %swap3A_157 : i32 to index
    %swap3A_159 = arith.constant 112 : index
    %swap3A_160 = tpu.vector_load %arg13[%swap3A_158, %swap3A_159] {strides = array<i32>} : memref<16x128xf32, #tpu.memory_space<vmem>>, vector<1x16xf32>,
    %swap3A_161 = vector.shape_cast %swap3A_160 : vector<1x16xf32> to vector<16xf32>
    %swap3A_162 = vector.shape_cast %broadcast_in_dim3A_1 : vector<16xf32> to vector<1x16xf32>
    tpu.vector_store %arg13[%swap3A_158, %swap3A_159], %swap3A_162 {strides = array<i32>} : memref<16x128xf32, #tpu.memory_space<vmem>>, vector<1x16xf32>,
    %swap3A_163 = arith.constant 2 : i32
    %swap3A_164 = arith.index_cast %swap3A_163 : i32 to index
    %swap3A_165 = arith.constant 0 : index
    %swap3A_166 = tpu.vector_load %arg13[%swap3A_164, %swap3A_165] {strides = array<i32>} : memref<16x128xf32, #tpu.memory_space<vmem>>, vector<1x16xf32>,
    %swap3A_167 = vector.shape_cast %swap3A_166 : vector<1x16xf32> to vector<16xf32>
    %swap3A_168 = vector.shape_cast %broadcast_in_dim3A_1 : vector<16xf32> to vector<1x16xf32>
    tpu.vector_store %arg13[%swap3A_164, %swap3A_165], %swap3A_168 {strides = array<i32>} : memref<16x128xf32, #tpu.memory_space<vmem>>, vector<1x16xf32>,
    %swap3A_169 = arith.constant 2 : i32
    %swap3A_170 = arith.index_cast %swap3A_169 : i32 to index
    %swap3A_171 = arith.constant 16 : index
    %swap3A_172 = tpu.vector_load %arg13[%swap3A_170, %swap3A_171] {strides = array<i32>} : memref<16x128xf32, #tpu.memory_space<vmem>>, vector<1x16xf32>,
    %swap3A_173 = vector.shape_cast %swap3A_172 : vector<1x16xf32> to vector<16xf32>
    %swap3A_174 = vector.shape_cast %broadcast_in_dim3A_1 : vector<16xf32> to vector<1x16xf32>
    tpu.vector_store %arg13[%swap3A_170, %swap3A_171], %swap3A_174 {strides = array<i32>} : memref<16x128xf32, #tpu.memory_space<vmem>>, vector<1x16xf32>,
    %swap3A_175 = arith.constant 2 : i32
    %swap3A_176 = arith.index_cast %swap3A_175 : i32 to index
    %swap3A_177 = arith.constant 32 : index
    %swap3A_178 = tpu.vector_load %arg13[%swap3A_176, %swap3A_177] {strides = array<i32>} : memref<16x128xf32, #tpu.memory_space<vmem>>, vector<1x16xf32>,
    %swap3A_179 = vector.shape_cast %swap3A_178 : vector<1x16xf32> to vector<16xf32>
    %swap3A_180 = vector.shape_cast %broadcast_in_dim3A_1 : vector<16xf32> to vector<1x16xf32>
    tpu.vector_store %arg13[%swap3A_176, %swap3A_177], %swap3A_180 {strides = array<i32>} : memref<16x128xf32, #tpu.memory_space<vmem>>, vector<1x16xf32>,
    %swap3A_181 = arith.constant 2 : i32
    %swap3A_182 = arith.index_cast %swap3A_181 : i32 to index
    %swap3A_183 = arith.constant 48 : index
    %swap3A_184 = tpu.vector_load %arg13[%swap3A_182, %swap3A_183] {strides = array<i32>} : memref<16x128xf32, #tpu.memory_space<vmem>>, vector<1x16xf32>,
    %swap3A_185 = vector.shape_cast %swap3A_184 : vector<1x16xf32> to vector<16xf32>
    %swap3A_186 = vector.shape_cast %broadcast_in_dim3A_1 : vector<16xf32> to vector<1x16xf32>
    tpu.vector_store %arg13[%swap3A_182, %swap3A_183], %swap3A_186 {strides = array<i32>} : memref<16x128xf32, #tpu.memory_space<vmem>>, vector<1x16xf32>,
    %swap3A_187 = arith.constant 2 : i32
    %swap3A_188 = arith.index_cast %swap3A_187 : i32 to index
    %swap3A_189 = arith.constant 64 : index
    %swap3A_190 = tpu.vector_load %arg13[%swap3A_188, %swap3A_189] {strides = array<i32>} : memref<16x128xf32, #tpu.memory_space<vmem>>, vector<1x16xf32>,
    %swap3A_191 = vector.shape_cast %swap3A_190 : vector<1x16xf32> to vector<16xf32>
    %swap3A_192 = vector.shape_cast %broadcast_in_dim3A_1 : vector<16xf32> to vector<1x16xf32>
    tpu.vector_store %arg13[%swap3A_188, %swap3A_189], %swap3A_192 {strides = array<i32>} : memref<16x128xf32, #tpu.memory_space<vmem>>, vector<1x16xf32>,
    %swap3A_193 = arith.constant 2 : i32
    %swap3A_194 = arith.index_cast %swap3A_193 : i32 to index
    %swap3A_195 = arith.constant 80 : index
    %swap3A_196 = tpu.vector_load %arg13[%swap3A_194, %swap3A_195] {strides = array<i32>} : memref<16x128xf32, #tpu.memory_space<vmem>>, vector<1x16xf32>,
    %swap3A_197 = vector.shape_cast %swap3A_196 : vector<1x16xf32> to vector<16xf32>
    %swap3A_198 = vector.shape_cast %broadcast_in_dim3A_1 : vector<16xf32> to vector<1x16xf32>
    tpu.vector_store %arg13[%swap3A_194, %swap3A_195], %swap3A_198 {strides = array<i32>} : memref<16x128xf32, #tpu.memory_space<vmem>>, vector<1x16xf32>,
    %swap3A_199 = arith.constant 2 : i32
    %swap3A_200 = arith.index_cast %swap3A_199 : i32 to index
    %swap3A_201 = arith.constant 96 : index
    %swap3A_202 = tpu.vector_load %arg13[%swap3A_200, %swap3A_201] {strides = array<i32>} : memref<16x128xf32, #tpu.memory_space<vmem>>, vector<1x16xf32>,
    %swap3A_203 = vector.shape_cast %swap3A_202 : vector<1x16xf32> to vector<16xf32>
    %swap3A_204 = vector.shape_cast %broadcast_in_dim3A_1 : vector<16xf32> to vector<1x16xf32>
    tpu.vector_store %arg13[%swap3A_200, %swap3A_201], %swap3A_204 {strides = array<i32>} : memref<16x128xf32, #tpu.memory_space<vmem>>, vector<1x16xf32>,
    %swap3A_205 = arith.constant 2 : i32
    %swap3A_206 = arith.index_cast %swap3A_205 : i32 to index
    %swap3A_207 = arith.constant 112 : index
    %swap3A_208 = tpu.vector_load %arg13[%swap3A_206, %swap3A_207] {strides = array<i32>} : memref<16x128xf32, #tpu.memory_space<vmem>>, vector<1x16xf32>,
    %swap3A_209 = vector.shape_cast %swap3A_208 : vector<1x16xf32> to vector<16xf32>
    %swap3A_210 = vector.shape_cast %broadcast_in_dim3A_1 : vector<16xf32> to vector<1x16xf32>
    tpu.vector_store %arg13[%swap3A_206, %swap3A_207], %swap3A_210 {strides = array<i32>} : memref<16x128xf32, #tpu.memory_space<vmem>>, vector<1x16xf32>,
    %swap3A_211 = arith.constant 3 : i32
    %swap3A_212 = arith.index_cast %swap3A_211 : i32 to index
    %swap3A_213 = arith.constant 0 : index
    %swap3A_214 = tpu.vector_load %arg13[%swap3A_212, %swap3A_213] {strides = array<i32>} : memref<16x128xf32, #tpu.memory_space<vmem>>, vector<1x16xf32>,
    %swap3A_215 = vector.shape_cast %swap3A_214 : vector<1x16xf32> to vector<16xf32>
    %swap3A_216 = vector.shape_cast %broadcast_in_dim3A_1 : vector<16xf32> to vector<1x16xf32>
    tpu.vector_store %arg13[%swap3A_212, %swap3A_213], %swap3A_216 {strides = array<i32>} : memref<16x128xf32, #tpu.memory_space<vmem>>, vector<1x16xf32>,
    %swap3A_217 = arith.constant 3 : i32
    %swap3A_218 = arith.index_cast %swap3A_217 : i32 to index
    %swap3A_219 = arith.constant 16 : index
    %swap3A_220 = tpu.vector_load %arg13[%swap3A_218, %swap3A_219] {strides = array<i32>} : memref<16x128xf32, #tpu.memory_space<vmem>>, vector<1x16xf32>,
    %swap3A_221 = vector.shape_cast %swap3A_220 : vector<1x16xf32> to vector<16xf32>
    %swap3A_222 = vector.shape_cast %broadcast_in_dim3A_1 : vector<16xf32> to vector<1x16xf32>
    tpu.vector_store %arg13[%swap3A_218, %swap3A_219], %swap3A_222 {strides = array<i32>} : memref<16x128xf32, #tpu.memory_space<vmem>>, vector<1x16xf32>,
    %swap3A_223 = arith.constant 3 : i32
    %swap3A_224 = arith.index_cast %swap3A_223 : i32 to index
    %swap3A_225 = arith.constant 32 : index
    %swap3A_226 = tpu.vector_load %arg13[%swap3A_224, %swap3A_225] {strides = array<i32>} : memref<16x128xf32, #tpu.memory_space<vmem>>, vector<1x16xf32>,
    %swap3A_227 = vector.shape_cast %swap3A_226 : vector<1x16xf32> to vector<16xf32>
    %swap3A_228 = vector.shape_cast %broadcast_in_dim3A_1 : vector<16xf32> to vector<1x16xf32>
    tpu.vector_store %arg13[%swap3A_224, %swap3A_225], %swap3A_228 {strides = array<i32>} : memref<16x128xf32, #tpu.memory_space<vmem>>, vector<1x16xf32>,
    %swap3A_229 = arith.constant 3 : i32
    %swap3A_230 = arith.index_cast %swap3A_229 : i32 to index
    %swap3A_231 = arith.constant 48 : index
    %swap3A_232 = tpu.vector_load %arg13[%swap3A_230, %swap3A_231] {strides = array<i32>} : memref<16x128xf32, #tpu.memory_space<vmem>>, vector<1x16xf32>,
    %swap3A_233 = vector.shape_cast %swap3A_232 : vector<1x16xf32> to vector<16xf32>
    %swap3A_234 = vector.shape_cast %broadcast_in_dim3A_1 : vector<16xf32> to vector<1x16xf32>
    tpu.vector_store %arg13[%swap3A_230, %swap3A_231], %swap3A_234 {strides = array<i32>} : memref<16x128xf32, #tpu.memory_space<vmem>>, vector<1x16xf32>,
    %swap3A_235 = arith.constant 3 : i32
    %swap3A_236 = arith.index_cast %swap3A_235 : i32 to index
    %swap3A_237 = arith.constant 64 : index
    %swap3A_238 = tpu.vector_load %arg13[%swap3A_236, %swap3A_237] {strides = array<i32>} : memref<16x128xf32, #tpu.memory_space<vmem>>, vector<1x16xf32>,
    %swap3A_239 = vector.shape_cast %swap3A_238 : vector<1x16xf32> to vector<16xf32>
    %swap3A_240 = vector.shape_cast %broadcast_in_dim3A_1 : vector<16xf32> to vector<1x16xf32>
    tpu.vector_store %arg13[%swap3A_236, %swap3A_237], %swap3A_240 {strides = array<i32>} : memref<16x128xf32, #tpu.memory_space<vmem>>, vector<1x16xf32>,
    %swap3A_241 = arith.constant 3 : i32
    %swap3A_242 = arith.index_cast %swap3A_241 : i32 to index
    %swap3A_243 = arith.constant 80 : index
    %swap3A_244 = tpu.vector_load %arg13[%swap3A_242, %swap3A_243] {strides = array<i32>} : memref<16x128xf32, #tpu.memory_space<vmem>>, vector<1x16xf32>,
    %swap3A_245 = vector.shape_cast %swap3A_244 : vector<1x16xf32> to vector<16xf32>
    %swap3A_246 = vector.shape_cast %broadcast_in_dim3A_1 : vector<16xf32> to vector<1x16xf32>
    tpu.vector_store %arg13[%swap3A_242, %swap3A_243], %swap3A_246 {strides = array<i32>} : memref<16x128xf32, #tpu.memory_space<vmem>>, vector<1x16xf32>,
    %swap3A_247 = arith.constant 3 : i32
    %swap3A_248 = arith.index_cast %swap3A_247 : i32 to index
    %swap3A_249 = arith.constant 96 : index
    %swap3A_250 = tpu.vector_load %arg13[%swap3A_248, %swap3A_249] {strides = array<i32>} : memref<16x128xf32, #tpu.memory_space<vmem>>, vector<1x16xf32>,
    %swap3A_251 = vector.shape_cast %swap3A_250 : vector<1x16xf32> to vector<16xf32>
    %swap3A_252 = vector.shape_cast %broadcast_in_dim3A_1 : vector<16xf32> to vector<1x16xf32>
    tpu.vector_store %arg13[%swap3A_248, %swap3A_249], %swap3A_252 {strides = array<i32>} : memref<16x128xf32, #tpu.memory_space<vmem>>, vector<1x16xf32>,
    %swap3A_253 = arith.constant 3 : i32
    %swap3A_254 = arith.index_cast %swap3A_253 : i32 to index
    %swap3A_255 = arith.constant 112 : index
    %swap3A_256 = tpu.vector_load %arg13[%swap3A_254, %swap3A_255] {strides = array<i32>} : memref<16x128xf32, #tpu.memory_space<vmem>>, vector<1x16xf32>,
    %swap3A_257 = vector.shape_cast %swap3A_256 : vector<1x16xf32> to vector<16xf32>
    %swap3A_258 = vector.shape_cast %broadcast_in_dim3A_1 : vector<16xf32> to vector<1x16xf32>
    tpu.vector_store %arg13[%swap3A_254, %swap3A_255], %swap3A_258 {strides = array<i32>} : memref<16x128xf32, #tpu.memory_space<vmem>>, vector<1x16xf32>,
    %swap3A_259 = arith.constant 4 : i32
    %swap3A_260 = arith.index_cast %swap3A_259 : i32 to index
    %swap3A_261 = arith.constant 0 : index
    %swap3A_262 = tpu.vector_load %arg13[%swap3A_260, %swap3A_261] {strides = array<i32>} : memref<16x128xf32, #tpu.memory_space<vmem>>, vector<1x16xf32>,
    %swap3A_263 = vector.shape_cast %swap3A_262 : vector<1x16xf32> to vector<16xf32>
    %swap3A_264 = vector.shape_cast %broadcast_in_dim3A_1 : vector<16xf32> to vector<1x16xf32>
    tpu.vector_store %arg13[%swap3A_260, %swap3A_261], %swap3A_264 {strides = array<i32>} : memref<16x128xf32, #tpu.memory_space<vmem>>, vector<1x16xf32>,
    %swap3A_265 = arith.constant 4 : i32
    %swap3A_266 = arith.index_cast %swap3A_265 : i32 to index
    %swap3A_267 = arith.constant 16 : index
    %swap3A_268 = tpu.vector_load %arg13[%swap3A_266, %swap3A_267] {strides = array<i32>} : memref<16x128xf32, #tpu.memory_space<vmem>>, vector<1x16xf32>,
    %swap3A_269 = vector.shape_cast %swap3A_268 : vector<1x16xf32> to vector<16xf32>
    %swap3A_270 = vector.shape_cast %broadcast_in_dim3A_1 : vector<16xf32> to vector<1x16xf32>
    tpu.vector_store %arg13[%swap3A_266, %swap3A_267], %swap3A_270 {strides = array<i32>} : memref<16x128xf32, #tpu.memory_space<vmem>>, vector<1x16xf32>,
    %swap3A_271 = arith.constant 4 : i32
    %swap3A_272 = arith.index_cast %swap3A_271 : i32 to index
    %swap3A_273 = arith.constant 32 : index
    %swap3A_274 = tpu.vector_load %arg13[%swap3A_272, %swap3A_273] {strides = array<i32>} : memref<16x128xf32, #tpu.memory_space<vmem>>, vector<1x16xf32>,
    %swap3A_275 = vector.shape_cast %swap3A_274 : vector<1x16xf32> to vector<16xf32>
    %swap3A_276 = vector.shape_cast %broadcast_in_dim3A_1 : vector<16xf32> to vector<1x16xf32>
    tpu.vector_store %arg13[%swap3A_272, %swap3A_273], %swap3A_276 {strides = array<i32>} : memref<16x128xf32, #tpu.memory_space<vmem>>, vector<1x16xf32>,
    %swap3A_277 = arith.constant 4 : i32
    %swap3A_278 = arith.index_cast %swap3A_277 : i32 to index
    %swap3A_279 = arith.constant 48 : index
    %swap3A_280 = tpu.vector_load %arg13[%swap3A_278, %swap3A_279] {strides = array<i32>} : memref<16x128xf32, #tpu.memory_space<vmem>>, vector<1x16xf32>,
    %swap3A_281 = vector.shape_cast %swap3A_280 : vector<1x16xf32> to vector<16xf32>
    %swap3A_282 = vector.shape_cast %broadcast_in_dim3A_1 : vector<16xf32> to vector<1x16xf32>
    tpu.vector_store %arg13[%swap3A_278, %swap3A_279], %swap3A_282 {strides = array<i32>} : memref<16x128xf32, #tpu.memory_space<vmem>>, vector<1x16xf32>,
    %swap3A_283 = arith.constant 4 : i32
    %swap3A_284 = arith.index_cast %swap3A_283 : i32 to index
    %swap3A_285 = arith.constant 64 : index
    %swap3A_286 = tpu.vector_load %arg13[%swap3A_284, %swap3A_285] {strides = array<i32>} : memref<16x128xf32, #tpu.memory_space<vmem>>, vector<1x16xf32>,
    %swap3A_287 = vector.shape_cast %swap3A_286 : vector<1x16xf32> to vector<16xf32>
    %swap3A_288 = vector.shape_cast %broadcast_in_dim3A_1 : vector<16xf32> to vector<1x16xf32>
    tpu.vector_store %arg13[%swap3A_284, %swap3A_285], %swap3A_288 {strides = array<i32>} : memref<16x128xf32, #tpu.memory_space<vmem>>, vector<1x16xf32>,
    %swap3A_289 = arith.constant 4 : i32
    %swap3A_290 = arith.index_cast %swap3A_289 : i32 to index
    %swap3A_291 = arith.constant 80 : index
    %swap3A_292 = tpu.vector_load %arg13[%swap3A_290, %swap3A_291] {strides = array<i32>} : memref<16x128xf32, #tpu.memory_space<vmem>>, vector<1x16xf32>,
    %swap3A_293 = vector.shape_cast %swap3A_292 : vector<1x16xf32> to vector<16xf32>
    %swap3A_294 = vector.shape_cast %broadcast_in_dim3A_1 : vector<16xf32> to vector<1x16xf32>
    tpu.vector_store %arg13[%swap3A_290, %swap3A_291], %swap3A_294 {strides = array<i32>} : memref<16x128xf32, #tpu.memory_space<vmem>>, vector<1x16xf32>,
    %swap3A_295 = arith.constant 4 : i32
    %swap3A_296 = arith.index_cast %swap3A_295 : i32 to index
    %swap3A_297 = arith.constant 96 : index
    %swap3A_298 = tpu.vector_load %arg13[%swap3A_296, %swap3A_297] {strides = array<i32>} : memref<16x128xf32, #tpu.memory_space<vmem>>, vector<1x16xf32>,
    %swap3A_299 = vector.shape_cast %swap3A_298 : vector<1x16xf32> to vector<16xf32>
    %swap3A_300 = vector.shape_cast %broadcast_in_dim3A_1 : vector<16xf32> to vector<1x16xf32>
    tpu.vector_store %arg13[%swap3A_296, %swap3A_297], %swap3A_300 {strides = array<i32>} : memref<16x128xf32, #tpu.memory_space<vmem>>, vector<1x16xf32>,
    %swap3A_301 = arith.constant 4 : i32
    %swap3A_302 = arith.index_cast %swap3A_301 : i32 to index
    %swap3A_303 = arith.constant 112 : index
    %swap3A_304 = tpu.vector_load %arg13[%swap3A_302, %swap3A_303] {strides = array<i32>} : memref<16x128xf32, #tpu.memory_space<vmem>>, vector<1x16xf32>,
    %swap3A_305 = vector.shape_cast %swap3A_304 : vector<1x16xf32> to vector<16xf32>
    %swap3A_306 = vector.shape_cast %broadcast_in_dim3A_1 : vector<16xf32> to vector<1x16xf32>
    tpu.vector_store %arg13[%swap3A_302, %swap3A_303], %swap3A_306 {strides = array<i32>} : memref<16x128xf32, #tpu.memory_space<vmem>>, vector<1x16xf32>,
    %swap3A_307 = arith.constant 5 : i32
    %swap3A_308 = arith.index_cast %swap3A_307 : i32 to index
    %swap3A_309 = arith.constant 0 : index
    %swap3A_310 = tpu.vector_load %arg13[%swap3A_308, %swap3A_309] {strides = array<i32>} : memref<16x128xf32, #tpu.memory_space<vmem>>, vector<1x16xf32>,
    %swap3A_311 = vector.shape_cast %swap3A_310 : vector<1x16xf32> to vector<16xf32>
    %swap3A_312 = vector.shape_cast %broadcast_in_dim3A_1 : vector<16xf32> to vector<1x16xf32>
    tpu.vector_store %arg13[%swap3A_308, %swap3A_309], %swap3A_312 {strides = array<i32>} : memref<16x128xf32, #tpu.memory_space<vmem>>, vector<1x16xf32>,
    %swap3A_313 = arith.constant 5 : i32
    %swap3A_314 = arith.index_cast %swap3A_313 : i32 to index
    %swap3A_315 = arith.constant 16 : index
    %swap3A_316 = tpu.vector_load %arg13[%swap3A_314, %swap3A_315] {strides = array<i32>} : memref<16x128xf32, #tpu.memory_space<vmem>>, vector<1x16xf32>,
    %swap3A_317 = vector.shape_cast %swap3A_316 : vector<1x16xf32> to vector<16xf32>
    %swap3A_318 = vector.shape_cast %broadcast_in_dim3A_1 : vector<16xf32> to vector<1x16xf32>
    tpu.vector_store %arg13[%swap3A_314, %swap3A_315], %swap3A_318 {strides = array<i32>} : memref<16x128xf32, #tpu.memory_space<vmem>>, vector<1x16xf32>,
    %swap3A_319 = arith.constant 5 : i32
    %swap3A_320 = arith.index_cast %swap3A_319 : i32 to index
    %swap3A_321 = arith.constant 32 : index
    %swap3A_322 = tpu.vector_load %arg13[%swap3A_320, %swap3A_321] {strides = array<i32>} : memref<16x128xf32, #tpu.memory_space<vmem>>, vector<1x16xf32>,
    %swap3A_323 = vector.shape_cast %swap3A_322 : vector<1x16xf32> to vector<16xf32>
    %swap3A_324 = vector.shape_cast %broadcast_in_dim3A_1 : vector<16xf32> to vector<1x16xf32>
    tpu.vector_store %arg13[%swap3A_320, %swap3A_321], %swap3A_324 {strides = array<i32>} : memref<16x128xf32, #tpu.memory_space<vmem>>, vector<1x16xf32>,
    %swap3A_325 = arith.constant 5 : i32
    %swap3A_326 = arith.index_cast %swap3A_325 : i32 to index
    %swap3A_327 = arith.constant 48 : index
    %swap3A_328 = tpu.vector_load %arg13[%swap3A_326, %swap3A_327] {strides = array<i32>} : memref<16x128xf32, #tpu.memory_space<vmem>>, vector<1x16xf32>,
    %swap3A_329 = vector.shape_cast %swap3A_328 : vector<1x16xf32> to vector<16xf32>
    %swap3A_330 = vector.shape_cast %broadcast_in_dim3A_1 : vector<16xf32> to vector<1x16xf32>
    tpu.vector_store %arg13[%swap3A_326, %swap3A_327], %swap3A_330 {strides = array<i32>} : memref<16x128xf32, #tpu.memory_space<vmem>>, vector<1x16xf32>,
    %swap3A_331 = arith.constant 5 : i32
    %swap3A_332 = arith.index_cast %swap3A_331 : i32 to index
    %swap3A_333 = arith.constant 64 : index
    %swap3A_334 = tpu.vector_load %arg13[%swap3A_332, %swap3A_333] {strides = array<i32>} : memref<16x128xf32, #tpu.memory_space<vmem>>, vector<1x16xf32>,
    %swap3A_335 = vector.shape_cast %swap3A_334 : vector<1x16xf32> to vector<16xf32>
    %swap3A_336 = vector.shape_cast %broadcast_in_dim3A_1 : vector<16xf32> to vector<1x16xf32>
    tpu.vector_store %arg13[%swap3A_332, %swap3A_333], %swap3A_336 {strides = array<i32>} : memref<16x128xf32, #tpu.memory_space<vmem>>, vector<1x16xf32>,
    %swap3A_337 = arith.constant 5 : i32
    %swap3A_338 = arith.index_cast %swap3A_337 : i32 to index
    %swap3A_339 = arith.constant 80 : index
    %swap3A_340 = tpu.vector_load %arg13[%swap3A_338, %swap3A_339] {strides = array<i32>} : memref<16x128xf32, #tpu.memory_space<vmem>>, vector<1x16xf32>,
    %swap3A_341 = vector.shape_cast %swap3A_340 : vector<1x16xf32> to vector<16xf32>
    %swap3A_342 = vector.shape_cast %broadcast_in_dim3A_1 : vector<16xf32> to vector<1x16xf32>
    tpu.vector_store %arg13[%swap3A_338, %swap3A_339], %swap3A_342 {strides = array<i32>} : memref<16x128xf32, #tpu.memory_space<vmem>>, vector<1x16xf32>,
    %swap3A_343 = arith.constant 5 : i32
    %swap3A_344 = arith.index_cast %swap3A_343 : i32 to index
    %swap3A_345 = arith.constant 96 : index
    %swap3A_346 = tpu.vector_load %arg13[%swap3A_344, %swap3A_345] {strides = array<i32>} : memref<16x128xf32, #tpu.memory_space<vmem>>, vector<1x16xf32>,
    %swap3A_347 = vector.shape_cast %swap3A_346 : vector<1x16xf32> to vector<16xf32>
    %swap3A_348 = vector.shape_cast %broadcast_in_dim3A_1 : vector<16xf32> to vector<1x16xf32>
    tpu.vector_store %arg13[%swap3A_344, %swap3A_345], %swap3A_348 {strides = array<i32>} : memref<16x128xf32, #tpu.memory_space<vmem>>, vector<1x16xf32>,
    %swap3A_349 = arith.constant 5 : i32
    %swap3A_350 = arith.index_cast %swap3A_349 : i32 to index
    %swap3A_351 = arith.constant 112 : index
    %swap3A_352 = tpu.vector_load %arg13[%swap3A_350, %swap3A_351] {strides = array<i32>} : memref<16x128xf32, #tpu.memory_space<vmem>>, vector<1x16xf32>,
    %swap3A_353 = vector.shape_cast %swap3A_352 : vector<1x16xf32> to vector<16xf32>
    %swap3A_354 = vector.shape_cast %broadcast_in_dim3A_1 : vector<16xf32> to vector<1x16xf32>
    tpu.vector_store %arg13[%swap3A_350, %swap3A_351], %swap3A_354 {strides = array<i32>} : memref<16x128xf32, #tpu.memory_space<vmem>>, vector<1x16xf32>,
    %swap3A_355 = arith.constant 6 : i32
    %swap3A_356 = arith.index_cast %swap3A_355 : i32 to index
    %swap3A_357 = arith.constant 0 : index
    %swap3A_358 = tpu.vector_load %arg13[%swap3A_356, %swap3A_357] {strides = array<i32>} : memref<16x128xf32, #tpu.memory_space<vmem>>, vector<1x16xf32>,
    %swap3A_359 = vector.shape_cast %swap3A_358 : vector<1x16xf32> to vector<16xf32>
    %swap3A_360 = vector.shape_cast %broadcast_in_dim3A_1 : vector<16xf32> to vector<1x16xf32>
    tpu.vector_store %arg13[%swap3A_356, %swap3A_357], %swap3A_360 {strides = array<i32>} : memref<16x128xf32, #tpu.memory_space<vmem>>, vector<1x16xf32>,
    %swap3A_361 = arith.constant 6 : i32
    %swap3A_362 = arith.index_cast %swap3A_361 : i32 to index
    %swap3A_363 = arith.constant 16 : index
    %swap3A_364 = tpu.vector_load %arg13[%swap3A_362, %swap3A_363] {strides = array<i32>} : memref<16x128xf32, #tpu.memory_space<vmem>>, vector<1x16xf32>,
    %swap3A_365 = vector.shape_cast %swap3A_364 : vector<1x16xf32> to vector<16xf32>
    %swap3A_366 = vector.shape_cast %broadcast_in_dim3A_1 : vector<16xf32> to vector<1x16xf32>
    tpu.vector_store %arg13[%swap3A_362, %swap3A_363], %swap3A_366 {strides = array<i32>} : memref<16x128xf32, #tpu.memory_space<vmem>>, vector<1x16xf32>,
    %swap3A_367 = arith.constant 6 : i32
    %swap3A_368 = arith.index_cast %swap3A_367 : i32 to index
    %swap3A_369 = arith.constant 32 : index
    %swap3A_370 = tpu.vector_load %arg13[%swap3A_368, %swap3A_369] {strides = array<i32>} : memref<16x128xf32, #tpu.memory_space<vmem>>, vector<1x16xf32>,
    %swap3A_371 = vector.shape_cast %swap3A_370 : vector<1x16xf32> to vector<16xf32>
    %swap3A_372 = vector.shape_cast %broadcast_in_dim3A_1 : vector<16xf32> to vector<1x16xf32>
    tpu.vector_store %arg13[%swap3A_368, %swap3A_369], %swap3A_372 {strides = array<i32>} : memref<16x128xf32, #tpu.memory_space<vmem>>, vector<1x16xf32>,
    %swap3A_373 = arith.constant 6 : i32
    %swap3A_374 = arith.index_cast %swap3A_373 : i32 to index
    %swap3A_375 = arith.constant 48 : index
    %swap3A_376 = tpu.vector_load %arg13[%swap3A_374, %swap3A_375] {strides = array<i32>} : memref<16x128xf32, #tpu.memory_space<vmem>>, vector<1x16xf32>,
    %swap3A_377 = vector.shape_cast %swap3A_376 : vector<1x16xf32> to vector<16xf32>
    %swap3A_378 = vector.shape_cast %broadcast_in_dim3A_1 : vector<16xf32> to vector<1x16xf32>
    tpu.vector_store %arg13[%swap3A_374, %swap3A_375], %swap3A_378 {strides = array<i32>} : memref<16x128xf32, #tpu.memory_space<vmem>>, vector<1x16xf32>,
    %swap3A_379 = arith.constant 6 : i32
    %swap3A_380 = arith.index_cast %swap3A_379 : i32 to index
    %swap3A_381 = arith.constant 64 : index
    %swap3A_382 = tpu.vector_load %arg13[%swap3A_380, %swap3A_381] {strides = array<i32>} : memref<16x128xf32, #tpu.memory_space<vmem>>, vector<1x16xf32>,
    %swap3A_383 = vector.shape_cast %swap3A_382 : vector<1x16xf32> to vector<16xf32>
    %swap3A_384 = vector.shape_cast %broadcast_in_dim3A_1 : vector<16xf32> to vector<1x16xf32>
    tpu.vector_store %arg13[%swap3A_380, %swap3A_381], %swap3A_384 {strides = array<i32>} : memref<16x128xf32, #tpu.memory_space<vmem>>, vector<1x16xf32>,
    %swap3A_385 = arith.constant 6 : i32
    %swap3A_386 = arith.index_cast %swap3A_385 : i32 to index
    %swap3A_387 = arith.constant 80 : index
    %swap3A_388 = tpu.vector_load %arg13[%swap3A_386, %swap3A_387] {strides = array<i32>} : memref<16x128xf32, #tpu.memory_space<vmem>>, vector<1x16xf32>,
    %swap3A_389 = vector.shape_cast %swap3A_388 : vector<1x16xf32> to vector<16xf32>
    %swap3A_390 = vector.shape_cast %broadcast_in_dim3A_1 : vector<16xf32> to vector<1x16xf32>
    tpu.vector_store %arg13[%swap3A_386, %swap3A_387], %swap3A_390 {strides = array<i32>} : memref<16x128xf32, #tpu.memory_space<vmem>>, vector<1x16xf32>,
    %swap3A_391 = arith.constant 6 : i32
    %swap3A_392 = arith.index_cast %swap3A_391 : i32 to index
    %swap3A_393 = arith.constant 96 : index
    %swap3A_394 = tpu.vector_load %arg13[%swap3A_392, %swap3A_393] {strides = array<i32>} : memref<16x128xf32, #tpu.memory_space<vmem>>, vector<1x16xf32>,
    %swap3A_395 = vector.shape_cast %swap3A_394 : vector<1x16xf32> to vector<16xf32>
    %swap3A_396 = vector.shape_cast %broadcast_in_dim3A_1 : vector<16xf32> to vector<1x16xf32>
    tpu.vector_store %arg13[%swap3A_392, %swap3A_393], %swap3A_396 {strides = array<i32>} : memref<16x128xf32, #tpu.memory_space<vmem>>, vector<1x16xf32>,
    %swap3A_397 = arith.constant 6 : i32
    %swap3A_398 = arith.index_cast %swap3A_397 : i32 to index
    %swap3A_399 = arith.constant 112 : index
    %swap3A_400 = tpu.vector_load %arg13[%swap3A_398, %swap3A_399] {strides = array<i32>} : memref<16x128xf32, #tpu.memory_space<vmem>>, vector<1x16xf32>,
    %swap3A_401 = vector.shape_cast %swap3A_400 : vector<1x16xf32> to vector<16xf32>
    %swap3A_402 = vector.shape_cast %broadcast_in_dim3A_1 : vector<16xf32> to vector<1x16xf32>
    tpu.vector_store %arg13[%swap3A_398, %swap3A_399], %swap3A_402 {strides = array<i32>} : memref<16x128xf32, #tpu.memory_space<vmem>>, vector<1x16xf32>,
    %swap3A_403 = arith.constant 7 : i32
    %swap3A_404 = arith.index_cast %swap3A_403 : i32 to index
    %swap3A_405 = arith.constant 0 : index
    %swap3A_406 = tpu.vector_load %arg13[%swap3A_404, %swap3A_405] {strides = array<i32>} : memref<16x128xf32, #tpu.memory_space<vmem>>, vector<1x16xf32>,
    %swap3A_407 = vector.shape_cast %swap3A_406 : vector<1x16xf32> to vector<16xf32>
    %swap3A_408 = vector.shape_cast %broadcast_in_dim3A_1 : vector<16xf32> to vector<1x16xf32>
    tpu.vector_store %arg13[%swap3A_404, %swap3A_405], %swap3A_408 {strides = array<i32>} : memref<16x128xf32, #tpu.memory_space<vmem>>, vector<1x16xf32>,
    %swap3A_409 = arith.constant 7 : i32
    %swap3A_410 = arith.index_cast %swap3A_409 : i32 to index
    %swap3A_411 = arith.constant 16 : index
    %swap3A_412 = tpu.vector_load %arg13[%swap3A_410, %swap3A_411] {strides = array<i32>} : memref<16x128xf32, #tpu.memory_space<vmem>>, vector<1x16xf32>,
    %swap3A_413 = vector.shape_cast %swap3A_412 : vector<1x16xf32> to vector<16xf32>
    %swap3A_414 = vector.shape_cast %broadcast_in_dim3A_1 : vector<16xf32> to vector<1x16xf32>
    tpu.vector_store %arg13[%swap3A_410, %swap3A_411], %swap3A_414 {strides = array<i32>} : memref<16x128xf32, #tpu.memory_space<vmem>>, vector<1x16xf32>,
    %swap3A_415 = arith.constant 7 : i32
    %swap3A_416 = arith.index_cast %swap3A_415 : i32 to index
    %swap3A_417 = arith.constant 32 : index
    %swap3A_418 = tpu.vector_load %arg13[%swap3A_416, %swap3A_417] {strides = array<i32>} : memref<16x128xf32, #tpu.memory_space<vmem>>, vector<1x16xf32>,
    %swap3A_419 = vector.shape_cast %swap3A_418 : vector<1x16xf32> to vector<16xf32>
    %swap3A_420 = vector.shape_cast %broadcast_in_dim3A_1 : vector<16xf32> to vector<1x16xf32>
    tpu.vector_store %arg13[%swap3A_416, %swap3A_417], %swap3A_420 {strides = array<i32>} : memref<16x128xf32, #tpu.memory_space<vmem>>, vector<1x16xf32>,
    %swap3A_421 = arith.constant 7 : i32
    %swap3A_422 = arith.index_cast %swap3A_421 : i32 to index
    %swap3A_423 = arith.constant 48 : index
    %swap3A_424 = tpu.vector_load %arg13[%swap3A_422, %swap3A_423] {strides = array<i32>} : memref<16x128xf32, #tpu.memory_space<vmem>>, vector<1x16xf32>,
    %swap3A_425 = vector.shape_cast %swap3A_424 : vector<1x16xf32> to vector<16xf32>
    %swap3A_426 = vector.shape_cast %broadcast_in_dim3A_1 : vector<16xf32> to vector<1x16xf32>
    tpu.vector_store %arg13[%swap3A_422, %swap3A_423], %swap3A_426 {strides = array<i32>} : memref<16x128xf32, #tpu.memory_space<vmem>>, vector<1x16xf32>,
    %swap3A_427 = arith.constant 7 : i32
    %swap3A_428 = arith.index_cast %swap3A_427 : i32 to index
    %swap3A_429 = arith.constant 64 : index
    %swap3A_430 = tpu.vector_load %arg13[%swap3A_428, %swap3A_429] {strides = array<i32>} : memref<16x128xf32, #tpu.memory_space<vmem>>, vector<1x16xf32>,
    %swap3A_431 = vector.shape_cast %swap3A_430 : vector<1x16xf32> to vector<16xf32>
    %swap3A_432 = vector.shape_cast %broadcast_in_dim3A_1 : vector<16xf32> to vector<1x16xf32>
    tpu.vector_store %arg13[%swap3A_428, %swap3A_429], %swap3A_432 {strides = array<i32>} : memref<16x128xf32, #tpu.memory_space<vmem>>, vector<1x16xf32>,
    %swap3A_433 = arith.constant 7 : i32
    %swap3A_434 = arith.index_cast %swap3A_433 : i32 to index
    %swap3A_435 = arith.constant 80 : index
    %swap3A_436 = tpu.vector_load %arg13[%swap3A_434, %swap3A_435] {strides = array<i32>} : memref<16x128xf32, #tpu.memory_space<vmem>>, vector<1x16xf32>,
    %swap3A_437 = vector.shape_cast %swap3A_436 : vector<1x16xf32> to vector<16xf32>
    %swap3A_438 = vector.shape_cast %broadcast_in_dim3A_1 : vector<16xf32> to vector<1x16xf32>
    tpu.vector_store %arg13[%swap3A_434, %swap3A_435], %swap3A_438 {strides = array<i32>} : memref<16x128xf32, #tpu.memory_space<vmem>>, vector<1x16xf32>,
    %swap3A_439 = arith.constant 7 : i32
    %swap3A_440 = arith.index_cast %swap3A_439 : i32 to index
    %swap3A_441 = arith.constant 96 : index
    %swap3A_442 = tpu.vector_load %arg13[%swap3A_440, %swap3A_441] {strides = array<i32>} : memref<16x128xf32, #tpu.memory_space<vmem>>, vector<1x16xf32>,
    %swap3A_443 = vector.shape_cast %swap3A_442 : vector<1x16xf32> to vector<16xf32>
    %swap3A_444 = vector.shape_cast %broadcast_in_dim3A_1 : vector<16xf32> to vector<1x16xf32>
    tpu.vector_store %arg13[%swap3A_440, %swap3A_441], %swap3A_444 {strides = array<i32>} : memref<16x128xf32, #tpu.memory_space<vmem>>, vector<1x16xf32>,
    %swap3A_445 = arith.constant 7 : i32
    %swap3A_446 = arith.index_cast %swap3A_445 : i32 to index
    %swap3A_447 = arith.constant 112 : index
    %swap3A_448 = tpu.vector_load %arg13[%swap3A_446, %swap3A_447] {strides = array<i32>} : memref<16x128xf32, #tpu.memory_space<vmem>>, vector<1x16xf32>,
    %swap3A_449 = vector.shape_cast %swap3A_448 : vector<1x16xf32> to vector<16xf32>
    %swap3A_450 = vector.shape_cast %broadcast_in_dim3A_1 : vector<16xf32> to vector<1x16xf32>
    tpu.vector_store %arg13[%swap3A_446, %swap3A_447], %swap3A_450 {strides = array<i32>} : memref<16x128xf32, #tpu.memory_space<vmem>>, vector<1x16xf32>,
    %swap3A_451 = arith.constant 8 : i32
    %swap3A_452 = arith.index_cast %swap3A_451 : i32 to index
    %swap3A_453 = arith.constant 0 : index
    %swap3A_454 = tpu.vector_load %arg13[%swap3A_452, %swap3A_453] {strides = array<i32>} : memref<16x128xf32, #tpu.memory_space<vmem>>, vector<1x16xf32>,
    %swap3A_455 = vector.shape_cast %swap3A_454 : vector<1x16xf32> to vector<16xf32>
    %swap3A_456 = vector.shape_cast %broadcast_in_dim3A_1 : vector<16xf32> to vector<1x16xf32>
    tpu.vector_store %arg13[%swap3A_452, %swap3A_453], %swap3A_456 {strides = array<i32>} : memref<16x128xf32, #tpu.memory_space<vmem>>, vector<1x16xf32>,
    %swap3A_457 = arith.constant 8 : i32
    %swap3A_458 = arith.index_cast %swap3A_457 : i32 to index
    %swap3A_459 = arith.constant 16 : index
    %swap3A_460 = tpu.vector_load %arg13[%swap3A_458, %swap3A_459] {strides = array<i32>} : memref<16x128xf32, #tpu.memory_space<vmem>>, vector<1x16xf32>,
    %swap3A_461 = vector.shape_cast %swap3A_460 : vector<1x16xf32> to vector<16xf32>
    %swap3A_462 = vector.shape_cast %broadcast_in_dim3A_1 : vector<16xf32> to vector<1x16xf32>
    tpu.vector_store %arg13[%swap3A_458, %swap3A_459], %swap3A_462 {strides = array<i32>} : memref<16x128xf32, #tpu.memory_space<vmem>>, vector<1x16xf32>,
    %swap3A_463 = arith.constant 8 : i32
    %swap3A_464 = arith.index_cast %swap3A_463 : i32 to index
    %swap3A_465 = arith.constant 32 : index
    %swap3A_466 = tpu.vector_load %arg13[%swap3A_464, %swap3A_465] {strides = array<i32>} : memref<16x128xf32, #tpu.memory_space<vmem>>, vector<1x16xf32>,
    %swap3A_467 = vector.shape_cast %swap3A_466 : vector<1x16xf32> to vector<16xf32>
    %swap3A_468 = vector.shape_cast %broadcast_in_dim3A_1 : vector<16xf32> to vector<1x16xf32>
    tpu.vector_store %arg13[%swap3A_464, %swap3A_465], %swap3A_468 {strides = array<i32>} : memref<16x128xf32, #tpu.memory_space<vmem>>, vector<1x16xf32>,
    %swap3A_469 = arith.constant 8 : i32
    %swap3A_470 = arith.index_cast %swap3A_469 : i32 to index
    %swap3A_471 = arith.constant 48 : index
    %swap3A_472 = tpu.vector_load %arg13[%swap3A_470, %swap3A_471] {strides = array<i32>} : memref<16x128xf32, #tpu.memory_space<vmem>>, vector<1x16xf32>,
    %swap3A_473 = vector.shape_cast %swap3A_472 : vector<1x16xf32> to vector<16xf32>
    %swap3A_474 = vector.shape_cast %broadcast_in_dim3A_1 : vector<16xf32> to vector<1x16xf32>
    tpu.vector_store %arg13[%swap3A_470, %swap3A_471], %swap3A_474 {strides = array<i32>} : memref<16x128xf32, #tpu.memory_space<vmem>>, vector<1x16xf32>,
    %swap3A_475 = arith.constant 8 : i32
    %swap3A_476 = arith.index_cast %swap3A_475 : i32 to index
    %swap3A_477 = arith.constant 64 : index
    %swap3A_478 = tpu.vector_load %arg13[%swap3A_476, %swap3A_477] {strides = array<i32>} : memref<16x128xf32, #tpu.memory_space<vmem>>, vector<1x16xf32>,
    %swap3A_479 = vector.shape_cast %swap3A_478 : vector<1x16xf32> to vector<16xf32>
    %swap3A_480 = vector.shape_cast %broadcast_in_dim3A_1 : vector<16xf32> to vector<1x16xf32>
    tpu.vector_store %arg13[%swap3A_476, %swap3A_477], %swap3A_480 {strides = array<i32>} : memref<16x128xf32, #tpu.memory_space<vmem>>, vector<1x16xf32>,
    %swap3A_481 = arith.constant 8 : i32
    %swap3A_482 = arith.index_cast %swap3A_481 : i32 to index
    %swap3A_483 = arith.constant 80 : index
    %swap3A_484 = tpu.vector_load %arg13[%swap3A_482, %swap3A_483] {strides = array<i32>} : memref<16x128xf32, #tpu.memory_space<vmem>>, vector<1x16xf32>,
    %swap3A_485 = vector.shape_cast %swap3A_484 : vector<1x16xf32> to vector<16xf32>
    %swap3A_486 = vector.shape_cast %broadcast_in_dim3A_1 : vector<16xf32> to vector<1x16xf32>
    tpu.vector_store %arg13[%swap3A_482, %swap3A_483], %swap3A_486 {strides = array<i32>} : memref<16x128xf32, #tpu.memory_space<vmem>>, vector<1x16xf32>,
    %swap3A_487 = arith.constant 8 : i32
    %swap3A_488 = arith.index_cast %swap3A_487 : i32 to index
    %swap3A_489 = arith.constant 96 : index
    %swap3A_490 = tpu.vector_load %arg13[%swap3A_488, %swap3A_489] {strides = array<i32>} : memref<16x128xf32, #tpu.memory_space<vmem>>, vector<1x16xf32>,
    %swap3A_491 = vector.shape_cast %swap3A_490 : vector<1x16xf32> to vector<16xf32>
    %swap3A_492 = vector.shape_cast %broadcast_in_dim3A_1 : vector<16xf32> to vector<1x16xf32>
    tpu.vector_store %arg13[%swap3A_488, %swap3A_489], %swap3A_492 {strides = array<i32>} : memref<16x128xf32, #tpu.memory_space<vmem>>, vector<1x16xf32>,
    %swap3A_493 = arith.constant 8 : i32
    %swap3A_494 = arith.index_cast %swap3A_493 : i32 to index
    %swap3A_495 = arith.constant 112 : index
    %swap3A_496 = tpu.vector_load %arg13[%swap3A_494, %swap3A_495] {strides = array<i32>} : memref<16x128xf32, #tpu.memory_space<vmem>>, vector<1x16xf32>,
    %swap3A_497 = vector.shape_cast %swap3A_496 : vector<1x16xf32> to vector<16xf32>
    %swap3A_498 = vector.shape_cast %broadcast_in_dim3A_1 : vector<16xf32> to vector<1x16xf32>
    tpu.vector_store %arg13[%swap3A_494, %swap3A_495], %swap3A_498 {strides = array<i32>} : memref<16x128xf32, #tpu.memory_space<vmem>>, vector<1x16xf32>,
    %swap3A_499 = arith.constant 9 : i32
    %swap3A_500 = arith.index_cast %swap3A_499 : i32 to index
    %swap3A_501 = arith.constant 0 : index
    %swap3A_502 = tpu.vector_load %arg13[%swap3A_500, %swap3A_501] {strides = array<i32>} : memref<16x128xf32, #tpu.memory_space<vmem>>, vector<1x16xf32>,
    %swap3A_503 = vector.shape_cast %swap3A_502 : vector<1x16xf32> to vector<16xf32>
    %swap3A_504 = vector.shape_cast %broadcast_in_dim3A_1 : vector<16xf32> to vector<1x16xf32>
    tpu.vector_store %arg13[%swap3A_500, %swap3A_501], %swap3A_504 {strides = array<i32>} : memref<16x128xf32, #tpu.memory_space<vmem>>, vector<1x16xf32>,
    %swap3A_505 = arith.constant 9 : i32
    %swap3A_506 = arith.index_cast %swap3A_505 : i32 to index
    %swap3A_507 = arith.constant 16 : index
    %swap3A_508 = tpu.vector_load %arg13[%swap3A_506, %swap3A_507] {strides = array<i32>} : memref<16x128xf32, #tpu.memory_space<vmem>>, vector<1x16xf32>,
    %swap3A_509 = vector.shape_cast %swap3A_508 : vector<1x16xf32> to vector<16xf32>
    %swap3A_510 = vector.shape_cast %broadcast_in_dim3A_1 : vector<16xf32> to vector<1x16xf32>
    tpu.vector_store %arg13[%swap3A_506, %swap3A_507], %swap3A_510 {strides = array<i32>} : memref<16x128xf32, #tpu.memory_space<vmem>>, vector<1x16xf32>,
    %swap3A_511 = arith.constant 9 : i32
    %swap3A_512 = arith.index_cast %swap3A_511 : i32 to index
    %swap3A_513 = arith.constant 32 : index
    %swap3A_514 = tpu.vector_load %arg13[%swap3A_512, %swap3A_513] {strides = array<i32>} : memref<16x128xf32, #tpu.memory_space<vmem>>, vector<1x16xf32>,
    %swap3A_515 = vector.shape_cast %swap3A_514 : vector<1x16xf32> to vector<16xf32>
    %swap3A_516 = vector.shape_cast %broadcast_in_dim3A_1 : vector<16xf32> to vector<1x16xf32>
    tpu.vector_store %arg13[%swap3A_512, %swap3A_513], %swap3A_516 {strides = array<i32>} : memref<16x128xf32, #tpu.memory_space<vmem>>, vector<1x16xf32>,
    %swap3A_517 = arith.constant 9 : i32
    %swap3A_518 = arith.index_cast %swap3A_517 : i32 to index
    %swap3A_519 = arith.constant 48 : index
    %swap3A_520 = tpu.vector_load %arg13[%swap3A_518, %swap3A_519] {strides = array<i32>} : memref<16x128xf32, #tpu.memory_space<vmem>>, vector<1x16xf32>,
    %swap3A_521 = vector.shape_cast %swap3A_520 : vector<1x16xf32> to vector<16xf32>
    %swap3A_522 = vector.shape_cast %broadcast_in_dim3A_1 : vector<16xf32> to vector<1x16xf32>
    tpu.vector_store %arg13[%swap3A_518, %swap3A_519], %swap3A_522 {strides = array<i32>} : memref<16x128xf32, #tpu.memory_space<vmem>>, vector<1x16xf32>,
    %swap3A_523 = arith.constant 9 : i32
    %swap3A_524 = arith.index_cast %swap3A_523 : i32 to index
    %swap3A_525 = arith.constant 64 : index
    %swap3A_526 = tpu.vector_load %arg13[%swap3A_524, %swap3A_525] {strides = array<i32>} : memref<16x128xf32, #tpu.memory_space<vmem>>, vector<1x16xf32>,
    %swap3A_527 = vector.shape_cast %swap3A_526 : vector<1x16xf32> to vector<16xf32>
    %swap3A_528 = vector.shape_cast %broadcast_in_dim3A_1 : vector<16xf32> to vector<1x16xf32>
    tpu.vector_store %arg13[%swap3A_524, %swap3A_525], %swap3A_528 {strides = array<i32>} : memref<16x128xf32, #tpu.memory_space<vmem>>, vector<1x16xf32>,
    %swap3A_529 = arith.constant 9 : i32
    %swap3A_530 = arith.index_cast %swap3A_529 : i32 to index
    %swap3A_531 = arith.constant 80 : index
    %swap3A_532 = tpu.vector_load %arg13[%swap3A_530, %swap3A_531] {strides = array<i32>} : memref<16x128xf32, #tpu.memory_space<vmem>>, vector<1x16xf32>,
    %swap3A_533 = vector.shape_cast %swap3A_532 : vector<1x16xf32> to vector<16xf32>
    %swap3A_534 = vector.shape_cast %broadcast_in_dim3A_1 : vector<16xf32> to vector<1x16xf32>
    tpu.vector_store %arg13[%swap3A_530, %swap3A_531], %swap3A_534 {strides = array<i32>} : memref<16x128xf32, #tpu.memory_space<vmem>>, vector<1x16xf32>,
    %swap3A_535 = arith.constant 9 : i32
    %swap3A_536 = arith.index_cast %swap3A_535 : i32 to index
    %swap3A_537 = arith.constant 96 : index
    %swap3A_538 = tpu.vector_load %arg13[%swap3A_536, %swap3A_537] {strides = array<i32>} : memref<16x128xf32, #tpu.memory_space<vmem>>, vector<1x16xf32>,
    %swap3A_539 = vector.shape_cast %swap3A_538 : vector<1x16xf32> to vector<16xf32>
    %swap3A_540 = vector.shape_cast %broadcast_in_dim3A_1 : vector<16xf32> to vector<1x16xf32>
    tpu.vector_store %arg13[%swap3A_536, %swap3A_537], %swap3A_540 {strides = array<i32>} : memref<16x128xf32, #tpu.memory_space<vmem>>, vector<1x16xf32>,
    %swap3A_541 = arith.constant 9 : i32
    %swap3A_542 = arith.index_cast %swap3A_541 : i32 to index
    %swap3A_543 = arith.constant 112 : index
    %swap3A_544 = tpu.vector_load %arg13[%swap3A_542, %swap3A_543] {strides = array<i32>} : memref<16x128xf32, #tpu.memory_space<vmem>>, vector<1x16xf32>,
    %swap3A_545 = vector.shape_cast %swap3A_544 : vector<1x16xf32> to vector<16xf32>
    %swap3A_546 = vector.shape_cast %broadcast_in_dim3A_1 : vector<16xf32> to vector<1x16xf32>
    tpu.vector_store %arg13[%swap3A_542, %swap3A_543], %swap3A_546 {strides = array<i32>} : memref<16x128xf32, #tpu.memory_space<vmem>>, vector<1x16xf32>,
    %swap3A_547 = arith.constant 10 : i32
    %swap3A_548 = arith.index_cast %swap3A_547 : i32 to index
    %swap3A_549 = arith.constant 0 : index
    %swap3A_550 = tpu.vector_load %arg13[%swap3A_548, %swap3A_549] {strides = array<i32>} : memref<16x128xf32, #tpu.memory_space<vmem>>, vector<1x16xf32>,
    %swap3A_551 = vector.shape_cast %swap3A_550 : vector<1x16xf32> to vector<16xf32>
    %swap3A_552 = vector.shape_cast %broadcast_in_dim3A_1 : vector<16xf32> to vector<1x16xf32>
    tpu.vector_store %arg13[%swap3A_548, %swap3A_549], %swap3A_552 {strides = array<i32>} : memref<16x128xf32, #tpu.memory_space<vmem>>, vector<1x16xf32>,
    %swap3A_553 = arith.constant 10 : i32
    %swap3A_554 = arith.index_cast %swap3A_553 : i32 to index
    %swap3A_555 = arith.constant 16 : index
    %swap3A_556 = tpu.vector_load %arg13[%swap3A_554, %swap3A_555] {strides = array<i32>} : memref<16x128xf32, #tpu.memory_space<vmem>>, vector<1x16xf32>,
    %swap3A_557 = vector.shape_cast %swap3A_556 : vector<1x16xf32> to vector<16xf32>
    %swap3A_558 = vector.shape_cast %broadcast_in_dim3A_1 : vector<16xf32> to vector<1x16xf32>
    tpu.vector_store %arg13[%swap3A_554, %swap3A_555], %swap3A_558 {strides = array<i32>} : memref<16x128xf32, #tpu.memory_space<vmem>>, vector<1x16xf32>,
    %swap3A_559 = arith.constant 10 : i32
    %swap3A_560 = arith.index_cast %swap3A_559 : i32 to index
    %swap3A_561 = arith.constant 32 : index
    %swap3A_562 = tpu.vector_load %arg13[%swap3A_560, %swap3A_561] {strides = array<i32>} : memref<16x128xf32, #tpu.memory_space<vmem>>, vector<1x16xf32>,
    %swap3A_563 = vector.shape_cast %swap3A_562 : vector<1x16xf32> to vector<16xf32>
    %swap3A_564 = vector.shape_cast %broadcast_in_dim3A_1 : vector<16xf32> to vector<1x16xf32>
    tpu.vector_store %arg13[%swap3A_560, %swap3A_561], %swap3A_564 {strides = array<i32>} : memref<16x128xf32, #tpu.memory_space<vmem>>, vector<1x16xf32>,
    %swap3A_565 = arith.constant 10 : i32
    %swap3A_566 = arith.index_cast %swap3A_565 : i32 to index
    %swap3A_567 = arith.constant 48 : index
    %swap3A_568 = tpu.vector_load %arg13[%swap3A_566, %swap3A_567] {strides = array<i32>} : memref<16x128xf32, #tpu.memory_space<vmem>>, vector<1x16xf32>,
    %swap3A_569 = vector.shape_cast %swap3A_568 : vector<1x16xf32> to vector<16xf32>
    %swap3A_570 = vector.shape_cast %broadcast_in_dim3A_1 : vector<16xf32> to vector<1x16xf32>
    tpu.vector_store %arg13[%swap3A_566, %swap3A_567], %swap3A_570 {strides = array<i32>} : memref<16x128xf32, #tpu.memory_space<vmem>>, vector<1x16xf32>,
    %swap3A_571 = arith.constant 10 : i32
    %swap3A_572 = arith.index_cast %swap3A_571 : i32 to index
    %swap3A_573 = arith.constant 64 : index
    %swap3A_574 = tpu.vector_load %arg13[%swap3A_572, %swap3A_573] {strides = array<i32>} : memref<16x128xf32, #tpu.memory_space<vmem>>, vector<1x16xf32>,
    %swap3A_575 = vector.shape_cast %swap3A_574 : vector<1x16xf32> to vector<16xf32>
    %swap3A_576 = vector.shape_cast %broadcast_in_dim3A_1 : vector<16xf32> to vector<1x16xf32>
    tpu.vector_store %arg13[%swap3A_572, %swap3A_573], %swap3A_576 {strides = array<i32>} : memref<16x128xf32, #tpu.memory_space<vmem>>, vector<1x16xf32>,
    %swap3A_577 = arith.constant 10 : i32
    %swap3A_578 = arith.index_cast %swap3A_577 : i32 to index
    %swap3A_579 = arith.constant 80 : index
    %swap3A_580 = tpu.vector_load %arg13[%swap3A_578, %swap3A_579] {strides = array<i32>} : memref<16x128xf32, #tpu.memory_space<vmem>>, vector<1x16xf32>,
    %swap3A_581 = vector.shape_cast %swap3A_580 : vector<1x16xf32> to vector<16xf32>
    %swap3A_582 = vector.shape_cast %broadcast_in_dim3A_1 : vector<16xf32> to vector<1x16xf32>
    tpu.vector_store %arg13[%swap3A_578, %swap3A_579], %swap3A_582 {strides = array<i32>} : memref<16x128xf32, #tpu.memory_space<vmem>>, vector<1x16xf32>,
    %swap3A_583 = arith.constant 10 : i32
    %swap3A_584 = arith.index_cast %swap3A_583 : i32 to index
    %swap3A_585 = arith.constant 96 : index
    %swap3A_586 = tpu.vector_load %arg13[%swap3A_584, %swap3A_585] {strides = array<i32>} : memref<16x128xf32, #tpu.memory_space<vmem>>, vector<1x16xf32>,
    %swap3A_587 = vector.shape_cast %swap3A_586 : vector<1x16xf32> to vector<16xf32>
    %swap3A_588 = vector.shape_cast %broadcast_in_dim3A_1 : vector<16xf32> to vector<1x16xf32>
    tpu.vector_store %arg13[%swap3A_584, %swap3A_585], %swap3A_588 {strides = array<i32>} : memref<16x128xf32, #tpu.memory_space<vmem>>, vector<1x16xf32>,
    %swap3A_589 = arith.constant 10 : i32
    %swap3A_590 = arith.index_cast %swap3A_589 : i32 to index
    %swap3A_591 = arith.constant 112 : index
    %swap3A_592 = tpu.vector_load %arg13[%swap3A_590, %swap3A_591] {strides = array<i32>} : memref<16x128xf32, #tpu.memory_space<vmem>>, vector<1x16xf32>,
    %swap3A_593 = vector.shape_cast %swap3A_592 : vector<1x16xf32> to vector<16xf32>
    %swap3A_594 = vector.shape_cast %broadcast_in_dim3A_1 : vector<16xf32> to vector<1x16xf32>
    tpu.vector_store %arg13[%swap3A_590, %swap3A_591], %swap3A_594 {strides = array<i32>} : memref<16x128xf32, #tpu.memory_space<vmem>>, vector<1x16xf32>,
    %swap3A_595 = arith.constant 11 : i32
    %swap3A_596 = arith.index_cast %swap3A_595 : i32 to index
    %swap3A_597 = arith.constant 0 : index
    %swap3A_598 = tpu.vector_load %arg13[%swap3A_596, %swap3A_597] {strides = array<i32>} : memref<16x128xf32, #tpu.memory_space<vmem>>, vector<1x16xf32>,
    %swap3A_599 = vector.shape_cast %swap3A_598 : vector<1x16xf32> to vector<16xf32>
    %swap3A_600 = vector.shape_cast %broadcast_in_dim3A_1 : vector<16xf32> to vector<1x16xf32>
    tpu.vector_store %arg13[%swap3A_596, %swap3A_597], %swap3A_600 {strides = array<i32>} : memref<16x128xf32, #tpu.memory_space<vmem>>, vector<1x16xf32>,
    %swap3A_601 = arith.constant 11 : i32
    %swap3A_602 = arith.index_cast %swap3A_601 : i32 to index
    %swap3A_603 = arith.constant 16 : index
    %swap3A_604 = tpu.vector_load %arg13[%swap3A_602, %swap3A_603] {strides = array<i32>} : memref<16x128xf32, #tpu.memory_space<vmem>>, vector<1x16xf32>,
    %swap3A_605 = vector.shape_cast %swap3A_604 : vector<1x16xf32> to vector<16xf32>
    %swap3A_606 = vector.shape_cast %broadcast_in_dim3A_1 : vector<16xf32> to vector<1x16xf32>
    tpu.vector_store %arg13[%swap3A_602, %swap3A_603], %swap3A_606 {strides = array<i32>} : memref<16x128xf32, #tpu.memory_space<vmem>>, vector<1x16xf32>,
    %swap3A_607 = arith.constant 11 : i32
    %swap3A_608 = arith.index_cast %swap3A_607 : i32 to index
    %swap3A_609 = arith.constant 32 : index
    %swap3A_610 = tpu.vector_load %arg13[%swap3A_608, %swap3A_609] {strides = array<i32>} : memref<16x128xf32, #tpu.memory_space<vmem>>, vector<1x16xf32>,
    %swap3A_611 = vector.shape_cast %swap3A_610 : vector<1x16xf32> to vector<16xf32>
    %swap3A_612 = vector.shape_cast %broadcast_in_dim3A_1 : vector<16xf32> to vector<1x16xf32>
    tpu.vector_store %arg13[%swap3A_608, %swap3A_609], %swap3A_612 {strides = array<i32>} : memref<16x128xf32, #tpu.memory_space<vmem>>, vector<1x16xf32>,
    %swap3A_613 = arith.constant 11 : i32
    %swap3A_614 = arith.index_cast %swap3A_613 : i32 to index
    %swap3A_615 = arith.constant 48 : index
    %swap3A_616 = tpu.vector_load %arg13[%swap3A_614, %swap3A_615] {strides = array<i32>} : memref<16x128xf32, #tpu.memory_space<vmem>>, vector<1x16xf32>,
    %swap3A_617 = vector.shape_cast %swap3A_616 : vector<1x16xf32> to vector<16xf32>
    %swap3A_618 = vector.shape_cast %broadcast_in_dim3A_1 : vector<16xf32> to vector<1x16xf32>
    tpu.vector_store %arg13[%swap3A_614, %swap3A_615], %swap3A_618 {strides = array<i32>} : memref<16x128xf32, #tpu.memory_space<vmem>>, vector<1x16xf32>,
    %swap3A_619 = arith.constant 11 : i32
    %swap3A_620 = arith.index_cast %swap3A_619 : i32 to index
    %swap3A_621 = arith.constant 64 : index
    %swap3A_622 = tpu.vector_load %arg13[%swap3A_620, %swap3A_621] {strides = array<i32>} : memref<16x128xf32, #tpu.memory_space<vmem>>, vector<1x16xf32>,
    %swap3A_623 = vector.shape_cast %swap3A_622 : vector<1x16xf32> to vector<16xf32>
    %swap3A_624 = vector.shape_cast %broadcast_in_dim3A_1 : vector<16xf32> to vector<1x16xf32>
    tpu.vector_store %arg13[%swap3A_620, %swap3A_621], %swap3A_624 {strides = array<i32>} : memref<16x128xf32, #tpu.memory_space<vmem>>, vector<1x16xf32>,
    %swap3A_625 = arith.constant 11 : i32
    %swap3A_626 = arith.index_cast %swap3A_625 : i32 to index
    %swap3A_627 = arith.constant 80 : index
    %swap3A_628 = tpu.vector_load %arg13[%swap3A_626, %swap3A_627] {strides = array<i32>} : memref<16x128xf32, #tpu.memory_space<vmem>>, vector<1x16xf32>,
    %swap3A_629 = vector.shape_cast %swap3A_628 : vector<1x16xf32> to vector<16xf32>
    %swap3A_630 = vector.shape_cast %broadcast_in_dim3A_1 : vector<16xf32> to vector<1x16xf32>
    tpu.vector_store %arg13[%swap3A_626, %swap3A_627], %swap3A_630 {strides = array<i32>} : memref<16x128xf32, #tpu.memory_space<vmem>>, vector<1x16xf32>,
    %swap3A_631 = arith.constant 11 : i32
    %swap3A_632 = arith.index_cast %swap3A_631 : i32 to index
    %swap3A_633 = arith.constant 96 : index
    %swap3A_634 = tpu.vector_load %arg13[%swap3A_632, %swap3A_633] {strides = array<i32>} : memref<16x128xf32, #tpu.memory_space<vmem>>, vector<1x16xf32>,
    %swap3A_635 = vector.shape_cast %swap3A_634 : vector<1x16xf32> to vector<16xf32>
    %swap3A_636 = vector.shape_cast %broadcast_in_dim3A_1 : vector<16xf32> to vector<1x16xf32>
    tpu.vector_store %arg13[%swap3A_632, %swap3A_633], %swap3A_636 {strides = array<i32>} : memref<16x128xf32, #tpu.memory_space<vmem>>, vector<1x16xf32>,
    %swap3A_637 = arith.constant 11 : i32
    %swap3A_638 = arith.index_cast %swap3A_637 : i32 to index
    %swap3A_639 = arith.constant 112 : index
    %swap3A_640 = tpu.vector_load %arg13[%swap3A_638, %swap3A_639] {strides = array<i32>} : memref<16x128xf32, #tpu.memory_space<vmem>>, vector<1x16xf32>,
    %swap3A_641 = vector.shape_cast %swap3A_640 : vector<1x16xf32> to vector<16xf32>
    %swap3A_642 = vector.shape_cast %broadcast_in_dim3A_1 : vector<16xf32> to vector<1x16xf32>
    tpu.vector_store %arg13[%swap3A_638, %swap3A_639], %swap3A_642 {strides = array<i32>} : memref<16x128xf32, #tpu.memory_space<vmem>>, vector<1x16xf32>,
    %swap3A_643 = arith.constant 12 : i32
    %swap3A_644 = arith.index_cast %swap3A_643 : i32 to index
    %swap3A_645 = arith.constant 0 : index
    %swap3A_646 = tpu.vector_load %arg13[%swap3A_644, %swap3A_645] {strides = array<i32>} : memref<16x128xf32, #tpu.memory_space<vmem>>, vector<1x16xf32>,
    %swap3A_647 = vector.shape_cast %swap3A_646 : vector<1x16xf32> to vector<16xf32>
    %swap3A_648 = vector.shape_cast %broadcast_in_dim3A_1 : vector<16xf32> to vector<1x16xf32>
    tpu.vector_store %arg13[%swap3A_644, %swap3A_645], %swap3A_648 {strides = array<i32>} : memref<16x128xf32, #tpu.memory_space<vmem>>, vector<1x16xf32>,
    %swap3A_649 = arith.constant 12 : i32
    %swap3A_650 = arith.index_cast %swap3A_649 : i32 to index
    %swap3A_651 = arith.constant 16 : index
    %swap3A_652 = tpu.vector_load %arg13[%swap3A_650, %swap3A_651] {strides = array<i32>} : memref<16x128xf32, #tpu.memory_space<vmem>>, vector<1x16xf32>,
    %swap3A_653 = vector.shape_cast %swap3A_652 : vector<1x16xf32> to vector<16xf32>
    %swap3A_654 = vector.shape_cast %broadcast_in_dim3A_1 : vector<16xf32> to vector<1x16xf32>
    tpu.vector_store %arg13[%swap3A_650, %swap3A_651], %swap3A_654 {strides = array<i32>} : memref<16x128xf32, #tpu.memory_space<vmem>>, vector<1x16xf32>,
    %swap3A_655 = arith.constant 12 : i32
    %swap3A_656 = arith.index_cast %swap3A_655 : i32 to index
    %swap3A_657 = arith.constant 32 : index
    %swap3A_658 = tpu.vector_load %arg13[%swap3A_656, %swap3A_657] {strides = array<i32>} : memref<16x128xf32, #tpu.memory_space<vmem>>, vector<1x16xf32>,
    %swap3A_659 = vector.shape_cast %swap3A_658 : vector<1x16xf32> to vector<16xf32>
    %swap3A_660 = vector.shape_cast %broadcast_in_dim3A_1 : vector<16xf32> to vector<1x16xf32>
    tpu.vector_store %arg13[%swap3A_656, %swap3A_657], %swap3A_660 {strides = array<i32>} : memref<16x128xf32, #tpu.memory_space<vmem>>, vector<1x16xf32>,
    %swap3A_661 = arith.constant 12 : i32
    %swap3A_662 = arith.index_cast %swap3A_661 : i32 to index
    %swap3A_663 = arith.constant 48 : index
    %swap3A_664 = tpu.vector_load %arg13[%swap3A_662, %swap3A_663] {strides = array<i32>} : memref<16x128xf32, #tpu.memory_space<vmem>>, vector<1x16xf32>,
    %swap3A_665 = vector.shape_cast %swap3A_664 : vector<1x16xf32> to vector<16xf32>
    %swap3A_666 = vector.shape_cast %broadcast_in_dim3A_1 : vector<16xf32> to vector<1x16xf32>
    tpu.vector_store %arg13[%swap3A_662, %swap3A_663], %swap3A_666 {strides = array<i32>} : memref<16x128xf32, #tpu.memory_space<vmem>>, vector<1x16xf32>,
    %swap3A_667 = arith.constant 12 : i32
    %swap3A_668 = arith.index_cast %swap3A_667 : i32 to index
    %swap3A_669 = arith.constant 64 : index
    %swap3A_670 = tpu.vector_load %arg13[%swap3A_668, %swap3A_669] {strides = array<i32>} : memref<16x128xf32, #tpu.memory_space<vmem>>, vector<1x16xf32>,
    %swap3A_671 = vector.shape_cast %swap3A_670 : vector<1x16xf32> to vector<16xf32>
    %swap3A_672 = vector.shape_cast %broadcast_in_dim3A_1 : vector<16xf32> to vector<1x16xf32>
    tpu.vector_store %arg13[%swap3A_668, %swap3A_669], %swap3A_672 {strides = array<i32>} : memref<16x128xf32, #tpu.memory_space<vmem>>, vector<1x16xf32>,
    %swap3A_673 = arith.constant 12 : i32
    %swap3A_674 = arith.index_cast %swap3A_673 : i32 to index
    %swap3A_675 = arith.constant 80 : index
    %swap3A_676 = tpu.vector_load %arg13[%swap3A_674, %swap3A_675] {strides = array<i32>} : memref<16x128xf32, #tpu.memory_space<vmem>>, vector<1x16xf32>,
    %swap3A_677 = vector.shape_cast %swap3A_676 : vector<1x16xf32> to vector<16xf32>
    %swap3A_678 = vector.shape_cast %broadcast_in_dim3A_1 : vector<16xf32> to vector<1x16xf32>
    tpu.vector_store %arg13[%swap3A_674, %swap3A_675], %swap3A_678 {strides = array<i32>} : memref<16x128xf32, #tpu.memory_space<vmem>>, vector<1x16xf32>,
    %swap3A_679 = arith.constant 12 : i32
    %swap3A_680 = arith.index_cast %swap3A_679 : i32 to index
    %swap3A_681 = arith.constant 96 : index
    %swap3A_682 = tpu.vector_load %arg13[%swap3A_680, %swap3A_681] {strides = array<i32>} : memref<16x128xf32, #tpu.memory_space<vmem>>, vector<1x16xf32>,
    %swap3A_683 = vector.shape_cast %swap3A_682 : vector<1x16xf32> to vector<16xf32>
    %swap3A_684 = vector.shape_cast %broadcast_in_dim3A_1 : vector<16xf32> to vector<1x16xf32>
    tpu.vector_store %arg13[%swap3A_680, %swap3A_681], %swap3A_684 {strides = array<i32>} : memref<16x128xf32, #tpu.memory_space<vmem>>, vector<1x16xf32>,
    %swap3A_685 = arith.constant 12 : i32
    %swap3A_686 = arith.index_cast %swap3A_685 : i32 to index
    %swap3A_687 = arith.constant 112 : index
    %swap3A_688 = tpu.vector_load %arg13[%swap3A_686, %swap3A_687] {strides = array<i32>} : memref<16x128xf32, #tpu.memory_space<vmem>>, vector<1x16xf32>,
    %swap3A_689 = vector.shape_cast %swap3A_688 : vector<1x16xf32> to vector<16xf32>
    %swap3A_690 = vector.shape_cast %broadcast_in_dim3A_1 : vector<16xf32> to vector<1x16xf32>
    tpu.vector_store %arg13[%swap3A_686, %swap3A_687], %swap3A_690 {strides = array<i32>} : memref<16x128xf32, #tpu.memory_space<vmem>>, vector<1x16xf32>,
    %swap3A_691 = arith.constant 13 : i32
    %swap3A_692 = arith.index_cast %swap3A_691 : i32 to index
    %swap3A_693 = arith.constant 0 : index
    %swap3A_694 = tpu.vector_load %arg13[%swap3A_692, %swap3A_693] {strides = array<i32>} : memref<16x128xf32, #tpu.memory_space<vmem>>, vector<1x16xf32>,
    %swap3A_695 = vector.shape_cast %swap3A_694 : vector<1x16xf32> to vector<16xf32>
    %swap3A_696 = vector.shape_cast %broadcast_in_dim3A_1 : vector<16xf32> to vector<1x16xf32>
    tpu.vector_store %arg13[%swap3A_692, %swap3A_693], %swap3A_696 {strides = array<i32>} : memref<16x128xf32, #tpu.memory_space<vmem>>, vector<1x16xf32>,
    %swap3A_697 = arith.constant 13 : i32
    %swap3A_698 = arith.index_cast %swap3A_697 : i32 to index
    %swap3A_699 = arith.constant 16 : index
    %swap3A_700 = tpu.vector_load %arg13[%swap3A_698, %swap3A_699] {strides = array<i32>} : memref<16x128xf32, #tpu.memory_space<vmem>>, vector<1x16xf32>,
    %swap3A_701 = vector.shape_cast %swap3A_700 : vector<1x16xf32> to vector<16xf32>
    %swap3A_702 = vector.shape_cast %broadcast_in_dim3A_1 : vector<16xf32> to vector<1x16xf32>
    tpu.vector_store %arg13[%swap3A_698, %swap3A_699], %swap3A_702 {strides = array<i32>} : memref<16x128xf32, #tpu.memory_space<vmem>>, vector<1x16xf32>,
    %swap3A_703 = arith.constant 13 : i32
    %swap3A_704 = arith.index_cast %swap3A_703 : i32 to index
    %swap3A_705 = arith.constant 32 : index
    %swap3A_706 = tpu.vector_load %arg13[%swap3A_704, %swap3A_705] {strides = array<i32>} : memref<16x128xf32, #tpu.memory_space<vmem>>, vector<1x16xf32>,
    %swap3A_707 = vector.shape_cast %swap3A_706 : vector<1x16xf32> to vector<16xf32>
    %swap3A_708 = vector.shape_cast %broadcast_in_dim3A_1 : vector<16xf32> to vector<1x16xf32>
    tpu.vector_store %arg13[%swap3A_704, %swap3A_705], %swap3A_708 {strides = array<i32>} : memref<16x128xf32, #tpu.memory_space<vmem>>, vector<1x16xf32>,
    %swap3A_709 = arith.constant 13 : i32
    %swap3A_710 = arith.index_cast %swap3A_709 : i32 to index
    %swap3A_711 = arith.constant 48 : index
    %swap3A_712 = tpu.vector_load %arg13[%swap3A_710, %swap3A_711] {strides = array<i32>} : memref<16x128xf32, #tpu.memory_space<vmem>>, vector<1x16xf32>,
    %swap3A_713 = vector.shape_cast %swap3A_712 : vector<1x16xf32> to vector<16xf32>
    %swap3A_714 = vector.shape_cast %broadcast_in_dim3A_1 : vector<16xf32> to vector<1x16xf32>
    tpu.vector_store %arg13[%swap3A_710, %swap3A_711], %swap3A_714 {strides = array<i32>} : memref<16x128xf32, #tpu.memory_space<vmem>>, vector<1x16xf32>,
    %swap3A_715 = arith.constant 13 : i32
    %swap3A_716 = arith.index_cast %swap3A_715 : i32 to index
    %swap3A_717 = arith.constant 64 : index
    %swap3A_718 = tpu.vector_load %arg13[%swap3A_716, %swap3A_717] {strides = array<i32>} : memref<16x128xf32, #tpu.memory_space<vmem>>, vector<1x16xf32>,
    %swap3A_719 = vector.shape_cast %swap3A_718 : vector<1x16xf32> to vector<16xf32>
    %swap3A_720 = vector.shape_cast %broadcast_in_dim3A_1 : vector<16xf32> to vector<1x16xf32>
    tpu.vector_store %arg13[%swap3A_716, %swap3A_717], %swap3A_720 {strides = array<i32>} : memref<16x128xf32, #tpu.memory_space<vmem>>, vector<1x16xf32>,
    %swap3A_721 = arith.constant 13 : i32
    %swap3A_722 = arith.index_cast %swap3A_721 : i32 to index
    %swap3A_723 = arith.constant 80 : index
    %swap3A_724 = tpu.vector_load %arg13[%swap3A_722, %swap3A_723] {strides = array<i32>} : memref<16x128xf32, #tpu.memory_space<vmem>>, vector<1x16xf32>,
    %swap3A_725 = vector.shape_cast %swap3A_724 : vector<1x16xf32> to vector<16xf32>
    %swap3A_726 = vector.shape_cast %broadcast_in_dim3A_1 : vector<16xf32> to vector<1x16xf32>
    tpu.vector_store %arg13[%swap3A_722, %swap3A_723], %swap3A_726 {strides = array<i32>} : memref<16x128xf32, #tpu.memory_space<vmem>>, vector<1x16xf32>,
    %swap3A_727 = arith.constant 13 : i32
    %swap3A_728 = arith.index_cast %swap3A_727 : i32 to index
    %swap3A_729 = arith.constant 96 : index
    %swap3A_730 = tpu.vector_load %arg13[%swap3A_728, %swap3A_729] {strides = array<i32>} : memref<16x128xf32, #tpu.memory_space<vmem>>, vector<1x16xf32>,
    %swap3A_731 = vector.shape_cast %swap3A_730 : vector<1x16xf32> to vector<16xf32>
    %swap3A_732 = vector.shape_cast %broadcast_in_dim3A_1 : vector<16xf32> to vector<1x16xf32>
    tpu.vector_store %arg13[%swap3A_728, %swap3A_729], %swap3A_732 {strides = array<i32>} : memref<16x128xf32, #tpu.memory_space<vmem>>, vector<1x16xf32>,
    %swap3A_733 = arith.constant 13 : i32
    %swap3A_734 = arith.index_cast %swap3A_733 : i32 to index
    %swap3A_735 = arith.constant 112 : index
    %swap3A_736 = tpu.vector_load %arg13[%swap3A_734, %swap3A_735] {strides = array<i32>} : memref<16x128xf32, #tpu.memory_space<vmem>>, vector<1x16xf32>,
    %swap3A_737 = vector.shape_cast %swap3A_736 : vector<1x16xf32> to vector<16xf32>
    %swap3A_738 = vector.shape_cast %broadcast_in_dim3A_1 : vector<16xf32> to vector<1x16xf32>
    tpu.vector_store %arg13[%swap3A_734, %swap3A_735], %swap3A_738 {strides = array<i32>} : memref<16x128xf32, #tpu.memory_space<vmem>>, vector<1x16xf32>,
    %swap3A_739 = arith.constant 14 : i32
    %swap3A_740 = arith.index_cast %swap3A_739 : i32 to index
    %swap3A_741 = arith.constant 0 : index
    %swap3A_742 = tpu.vector_load %arg13[%swap3A_740, %swap3A_741] {strides = array<i32>} : memref<16x128xf32, #tpu.memory_space<vmem>>, vector<1x16xf32>,
    %swap3A_743 = vector.shape_cast %swap3A_742 : vector<1x16xf32> to vector<16xf32>
    %swap3A_744 = vector.shape_cast %broadcast_in_dim3A_1 : vector<16xf32> to vector<1x16xf32>
    tpu.vector_store %arg13[%swap3A_740, %swap3A_741], %swap3A_744 {strides = array<i32>} : memref<16x128xf32, #tpu.memory_space<vmem>>, vector<1x16xf32>,
    %swap3A_745 = arith.constant 14 : i32
    %swap3A_746 = arith.index_cast %swap3A_745 : i32 to index
    %swap3A_747 = arith.constant 16 : index
    %swap3A_748 = tpu.vector_load %arg13[%swap3A_746, %swap3A_747] {strides = array<i32>} : memref<16x128xf32, #tpu.memory_space<vmem>>, vector<1x16xf32>,
    %swap3A_749 = vector.shape_cast %swap3A_748 : vector<1x16xf32> to vector<16xf32>
    %swap3A_750 = vector.shape_cast %broadcast_in_dim3A_1 : vector<16xf32> to vector<1x16xf32>
    tpu.vector_store %arg13[%swap3A_746, %swap3A_747], %swap3A_750 {strides = array<i32>} : memref<16x128xf32, #tpu.memory_space<vmem>>, vector<1x16xf32>,
    %swap3A_751 = arith.constant 14 : i32
    %swap3A_752 = arith.index_cast %swap3A_751 : i32 to index
    %swap3A_753 = arith.constant 32 : index
    %swap3A_754 = tpu.vector_load %arg13[%swap3A_752, %swap3A_753] {strides = array<i32>} : memref<16x128xf32, #tpu.memory_space<vmem>>, vector<1x16xf32>,
    %swap3A_755 = vector.shape_cast %swap3A_754 : vector<1x16xf32> to vector<16xf32>
    %swap3A_756 = vector.shape_cast %broadcast_in_dim3A_1 : vector<16xf32> to vector<1x16xf32>
    tpu.vector_store %arg13[%swap3A_752, %swap3A_753], %swap3A_756 {strides = array<i32>} : memref<16x128xf32, #tpu.memory_space<vmem>>, vector<1x16xf32>,
    %swap3A_757 = arith.constant 14 : i32
    %swap3A_758 = arith.index_cast %swap3A_757 : i32 to index
    %swap3A_759 = arith.constant 48 : index
    %swap3A_760 = tpu.vector_load %arg13[%swap3A_758, %swap3A_759] {strides = array<i32>} : memref<16x128xf32, #tpu.memory_space<vmem>>, vector<1x16xf32>,
    %swap3A_761 = vector.shape_cast %swap3A_760 : vector<1x16xf32> to vector<16xf32>
    %swap3A_762 = vector.shape_cast %broadcast_in_dim3A_1 : vector<16xf32> to vector<1x16xf32>
    tpu.vector_store %arg13[%swap3A_758, %swap3A_759], %swap3A_762 {strides = array<i32>} : memref<16x128xf32, #tpu.memory_space<vmem>>, vector<1x16xf32>,
    %swap3A_763 = arith.constant 14 : i32
    %swap3A_764 = arith.index_cast %swap3A_763 : i32 to index
    %swap3A_765 = arith.constant 64 : index
    %swap3A_766 = tpu.vector_load %arg13[%swap3A_764, %swap3A_765] {strides = array<i32>} : memref<16x128xf32, #tpu.memory_space<vmem>>, vector<1x16xf32>,
    %swap3A_767 = vector.shape_cast %swap3A_766 : vector<1x16xf32> to vector<16xf32>
    %swap3A_768 = vector.shape_cast %broadcast_in_dim3A_1 : vector<16xf32> to vector<1x16xf32>
    tpu.vector_store %arg13[%swap3A_764, %swap3A_765], %swap3A_768 {strides = array<i32>} : memref<16x128xf32, #tpu.memory_space<vmem>>, vector<1x16xf32>,
    %swap3A_769 = arith.constant 14 : i32
    %swap3A_770 = arith.index_cast %swap3A_769 : i32 to index
    %swap3A_771 = arith.constant 80 : index
    %swap3A_772 = tpu.vector_load %arg13[%swap3A_770, %swap3A_771] {strides = array<i32>} : memref<16x128xf32, #tpu.memory_space<vmem>>, vector<1x16xf32>,
    %swap3A_773 = vector.shape_cast %swap3A_772 : vector<1x16xf32> to vector<16xf32>
    %swap3A_774 = vector.shape_cast %broadcast_in_dim3A_1 : vector<16xf32> to vector<1x16xf32>
    tpu.vector_store %arg13[%swap3A_770, %swap3A_771], %swap3A_774 {strides = array<i32>} : memref<16x128xf32, #tpu.memory_space<vmem>>, vector<1x16xf32>,
    %swap3A_775 = arith.constant 14 : i32
    %swap3A_776 = arith.index_cast %swap3A_775 : i32 to index
    %swap3A_777 = arith.constant 96 : index
    %swap3A_778 = tpu.vector_load %arg13[%swap3A_776, %swap3A_777] {strides = array<i32>} : memref<16x128xf32, #tpu.memory_space<vmem>>, vector<1x16xf32>,
    %swap3A_779 = vector.shape_cast %swap3A_778 : vector<1x16xf32> to vector<16xf32>
    %swap3A_780 = vector.shape_cast %broadcast_in_dim3A_1 : vector<16xf32> to vector<1x16xf32>
    tpu.vector_store %arg13[%swap3A_776, %swap3A_777], %swap3A_780 {strides = array<i32>} : memref<16x128xf32, #tpu.memory_space<vmem>>, vector<1x16xf32>,
    %swap3A_781 = arith.constant 14 : i32
    %swap3A_782 = arith.index_cast %swap3A_781 : i32 to index
    %swap3A_783 = arith.constant 112 : index
    %swap3A_784 = tpu.vector_load %arg13[%swap3A_782, %swap3A_783] {strides = array<i32>} : memref<16x128xf32, #tpu.memory_space<vmem>>, vector<1x16xf32>,
    %swap3A_785 = vector.shape_cast %swap3A_784 : vector<1x16xf32> to vector<16xf32>
    %swap3A_786 = vector.shape_cast %broadcast_in_dim3A_1 : vector<16xf32> to vector<1x16xf32>
    tpu.vector_store %arg13[%swap3A_782, %swap3A_783], %swap3A_786 {strides = array<i32>} : memref<16x128xf32, #tpu.memory_space<vmem>>, vector<1x16xf32>,
    %swap3A_787 = arith.constant 15 : i32
    %swap3A_788 = arith.index_cast %swap3A_787 : i32 to index
    %swap3A_789 = arith.constant 0 : index
    %swap3A_790 = tpu.vector_load %arg13[%swap3A_788, %swap3A_789] {strides = array<i32>} : memref<16x128xf32, #tpu.memory_space<vmem>>, vector<1x16xf32>,
    %swap3A_791 = vector.shape_cast %swap3A_790 : vector<1x16xf32> to vector<16xf32>
    %swap3A_792 = vector.shape_cast %broadcast_in_dim3A_1 : vector<16xf32> to vector<1x16xf32>
    tpu.vector_store %arg13[%swap3A_788, %swap3A_789], %swap3A_792 {strides = array<i32>} : memref<16x128xf32, #tpu.memory_space<vmem>>, vector<1x16xf32>,
    %swap3A_793 = arith.constant 15 : i32
    %swap3A_794 = arith.index_cast %swap3A_793 : i32 to index
    %swap3A_795 = arith.constant 16 : index
    %swap3A_796 = tpu.vector_load %arg13[%swap3A_794, %swap3A_795] {strides = array<i32>} : memref<16x128xf32, #tpu.memory_space<vmem>>, vector<1x16xf32>,
    %swap3A_797 = vector.shape_cast %swap3A_796 : vector<1x16xf32> to vector<16xf32>
    %swap3A_798 = vector.shape_cast %broadcast_in_dim3A_1 : vector<16xf32> to vector<1x16xf32>
    tpu.vector_store %arg13[%swap3A_794, %swap3A_795], %swap3A_798 {strides = array<i32>} : memref<16x128xf32, #tpu.memory_space<vmem>>, vector<1x16xf32>,
    %swap3A_799 = arith.constant 15 : i32
    %swap3A_800 = arith.index_cast %swap3A_799 : i32 to index
    %swap3A_801 = arith.constant 32 : index
    %swap3A_802 = tpu.vector_load %arg13[%swap3A_800, %swap3A_801] {strides = array<i32>} : memref<16x128xf32, #tpu.memory_space<vmem>>, vector<1x16xf32>,
    %swap3A_803 = vector.shape_cast %swap3A_802 : vector<1x16xf32> to vector<16xf32>
    %swap3A_804 = vector.shape_cast %broadcast_in_dim3A_1 : vector<16xf32> to vector<1x16xf32>
    tpu.vector_store %arg13[%swap3A_800, %swap3A_801], %swap3A_804 {strides = array<i32>} : memref<16x128xf32, #tpu.memory_space<vmem>>, vector<1x16xf32>,
    %swap3A_805 = arith.constant 15 : i32
    %swap3A_806 = arith.index_cast %swap3A_805 : i32 to index
    %swap3A_807 = arith.constant 48 : index
    %swap3A_808 = tpu.vector_load %arg13[%swap3A_806, %swap3A_807] {strides = array<i32>} : memref<16x128xf32, #tpu.memory_space<vmem>>, vector<1x16xf32>,
    %swap3A_809 = vector.shape_cast %swap3A_808 : vector<1x16xf32> to vector<16xf32>
    %swap3A_810 = vector.shape_cast %broadcast_in_dim3A_1 : vector<16xf32> to vector<1x16xf32>
    tpu.vector_store %arg13[%swap3A_806, %swap3A_807], %swap3A_810 {strides = array<i32>} : memref<16x128xf32, #tpu.memory_space<vmem>>, vector<1x16xf32>,
    %swap3A_811 = arith.constant 15 : i32
    %swap3A_812 = arith.index_cast %swap3A_811 : i32 to index
    %swap3A_813 = arith.constant 64 : index
    %swap3A_814 = tpu.vector_load %arg13[%swap3A_812, %swap3A_813] {strides = array<i32>} : memref<16x128xf32, #tpu.memory_space<vmem>>, vector<1x16xf32>,
    %swap3A_815 = vector.shape_cast %swap3A_814 : vector<1x16xf32> to vector<16xf32>
    %swap3A_816 = vector.shape_cast %broadcast_in_dim3A_1 : vector<16xf32> to vector<1x16xf32>
    tpu.vector_store %arg13[%swap3A_812, %swap3A_813], %swap3A_816 {strides = array<i32>} : memref<16x128xf32, #tpu.memory_space<vmem>>, vector<1x16xf32>,
    %swap3A_817 = arith.constant 15 : i32
    %swap3A_818 = arith.index_cast %swap3A_817 : i32 to index
    %swap3A_819 = arith.constant 80 : index
    %swap3A_820 = tpu.vector_load %arg13[%swap3A_818, %swap3A_819] {strides = array<i32>} : memref<16x128xf32, #tpu.memory_space<vmem>>, vector<1x16xf32>,
    %swap3A_821 = vector.shape_cast %swap3A_820 : vector<1x16xf32> to vector<16xf32>
    %swap3A_822 = vector.shape_cast %broadcast_in_dim3A_1 : vector<16xf32> to vector<1x16xf32>
    tpu.vector_store %arg13[%swap3A_818, %swap3A_819], %swap3A_822 {strides = array<i32>} : memref<16x128xf32, #tpu.memory_space<vmem>>, vector<1x16xf32>,
    %swap3A_823 = arith.constant 15 : i32
    %swap3A_824 = arith.index_cast %swap3A_823 : i32 to index
    %swap3A_825 = arith.constant 96 : index
    %swap3A_826 = tpu.vector_load %arg13[%swap3A_824, %swap3A_825] {strides = array<i32>} : memref<16x128xf32, #tpu.memory_space<vmem>>, vector<1x16xf32>,
    %swap3A_827 = vector.shape_cast %swap3A_826 : vector<1x16xf32> to vector<16xf32>
    %swap3A_828 = vector.shape_cast %broadcast_in_dim3A_1 : vector<16xf32> to vector<1x16xf32>
    tpu.vector_store %arg13[%swap3A_824, %swap3A_825], %swap3A_828 {strides = array<i32>} : memref<16x128xf32, #tpu.memory_space<vmem>>, vector<1x16xf32>,
    %swap3A_829 = arith.constant 15 : i32
    %swap3A_830 = arith.index_cast %swap3A_829 : i32 to index
    %swap3A_831 = arith.constant 112 : index
    %swap3A_832 = tpu.vector_load %arg13[%swap3A_830, %swap3A_831] {strides = array<i32>} : memref<16x128xf32, #tpu.memory_space<vmem>>, vector<1x16xf32>,
    %swap3A_833 = vector.shape_cast %swap3A_832 : vector<1x16xf32> to vector<16xf32>
    %swap3A_834 = vector.shape_cast %broadcast_in_dim3A_1 : vector<16xf32> to vector<1x16xf32>
    tpu.vector_store %arg13[%swap3A_830, %swap3A_831], %swap3A_834 {strides = array<i32>} : memref<16x128xf32, #tpu.memory_space<vmem>>, vector<1x16xf32>,
    %mul3A_835 = arith.constant 80 : i32
    %mul3A_836 = arith.muli %arg1, %mul3A_835 : i32
    %add3A_837 = arith.constant 0 : i32
    %add3A_838 = arith.addi %mul3A_836, %add3A_837 : i32
    "tpu.region"() ({
      %run_scoped3A = tpu.sem_alloc : memref<!tpu.dma_semaphore, #tpu.memory_space<semaphore_mem>>
      %dma_start3A = arith.constant 0 : i32
      %dma_start3A_936 = tpu.memref_slice %arg14[%add3A_838, %dma_start3A] : memref<1280x128xf32, #tpu.memory_space<vmem_shared>> -> memref<16x128xf32, #tpu.memory_space<vmem_shared>>
      %dma_start3A_937 = arith.constant 0 : i32
      %dma_start3A_938 = tpu.memref_slice %arg14[%add3A_838, %dma_start3A_937] : memref<1280x128xf32, #tpu.memory_space<vmem_shared>> -> memref<16x128xf32, #tpu.memory_space<vmem_shared>>
      tpu.enqueue_dma source(%arg13 : memref<16x128xf32, #tpu.memory_space<vmem>>) target(%dma_start3A_938 : memref<16x128xf32, #tpu.memory_space<vmem_shared>>) target_semaphore(%run_scoped3A : memref<!tpu.dma_semaphore, #tpu.memory_space<semaphore_mem>>)
      %dma_wait3A = arith.constant 0 : i32
      %dma_wait3A_939 = tpu.memref_slice %arg14[%add3A_838, %dma_wait3A] : memref<1280x128xf32, #tpu.memory_space<vmem_shared>> -> memref<16x128xf32, #tpu.memory_space<vmem_shared>>
      %dma_wait3A_940 = arith.constant 0 : i32
      %dma_wait3A_941 = tpu.memref_slice %arg14[%add3A_838, %dma_wait3A_940] : memref<1280x128xf32, #tpu.memory_space<vmem_shared>> -> memref<16x128xf32, #tpu.memory_space<vmem_shared>>
      tpu.wait_dma2 semaphore(%run_scoped3A : memref<!tpu.dma_semaphore, #tpu.memory_space<semaphore_mem>>) src(%arg13 : memref<16x128xf32, #tpu.memory_space<vmem>>) dst(%dma_wait3A_941 : memref<16x128xf32, #tpu.memory_space<vmem_shared>>)
      tpu.yield
    }) : () -> ()
    %mul3A_839 = arith.constant 80 : i32
    %mul3A_840 = arith.muli %arg1, %mul3A_839 : i32
    %add3A_841 = arith.constant 16 : i32
    %add3A_842 = arith.addi %mul3A_840, %add3A_841 : i32
    "tpu.region"() ({
      %run_scoped3A = tpu.sem_alloc : memref<!tpu.dma_semaphore, #tpu.memory_space<semaphore_mem>>
      %dma_start3A = arith.constant 0 : i32
      %dma_start3A_936 = tpu.memref_slice %arg14[%add3A_842, %dma_start3A] : memref<1280x128xf32, #tpu.memory_space<vmem_shared>> -> memref<16x128xf32, #tpu.memory_space<vmem_shared>>
      %dma_start3A_937 = arith.constant 0 : i32
      %dma_start3A_938 = tpu.memref_slice %arg14[%add3A_842, %dma_start3A_937] : memref<1280x128xf32, #tpu.memory_space<vmem_shared>> -> memref<16x128xf32, #tpu.memory_space<vmem_shared>>
      tpu.enqueue_dma source(%arg13 : memref<16x128xf32, #tpu.memory_space<vmem>>) target(%dma_start3A_938 : memref<16x128xf32, #tpu.memory_space<vmem_shared>>) target_semaphore(%run_scoped3A : memref<!tpu.dma_semaphore, #tpu.memory_space<semaphore_mem>>)
      %dma_wait3A = arith.constant 0 : i32
      %dma_wait3A_939 = tpu.memref_slice %arg14[%add3A_842, %dma_wait3A] : memref<1280x128xf32, #tpu.memory_space<vmem_shared>> -> memref<16x128xf32, #tpu.memory_space<vmem_shared>>
      %dma_wait3A_940 = arith.constant 0 : i32
      %dma_wait3A_941 = tpu.memref_slice %arg14[%add3A_842, %dma_wait3A_940] : memref<1280x128xf32, #tpu.memory_space<vmem_shared>> -> memref<16x128xf32, #tpu.memory_space<vmem_shared>>
      tpu.wait_dma2 semaphore(%run_scoped3A : memref<!tpu.dma_semaphore, #tpu.memory_space<semaphore_mem>>) src(%arg13 : memref<16x128xf32, #tpu.memory_space<vmem>>) dst(%dma_wait3A_941 : memref<16x128xf32, #tpu.memory_space<vmem_shared>>)
      tpu.yield
    }) : () -> ()
    %mul3A_843 = arith.constant 80 : i32
    %mul3A_844 = arith.muli %arg1, %mul3A_843 : i32
    %add3A_845 = arith.constant 32 : i32
    %add3A_846 = arith.addi %mul3A_844, %add3A_845 : i32
    "tpu.region"() ({
      %run_scoped3A = tpu.sem_alloc : memref<!tpu.dma_semaphore, #tpu.memory_space<semaphore_mem>>
      %dma_start3A = arith.constant 0 : i32
      %dma_start3A_936 = tpu.memref_slice %arg14[%add3A_846, %dma_start3A] : memref<1280x128xf32, #tpu.memory_space<vmem_shared>> -> memref<16x128xf32, #tpu.memory_space<vmem_shared>>
      %dma_start3A_937 = arith.constant 0 : i32
      %dma_start3A_938 = tpu.memref_slice %arg14[%add3A_846, %dma_start3A_937] : memref<1280x128xf32, #tpu.memory_space<vmem_shared>> -> memref<16x128xf32, #tpu.memory_space<vmem_shared>>
      tpu.enqueue_dma source(%arg13 : memref<16x128xf32, #tpu.memory_space<vmem>>) target(%dma_start3A_938 : memref<16x128xf32, #tpu.memory_space<vmem_shared>>) target_semaphore(%run_scoped3A : memref<!tpu.dma_semaphore, #tpu.memory_space<semaphore_mem>>)
      %dma_wait3A = arith.constant 0 : i32
      %dma_wait3A_939 = tpu.memref_slice %arg14[%add3A_846, %dma_wait3A] : memref<1280x128xf32, #tpu.memory_space<vmem_shared>> -> memref<16x128xf32, #tpu.memory_space<vmem_shared>>
      %dma_wait3A_940 = arith.constant 0 : i32
      %dma_wait3A_941 = tpu.memref_slice %arg14[%add3A_846, %dma_wait3A_940] : memref<1280x128xf32, #tpu.memory_space<vmem_shared>> -> memref<16x128xf32, #tpu.memory_space<vmem_shared>>
      tpu.wait_dma2 semaphore(%run_scoped3A : memref<!tpu.dma_semaphore, #tpu.memory_space<semaphore_mem>>) src(%arg13 : memref<16x128xf32, #tpu.memory_space<vmem>>) dst(%dma_wait3A_941 : memref<16x128xf32, #tpu.memory_space<vmem_shared>>)
      tpu.yield
    }) : () -> ()
    %mul3A_847 = arith.constant 80 : i32
    %mul3A_848 = arith.muli %arg1, %mul3A_847 : i32
    %add3A_849 = arith.constant 48 : i32
    %add3A_850 = arith.addi %mul3A_848, %add3A_849 : i32
    "tpu.region"() ({
      %run_scoped3A = tpu.sem_alloc : memref<!tpu.dma_semaphore, #tpu.memory_space<semaphore_mem>>
      %dma_start3A = arith.constant 0 : i32
      %dma_start3A_936 = tpu.memref_slice %arg14[%add3A_850, %dma_start3A] : memref<1280x128xf32, #tpu.memory_space<vmem_shared>> -> memref<16x128xf32, #tpu.memory_space<vmem_shared>>
      %dma_start3A_937 = arith.constant 0 : i32
      %dma_start3A_938 = tpu.memref_slice %arg14[%add3A_850, %dma_start3A_937] : memref<1280x128xf32, #tpu.memory_space<vmem_shared>> -> memref<16x128xf32, #tpu.memory_space<vmem_shared>>
      tpu.enqueue_dma source(%arg13 : memref<16x128xf32, #tpu.memory_space<vmem>>) target(%dma_start3A_938 : memref<16x128xf32, #tpu.memory_space<vmem_shared>>) target_semaphore(%run_scoped3A : memref<!tpu.dma_semaphore, #tpu.memory_space<semaphore_mem>>)
      %dma_wait3A = arith.constant 0 : i32
      %dma_wait3A_939 = tpu.memref_slice %arg14[%add3A_850, %dma_wait3A] : memref<1280x128xf32, #tpu.memory_space<vmem_shared>> -> memref<16x128xf32, #tpu.memory_space<vmem_shared>>
      %dma_wait3A_940 = arith.constant 0 : i32
      %dma_wait3A_941 = tpu.memref_slice %arg14[%add3A_850, %dma_wait3A_940] : memref<1280x128xf32, #tpu.memory_space<vmem_shared>> -> memref<16x128xf32, #tpu.memory_space<vmem_shared>>
      tpu.wait_dma2 semaphore(%run_scoped3A : memref<!tpu.dma_semaphore, #tpu.memory_space<semaphore_mem>>) src(%arg13 : memref<16x128xf32, #tpu.memory_space<vmem>>) dst(%dma_wait3A_941 : memref<16x128xf32, #tpu.memory_space<vmem_shared>>)
      tpu.yield
    }) : () -> ()
    %mul3A_851 = arith.constant 80 : i32
    %mul3A_852 = arith.muli %arg1, %mul3A_851 : i32
    %add3A_853 = arith.constant 64 : i32
    %add3A_854 = arith.addi %mul3A_852, %add3A_853 : i32
    "tpu.region"() ({
      %run_scoped3A = tpu.sem_alloc : memref<!tpu.dma_semaphore, #tpu.memory_space<semaphore_mem>>
      %dma_start3A = arith.constant 0 : i32
      %dma_start3A_936 = tpu.memref_slice %arg14[%add3A_854, %dma_start3A] : memref<1280x128xf32, #tpu.memory_space<vmem_shared>> -> memref<16x128xf32, #tpu.memory_space<vmem_shared>>
      %dma_start3A_937 = arith.constant 0 : i32
      %dma_start3A_938 = tpu.memref_slice %arg14[%add3A_854, %dma_start3A_937] : memref<1280x128xf32, #tpu.memory_space<vmem_shared>> -> memref<16x128xf32, #tpu.memory_space<vmem_shared>>
      tpu.enqueue_dma source(%arg13 : memref<16x128xf32, #tpu.memory_space<vmem>>) target(%dma_start3A_938 : memref<16x128xf32, #tpu.memory_space<vmem_shared>>) target_semaphore(%run_scoped3A : memref<!tpu.dma_semaphore, #tpu.memory_space<semaphore_mem>>)
      %dma_wait3A = arith.constant 0 : i32
      %dma_wait3A_939 = tpu.memref_slice %arg14[%add3A_854, %dma_wait3A] : memref<1280x128xf32, #tpu.memory_space<vmem_shared>> -> memref<16x128xf32, #tpu.memory_space<vmem_shared>>
      %dma_wait3A_940 = arith.constant 0 : i32
      %dma_wait3A_941 = tpu.memref_slice %arg14[%add3A_854, %dma_wait3A_940] : memref<1280x128xf32, #tpu.memory_space<vmem_shared>> -> memref<16x128xf32, #tpu.memory_space<vmem_shared>>
      tpu.wait_dma2 semaphore(%run_scoped3A : memref<!tpu.dma_semaphore, #tpu.memory_space<semaphore_mem>>) src(%arg13 : memref<16x128xf32, #tpu.memory_space<vmem>>) dst(%dma_wait3A_941 : memref<16x128xf32, #tpu.memory_space<vmem_shared>>)
      tpu.yield
    }) : () -> ()
    %mul3A_855 = arith.constant 128 : i32
    %mul3A_856 = arith.muli %arg1, %mul3A_855 : i32
    "tpu.region"() ({
      %run_scoped3A = tpu.sem_alloc : memref<!tpu.dma_semaphore, #tpu.memory_space<semaphore_mem>>
      %dma_start3A = tpu.memref_slice %arg15[%mul3A_856] : memref<2048xf32, #tpu.memory_space<vmem_shared>> -> memref<128xf32, #tpu.memory_space<vmem_shared>>
      %dma_start3A_936 = tpu.memref_slice %arg15[%mul3A_856] : memref<2048xf32, #tpu.memory_space<vmem_shared>> -> memref<128xf32, #tpu.memory_space<vmem_shared>>
      tpu.enqueue_dma source(%arg12 : memref<128xf32, #tpu.memory_space<vmem>>) target(%dma_start3A_936 : memref<128xf32, #tpu.memory_space<vmem_shared>>) target_semaphore(%run_scoped3A : memref<!tpu.dma_semaphore, #tpu.memory_space<semaphore_mem>>)
      %dma_wait3A = tpu.memref_slice %arg15[%mul3A_856] : memref<2048xf32, #tpu.memory_space<vmem_shared>> -> memref<128xf32, #tpu.memory_space<vmem_shared>>
      %dma_wait3A_937 = tpu.memref_slice %arg15[%mul3A_856] : memref<2048xf32, #tpu.memory_space<vmem_shared>> -> memref<128xf32, #tpu.memory_space<vmem_shared>>
      tpu.wait_dma2 semaphore(%run_scoped3A : memref<!tpu.dma_semaphore, #tpu.memory_space<semaphore_mem>>) src(%arg12 : memref<128xf32, #tpu.memory_space<vmem>>) dst(%dma_wait3A_937 : memref<128xf32, #tpu.memory_space<vmem_shared>>)
      tpu.yield
    }) : () -> ()
    "tpu.region"() ({
      %run_scoped3A = tpu.sem_alloc : memref<!tpu.dma_semaphore, #tpu.memory_space<semaphore_mem>>
      %dma_start3A = arith.constant 0 : i32
      %dma_start3A_936 = tpu.memref_slice %arg3[%add3A, %dma_start3A] : memref<32x5120xi32, #tpu.memory_space<hbm>> -> memref<1x5120xi32, #tpu.memory_space<hbm>>
      %dma_start3A_937 = tpu.memref_squeeze %dma_start3A_936 : memref<1x5120xi32, #tpu.memory_space<hbm>> -> memref<5120xi32, #tpu.memory_space<hbm>>
      %dma_start3A_938 = arith.constant 0 : i32
      %dma_start3A_939 = tpu.memref_slice %arg3[%add3A, %dma_start3A_938] : memref<32x5120xi32, #tpu.memory_space<hbm>> -> memref<1x5120xi32, #tpu.memory_space<hbm>>
      %dma_start3A_940 = tpu.memref_squeeze %dma_start3A_939 : memref<1x5120xi32, #tpu.memory_space<hbm>> -> memref<5120xi32, #tpu.memory_space<hbm>>
      tpu.enqueue_dma source(%dma_start3A_940 : memref<5120xi32, #tpu.memory_space<hbm>>) target(%arg6 : memref<5120xi32, #tpu.memory_space<vmem>>) target_semaphore(%run_scoped3A : memref<!tpu.dma_semaphore, #tpu.memory_space<semaphore_mem>>)
      %dma_wait3A = arith.constant 0 : i32
      %dma_wait3A_941 = tpu.memref_slice %arg3[%add3A, %dma_wait3A] : memref<32x5120xi32, #tpu.memory_space<hbm>> -> memref<1x5120xi32, #tpu.memory_space<hbm>>
      %dma_wait3A_942 = tpu.memref_squeeze %dma_wait3A_941 : memref<1x5120xi32, #tpu.memory_space<hbm>> -> memref<5120xi32, #tpu.memory_space<hbm>>
      %dma_wait3A_943 = arith.constant 0 : i32
      %dma_wait3A_944 = tpu.memref_slice %arg3[%add3A, %dma_wait3A_943] : memref<32x5120xi32, #tpu.memory_space<hbm>> -> memref<1x5120xi32, #tpu.memory_space<hbm>>
      %dma_wait3A_945 = tpu.memref_squeeze %dma_wait3A_944 : memref<1x5120xi32, #tpu.memory_space<hbm>> -> memref<5120xi32, #tpu.memory_space<hbm>>
      tpu.wait_dma2 semaphore(%run_scoped3A : memref<!tpu.dma_semaphore, #tpu.memory_space<semaphore_mem>>) src(%dma_wait3A_945 : memref<5120xi32, #tpu.memory_space<hbm>>) dst(%arg6 : memref<5120xi32, #tpu.memory_space<vmem>>)
      tpu.yield
    }) : () -> ()
    %barrier3A = arith.constant 0 : index
    tpu.barrier barrier_id(%barrier3A)
    %broadcast_in_dim3A_857 = arith.constant 1 : i32
    %broadcast_in_dim3A_858 = vector.broadcast %broadcast_in_dim3A_857 : i32 to vector<16xi32>
    %scan3A = arith.constant 0 : i32
    %scan3A_859 = arith.constant 0 : i32
    %scan3A_860 = arith.constant 320 : i32
    %scan3A_861 = arith.addi %scan3A_859, %scan3A_860 : i32
    %scan3A_862 = arith.constant 1 : i32
    %scan3A_863 = scf.for %scan3A_936 = %scan3A_859 to %scan3A_861 step %scan3A_862 iter_args(%scan3A_937 = %scan3A) -> (i32)  : i32 {
      %mul3A_938 = arith.constant 16 : i32
      %mul3A_939 = arith.muli %scan3A_936, %mul3A_938 : i32
      %get3A = arith.index_cast %mul3A_939 : i32 to index
      %get3A_940 = tpu.vector_load %arg6[%get3A] {strides = array<i32>} : memref<5120xi32, #tpu.memory_space<vmem>>, vector<16xi32>,
      %get3A_941 = vector.shape_cast %get3A_940 : vector<16xi32> to vector<16xi32>
      %slice3A = vector.extract_strided_slice %get3A_941 {offsets = [0], sizes = [1], strides = [1]} : vector<16xi32> to vector<1xi32>
      %squeeze3A = vector.extract %slice3A[0] : i32 from vector<1xi32>
      %mul3A_942 = vector.broadcast %squeeze3A : i32 to vector<16xi32>
      %mul3A_943 = arith.muli %broadcast_in_dim3A_858, %mul3A_942 : vector<16xi32>
      %swap3A_944 = arith.index_cast %scan3A_937 : i32 to index
      %swap3A_945 = tpu.vector_load %arg7[%swap3A_944] {strides = array<i32>} : memref<5248xi32, #tpu.memory_space<vmem>>, vector<16xi32>,
      %swap3A_946 = vector.shape_cast %swap3A_945 : vector<16xi32> to vector<16xi32>
      %swap3A_947 = vector.shape_cast %mul3A_943 : vector<16xi32> to vector<16xi32>
      tpu.vector_store %arg7[%swap3A_944], %swap3A_947 {strides = array<i32>} : memref<5248xi32, #tpu.memory_space<vmem>>, vector<16xi32>,
      %lt3A = arith.constant 8388608 : i32
      %lt3A_948 = arith.cmpi slt, %squeeze3A, %lt3A : i32
      %jit3A = arith.constant 1 : i32
      %jit3A_949 = arith.constant 0 : i32
      %select_n3A = arith.select %lt3A_948, %jit3A, %jit3A_949 : i32
      %add3A_950 = arith.addi %scan3A_937, %select_n3A : i32
      %slice3A_951 = vector.extract_strided_slice %get3A_941 {offsets = [1], sizes = [1], strides = [1]} : vector<16xi32> to vector<1xi32>
      %squeeze3A_952 = vector.extract %slice3A_951[0] : i32 from vector<1xi32>
      %mul3A_953 = vector.broadcast %squeeze3A_952 : i32 to vector<16xi32>
      %mul3A_954 = arith.muli %broadcast_in_dim3A_858, %mul3A_953 : vector<16xi32>
      %swap3A_955 = arith.index_cast %add3A_950 : i32 to index
      %swap3A_956 = tpu.vector_load %arg7[%swap3A_955] {strides = array<i32>} : memref<5248xi32, #tpu.memory_space<vmem>>, vector<16xi32>,
      %swap3A_957 = vector.shape_cast %swap3A_956 : vector<16xi32> to vector<16xi32>
      %swap3A_958 = vector.shape_cast %mul3A_954 : vector<16xi32> to vector<16xi32>
      tpu.vector_store %arg7[%swap3A_955], %swap3A_958 {strides = array<i32>} : memref<5248xi32, #tpu.memory_space<vmem>>, vector<16xi32>,
      %lt3A_959 = arith.constant 8388608 : i32
      %lt3A_960 = arith.cmpi slt, %squeeze3A_952, %lt3A_959 : i32
      %jit3A_961 = arith.constant 1 : i32
      %jit3A_962 = arith.constant 0 : i32
      %select_n3A_963 = arith.select %lt3A_960, %jit3A_961, %jit3A_962 : i32
      %add3A_964 = arith.addi %add3A_950, %select_n3A_963 : i32
      %slice3A_965 = vector.extract_strided_slice %get3A_941 {offsets = [2], sizes = [1], strides = [1]} : vector<16xi32> to vector<1xi32>
      %squeeze3A_966 = vector.extract %slice3A_965[0] : i32 from vector<1xi32>
      %mul3A_967 = vector.broadcast %squeeze3A_966 : i32 to vector<16xi32>
      %mul3A_968 = arith.muli %broadcast_in_dim3A_858, %mul3A_967 : vector<16xi32>
      %swap3A_969 = arith.index_cast %add3A_964 : i32 to index
      %swap3A_970 = tpu.vector_load %arg7[%swap3A_969] {strides = array<i32>} : memref<5248xi32, #tpu.memory_space<vmem>>, vector<16xi32>,
      %swap3A_971 = vector.shape_cast %swap3A_970 : vector<16xi32> to vector<16xi32>
      %swap3A_972 = vector.shape_cast %mul3A_968 : vector<16xi32> to vector<16xi32>
      tpu.vector_store %arg7[%swap3A_969], %swap3A_972 {strides = array<i32>} : memref<5248xi32, #tpu.memory_space<vmem>>, vector<16xi32>,
      %lt3A_973 = arith.constant 8388608 : i32
      %lt3A_974 = arith.cmpi slt, %squeeze3A_966, %lt3A_973 : i32
      %jit3A_975 = arith.constant 1 : i32
      %jit3A_976 = arith.constant 0 : i32
      %select_n3A_977 = arith.select %lt3A_974, %jit3A_975, %jit3A_976 : i32
      %add3A_978 = arith.addi %add3A_964, %select_n3A_977 : i32
      %slice3A_979 = vector.extract_strided_slice %get3A_941 {offsets = [3], sizes = [1], strides = [1]} : vector<16xi32> to vector<1xi32>
      %squeeze3A_980 = vector.extract %slice3A_979[0] : i32 from vector<1xi32>
      %mul3A_981 = vector.broadcast %squeeze3A_980 : i32 to vector<16xi32>
      %mul3A_982 = arith.muli %broadcast_in_dim3A_858, %mul3A_981 : vector<16xi32>
      %swap3A_983 = arith.index_cast %add3A_978 : i32 to index
      %swap3A_984 = tpu.vector_load %arg7[%swap3A_983] {strides = array<i32>} : memref<5248xi32, #tpu.memory_space<vmem>>, vector<16xi32>,
      %swap3A_985 = vector.shape_cast %swap3A_984 : vector<16xi32> to vector<16xi32>
      %swap3A_986 = vector.shape_cast %mul3A_982 : vector<16xi32> to vector<16xi32>
      tpu.vector_store %arg7[%swap3A_983], %swap3A_986 {strides = array<i32>} : memref<5248xi32, #tpu.memory_space<vmem>>, vector<16xi32>,
      %lt3A_987 = arith.constant 8388608 : i32
      %lt3A_988 = arith.cmpi slt, %squeeze3A_980, %lt3A_987 : i32
      %jit3A_989 = arith.constant 1 : i32
      %jit3A_990 = arith.constant 0 : i32
      %select_n3A_991 = arith.select %lt3A_988, %jit3A_989, %jit3A_990 : i32
      %add3A_992 = arith.addi %add3A_978, %select_n3A_991 : i32
      %slice3A_993 = vector.extract_strided_slice %get3A_941 {offsets = [4], sizes = [1], strides = [1]} : vector<16xi32> to vector<1xi32>
      %squeeze3A_994 = vector.extract %slice3A_993[0] : i32 from vector<1xi32>
      %mul3A_995 = vector.broadcast %squeeze3A_994 : i32 to vector<16xi32>
      %mul3A_996 = arith.muli %broadcast_in_dim3A_858, %mul3A_995 : vector<16xi32>
      %swap3A_997 = arith.index_cast %add3A_992 : i32 to index
      %swap3A_998 = tpu.vector_load %arg7[%swap3A_997] {strides = array<i32>} : memref<5248xi32, #tpu.memory_space<vmem>>, vector<16xi32>,
      %swap3A_999 = vector.shape_cast %swap3A_998 : vector<16xi32> to vector<16xi32>
      %swap3A_1000 = vector.shape_cast %mul3A_996 : vector<16xi32> to vector<16xi32>
      tpu.vector_store %arg7[%swap3A_997], %swap3A_1000 {strides = array<i32>} : memref<5248xi32, #tpu.memory_space<vmem>>, vector<16xi32>,
      %lt3A_1001 = arith.constant 8388608 : i32
      %lt3A_1002 = arith.cmpi slt, %squeeze3A_994, %lt3A_1001 : i32
      %jit3A_1003 = arith.constant 1 : i32
      %jit3A_1004 = arith.constant 0 : i32
      %select_n3A_1005 = arith.select %lt3A_1002, %jit3A_1003, %jit3A_1004 : i32
      %add3A_1006 = arith.addi %add3A_992, %select_n3A_1005 : i32
      %slice3A_1007 = vector.extract_strided_slice %get3A_941 {offsets = [5], sizes = [1], strides = [1]} : vector<16xi32> to vector<1xi32>
      %squeeze3A_1008 = vector.extract %slice3A_1007[0] : i32 from vector<1xi32>
      %mul3A_1009 = vector.broadcast %squeeze3A_1008 : i32 to vector<16xi32>
      %mul3A_1010 = arith.muli %broadcast_in_dim3A_858, %mul3A_1009 : vector<16xi32>
      %swap3A_1011 = arith.index_cast %add3A_1006 : i32 to index
      %swap3A_1012 = tpu.vector_load %arg7[%swap3A_1011] {strides = array<i32>} : memref<5248xi32, #tpu.memory_space<vmem>>, vector<16xi32>,
      %swap3A_1013 = vector.shape_cast %swap3A_1012 : vector<16xi32> to vector<16xi32>
      %swap3A_1014 = vector.shape_cast %mul3A_1010 : vector<16xi32> to vector<16xi32>
      tpu.vector_store %arg7[%swap3A_1011], %swap3A_1014 {strides = array<i32>} : memref<5248xi32, #tpu.memory_space<vmem>>, vector<16xi32>,
      %lt3A_1015 = arith.constant 8388608 : i32
      %lt3A_1016 = arith.cmpi slt, %squeeze3A_1008, %lt3A_1015 : i32
      %jit3A_1017 = arith.constant 1 : i32
      %jit3A_1018 = arith.constant 0 : i32
      %select_n3A_1019 = arith.select %lt3A_1016, %jit3A_1017, %jit3A_1018 : i32
      %add3A_1020 = arith.addi %add3A_1006, %select_n3A_1019 : i32
      %slice3A_1021 = vector.extract_strided_slice %get3A_941 {offsets = [6], sizes = [1], strides = [1]} : vector<16xi32> to vector<1xi32>
      %squeeze3A_1022 = vector.extract %slice3A_1021[0] : i32 from vector<1xi32>
      %mul3A_1023 = vector.broadcast %squeeze3A_1022 : i32 to vector<16xi32>
      %mul3A_1024 = arith.muli %broadcast_in_dim3A_858, %mul3A_1023 : vector<16xi32>
      %swap3A_1025 = arith.index_cast %add3A_1020 : i32 to index
      %swap3A_1026 = tpu.vector_load %arg7[%swap3A_1025] {strides = array<i32>} : memref<5248xi32, #tpu.memory_space<vmem>>, vector<16xi32>,
      %swap3A_1027 = vector.shape_cast %swap3A_1026 : vector<16xi32> to vector<16xi32>
      %swap3A_1028 = vector.shape_cast %mul3A_1024 : vector<16xi32> to vector<16xi32>
      tpu.vector_store %arg7[%swap3A_1025], %swap3A_1028 {strides = array<i32>} : memref<5248xi32, #tpu.memory_space<vmem>>, vector<16xi32>,
      %lt3A_1029 = arith.constant 8388608 : i32
      %lt3A_1030 = arith.cmpi slt, %squeeze3A_1022, %lt3A_1029 : i32
      %jit3A_1031 = arith.constant 1 : i32
      %jit3A_1032 = arith.constant 0 : i32
      %select_n3A_1033 = arith.select %lt3A_1030, %jit3A_1031, %jit3A_1032 : i32
      %add3A_1034 = arith.addi %add3A_1020, %select_n3A_1033 : i32
      %slice3A_1035 = vector.extract_strided_slice %get3A_941 {offsets = [7], sizes = [1], strides = [1]} : vector<16xi32> to vector<1xi32>
      %squeeze3A_1036 = vector.extract %slice3A_1035[0] : i32 from vector<1xi32>
      %mul3A_1037 = vector.broadcast %squeeze3A_1036 : i32 to vector<16xi32>
      %mul3A_1038 = arith.muli %broadcast_in_dim3A_858, %mul3A_1037 : vector<16xi32>
      %swap3A_1039 = arith.index_cast %add3A_1034 : i32 to index
      %swap3A_1040 = tpu.vector_load %arg7[%swap3A_1039] {strides = array<i32>} : memref<5248xi32, #tpu.memory_space<vmem>>, vector<16xi32>,
      %swap3A_1041 = vector.shape_cast %swap3A_1040 : vector<16xi32> to vector<16xi32>
      %swap3A_1042 = vector.shape_cast %mul3A_1038 : vector<16xi32> to vector<16xi32>
      tpu.vector_store %arg7[%swap3A_1039], %swap3A_1042 {strides = array<i32>} : memref<5248xi32, #tpu.memory_space<vmem>>, vector<16xi32>,
      %lt3A_1043 = arith.constant 8388608 : i32
      %lt3A_1044 = arith.cmpi slt, %squeeze3A_1036, %lt3A_1043 : i32
      %jit3A_1045 = arith.constant 1 : i32
      %jit3A_1046 = arith.constant 0 : i32
      %select_n3A_1047 = arith.select %lt3A_1044, %jit3A_1045, %jit3A_1046 : i32
      %add3A_1048 = arith.addi %add3A_1034, %select_n3A_1047 : i32
      %slice3A_1049 = vector.extract_strided_slice %get3A_941 {offsets = [8], sizes = [1], strides = [1]} : vector<16xi32> to vector<1xi32>
      %squeeze3A_1050 = vector.extract %slice3A_1049[0] : i32 from vector<1xi32>
      %mul3A_1051 = vector.broadcast %squeeze3A_1050 : i32 to vector<16xi32>
      %mul3A_1052 = arith.muli %broadcast_in_dim3A_858, %mul3A_1051 : vector<16xi32>
      %swap3A_1053 = arith.index_cast %add3A_1048 : i32 to index
      %swap3A_1054 = tpu.vector_load %arg7[%swap3A_1053] {strides = array<i32>} : memref<5248xi32, #tpu.memory_space<vmem>>, vector<16xi32>,
      %swap3A_1055 = vector.shape_cast %swap3A_1054 : vector<16xi32> to vector<16xi32>
      %swap3A_1056 = vector.shape_cast %mul3A_1052 : vector<16xi32> to vector<16xi32>
      tpu.vector_store %arg7[%swap3A_1053], %swap3A_1056 {strides = array<i32>} : memref<5248xi32, #tpu.memory_space<vmem>>, vector<16xi32>,
      %lt3A_1057 = arith.constant 8388608 : i32
      %lt3A_1058 = arith.cmpi slt, %squeeze3A_1050, %lt3A_1057 : i32
      %jit3A_1059 = arith.constant 1 : i32
      %jit3A_1060 = arith.constant 0 : i32
      %select_n3A_1061 = arith.select %lt3A_1058, %jit3A_1059, %jit3A_1060 : i32
      %add3A_1062 = arith.addi %add3A_1048, %select_n3A_1061 : i32
      %slice3A_1063 = vector.extract_strided_slice %get3A_941 {offsets = [9], sizes = [1], strides = [1]} : vector<16xi32> to vector<1xi32>
      %squeeze3A_1064 = vector.extract %slice3A_1063[0] : i32 from vector<1xi32>
      %mul3A_1065 = vector.broadcast %squeeze3A_1064 : i32 to vector<16xi32>
      %mul3A_1066 = arith.muli %broadcast_in_dim3A_858, %mul3A_1065 : vector<16xi32>
      %swap3A_1067 = arith.index_cast %add3A_1062 : i32 to index
      %swap3A_1068 = tpu.vector_load %arg7[%swap3A_1067] {strides = array<i32>} : memref<5248xi32, #tpu.memory_space<vmem>>, vector<16xi32>,
      %swap3A_1069 = vector.shape_cast %swap3A_1068 : vector<16xi32> to vector<16xi32>
      %swap3A_1070 = vector.shape_cast %mul3A_1066 : vector<16xi32> to vector<16xi32>
      tpu.vector_store %arg7[%swap3A_1067], %swap3A_1070 {strides = array<i32>} : memref<5248xi32, #tpu.memory_space<vmem>>, vector<16xi32>,
      %lt3A_1071 = arith.constant 8388608 : i32
      %lt3A_1072 = arith.cmpi slt, %squeeze3A_1064, %lt3A_1071 : i32
      %jit3A_1073 = arith.constant 1 : i32
      %jit3A_1074 = arith.constant 0 : i32
      %select_n3A_1075 = arith.select %lt3A_1072, %jit3A_1073, %jit3A_1074 : i32
      %add3A_1076 = arith.addi %add3A_1062, %select_n3A_1075 : i32
      %slice3A_1077 = vector.extract_strided_slice %get3A_941 {offsets = [10], sizes = [1], strides = [1]} : vector<16xi32> to vector<1xi32>
      %squeeze3A_1078 = vector.extract %slice3A_1077[0] : i32 from vector<1xi32>
      %mul3A_1079 = vector.broadcast %squeeze3A_1078 : i32 to vector<16xi32>
      %mul3A_1080 = arith.muli %broadcast_in_dim3A_858, %mul3A_1079 : vector<16xi32>
      %swap3A_1081 = arith.index_cast %add3A_1076 : i32 to index
      %swap3A_1082 = tpu.vector_load %arg7[%swap3A_1081] {strides = array<i32>} : memref<5248xi32, #tpu.memory_space<vmem>>, vector<16xi32>,
      %swap3A_1083 = vector.shape_cast %swap3A_1082 : vector<16xi32> to vector<16xi32>
      %swap3A_1084 = vector.shape_cast %mul3A_1080 : vector<16xi32> to vector<16xi32>
      tpu.vector_store %arg7[%swap3A_1081], %swap3A_1084 {strides = array<i32>} : memref<5248xi32, #tpu.memory_space<vmem>>, vector<16xi32>,
      %lt3A_1085 = arith.constant 8388608 : i32
      %lt3A_1086 = arith.cmpi slt, %squeeze3A_1078, %lt3A_1085 : i32
      %jit3A_1087 = arith.constant 1 : i32
      %jit3A_1088 = arith.constant 0 : i32
      %select_n3A_1089 = arith.select %lt3A_1086, %jit3A_1087, %jit3A_1088 : i32
      %add3A_1090 = arith.addi %add3A_1076, %select_n3A_1089 : i32
      %slice3A_1091 = vector.extract_strided_slice %get3A_941 {offsets = [11], sizes = [1], strides = [1]} : vector<16xi32> to vector<1xi32>
      %squeeze3A_1092 = vector.extract %slice3A_1091[0] : i32 from vector<1xi32>
      %mul3A_1093 = vector.broadcast %squeeze3A_1092 : i32 to vector<16xi32>
      %mul3A_1094 = arith.muli %broadcast_in_dim3A_858, %mul3A_1093 : vector<16xi32>
      %swap3A_1095 = arith.index_cast %add3A_1090 : i32 to index
      %swap3A_1096 = tpu.vector_load %arg7[%swap3A_1095] {strides = array<i32>} : memref<5248xi32, #tpu.memory_space<vmem>>, vector<16xi32>,
      %swap3A_1097 = vector.shape_cast %swap3A_1096 : vector<16xi32> to vector<16xi32>
      %swap3A_1098 = vector.shape_cast %mul3A_1094 : vector<16xi32> to vector<16xi32>
      tpu.vector_store %arg7[%swap3A_1095], %swap3A_1098 {strides = array<i32>} : memref<5248xi32, #tpu.memory_space<vmem>>, vector<16xi32>,
      %lt3A_1099 = arith.constant 8388608 : i32
      %lt3A_1100 = arith.cmpi slt, %squeeze3A_1092, %lt3A_1099 : i32
      %jit3A_1101 = arith.constant 1 : i32
      %jit3A_1102 = arith.constant 0 : i32
      %select_n3A_1103 = arith.select %lt3A_1100, %jit3A_1101, %jit3A_1102 : i32
      %add3A_1104 = arith.addi %add3A_1090, %select_n3A_1103 : i32
      %slice3A_1105 = vector.extract_strided_slice %get3A_941 {offsets = [12], sizes = [1], strides = [1]} : vector<16xi32> to vector<1xi32>
      %squeeze3A_1106 = vector.extract %slice3A_1105[0] : i32 from vector<1xi32>
      %mul3A_1107 = vector.broadcast %squeeze3A_1106 : i32 to vector<16xi32>
      %mul3A_1108 = arith.muli %broadcast_in_dim3A_858, %mul3A_1107 : vector<16xi32>
      %swap3A_1109 = arith.index_cast %add3A_1104 : i32 to index
      %swap3A_1110 = tpu.vector_load %arg7[%swap3A_1109] {strides = array<i32>} : memref<5248xi32, #tpu.memory_space<vmem>>, vector<16xi32>,
      %swap3A_1111 = vector.shape_cast %swap3A_1110 : vector<16xi32> to vector<16xi32>
      %swap3A_1112 = vector.shape_cast %mul3A_1108 : vector<16xi32> to vector<16xi32>
      tpu.vector_store %arg7[%swap3A_1109], %swap3A_1112 {strides = array<i32>} : memref<5248xi32, #tpu.memory_space<vmem>>, vector<16xi32>,
      %lt3A_1113 = arith.constant 8388608 : i32
      %lt3A_1114 = arith.cmpi slt, %squeeze3A_1106, %lt3A_1113 : i32
      %jit3A_1115 = arith.constant 1 : i32
      %jit3A_1116 = arith.constant 0 : i32
      %select_n3A_1117 = arith.select %lt3A_1114, %jit3A_1115, %jit3A_1116 : i32
      %add3A_1118 = arith.addi %add3A_1104, %select_n3A_1117 : i32
      %slice3A_1119 = vector.extract_strided_slice %get3A_941 {offsets = [13], sizes = [1], strides = [1]} : vector<16xi32> to vector<1xi32>
      %squeeze3A_1120 = vector.extract %slice3A_1119[0] : i32 from vector<1xi32>
      %mul3A_1121 = vector.broadcast %squeeze3A_1120 : i32 to vector<16xi32>
      %mul3A_1122 = arith.muli %broadcast_in_dim3A_858, %mul3A_1121 : vector<16xi32>
      %swap3A_1123 = arith.index_cast %add3A_1118 : i32 to index
      %swap3A_1124 = tpu.vector_load %arg7[%swap3A_1123] {strides = array<i32>} : memref<5248xi32, #tpu.memory_space<vmem>>, vector<16xi32>,
      %swap3A_1125 = vector.shape_cast %swap3A_1124 : vector<16xi32> to vector<16xi32>
      %swap3A_1126 = vector.shape_cast %mul3A_1122 : vector<16xi32> to vector<16xi32>
      tpu.vector_store %arg7[%swap3A_1123], %swap3A_1126 {strides = array<i32>} : memref<5248xi32, #tpu.memory_space<vmem>>, vector<16xi32>,
      %lt3A_1127 = arith.constant 8388608 : i32
      %lt3A_1128 = arith.cmpi slt, %squeeze3A_1120, %lt3A_1127 : i32
      %jit3A_1129 = arith.constant 1 : i32
      %jit3A_1130 = arith.constant 0 : i32
      %select_n3A_1131 = arith.select %lt3A_1128, %jit3A_1129, %jit3A_1130 : i32
      %add3A_1132 = arith.addi %add3A_1118, %select_n3A_1131 : i32
      %slice3A_1133 = vector.extract_strided_slice %get3A_941 {offsets = [14], sizes = [1], strides = [1]} : vector<16xi32> to vector<1xi32>
      %squeeze3A_1134 = vector.extract %slice3A_1133[0] : i32 from vector<1xi32>
      %mul3A_1135 = vector.broadcast %squeeze3A_1134 : i32 to vector<16xi32>
      %mul3A_1136 = arith.muli %broadcast_in_dim3A_858, %mul3A_1135 : vector<16xi32>
      %swap3A_1137 = arith.index_cast %add3A_1132 : i32 to index
      %swap3A_1138 = tpu.vector_load %arg7[%swap3A_1137] {strides = array<i32>} : memref<5248xi32, #tpu.memory_space<vmem>>, vector<16xi32>,
      %swap3A_1139 = vector.shape_cast %swap3A_1138 : vector<16xi32> to vector<16xi32>
      %swap3A_1140 = vector.shape_cast %mul3A_1136 : vector<16xi32> to vector<16xi32>
      tpu.vector_store %arg7[%swap3A_1137], %swap3A_1140 {strides = array<i32>} : memref<5248xi32, #tpu.memory_space<vmem>>, vector<16xi32>,
      %lt3A_1141 = arith.constant 8388608 : i32
      %lt3A_1142 = arith.cmpi slt, %squeeze3A_1134, %lt3A_1141 : i32
      %jit3A_1143 = arith.constant 1 : i32
      %jit3A_1144 = arith.constant 0 : i32
      %select_n3A_1145 = arith.select %lt3A_1142, %jit3A_1143, %jit3A_1144 : i32
      %add3A_1146 = arith.addi %add3A_1132, %select_n3A_1145 : i32
      %slice3A_1147 = vector.extract_strided_slice %get3A_941 {offsets = [15], sizes = [1], strides = [1]} : vector<16xi32> to vector<1xi32>
      %squeeze3A_1148 = vector.extract %slice3A_1147[0] : i32 from vector<1xi32>
      %mul3A_1149 = vector.broadcast %squeeze3A_1148 : i32 to vector<16xi32>
      %mul3A_1150 = arith.muli %broadcast_in_dim3A_858, %mul3A_1149 : vector<16xi32>
      %swap3A_1151 = arith.index_cast %add3A_1146 : i32 to index
      %swap3A_1152 = tpu.vector_load %arg7[%swap3A_1151] {strides = array<i32>} : memref<5248xi32, #tpu.memory_space<vmem>>, vector<16xi32>,
      %swap3A_1153 = vector.shape_cast %swap3A_1152 : vector<16xi32> to vector<16xi32>
      %swap3A_1154 = vector.shape_cast %mul3A_1150 : vector<16xi32> to vector<16xi32>
      tpu.vector_store %arg7[%swap3A_1151], %swap3A_1154 {strides = array<i32>} : memref<5248xi32, #tpu.memory_space<vmem>>, vector<16xi32>,
      %lt3A_1155 = arith.constant 8388608 : i32
      %lt3A_1156 = arith.cmpi slt, %squeeze3A_1148, %lt3A_1155 : i32
      %jit3A_1157 = arith.constant 1 : i32
      %jit3A_1158 = arith.constant 0 : i32
      %select_n3A_1159 = arith.select %lt3A_1156, %jit3A_1157, %jit3A_1158 : i32
      %add3A_1160 = arith.addi %add3A_1146, %select_n3A_1159 : i32
      scf.yield %add3A_1160 : i32
    }
    %scan3A_864 = arith.constant 320 : i32
    %broadcast_in_dim3A_865 = arith.constant 8388608 : i32
    %broadcast_in_dim3A_866 = vector.broadcast %broadcast_in_dim3A_865 : i32 to vector<16xi32>
    %add3A_867 = arith.constant 0 : i32
    %add3A_868 = arith.addi %scan3A_863, %add3A_867 : i32
    %swap3A_869 = arith.index_cast %add3A_868 : i32 to index
    %swap3A_870 = tpu.vector_load %arg7[%swap3A_869] {strides = array<i32>} : memref<5248xi32, #tpu.memory_space<vmem>>, vector<16xi32>,
    %swap3A_871 = vector.shape_cast %swap3A_870 : vector<16xi32> to vector<16xi32>
    %swap3A_872 = vector.shape_cast %broadcast_in_dim3A_866 : vector<16xi32> to vector<16xi32>
    tpu.vector_store %arg7[%swap3A_869], %swap3A_872 {strides = array<i32>} : memref<5248xi32, #tpu.memory_space<vmem>>, vector<16xi32>,
    %add3A_873 = arith.constant 16 : i32
    %add3A_874 = arith.addi %scan3A_863, %add3A_873 : i32
    %swap3A_875 = arith.index_cast %add3A_874 : i32 to index
    %swap3A_876 = tpu.vector_load %arg7[%swap3A_875] {strides = array<i32>} : memref<5248xi32, #tpu.memory_space<vmem>>, vector<16xi32>,
    %swap3A_877 = vector.shape_cast %swap3A_876 : vector<16xi32> to vector<16xi32>
    %swap3A_878 = vector.shape_cast %broadcast_in_dim3A_866 : vector<16xi32> to vector<16xi32>
    tpu.vector_store %arg7[%swap3A_875], %swap3A_878 {strides = array<i32>} : memref<5248xi32, #tpu.memory_space<vmem>>, vector<16xi32>,
    %add3A_879 = arith.constant 32 : i32
    %add3A_880 = arith.addi %scan3A_863, %add3A_879 : i32
    %swap3A_881 = arith.index_cast %add3A_880 : i32 to index
    %swap3A_882 = tpu.vector_load %arg7[%swap3A_881] {strides = array<i32>} : memref<5248xi32, #tpu.memory_space<vmem>>, vector<16xi32>,
    %swap3A_883 = vector.shape_cast %swap3A_882 : vector<16xi32> to vector<16xi32>
    %swap3A_884 = vector.shape_cast %broadcast_in_dim3A_866 : vector<16xi32> to vector<16xi32>
    tpu.vector_store %arg7[%swap3A_881], %swap3A_884 {strides = array<i32>} : memref<5248xi32, #tpu.memory_space<vmem>>, vector<16xi32>,
    %add3A_885 = arith.constant 48 : i32
    %add3A_886 = arith.addi %scan3A_863, %add3A_885 : i32
    %swap3A_887 = arith.index_cast %add3A_886 : i32 to index
    %swap3A_888 = tpu.vector_load %arg7[%swap3A_887] {strides = array<i32>} : memref<5248xi32, #tpu.memory_space<vmem>>, vector<16xi32>,
    %swap3A_889 = vector.shape_cast %swap3A_888 : vector<16xi32> to vector<16xi32>
    %swap3A_890 = vector.shape_cast %broadcast_in_dim3A_866 : vector<16xi32> to vector<16xi32>
    tpu.vector_store %arg7[%swap3A_887], %swap3A_890 {strides = array<i32>} : memref<5248xi32, #tpu.memory_space<vmem>>, vector<16xi32>,
    %add3A_891 = arith.constant 64 : i32
    %add3A_892 = arith.addi %scan3A_863, %add3A_891 : i32
    %swap3A_893 = arith.index_cast %add3A_892 : i32 to index
    %swap3A_894 = tpu.vector_load %arg7[%swap3A_893] {strides = array<i32>} : memref<5248xi32, #tpu.memory_space<vmem>>, vector<16xi32>,
    %swap3A_895 = vector.shape_cast %swap3A_894 : vector<16xi32> to vector<16xi32>
    %swap3A_896 = vector.shape_cast %broadcast_in_dim3A_866 : vector<16xi32> to vector<16xi32>
    tpu.vector_store %arg7[%swap3A_893], %swap3A_896 {strides = array<i32>} : memref<5248xi32, #tpu.memory_space<vmem>>, vector<16xi32>,
    %add3A_897 = arith.constant 80 : i32
    %add3A_898 = arith.addi %scan3A_863, %add3A_897 : i32
    %swap3A_899 = arith.index_cast %add3A_898 : i32 to index
    %swap3A_900 = tpu.vector_load %arg7[%swap3A_899] {strides = array<i32>} : memref<5248xi32, #tpu.memory_space<vmem>>, vector<16xi32>,
    %swap3A_901 = vector.shape_cast %swap3A_900 : vector<16xi32> to vector<16xi32>
    %swap3A_902 = vector.shape_cast %broadcast_in_dim3A_866 : vector<16xi32> to vector<16xi32>
    tpu.vector_store %arg7[%swap3A_899], %swap3A_902 {strides = array<i32>} : memref<5248xi32, #tpu.memory_space<vmem>>, vector<16xi32>,
    %add3A_903 = arith.constant 96 : i32
    %add3A_904 = arith.addi %scan3A_863, %add3A_903 : i32
    %swap3A_905 = arith.index_cast %add3A_904 : i32 to index
    %swap3A_906 = tpu.vector_load %arg7[%swap3A_905] {strides = array<i32>} : memref<5248xi32, #tpu.memory_space<vmem>>, vector<16xi32>,
    %swap3A_907 = vector.shape_cast %swap3A_906 : vector<16xi32> to vector<16xi32>
    %swap3A_908 = vector.shape_cast %broadcast_in_dim3A_866 : vector<16xi32> to vector<16xi32>
    tpu.vector_store %arg7[%swap3A_905], %swap3A_908 {strides = array<i32>} : memref<5248xi32, #tpu.memory_space<vmem>>, vector<16xi32>,
    %add3A_909 = arith.constant 112 : i32
    %add3A_910 = arith.addi %scan3A_863, %add3A_909 : i32
    %swap3A_911 = arith.index_cast %add3A_910 : i32 to index
    %swap3A_912 = tpu.vector_load %arg7[%swap3A_911] {strides = array<i32>} : memref<5248xi32, #tpu.memory_space<vmem>>, vector<16xi32>,
    %swap3A_913 = vector.shape_cast %swap3A_912 : vector<16xi32> to vector<16xi32>
    %swap3A_914 = vector.shape_cast %broadcast_in_dim3A_866 : vector<16xi32> to vector<16xi32>
    tpu.vector_store %arg7[%swap3A_911], %swap3A_914 {strides = array<i32>} : memref<5248xi32, #tpu.memory_space<vmem>>, vector<16xi32>,
    %add3A_915 = arith.constant 127 : i32
    %add3A_916 = arith.addi %scan3A_863, %add3A_915 : i32
    %shift_right_logical3A = arith.constant 7 : i32
    %shift_right_logical3A_917 = arith.shrui %add3A_916, %shift_right_logical3A : i32
    %while3A = arith.constant 0 : i32
    %while3A_918 = arith.constant 0 : i32
    %while3A_919 = arith.subi %shift_right_logical3A_917, %while3A_918 : i32
    %while3A_920 = arith.addi %while3A_918, %while3A_919 : i32
    %while3A_921 = arith.constant 1 : i32
    %while3A_922 = arith.divsi %while3A_919, %while3A_921 : i32
    %while3A_923 = arith.muli %while3A_922, %while3A_921 : i32
    %while3A_924 = arith.addi %while3A_918, %while3A_923 : i32
    %while3A_925 = arith.constant 1 : i32
    scf.for %while3A_936 = %while3A_918 to %while3A_924 step %while3A_925  : i32 {
      %mul3A_937 = arith.constant 128 : i32
      %mul3A_938 = arith.muli %while3A_936, %mul3A_937 : i32
      %add3A_939 = arith.constant 0 : i32
      %add3A_940 = arith.addi %mul3A_938, %add3A_939 : i32
      %get3A = arith.index_cast %add3A_940 : i32 to index
      %get3A_941 = tpu.vector_load %arg7[%get3A] {strides = array<i32>} : memref<5248xi32, #tpu.memory_space<vmem>>, vector<16xi32>,
      %get3A_942 = vector.shape_cast %get3A_941 : vector<16xi32> to vector<16xi32>
      %and3A = arith.constant 8191 : i32
      %and3A_943 = vector.broadcast %and3A : i32 to vector<16xi32>
      %and3A_944 = arith.andi %get3A_942, %and3A_943 : vector<16xi32>
      %swap3A_945 = arith.constant 0 : i32
      %swap3A_946 = arith.index_cast %swap3A_945 : i32 to index
      %swap3A_947 = arith.constant 0 : index
      %swap3A_948 = tpu.vector_load %arg8[%swap3A_946, %swap3A_947] {strides = array<i32>} : memref<1x128xi32, #tpu.memory_space<vmem>>, vector<1x16xi32>,
      %swap3A_949 = vector.shape_cast %swap3A_948 : vector<1x16xi32> to vector<16xi32>
      %swap3A_950 = vector.shape_cast %and3A_944 : vector<16xi32> to vector<1x16xi32>
      tpu.vector_store %arg8[%swap3A_946, %swap3A_947], %swap3A_950 {strides = array<i32>} : memref<1x128xi32, #tpu.memory_space<vmem>>, vector<1x16xi32>,
      %shift_right_logical3A_951 = arith.constant 13 : i32
      %shift_right_logical3A_952 = vector.broadcast %shift_right_logical3A_951 : i32 to vector<16xi32>
      %shift_right_logical3A_953 = arith.shrui %get3A_942, %shift_right_logical3A_952 : vector<16xi32>
      %swap3A_954 = arith.constant 0 : i32
      %swap3A_955 = arith.index_cast %swap3A_954 : i32 to index
      %swap3A_956 = arith.constant 0 : index
      %swap3A_957 = tpu.vector_load %arg9[%swap3A_955, %swap3A_956] {strides = array<i32>} : memref<1x128xi32, #tpu.memory_space<vmem>>, vector<1x16xi32>,
      %swap3A_958 = vector.shape_cast %swap3A_957 : vector<1x16xi32> to vector<16xi32>
      %swap3A_959 = vector.shape_cast %shift_right_logical3A_953 : vector<16xi32> to vector<1x16xi32>
      tpu.vector_store %arg9[%swap3A_955, %swap3A_956], %swap3A_959 {strides = array<i32>} : memref<1x128xi32, #tpu.memory_space<vmem>>, vector<1x16xi32>,
      %mul3A_960 = arith.constant 128 : i32
      %mul3A_961 = arith.muli %while3A_936, %mul3A_960 : i32
      %add3A_962 = arith.constant 16 : i32
      %add3A_963 = arith.addi %mul3A_961, %add3A_962 : i32
      %get3A_964 = arith.index_cast %add3A_963 : i32 to index
      %get3A_965 = tpu.vector_load %arg7[%get3A_964] {strides = array<i32>} : memref<5248xi32, #tpu.memory_space<vmem>>, vector<16xi32>,
      %get3A_966 = vector.shape_cast %get3A_965 : vector<16xi32> to vector<16xi32>
      %and3A_967 = arith.constant 8191 : i32
      %and3A_968 = vector.broadcast %and3A_967 : i32 to vector<16xi32>
      %and3A_969 = arith.andi %get3A_966, %and3A_968 : vector<16xi32>
      %swap3A_970 = arith.constant 0 : i32
      %swap3A_971 = arith.index_cast %swap3A_970 : i32 to index
      %swap3A_972 = arith.constant 16 : index
      %swap3A_973 = tpu.vector_load %arg8[%swap3A_971, %swap3A_972] {strides = array<i32>} : memref<1x128xi32, #tpu.memory_space<vmem>>, vector<1x16xi32>,
      %swap3A_974 = vector.shape_cast %swap3A_973 : vector<1x16xi32> to vector<16xi32>
      %swap3A_975 = vector.shape_cast %and3A_969 : vector<16xi32> to vector<1x16xi32>
      tpu.vector_store %arg8[%swap3A_971, %swap3A_972], %swap3A_975 {strides = array<i32>} : memref<1x128xi32, #tpu.memory_space<vmem>>, vector<1x16xi32>,
      %shift_right_logical3A_976 = arith.constant 13 : i32
      %shift_right_logical3A_977 = vector.broadcast %shift_right_logical3A_976 : i32 to vector<16xi32>
      %shift_right_logical3A_978 = arith.shrui %get3A_966, %shift_right_logical3A_977 : vector<16xi32>
      %swap3A_979 = arith.constant 0 : i32
      %swap3A_980 = arith.index_cast %swap3A_979 : i32 to index
      %swap3A_981 = arith.constant 16 : index
      %swap3A_982 = tpu.vector_load %arg9[%swap3A_980, %swap3A_981] {strides = array<i32>} : memref<1x128xi32, #tpu.memory_space<vmem>>, vector<1x16xi32>,
      %swap3A_983 = vector.shape_cast %swap3A_982 : vector<1x16xi32> to vector<16xi32>
      %swap3A_984 = vector.shape_cast %shift_right_logical3A_978 : vector<16xi32> to vector<1x16xi32>
      tpu.vector_store %arg9[%swap3A_980, %swap3A_981], %swap3A_984 {strides = array<i32>} : memref<1x128xi32, #tpu.memory_space<vmem>>, vector<1x16xi32>,
      %mul3A_985 = arith.constant 128 : i32
      %mul3A_986 = arith.muli %while3A_936, %mul3A_985 : i32
      %add3A_987 = arith.constant 32 : i32
      %add3A_988 = arith.addi %mul3A_986, %add3A_987 : i32
      %get3A_989 = arith.index_cast %add3A_988 : i32 to index
      %get3A_990 = tpu.vector_load %arg7[%get3A_989] {strides = array<i32>} : memref<5248xi32, #tpu.memory_space<vmem>>, vector<16xi32>,
      %get3A_991 = vector.shape_cast %get3A_990 : vector<16xi32> to vector<16xi32>
      %and3A_992 = arith.constant 8191 : i32
      %and3A_993 = vector.broadcast %and3A_992 : i32 to vector<16xi32>
      %and3A_994 = arith.andi %get3A_991, %and3A_993 : vector<16xi32>
      %swap3A_995 = arith.constant 0 : i32
      %swap3A_996 = arith.index_cast %swap3A_995 : i32 to index
      %swap3A_997 = arith.constant 32 : index
      %swap3A_998 = tpu.vector_load %arg8[%swap3A_996, %swap3A_997] {strides = array<i32>} : memref<1x128xi32, #tpu.memory_space<vmem>>, vector<1x16xi32>,
      %swap3A_999 = vector.shape_cast %swap3A_998 : vector<1x16xi32> to vector<16xi32>
      %swap3A_1000 = vector.shape_cast %and3A_994 : vector<16xi32> to vector<1x16xi32>
      tpu.vector_store %arg8[%swap3A_996, %swap3A_997], %swap3A_1000 {strides = array<i32>} : memref<1x128xi32, #tpu.memory_space<vmem>>, vector<1x16xi32>,
      %shift_right_logical3A_1001 = arith.constant 13 : i32
      %shift_right_logical3A_1002 = vector.broadcast %shift_right_logical3A_1001 : i32 to vector<16xi32>
      %shift_right_logical3A_1003 = arith.shrui %get3A_991, %shift_right_logical3A_1002 : vector<16xi32>
      %swap3A_1004 = arith.constant 0 : i32
      %swap3A_1005 = arith.index_cast %swap3A_1004 : i32 to index
      %swap3A_1006 = arith.constant 32 : index
      %swap3A_1007 = tpu.vector_load %arg9[%swap3A_1005, %swap3A_1006] {strides = array<i32>} : memref<1x128xi32, #tpu.memory_space<vmem>>, vector<1x16xi32>,
      %swap3A_1008 = vector.shape_cast %swap3A_1007 : vector<1x16xi32> to vector<16xi32>
      %swap3A_1009 = vector.shape_cast %shift_right_logical3A_1003 : vector<16xi32> to vector<1x16xi32>
      tpu.vector_store %arg9[%swap3A_1005, %swap3A_1006], %swap3A_1009 {strides = array<i32>} : memref<1x128xi32, #tpu.memory_space<vmem>>, vector<1x16xi32>,
      %mul3A_1010 = arith.constant 128 : i32
      %mul3A_1011 = arith.muli %while3A_936, %mul3A_1010 : i32
      %add3A_1012 = arith.constant 48 : i32
      %add3A_1013 = arith.addi %mul3A_1011, %add3A_1012 : i32
      %get3A_1014 = arith.index_cast %add3A_1013 : i32 to index
      %get3A_1015 = tpu.vector_load %arg7[%get3A_1014] {strides = array<i32>} : memref<5248xi32, #tpu.memory_space<vmem>>, vector<16xi32>,
      %get3A_1016 = vector.shape_cast %get3A_1015 : vector<16xi32> to vector<16xi32>
      %and3A_1017 = arith.constant 8191 : i32
      %and3A_1018 = vector.broadcast %and3A_1017 : i32 to vector<16xi32>
      %and3A_1019 = arith.andi %get3A_1016, %and3A_1018 : vector<16xi32>
      %swap3A_1020 = arith.constant 0 : i32
      %swap3A_1021 = arith.index_cast %swap3A_1020 : i32 to index
      %swap3A_1022 = arith.constant 48 : index
      %swap3A_1023 = tpu.vector_load %arg8[%swap3A_1021, %swap3A_1022] {strides = array<i32>} : memref<1x128xi32, #tpu.memory_space<vmem>>, vector<1x16xi32>,
      %swap3A_1024 = vector.shape_cast %swap3A_1023 : vector<1x16xi32> to vector<16xi32>
      %swap3A_1025 = vector.shape_cast %and3A_1019 : vector<16xi32> to vector<1x16xi32>
      tpu.vector_store %arg8[%swap3A_1021, %swap3A_1022], %swap3A_1025 {strides = array<i32>} : memref<1x128xi32, #tpu.memory_space<vmem>>, vector<1x16xi32>,
      %shift_right_logical3A_1026 = arith.constant 13 : i32
      %shift_right_logical3A_1027 = vector.broadcast %shift_right_logical3A_1026 : i32 to vector<16xi32>
      %shift_right_logical3A_1028 = arith.shrui %get3A_1016, %shift_right_logical3A_1027 : vector<16xi32>
      %swap3A_1029 = arith.constant 0 : i32
      %swap3A_1030 = arith.index_cast %swap3A_1029 : i32 to index
      %swap3A_1031 = arith.constant 48 : index
      %swap3A_1032 = tpu.vector_load %arg9[%swap3A_1030, %swap3A_1031] {strides = array<i32>} : memref<1x128xi32, #tpu.memory_space<vmem>>, vector<1x16xi32>,
      %swap3A_1033 = vector.shape_cast %swap3A_1032 : vector<1x16xi32> to vector<16xi32>
      %swap3A_1034 = vector.shape_cast %shift_right_logical3A_1028 : vector<16xi32> to vector<1x16xi32>
      tpu.vector_store %arg9[%swap3A_1030, %swap3A_1031], %swap3A_1034 {strides = array<i32>} : memref<1x128xi32, #tpu.memory_space<vmem>>, vector<1x16xi32>,
      %mul3A_1035 = arith.constant 128 : i32
      %mul3A_1036 = arith.muli %while3A_936, %mul3A_1035 : i32
      %add3A_1037 = arith.constant 64 : i32
      %add3A_1038 = arith.addi %mul3A_1036, %add3A_1037 : i32
      %get3A_1039 = arith.index_cast %add3A_1038 : i32 to index
      %get3A_1040 = tpu.vector_load %arg7[%get3A_1039] {strides = array<i32>} : memref<5248xi32, #tpu.memory_space<vmem>>, vector<16xi32>,
      %get3A_1041 = vector.shape_cast %get3A_1040 : vector<16xi32> to vector<16xi32>
      %and3A_1042 = arith.constant 8191 : i32
      %and3A_1043 = vector.broadcast %and3A_1042 : i32 to vector<16xi32>
      %and3A_1044 = arith.andi %get3A_1041, %and3A_1043 : vector<16xi32>
      %swap3A_1045 = arith.constant 0 : i32
      %swap3A_1046 = arith.index_cast %swap3A_1045 : i32 to index
      %swap3A_1047 = arith.constant 64 : index
      %swap3A_1048 = tpu.vector_load %arg8[%swap3A_1046, %swap3A_1047] {strides = array<i32>} : memref<1x128xi32, #tpu.memory_space<vmem>>, vector<1x16xi32>,
      %swap3A_1049 = vector.shape_cast %swap3A_1048 : vector<1x16xi32> to vector<16xi32>
      %swap3A_1050 = vector.shape_cast %and3A_1044 : vector<16xi32> to vector<1x16xi32>
      tpu.vector_store %arg8[%swap3A_1046, %swap3A_1047], %swap3A_1050 {strides = array<i32>} : memref<1x128xi32, #tpu.memory_space<vmem>>, vector<1x16xi32>,
      %shift_right_logical3A_1051 = arith.constant 13 : i32
      %shift_right_logical3A_1052 = vector.broadcast %shift_right_logical3A_1051 : i32 to vector<16xi32>
      %shift_right_logical3A_1053 = arith.shrui %get3A_1041, %shift_right_logical3A_1052 : vector<16xi32>
      %swap3A_1054 = arith.constant 0 : i32
      %swap3A_1055 = arith.index_cast %swap3A_1054 : i32 to index
      %swap3A_1056 = arith.constant 64 : index
      %swap3A_1057 = tpu.vector_load %arg9[%swap3A_1055, %swap3A_1056] {strides = array<i32>} : memref<1x128xi32, #tpu.memory_space<vmem>>, vector<1x16xi32>,
      %swap3A_1058 = vector.shape_cast %swap3A_1057 : vector<1x16xi32> to vector<16xi32>
      %swap3A_1059 = vector.shape_cast %shift_right_logical3A_1053 : vector<16xi32> to vector<1x16xi32>
      tpu.vector_store %arg9[%swap3A_1055, %swap3A_1056], %swap3A_1059 {strides = array<i32>} : memref<1x128xi32, #tpu.memory_space<vmem>>, vector<1x16xi32>,
      %mul3A_1060 = arith.constant 128 : i32
      %mul3A_1061 = arith.muli %while3A_936, %mul3A_1060 : i32
      %add3A_1062 = arith.constant 80 : i32
      %add3A_1063 = arith.addi %mul3A_1061, %add3A_1062 : i32
      %get3A_1064 = arith.index_cast %add3A_1063 : i32 to index
      %get3A_1065 = tpu.vector_load %arg7[%get3A_1064] {strides = array<i32>} : memref<5248xi32, #tpu.memory_space<vmem>>, vector<16xi32>,
      %get3A_1066 = vector.shape_cast %get3A_1065 : vector<16xi32> to vector<16xi32>
      %and3A_1067 = arith.constant 8191 : i32
      %and3A_1068 = vector.broadcast %and3A_1067 : i32 to vector<16xi32>
      %and3A_1069 = arith.andi %get3A_1066, %and3A_1068 : vector<16xi32>
      %swap3A_1070 = arith.constant 0 : i32
      %swap3A_1071 = arith.index_cast %swap3A_1070 : i32 to index
      %swap3A_1072 = arith.constant 80 : index
      %swap3A_1073 = tpu.vector_load %arg8[%swap3A_1071, %swap3A_1072] {strides = array<i32>} : memref<1x128xi32, #tpu.memory_space<vmem>>, vector<1x16xi32>,
      %swap3A_1074 = vector.shape_cast %swap3A_1073 : vector<1x16xi32> to vector<16xi32>
      %swap3A_1075 = vector.shape_cast %and3A_1069 : vector<16xi32> to vector<1x16xi32>
      tpu.vector_store %arg8[%swap3A_1071, %swap3A_1072], %swap3A_1075 {strides = array<i32>} : memref<1x128xi32, #tpu.memory_space<vmem>>, vector<1x16xi32>,
      %shift_right_logical3A_1076 = arith.constant 13 : i32
      %shift_right_logical3A_1077 = vector.broadcast %shift_right_logical3A_1076 : i32 to vector<16xi32>
      %shift_right_logical3A_1078 = arith.shrui %get3A_1066, %shift_right_logical3A_1077 : vector<16xi32>
      %swap3A_1079 = arith.constant 0 : i32
      %swap3A_1080 = arith.index_cast %swap3A_1079 : i32 to index
      %swap3A_1081 = arith.constant 80 : index
      %swap3A_1082 = tpu.vector_load %arg9[%swap3A_1080, %swap3A_1081] {strides = array<i32>} : memref<1x128xi32, #tpu.memory_space<vmem>>, vector<1x16xi32>,
      %swap3A_1083 = vector.shape_cast %swap3A_1082 : vector<1x16xi32> to vector<16xi32>
      %swap3A_1084 = vector.shape_cast %shift_right_logical3A_1078 : vector<16xi32> to vector<1x16xi32>
      tpu.vector_store %arg9[%swap3A_1080, %swap3A_1081], %swap3A_1084 {strides = array<i32>} : memref<1x128xi32, #tpu.memory_space<vmem>>, vector<1x16xi32>,
      %mul3A_1085 = arith.constant 128 : i32
      %mul3A_1086 = arith.muli %while3A_936, %mul3A_1085 : i32
      %add3A_1087 = arith.constant 96 : i32
      %add3A_1088 = arith.addi %mul3A_1086, %add3A_1087 : i32
      %get3A_1089 = arith.index_cast %add3A_1088 : i32 to index
      %get3A_1090 = tpu.vector_load %arg7[%get3A_1089] {strides = array<i32>} : memref<5248xi32, #tpu.memory_space<vmem>>, vector<16xi32>,
      %get3A_1091 = vector.shape_cast %get3A_1090 : vector<16xi32> to vector<16xi32>
      %and3A_1092 = arith.constant 8191 : i32
      %and3A_1093 = vector.broadcast %and3A_1092 : i32 to vector<16xi32>
      %and3A_1094 = arith.andi %get3A_1091, %and3A_1093 : vector<16xi32>
      %swap3A_1095 = arith.constant 0 : i32
      %swap3A_1096 = arith.index_cast %swap3A_1095 : i32 to index
      %swap3A_1097 = arith.constant 96 : index
      %swap3A_1098 = tpu.vector_load %arg8[%swap3A_1096, %swap3A_1097] {strides = array<i32>} : memref<1x128xi32, #tpu.memory_space<vmem>>, vector<1x16xi32>,
      %swap3A_1099 = vector.shape_cast %swap3A_1098 : vector<1x16xi32> to vector<16xi32>
      %swap3A_1100 = vector.shape_cast %and3A_1094 : vector<16xi32> to vector<1x16xi32>
      tpu.vector_store %arg8[%swap3A_1096, %swap3A_1097], %swap3A_1100 {strides = array<i32>} : memref<1x128xi32, #tpu.memory_space<vmem>>, vector<1x16xi32>,
      %shift_right_logical3A_1101 = arith.constant 13 : i32
      %shift_right_logical3A_1102 = vector.broadcast %shift_right_logical3A_1101 : i32 to vector<16xi32>
      %shift_right_logical3A_1103 = arith.shrui %get3A_1091, %shift_right_logical3A_1102 : vector<16xi32>
      %swap3A_1104 = arith.constant 0 : i32
      %swap3A_1105 = arith.index_cast %swap3A_1104 : i32 to index
      %swap3A_1106 = arith.constant 96 : index
      %swap3A_1107 = tpu.vector_load %arg9[%swap3A_1105, %swap3A_1106] {strides = array<i32>} : memref<1x128xi32, #tpu.memory_space<vmem>>, vector<1x16xi32>,
      %swap3A_1108 = vector.shape_cast %swap3A_1107 : vector<1x16xi32> to vector<16xi32>
      %swap3A_1109 = vector.shape_cast %shift_right_logical3A_1103 : vector<16xi32> to vector<1x16xi32>
      tpu.vector_store %arg9[%swap3A_1105, %swap3A_1106], %swap3A_1109 {strides = array<i32>} : memref<1x128xi32, #tpu.memory_space<vmem>>, vector<1x16xi32>,
      %mul3A_1110 = arith.constant 128 : i32
      %mul3A_1111 = arith.muli %while3A_936, %mul3A_1110 : i32
      %add3A_1112 = arith.constant 112 : i32
      %add3A_1113 = arith.addi %mul3A_1111, %add3A_1112 : i32
      %get3A_1114 = arith.index_cast %add3A_1113 : i32 to index
      %get3A_1115 = tpu.vector_load %arg7[%get3A_1114] {strides = array<i32>} : memref<5248xi32, #tpu.memory_space<vmem>>, vector<16xi32>,
      %get3A_1116 = vector.shape_cast %get3A_1115 : vector<16xi32> to vector<16xi32>
      %and3A_1117 = arith.constant 8191 : i32
      %and3A_1118 = vector.broadcast %and3A_1117 : i32 to vector<16xi32>
      %and3A_1119 = arith.andi %get3A_1116, %and3A_1118 : vector<16xi32>
      %swap3A_1120 = arith.constant 0 : i32
      %swap3A_1121 = arith.index_cast %swap3A_1120 : i32 to index
      %swap3A_1122 = arith.constant 112 : index
      %swap3A_1123 = tpu.vector_load %arg8[%swap3A_1121, %swap3A_1122] {strides = array<i32>} : memref<1x128xi32, #tpu.memory_space<vmem>>, vector<1x16xi32>,
      %swap3A_1124 = vector.shape_cast %swap3A_1123 : vector<1x16xi32> to vector<16xi32>
      %swap3A_1125 = vector.shape_cast %and3A_1119 : vector<16xi32> to vector<1x16xi32>
      tpu.vector_store %arg8[%swap3A_1121, %swap3A_1122], %swap3A_1125 {strides = array<i32>} : memref<1x128xi32, #tpu.memory_space<vmem>>, vector<1x16xi32>,
      %shift_right_logical3A_1126 = arith.constant 13 : i32
      %shift_right_logical3A_1127 = vector.broadcast %shift_right_logical3A_1126 : i32 to vector<16xi32>
      %shift_right_logical3A_1128 = arith.shrui %get3A_1116, %shift_right_logical3A_1127 : vector<16xi32>
      %swap3A_1129 = arith.constant 0 : i32
      %swap3A_1130 = arith.index_cast %swap3A_1129 : i32 to index
      %swap3A_1131 = arith.constant 112 : index
      %swap3A_1132 = tpu.vector_load %arg9[%swap3A_1130, %swap3A_1131] {strides = array<i32>} : memref<1x128xi32, #tpu.memory_space<vmem>>, vector<1x16xi32>,
      %swap3A_1133 = vector.shape_cast %swap3A_1132 : vector<1x16xi32> to vector<16xi32>
      %swap3A_1134 = vector.shape_cast %shift_right_logical3A_1128 : vector<16xi32> to vector<1x16xi32>
      tpu.vector_store %arg9[%swap3A_1130, %swap3A_1131], %swap3A_1134 {strides = array<i32>} : memref<1x128xi32, #tpu.memory_space<vmem>>, vector<1x16xi32>,
      %dma_start3A = arith.constant 0 : i32
      %dma_start3A_1135 = arith.constant 0 : i32
      %dma_start3A_1136 = tpu.memref_slice %arg8[%dma_start3A, %dma_start3A_1135] : memref<1x128xi32, #tpu.memory_space<vmem>> -> memref<1x128xi32, #tpu.memory_space<vmem>>
      %dma_start3A_1137 = tpu.memref_squeeze %dma_start3A_1136 : memref<1x128xi32, #tpu.memory_space<vmem>> -> memref<128xi32, #tpu.memory_space<vmem>>
      %dma_start3A_1138 = arith.constant 0 : i32
      %dma_start3A_1139 = arith.constant 0 : i32
      %dma_start3A_1140 = tpu.memref_slice %arg2[%dma_start3A_1138, %dma_start3A_1139] : memref<10000x128xf32, #tpu.memory_space<hbm>> -> memref<10000x128xf32, #tpu.memory_space<hbm>>
      tpu.enqueue_indirect_dma source(%dma_start3A_1140 : memref<10000x128xf32, #tpu.memory_space<hbm>>) target(%arg10 : memref<128x128xf32, #tpu.memory_space<vmem>>) offsets(%dma_start3A_1137 : memref<128xi32, #tpu.memory_space<vmem>>) semaphore(%arg16 : memref<!tpu.dma_semaphore, #tpu.memory_space<semaphore_mem>>)
      %dma_wait3A = arith.constant 0 : i32
      %dma_wait3A_1141 = arith.constant 0 : i32
      %dma_wait3A_1142 = tpu.memref_slice %arg8[%dma_wait3A, %dma_wait3A_1141] : memref<1x128xi32, #tpu.memory_space<vmem>> -> memref<1x128xi32, #tpu.memory_space<vmem>>
      %dma_wait3A_1143 = tpu.memref_squeeze %dma_wait3A_1142 : memref<1x128xi32, #tpu.memory_space<vmem>> -> memref<128xi32, #tpu.memory_space<vmem>>
      %dma_wait3A_1144 = arith.constant 0 : i32
      %dma_wait3A_1145 = arith.constant 0 : i32
      %dma_wait3A_1146 = tpu.memref_slice %arg2[%dma_wait3A_1144, %dma_wait3A_1145] : memref<10000x128xf32, #tpu.memory_space<hbm>> -> memref<10000x128xf32, #tpu.memory_space<hbm>>
      tpu.wait_indirect_dma semaphore(%arg16 : memref<!tpu.dma_semaphore, #tpu.memory_space<semaphore_mem>>) src(%dma_wait3A_1146 : memref<10000x128xf32, #tpu.memory_space<hbm>>) dst(%arg10 : memref<128x128xf32, #tpu.memory_space<vmem>>)
      %run_scoped3A = arith.constant 0 : i32
      "tpu.region"() ({
        %run_scoped3A_1148 = tpu.sem_alloc : memref<!tpu.dma_semaphore, #tpu.memory_space<semaphore_mem>>
        %dma_start3A_1149 = arith.constant 0 : i32
        %dma_start3A_1150 = tpu.memref_slice %arg9[%run_scoped3A, %dma_start3A_1149] : memref<1x128xi32, #tpu.memory_space<vmem>> -> memref<1x128xi32, #tpu.memory_space<vmem>>
        %dma_start3A_1151 = tpu.memref_squeeze %dma_start3A_1150 : memref<1x128xi32, #tpu.memory_space<vmem>> -> memref<128xi32, #tpu.memory_space<vmem>>
        %dma_start3A_1152 = arith.constant 0 : i32
        %dma_start3A_1153 = arith.constant 0 : i32
        %dma_start3A_1154 = tpu.memref_slice %arg14[%dma_start3A_1152, %dma_start3A_1153] : memref<1280x128xf32, #tpu.memory_space<vmem_shared>> -> memref<1280x128xf32, #tpu.memory_space<vmem_shared>>
        tpu.enqueue_indirect_dma source(%arg10 : memref<128x128xf32, #tpu.memory_space<vmem>>) target(%dma_start3A_1154 : memref<1280x128xf32, #tpu.memory_space<vmem_shared>>) offsets(%dma_start3A_1151 : memref<128xi32, #tpu.memory_space<vmem>>) semaphore(%run_scoped3A_1148 : memref<!tpu.dma_semaphore, #tpu.memory_space<semaphore_mem>>) {add = true}
        %dma_wait3A_1155 = arith.constant 0 : i32
        %dma_wait3A_1156 = tpu.memref_slice %arg9[%run_scoped3A, %dma_wait3A_1155] : memref<1x128xi32, #tpu.memory_space<vmem>> -> memref<1x128xi32, #tpu.memory_space<vmem>>
        %dma_wait3A_1157 = tpu.memref_squeeze %dma_wait3A_1156 : memref<1x128xi32, #tpu.memory_space<vmem>> -> memref<128xi32, #tpu.memory_space<vmem>>
        %dma_wait3A_1158 = arith.constant 0 : i32
        %dma_wait3A_1159 = arith.constant 0 : i32
        %dma_wait3A_1160 = tpu.memref_slice %arg14[%dma_wait3A_1158, %dma_wait3A_1159] : memref<1280x128xf32, #tpu.memory_space<vmem_shared>> -> memref<1280x128xf32, #tpu.memory_space<vmem_shared>>
        tpu.wait_indirect_dma semaphore(%run_scoped3A_1148 : memref<!tpu.dma_semaphore, #tpu.memory_space<semaphore_mem>>) src(%arg10 : memref<128x128xf32, #tpu.memory_space<vmem>>) dst(%dma_wait3A_1160 : memref<1280x128xf32, #tpu.memory_space<vmem_shared>>)
        tpu.yield
      }) : () -> ()
      %run_scoped3A_1147 = arith.constant 0 : i32
      "tpu.region"() ({
        %run_scoped3A_1148 = tpu.sem_alloc : memref<!tpu.dma_semaphore, #tpu.memory_space<semaphore_mem>>
        %dma_start3A_1149 = arith.constant 0 : i32
        %dma_start3A_1150 = tpu.memref_slice %arg9[%run_scoped3A_1147, %dma_start3A_1149] : memref<1x128xi32, #tpu.memory_space<vmem>> -> memref<1x128xi32, #tpu.memory_space<vmem>>
        %dma_start3A_1151 = tpu.memref_squeeze %dma_start3A_1150 : memref<1x128xi32, #tpu.memory_space<vmem>> -> memref<128xi32, #tpu.memory_space<vmem>>
        %dma_start3A_1152 = arith.constant 0 : i32
        %dma_start3A_1153 = tpu.memref_slice %arg15[%dma_start3A_1152] : memref<2048xf32, #tpu.memory_space<vmem_shared>> -> memref<2048xf32, #tpu.memory_space<vmem_shared>>
        tpu.enqueue_indirect_dma source(%arg11 : memref<128xf32, #tpu.memory_space<vmem>>) target(%dma_start3A_1153 : memref<2048xf32, #tpu.memory_space<vmem_shared>>) offsets(%dma_start3A_1151 : memref<128xi32, #tpu.memory_space<vmem>>) semaphore(%run_scoped3A_1148 : memref<!tpu.dma_semaphore, #tpu.memory_space<semaphore_mem>>) {add = true}
        %dma_wait3A_1154 = arith.constant 0 : i32
        %dma_wait3A_1155 = tpu.memref_slice %arg9[%run_scoped3A_1147, %dma_wait3A_1154] : memref<1x128xi32, #tpu.memory_space<vmem>> -> memref<1x128xi32, #tpu.memory_space<vmem>>
        %dma_wait3A_1156 = tpu.memref_squeeze %dma_wait3A_1155 : memref<1x128xi32, #tpu.memory_space<vmem>> -> memref<128xi32, #tpu.memory_space<vmem>>
        %dma_wait3A_1157 = arith.constant 0 : i32
        %dma_wait3A_1158 = tpu.memref_slice %arg15[%dma_wait3A_1157] : memref<2048xf32, #tpu.memory_space<vmem_shared>> -> memref<2048xf32, #tpu.memory_space<vmem_shared>>
        tpu.wait_indirect_dma semaphore(%run_scoped3A_1148 : memref<!tpu.dma_semaphore, #tpu.memory_space<semaphore_mem>>) src(%arg11 : memref<128xf32, #tpu.memory_space<vmem>>) dst(%dma_wait3A_1158 : memref<2048xf32, #tpu.memory_space<vmem_shared>>)
        tpu.yield
      }) : () -> ()
    }
    %while3A_926 = arith.constant 1 : i32
    scf.for %while3A_936 = %while3A_924 to %while3A_920 step %while3A_926  : i32 {
      %mul3A_937 = arith.constant 128 : i32
      %mul3A_938 = arith.muli %while3A_936, %mul3A_937 : i32
      %add3A_939 = arith.constant 0 : i32
      %add3A_940 = arith.addi %mul3A_938, %add3A_939 : i32
      %get3A = arith.index_cast %add3A_940 : i32 to index
      %get3A_941 = tpu.vector_load %arg7[%get3A] {strides = array<i32>} : memref<5248xi32, #tpu.memory_space<vmem>>, vector<16xi32>,
      %get3A_942 = vector.shape_cast %get3A_941 : vector<16xi32> to vector<16xi32>
      %and3A = arith.constant 8191 : i32
      %and3A_943 = vector.broadcast %and3A : i32 to vector<16xi32>
      %and3A_944 = arith.andi %get3A_942, %and3A_943 : vector<16xi32>
      %swap3A_945 = arith.constant 0 : i32
      %swap3A_946 = arith.index_cast %swap3A_945 : i32 to index
      %swap3A_947 = arith.constant 0 : index
      %swap3A_948 = tpu.vector_load %arg8[%swap3A_946, %swap3A_947] {strides = array<i32>} : memref<1x128xi32, #tpu.memory_space<vmem>>, vector<1x16xi32>,
      %swap3A_949 = vector.shape_cast %swap3A_948 : vector<1x16xi32> to vector<16xi32>
      %swap3A_950 = vector.shape_cast %and3A_944 : vector<16xi32> to vector<1x16xi32>
      tpu.vector_store %arg8[%swap3A_946, %swap3A_947], %swap3A_950 {strides = array<i32>} : memref<1x128xi32, #tpu.memory_space<vmem>>, vector<1x16xi32>,
      %shift_right_logical3A_951 = arith.constant 13 : i32
      %shift_right_logical3A_952 = vector.broadcast %shift_right_logical3A_951 : i32 to vector<16xi32>
      %shift_right_logical3A_953 = arith.shrui %get3A_942, %shift_right_logical3A_952 : vector<16xi32>
      %swap3A_954 = arith.constant 0 : i32
      %swap3A_955 = arith.index_cast %swap3A_954 : i32 to index
      %swap3A_956 = arith.constant 0 : index
      %swap3A_957 = tpu.vector_load %arg9[%swap3A_955, %swap3A_956] {strides = array<i32>} : memref<1x128xi32, #tpu.memory_space<vmem>>, vector<1x16xi32>,
      %swap3A_958 = vector.shape_cast %swap3A_957 : vector<1x16xi32> to vector<16xi32>
      %swap3A_959 = vector.shape_cast %shift_right_logical3A_953 : vector<16xi32> to vector<1x16xi32>
      tpu.vector_store %arg9[%swap3A_955, %swap3A_956], %swap3A_959 {strides = array<i32>} : memref<1x128xi32, #tpu.memory_space<vmem>>, vector<1x16xi32>,
      %mul3A_960 = arith.constant 128 : i32
      %mul3A_961 = arith.muli %while3A_936, %mul3A_960 : i32
      %add3A_962 = arith.constant 16 : i32
      %add3A_963 = arith.addi %mul3A_961, %add3A_962 : i32
      %get3A_964 = arith.index_cast %add3A_963 : i32 to index
      %get3A_965 = tpu.vector_load %arg7[%get3A_964] {strides = array<i32>} : memref<5248xi32, #tpu.memory_space<vmem>>, vector<16xi32>,
      %get3A_966 = vector.shape_cast %get3A_965 : vector<16xi32> to vector<16xi32>
      %and3A_967 = arith.constant 8191 : i32
      %and3A_968 = vector.broadcast %and3A_967 : i32 to vector<16xi32>
      %and3A_969 = arith.andi %get3A_966, %and3A_968 : vector<16xi32>
      %swap3A_970 = arith.constant 0 : i32
      %swap3A_971 = arith.index_cast %swap3A_970 : i32 to index
      %swap3A_972 = arith.constant 16 : index
      %swap3A_973 = tpu.vector_load %arg8[%swap3A_971, %swap3A_972] {strides = array<i32>} : memref<1x128xi32, #tpu.memory_space<vmem>>, vector<1x16xi32>,
      %swap3A_974 = vector.shape_cast %swap3A_973 : vector<1x16xi32> to vector<16xi32>
      %swap3A_975 = vector.shape_cast %and3A_969 : vector<16xi32> to vector<1x16xi32>
      tpu.vector_store %arg8[%swap3A_971, %swap3A_972], %swap3A_975 {strides = array<i32>} : memref<1x128xi32, #tpu.memory_space<vmem>>, vector<1x16xi32>,
      %shift_right_logical3A_976 = arith.constant 13 : i32
      %shift_right_logical3A_977 = vector.broadcast %shift_right_logical3A_976 : i32 to vector<16xi32>
      %shift_right_logical3A_978 = arith.shrui %get3A_966, %shift_right_logical3A_977 : vector<16xi32>
      %swap3A_979 = arith.constant 0 : i32
      %swap3A_980 = arith.index_cast %swap3A_979 : i32 to index
      %swap3A_981 = arith.constant 16 : index
      %swap3A_982 = tpu.vector_load %arg9[%swap3A_980, %swap3A_981] {strides = array<i32>} : memref<1x128xi32, #tpu.memory_space<vmem>>, vector<1x16xi32>,
      %swap3A_983 = vector.shape_cast %swap3A_982 : vector<1x16xi32> to vector<16xi32>
      %swap3A_984 = vector.shape_cast %shift_right_logical3A_978 : vector<16xi32> to vector<1x16xi32>
      tpu.vector_store %arg9[%swap3A_980, %swap3A_981], %swap3A_984 {strides = array<i32>} : memref<1x128xi32, #tpu.memory_space<vmem>>, vector<1x16xi32>,
      %mul3A_985 = arith.constant 128 : i32
      %mul3A_986 = arith.muli %while3A_936, %mul3A_985 : i32
      %add3A_987 = arith.constant 32 : i32
      %add3A_988 = arith.addi %mul3A_986, %add3A_987 : i32
      %get3A_989 = arith.index_cast %add3A_988 : i32 to index
      %get3A_990 = tpu.vector_load %arg7[%get3A_989] {strides = array<i32>} : memref<5248xi32, #tpu.memory_space<vmem>>, vector<16xi32>,
      %get3A_991 = vector.shape_cast %get3A_990 : vector<16xi32> to vector<16xi32>
      %and3A_992 = arith.constant 8191 : i32
      %and3A_993 = vector.broadcast %and3A_992 : i32 to vector<16xi32>
      %and3A_994 = arith.andi %get3A_991, %and3A_993 : vector<16xi32>
      %swap3A_995 = arith.constant 0 : i32
      %swap3A_996 = arith.index_cast %swap3A_995 : i32 to index
      %swap3A_997 = arith.constant 32 : index
      %swap3A_998 = tpu.vector_load %arg8[%swap3A_996, %swap3A_997] {strides = array<i32>} : memref<1x128xi32, #tpu.memory_space<vmem>>, vector<1x16xi32>,
      %swap3A_999 = vector.shape_cast %swap3A_998 : vector<1x16xi32> to vector<16xi32>
      %swap3A_1000 = vector.shape_cast %and3A_994 : vector<16xi32> to vector<1x16xi32>
      tpu.vector_store %arg8[%swap3A_996, %swap3A_997], %swap3A_1000 {strides = array<i32>} : memref<1x128xi32, #tpu.memory_space<vmem>>, vector<1x16xi32>,
      %shift_right_logical3A_1001 = arith.constant 13 : i32
      %shift_right_logical3A_1002 = vector.broadcast %shift_right_logical3A_1001 : i32 to vector<16xi32>
      %shift_right_logical3A_1003 = arith.shrui %get3A_991, %shift_right_logical3A_1002 : vector<16xi32>
      %swap3A_1004 = arith.constant 0 : i32
      %swap3A_1005 = arith.index_cast %swap3A_1004 : i32 to index
      %swap3A_1006 = arith.constant 32 : index
      %swap3A_1007 = tpu.vector_load %arg9[%swap3A_1005, %swap3A_1006] {strides = array<i32>} : memref<1x128xi32, #tpu.memory_space<vmem>>, vector<1x16xi32>,
      %swap3A_1008 = vector.shape_cast %swap3A_1007 : vector<1x16xi32> to vector<16xi32>
      %swap3A_1009 = vector.shape_cast %shift_right_logical3A_1003 : vector<16xi32> to vector<1x16xi32>
      tpu.vector_store %arg9[%swap3A_1005, %swap3A_1006], %swap3A_1009 {strides = array<i32>} : memref<1x128xi32, #tpu.memory_space<vmem>>, vector<1x16xi32>,
      %mul3A_1010 = arith.constant 128 : i32
      %mul3A_1011 = arith.muli %while3A_936, %mul3A_1010 : i32
      %add3A_1012 = arith.constant 48 : i32
      %add3A_1013 = arith.addi %mul3A_1011, %add3A_1012 : i32
      %get3A_1014 = arith.index_cast %add3A_1013 : i32 to index
      %get3A_1015 = tpu.vector_load %arg7[%get3A_1014] {strides = array<i32>} : memref<5248xi32, #tpu.memory_space<vmem>>, vector<16xi32>,
      %get3A_1016 = vector.shape_cast %get3A_1015 : vector<16xi32> to vector<16xi32>
      %and3A_1017 = arith.constant 8191 : i32
      %and3A_1018 = vector.broadcast %and3A_1017 : i32 to vector<16xi32>
      %and3A_1019 = arith.andi %get3A_1016, %and3A_1018 : vector<16xi32>
      %swap3A_1020 = arith.constant 0 : i32
      %swap3A_1021 = arith.index_cast %swap3A_1020 : i32 to index
      %swap3A_1022 = arith.constant 48 : index
      %swap3A_1023 = tpu.vector_load %arg8[%swap3A_1021, %swap3A_1022] {strides = array<i32>} : memref<1x128xi32, #tpu.memory_space<vmem>>, vector<1x16xi32>,
      %swap3A_1024 = vector.shape_cast %swap3A_1023 : vector<1x16xi32> to vector<16xi32>
      %swap3A_1025 = vector.shape_cast %and3A_1019 : vector<16xi32> to vector<1x16xi32>
      tpu.vector_store %arg8[%swap3A_1021, %swap3A_1022], %swap3A_1025 {strides = array<i32>} : memref<1x128xi32, #tpu.memory_space<vmem>>, vector<1x16xi32>,
      %shift_right_logical3A_1026 = arith.constant 13 : i32
      %shift_right_logical3A_1027 = vector.broadcast %shift_right_logical3A_1026 : i32 to vector<16xi32>
      %shift_right_logical3A_1028 = arith.shrui %get3A_1016, %shift_right_logical3A_1027 : vector<16xi32>
      %swap3A_1029 = arith.constant 0 : i32
      %swap3A_1030 = arith.index_cast %swap3A_1029 : i32 to index
      %swap3A_1031 = arith.constant 48 : index
      %swap3A_1032 = tpu.vector_load %arg9[%swap3A_1030, %swap3A_1031] {strides = array<i32>} : memref<1x128xi32, #tpu.memory_space<vmem>>, vector<1x16xi32>,
      %swap3A_1033 = vector.shape_cast %swap3A_1032 : vector<1x16xi32> to vector<16xi32>
      %swap3A_1034 = vector.shape_cast %shift_right_logical3A_1028 : vector<16xi32> to vector<1x16xi32>
      tpu.vector_store %arg9[%swap3A_1030, %swap3A_1031], %swap3A_1034 {strides = array<i32>} : memref<1x128xi32, #tpu.memory_space<vmem>>, vector<1x16xi32>,
      %mul3A_1035 = arith.constant 128 : i32
      %mul3A_1036 = arith.muli %while3A_936, %mul3A_1035 : i32
      %add3A_1037 = arith.constant 64 : i32
      %add3A_1038 = arith.addi %mul3A_1036, %add3A_1037 : i32
      %get3A_1039 = arith.index_cast %add3A_1038 : i32 to index
      %get3A_1040 = tpu.vector_load %arg7[%get3A_1039] {strides = array<i32>} : memref<5248xi32, #tpu.memory_space<vmem>>, vector<16xi32>,
      %get3A_1041 = vector.shape_cast %get3A_1040 : vector<16xi32> to vector<16xi32>
      %and3A_1042 = arith.constant 8191 : i32
      %and3A_1043 = vector.broadcast %and3A_1042 : i32 to vector<16xi32>
      %and3A_1044 = arith.andi %get3A_1041, %and3A_1043 : vector<16xi32>
      %swap3A_1045 = arith.constant 0 : i32
      %swap3A_1046 = arith.index_cast %swap3A_1045 : i32 to index
      %swap3A_1047 = arith.constant 64 : index
      %swap3A_1048 = tpu.vector_load %arg8[%swap3A_1046, %swap3A_1047] {strides = array<i32>} : memref<1x128xi32, #tpu.memory_space<vmem>>, vector<1x16xi32>,
      %swap3A_1049 = vector.shape_cast %swap3A_1048 : vector<1x16xi32> to vector<16xi32>
      %swap3A_1050 = vector.shape_cast %and3A_1044 : vector<16xi32> to vector<1x16xi32>
      tpu.vector_store %arg8[%swap3A_1046, %swap3A_1047], %swap3A_1050 {strides = array<i32>} : memref<1x128xi32, #tpu.memory_space<vmem>>, vector<1x16xi32>,
      %shift_right_logical3A_1051 = arith.constant 13 : i32
      %shift_right_logical3A_1052 = vector.broadcast %shift_right_logical3A_1051 : i32 to vector<16xi32>
      %shift_right_logical3A_1053 = arith.shrui %get3A_1041, %shift_right_logical3A_1052 : vector<16xi32>
      %swap3A_1054 = arith.constant 0 : i32
      %swap3A_1055 = arith.index_cast %swap3A_1054 : i32 to index
      %swap3A_1056 = arith.constant 64 : index
      %swap3A_1057 = tpu.vector_load %arg9[%swap3A_1055, %swap3A_1056] {strides = array<i32>} : memref<1x128xi32, #tpu.memory_space<vmem>>, vector<1x16xi32>,
      %swap3A_1058 = vector.shape_cast %swap3A_1057 : vector<1x16xi32> to vector<16xi32>
      %swap3A_1059 = vector.shape_cast %shift_right_logical3A_1053 : vector<16xi32> to vector<1x16xi32>
      tpu.vector_store %arg9[%swap3A_1055, %swap3A_1056], %swap3A_1059 {strides = array<i32>} : memref<1x128xi32, #tpu.memory_space<vmem>>, vector<1x16xi32>,
      %mul3A_1060 = arith.constant 128 : i32
      %mul3A_1061 = arith.muli %while3A_936, %mul3A_1060 : i32
      %add3A_1062 = arith.constant 80 : i32
      %add3A_1063 = arith.addi %mul3A_1061, %add3A_1062 : i32
      %get3A_1064 = arith.index_cast %add3A_1063 : i32 to index
      %get3A_1065 = tpu.vector_load %arg7[%get3A_1064] {strides = array<i32>} : memref<5248xi32, #tpu.memory_space<vmem>>, vector<16xi32>,
      %get3A_1066 = vector.shape_cast %get3A_1065 : vector<16xi32> to vector<16xi32>
      %and3A_1067 = arith.constant 8191 : i32
      %and3A_1068 = vector.broadcast %and3A_1067 : i32 to vector<16xi32>
      %and3A_1069 = arith.andi %get3A_1066, %and3A_1068 : vector<16xi32>
      %swap3A_1070 = arith.constant 0 : i32
      %swap3A_1071 = arith.index_cast %swap3A_1070 : i32 to index
      %swap3A_1072 = arith.constant 80 : index
      %swap3A_1073 = tpu.vector_load %arg8[%swap3A_1071, %swap3A_1072] {strides = array<i32>} : memref<1x128xi32, #tpu.memory_space<vmem>>, vector<1x16xi32>,
      %swap3A_1074 = vector.shape_cast %swap3A_1073 : vector<1x16xi32> to vector<16xi32>
      %swap3A_1075 = vector.shape_cast %and3A_1069 : vector<16xi32> to vector<1x16xi32>
      tpu.vector_store %arg8[%swap3A_1071, %swap3A_1072], %swap3A_1075 {strides = array<i32>} : memref<1x128xi32, #tpu.memory_space<vmem>>, vector<1x16xi32>,
      %shift_right_logical3A_1076 = arith.constant 13 : i32
      %shift_right_logical3A_1077 = vector.broadcast %shift_right_logical3A_1076 : i32 to vector<16xi32>
      %shift_right_logical3A_1078 = arith.shrui %get3A_1066, %shift_right_logical3A_1077 : vector<16xi32>
      %swap3A_1079 = arith.constant 0 : i32
      %swap3A_1080 = arith.index_cast %swap3A_1079 : i32 to index
      %swap3A_1081 = arith.constant 80 : index
      %swap3A_1082 = tpu.vector_load %arg9[%swap3A_1080, %swap3A_1081] {strides = array<i32>} : memref<1x128xi32, #tpu.memory_space<vmem>>, vector<1x16xi32>,
      %swap3A_1083 = vector.shape_cast %swap3A_1082 : vector<1x16xi32> to vector<16xi32>
      %swap3A_1084 = vector.shape_cast %shift_right_logical3A_1078 : vector<16xi32> to vector<1x16xi32>
      tpu.vector_store %arg9[%swap3A_1080, %swap3A_1081], %swap3A_1084 {strides = array<i32>} : memref<1x128xi32, #tpu.memory_space<vmem>>, vector<1x16xi32>,
      %mul3A_1085 = arith.constant 128 : i32
      %mul3A_1086 = arith.muli %while3A_936, %mul3A_1085 : i32
      %add3A_1087 = arith.constant 96 : i32
      %add3A_1088 = arith.addi %mul3A_1086, %add3A_1087 : i32
      %get3A_1089 = arith.index_cast %add3A_1088 : i32 to index
      %get3A_1090 = tpu.vector_load %arg7[%get3A_1089] {strides = array<i32>} : memref<5248xi32, #tpu.memory_space<vmem>>, vector<16xi32>,
      %get3A_1091 = vector.shape_cast %get3A_1090 : vector<16xi32> to vector<16xi32>
      %and3A_1092 = arith.constant 8191 : i32
      %and3A_1093 = vector.broadcast %and3A_1092 : i32 to vector<16xi32>
      %and3A_1094 = arith.andi %get3A_1091, %and3A_1093 : vector<16xi32>
      %swap3A_1095 = arith.constant 0 : i32
      %swap3A_1096 = arith.index_cast %swap3A_1095 : i32 to index
      %swap3A_1097 = arith.constant 96 : index
      %swap3A_1098 = tpu.vector_load %arg8[%swap3A_1096, %swap3A_1097] {strides = array<i32>} : memref<1x128xi32, #tpu.memory_space<vmem>>, vector<1x16xi32>,
      %swap3A_1099 = vector.shape_cast %swap3A_1098 : vector<1x16xi32> to vector<16xi32>
      %swap3A_1100 = vector.shape_cast %and3A_1094 : vector<16xi32> to vector<1x16xi32>
      tpu.vector_store %arg8[%swap3A_1096, %swap3A_1097], %swap3A_1100 {strides = array<i32>} : memref<1x128xi32, #tpu.memory_space<vmem>>, vector<1x16xi32>,
      %shift_right_logical3A_1101 = arith.constant 13 : i32
      %shift_right_logical3A_1102 = vector.broadcast %shift_right_logical3A_1101 : i32 to vector<16xi32>
      %shift_right_logical3A_1103 = arith.shrui %get3A_1091, %shift_right_logical3A_1102 : vector<16xi32>
      %swap3A_1104 = arith.constant 0 : i32
      %swap3A_1105 = arith.index_cast %swap3A_1104 : i32 to index
      %swap3A_1106 = arith.constant 96 : index
      %swap3A_1107 = tpu.vector_load %arg9[%swap3A_1105, %swap3A_1106] {strides = array<i32>} : memref<1x128xi32, #tpu.memory_space<vmem>>, vector<1x16xi32>,
      %swap3A_1108 = vector.shape_cast %swap3A_1107 : vector<1x16xi32> to vector<16xi32>
      %swap3A_1109 = vector.shape_cast %shift_right_logical3A_1103 : vector<16xi32> to vector<1x16xi32>
      tpu.vector_store %arg9[%swap3A_1105, %swap3A_1106], %swap3A_1109 {strides = array<i32>} : memref<1x128xi32, #tpu.memory_space<vmem>>, vector<1x16xi32>,
      %mul3A_1110 = arith.constant 128 : i32
      %mul3A_1111 = arith.muli %while3A_936, %mul3A_1110 : i32
      %add3A_1112 = arith.constant 112 : i32
      %add3A_1113 = arith.addi %mul3A_1111, %add3A_1112 : i32
      %get3A_1114 = arith.index_cast %add3A_1113 : i32 to index
      %get3A_1115 = tpu.vector_load %arg7[%get3A_1114] {strides = array<i32>} : memref<5248xi32, #tpu.memory_space<vmem>>, vector<16xi32>,
      %get3A_1116 = vector.shape_cast %get3A_1115 : vector<16xi32> to vector<16xi32>
      %and3A_1117 = arith.constant 8191 : i32
      %and3A_1118 = vector.broadcast %and3A_1117 : i32 to vector<16xi32>
      %and3A_1119 = arith.andi %get3A_1116, %and3A_1118 : vector<16xi32>
      %swap3A_1120 = arith.constant 0 : i32
      %swap3A_1121 = arith.index_cast %swap3A_1120 : i32 to index
      %swap3A_1122 = arith.constant 112 : index
      %swap3A_1123 = tpu.vector_load %arg8[%swap3A_1121, %swap3A_1122] {strides = array<i32>} : memref<1x128xi32, #tpu.memory_space<vmem>>, vector<1x16xi32>,
      %swap3A_1124 = vector.shape_cast %swap3A_1123 : vector<1x16xi32> to vector<16xi32>
      %swap3A_1125 = vector.shape_cast %and3A_1119 : vector<16xi32> to vector<1x16xi32>
      tpu.vector_store %arg8[%swap3A_1121, %swap3A_1122], %swap3A_1125 {strides = array<i32>} : memref<1x128xi32, #tpu.memory_space<vmem>>, vector<1x16xi32>,
      %shift_right_logical3A_1126 = arith.constant 13 : i32
      %shift_right_logical3A_1127 = vector.broadcast %shift_right_logical3A_1126 : i32 to vector<16xi32>
      %shift_right_logical3A_1128 = arith.shrui %get3A_1116, %shift_right_logical3A_1127 : vector<16xi32>
      %swap3A_1129 = arith.constant 0 : i32
      %swap3A_1130 = arith.index_cast %swap3A_1129 : i32 to index
      %swap3A_1131 = arith.constant 112 : index
      %swap3A_1132 = tpu.vector_load %arg9[%swap3A_1130, %swap3A_1131] {strides = array<i32>} : memref<1x128xi32, #tpu.memory_space<vmem>>, vector<1x16xi32>,
      %swap3A_1133 = vector.shape_cast %swap3A_1132 : vector<1x16xi32> to vector<16xi32>
      %swap3A_1134 = vector.shape_cast %shift_right_logical3A_1128 : vector<16xi32> to vector<1x16xi32>
      tpu.vector_store %arg9[%swap3A_1130, %swap3A_1131], %swap3A_1134 {strides = array<i32>} : memref<1x128xi32, #tpu.memory_space<vmem>>, vector<1x16xi32>,
      %dma_start3A = arith.constant 0 : i32
      %dma_start3A_1135 = arith.constant 0 : i32
      %dma_start3A_1136 = tpu.memref_slice %arg8[%dma_start3A, %dma_start3A_1135] : memref<1x128xi32, #tpu.memory_space<vmem>> -> memref<1x128xi32, #tpu.memory_space<vmem>>
      %dma_start3A_1137 = tpu.memref_squeeze %dma_start3A_1136 : memref<1x128xi32, #tpu.memory_space<vmem>> -> memref<128xi32, #tpu.memory_space<vmem>>
      %dma_start3A_1138 = arith.constant 0 : i32
      %dma_start3A_1139 = arith.constant 0 : i32
      %dma_start3A_1140 = tpu.memref_slice %arg2[%dma_start3A_1138, %dma_start3A_1139] : memref<10000x128xf32, #tpu.memory_space<hbm>> -> memref<10000x128xf32, #tpu.memory_space<hbm>>
      tpu.enqueue_indirect_dma source(%dma_start3A_1140 : memref<10000x128xf32, #tpu.memory_space<hbm>>) target(%arg10 : memref<128x128xf32, #tpu.memory_space<vmem>>) offsets(%dma_start3A_1137 : memref<128xi32, #tpu.memory_space<vmem>>) semaphore(%arg16 : memref<!tpu.dma_semaphore, #tpu.memory_space<semaphore_mem>>)
      %dma_wait3A = arith.constant 0 : i32
      %dma_wait3A_1141 = arith.constant 0 : i32
      %dma_wait3A_1142 = tpu.memref_slice %arg8[%dma_wait3A, %dma_wait3A_1141] : memref<1x128xi32, #tpu.memory_space<vmem>> -> memref<1x128xi32, #tpu.memory_space<vmem>>
      %dma_wait3A_1143 = tpu.memref_squeeze %dma_wait3A_1142 : memref<1x128xi32, #tpu.memory_space<vmem>> -> memref<128xi32, #tpu.memory_space<vmem>>
      %dma_wait3A_1144 = arith.constant 0 : i32
      %dma_wait3A_1145 = arith.constant 0 : i32
      %dma_wait3A_1146 = tpu.memref_slice %arg2[%dma_wait3A_1144, %dma_wait3A_1145] : memref<10000x128xf32, #tpu.memory_space<hbm>> -> memref<10000x128xf32, #tpu.memory_space<hbm>>
      tpu.wait_indirect_dma semaphore(%arg16 : memref<!tpu.dma_semaphore, #tpu.memory_space<semaphore_mem>>) src(%dma_wait3A_1146 : memref<10000x128xf32, #tpu.memory_space<hbm>>) dst(%arg10 : memref<128x128xf32, #tpu.memory_space<vmem>>)
      %run_scoped3A = arith.constant 0 : i32
      "tpu.region"() ({
        %run_scoped3A_1148 = tpu.sem_alloc : memref<!tpu.dma_semaphore, #tpu.memory_space<semaphore_mem>>
        %dma_start3A_1149 = arith.constant 0 : i32
        %dma_start3A_1150 = tpu.memref_slice %arg9[%run_scoped3A, %dma_start3A_1149] : memref<1x128xi32, #tpu.memory_space<vmem>> -> memref<1x128xi32, #tpu.memory_space<vmem>>
        %dma_start3A_1151 = tpu.memref_squeeze %dma_start3A_1150 : memref<1x128xi32, #tpu.memory_space<vmem>> -> memref<128xi32, #tpu.memory_space<vmem>>
        %dma_start3A_1152 = arith.constant 0 : i32
        %dma_start3A_1153 = arith.constant 0 : i32
        %dma_start3A_1154 = tpu.memref_slice %arg14[%dma_start3A_1152, %dma_start3A_1153] : memref<1280x128xf32, #tpu.memory_space<vmem_shared>> -> memref<1280x128xf32, #tpu.memory_space<vmem_shared>>
        tpu.enqueue_indirect_dma source(%arg10 : memref<128x128xf32, #tpu.memory_space<vmem>>) target(%dma_start3A_1154 : memref<1280x128xf32, #tpu.memory_space<vmem_shared>>) offsets(%dma_start3A_1151 : memref<128xi32, #tpu.memory_space<vmem>>) semaphore(%run_scoped3A_1148 : memref<!tpu.dma_semaphore, #tpu.memory_space<semaphore_mem>>) {add = true}
        %dma_wait3A_1155 = arith.constant 0 : i32
        %dma_wait3A_1156 = tpu.memref_slice %arg9[%run_scoped3A, %dma_wait3A_1155] : memref<1x128xi32, #tpu.memory_space<vmem>> -> memref<1x128xi32, #tpu.memory_space<vmem>>
        %dma_wait3A_1157 = tpu.memref_squeeze %dma_wait3A_1156 : memref<1x128xi32, #tpu.memory_space<vmem>> -> memref<128xi32, #tpu.memory_space<vmem>>
        %dma_wait3A_1158 = arith.constant 0 : i32
        %dma_wait3A_1159 = arith.constant 0 : i32
        %dma_wait3A_1160 = tpu.memref_slice %arg14[%dma_wait3A_1158, %dma_wait3A_1159] : memref<1280x128xf32, #tpu.memory_space<vmem_shared>> -> memref<1280x128xf32, #tpu.memory_space<vmem_shared>>
        tpu.wait_indirect_dma semaphore(%run_scoped3A_1148 : memref<!tpu.dma_semaphore, #tpu.memory_space<semaphore_mem>>) src(%arg10 : memref<128x128xf32, #tpu.memory_space<vmem>>) dst(%dma_wait3A_1160 : memref<1280x128xf32, #tpu.memory_space<vmem_shared>>)
        tpu.yield
      }) : () -> ()
      %run_scoped3A_1147 = arith.constant 0 : i32
      "tpu.region"() ({
        %run_scoped3A_1148 = tpu.sem_alloc : memref<!tpu.dma_semaphore, #tpu.memory_space<semaphore_mem>>
        %dma_start3A_1149 = arith.constant 0 : i32
        %dma_start3A_1150 = tpu.memref_slice %arg9[%run_scoped3A_1147, %dma_start3A_1149] : memref<1x128xi32, #tpu.memory_space<vmem>> -> memref<1x128xi32, #tpu.memory_space<vmem>>
        %dma_start3A_1151 = tpu.memref_squeeze %dma_start3A_1150 : memref<1x128xi32, #tpu.memory_space<vmem>> -> memref<128xi32, #tpu.memory_space<vmem>>
        %dma_start3A_1152 = arith.constant 0 : i32
        %dma_start3A_1153 = tpu.memref_slice %arg15[%dma_start3A_1152] : memref<2048xf32, #tpu.memory_space<vmem_shared>> -> memref<2048xf32, #tpu.memory_space<vmem_shared>>
        tpu.enqueue_indirect_dma source(%arg11 : memref<128xf32, #tpu.memory_space<vmem>>) target(%dma_start3A_1153 : memref<2048xf32, #tpu.memory_space<vmem_shared>>) offsets(%dma_start3A_1151 : memref<128xi32, #tpu.memory_space<vmem>>) semaphore(%run_scoped3A_1148 : memref<!tpu.dma_semaphore, #tpu.memory_space<semaphore_mem>>) {add = true}
        %dma_wait3A_1154 = arith.constant 0 : i32
        %dma_wait3A_1155 = tpu.memref_slice %arg9[%run_scoped3A_1147, %dma_wait3A_1154] : memref<1x128xi32, #tpu.memory_space<vmem>> -> memref<1x128xi32, #tpu.memory_space<vmem>>
        %dma_wait3A_1156 = tpu.memref_squeeze %dma_wait3A_1155 : memref<1x128xi32, #tpu.memory_space<vmem>> -> memref<128xi32, #tpu.memory_space<vmem>>
        %dma_wait3A_1157 = arith.constant 0 : i32
        %dma_wait3A_1158 = tpu.memref_slice %arg15[%dma_wait3A_1157] : memref<2048xf32, #tpu.memory_space<vmem_shared>> -> memref<2048xf32, #tpu.memory_space<vmem_shared>>
        tpu.wait_indirect_dma semaphore(%run_scoped3A_1148 : memref<!tpu.dma_semaphore, #tpu.memory_space<semaphore_mem>>) src(%arg11 : memref<128xf32, #tpu.memory_space<vmem>>) dst(%dma_wait3A_1158 : memref<2048xf32, #tpu.memory_space<vmem_shared>>)
        tpu.yield
      }) : () -> ()
    }
    %barrier3A_927 = arith.constant 0 : index
    tpu.barrier barrier_id(%barrier3A_927)
    %mul3A_928 = arith.constant 64 : i32
    %mul3A_929 = arith.muli %arg1, %mul3A_928 : i32
    "tpu.region"() ({
      %run_scoped3A = tpu.sem_alloc : memref<!tpu.dma_semaphore, #tpu.memory_space<semaphore_mem>>
      %dma_start3A = arith.constant 0 : i32
      %dma_start3A_936 = arith.constant 0 : i32
      %dma_start3A_937 = tpu.memref_slice %arg10[%dma_start3A, %dma_start3A_936] : memref<128x128xf32, #tpu.memory_space<vmem>> -> memref<64x128xf32, #tpu.memory_space<vmem>>
      %dma_start3A_938 = arith.constant 0 : i32
      %dma_start3A_939 = tpu.memref_slice %arg14[%mul3A_929, %dma_start3A_938] : memref<1280x128xf32, #tpu.memory_space<vmem_shared>> -> memref<64x128xf32, #tpu.memory_space<vmem_shared>>
      %dma_start3A_940 = arith.constant 0 : i32
      %dma_start3A_941 = arith.constant 0 : i32
      %dma_start3A_942 = tpu.memref_slice %arg10[%dma_start3A_940, %dma_start3A_941] : memref<128x128xf32, #tpu.memory_space<vmem>> -> memref<64x128xf32, #tpu.memory_space<vmem>>
      %dma_start3A_943 = arith.constant 0 : i32
      %dma_start3A_944 = tpu.memref_slice %arg14[%mul3A_929, %dma_start3A_943] : memref<1280x128xf32, #tpu.memory_space<vmem_shared>> -> memref<64x128xf32, #tpu.memory_space<vmem_shared>>
      tpu.enqueue_dma source(%dma_start3A_944 : memref<64x128xf32, #tpu.memory_space<vmem_shared>>) target(%dma_start3A_942 : memref<64x128xf32, #tpu.memory_space<vmem>>) target_semaphore(%run_scoped3A : memref<!tpu.dma_semaphore, #tpu.memory_space<semaphore_mem>>)
      %dma_wait3A = arith.constant 0 : i32
      %dma_wait3A_945 = arith.constant 0 : i32
      %dma_wait3A_946 = tpu.memref_slice %arg10[%dma_wait3A, %dma_wait3A_945] : memref<128x128xf32, #tpu.memory_space<vmem>> -> memref<64x128xf32, #tpu.memory_space<vmem>>
      %dma_wait3A_947 = arith.constant 0 : i32
      %dma_wait3A_948 = tpu.memref_slice %arg14[%mul3A_929, %dma_wait3A_947] : memref<1280x128xf32, #tpu.memory_space<vmem_shared>> -> memref<64x128xf32, #tpu.memory_space<vmem_shared>>
      %dma_wait3A_949 = arith.constant 0 : i32
      %dma_wait3A_950 = arith.constant 0 : i32
      %dma_wait3A_951 = tpu.memref_slice %arg10[%dma_wait3A_949, %dma_wait3A_950] : memref<128x128xf32, #tpu.memory_space<vmem>> -> memref<64x128xf32, #tpu.memory_space<vmem>>
      %dma_wait3A_952 = arith.constant 0 : i32
      %dma_wait3A_953 = tpu.memref_slice %arg14[%mul3A_929, %dma_wait3A_952] : memref<1280x128xf32, #tpu.memory_space<vmem_shared>> -> memref<64x128xf32, #tpu.memory_space<vmem_shared>>
      tpu.wait_dma2 semaphore(%run_scoped3A : memref<!tpu.dma_semaphore, #tpu.memory_space<semaphore_mem>>) src(%dma_wait3A_953 : memref<64x128xf32, #tpu.memory_space<vmem_shared>>) dst(%dma_wait3A_951 : memref<64x128xf32, #tpu.memory_space<vmem>>)
      tpu.yield
    }) : () -> ()
    %mul3A_930 = arith.constant 64 : i32
    %mul3A_931 = arith.muli %arg1, %mul3A_930 : i32
    "tpu.region"() ({
      %run_scoped3A = tpu.sem_alloc : memref<!tpu.dma_semaphore, #tpu.memory_space<semaphore_mem>>
      %dma_start3A = arith.constant 0 : i32
      %dma_start3A_936 = arith.constant 0 : i32
      %dma_start3A_937 = tpu.memref_slice %arg10[%dma_start3A, %dma_start3A_936] : memref<128x128xf32, #tpu.memory_space<vmem>> -> memref<64x128xf32, #tpu.memory_space<vmem>>
      %dma_start3A_938 = arith.constant 0 : i32
      %dma_start3A_939 = tpu.memref_slice %arg4[%arg0, %mul3A_931, %dma_start3A_938] : memref<2x1024x128xf32, #tpu.memory_space<hbm>> -> memref<1x64x128xf32, #tpu.memory_space<hbm>>
      %dma_start3A_940 = tpu.memref_squeeze %dma_start3A_939 : memref<1x64x128xf32, #tpu.memory_space<hbm>> -> memref<64x128xf32, #tpu.memory_space<hbm>>
      %dma_start3A_941 = arith.constant 0 : i32
      %dma_start3A_942 = tpu.memref_slice %arg4[%arg0, %mul3A_931, %dma_start3A_941] : memref<2x1024x128xf32, #tpu.memory_space<hbm>> -> memref<1x64x128xf32, #tpu.memory_space<hbm>>
      %dma_start3A_943 = tpu.memref_squeeze %dma_start3A_942 : memref<1x64x128xf32, #tpu.memory_space<hbm>> -> memref<64x128xf32, #tpu.memory_space<hbm>>
      %dma_start3A_944 = arith.constant 0 : i32
      %dma_start3A_945 = arith.constant 0 : i32
      %dma_start3A_946 = tpu.memref_slice %arg10[%dma_start3A_944, %dma_start3A_945] : memref<128x128xf32, #tpu.memory_space<vmem>> -> memref<64x128xf32, #tpu.memory_space<vmem>>
      tpu.enqueue_dma source(%dma_start3A_946 : memref<64x128xf32, #tpu.memory_space<vmem>>) target(%dma_start3A_943 : memref<64x128xf32, #tpu.memory_space<hbm>>) target_semaphore(%run_scoped3A : memref<!tpu.dma_semaphore, #tpu.memory_space<semaphore_mem>>)
      %dma_wait3A = arith.constant 0 : i32
      %dma_wait3A_947 = arith.constant 0 : i32
      %dma_wait3A_948 = tpu.memref_slice %arg10[%dma_wait3A, %dma_wait3A_947] : memref<128x128xf32, #tpu.memory_space<vmem>> -> memref<64x128xf32, #tpu.memory_space<vmem>>
      %dma_wait3A_949 = arith.constant 0 : i32
      %dma_wait3A_950 = tpu.memref_slice %arg4[%arg0, %mul3A_931, %dma_wait3A_949] : memref<2x1024x128xf32, #tpu.memory_space<hbm>> -> memref<1x64x128xf32, #tpu.memory_space<hbm>>
      %dma_wait3A_951 = tpu.memref_squeeze %dma_wait3A_950 : memref<1x64x128xf32, #tpu.memory_space<hbm>> -> memref<64x128xf32, #tpu.memory_space<hbm>>
      %dma_wait3A_952 = arith.constant 0 : i32
      %dma_wait3A_953 = tpu.memref_slice %arg4[%arg0, %mul3A_931, %dma_wait3A_952] : memref<2x1024x128xf32, #tpu.memory_space<hbm>> -> memref<1x64x128xf32, #tpu.memory_space<hbm>>
      %dma_wait3A_954 = tpu.memref_squeeze %dma_wait3A_953 : memref<1x64x128xf32, #tpu.memory_space<hbm>> -> memref<64x128xf32, #tpu.memory_space<hbm>>
      %dma_wait3A_955 = arith.constant 0 : i32
      %dma_wait3A_956 = arith.constant 0 : i32
      %dma_wait3A_957 = tpu.memref_slice %arg10[%dma_wait3A_955, %dma_wait3A_956] : memref<128x128xf32, #tpu.memory_space<vmem>> -> memref<64x128xf32, #tpu.memory_space<vmem>>
      tpu.wait_dma2 semaphore(%run_scoped3A : memref<!tpu.dma_semaphore, #tpu.memory_space<semaphore_mem>>) src(%dma_wait3A_957 : memref<64x128xf32, #tpu.memory_space<vmem>>) dst(%dma_wait3A_954 : memref<64x128xf32, #tpu.memory_space<hbm>>)
      tpu.yield
    }) : () -> ()
    %mul3A_932 = arith.constant 64 : i32
    %mul3A_933 = arith.muli %arg1, %mul3A_932 : i32
    "tpu.region"() ({
      %run_scoped3A = tpu.sem_alloc : memref<!tpu.dma_semaphore, #tpu.memory_space<semaphore_mem>>
      %dma_start3A = arith.constant 0 : i32
      %dma_start3A_936 = tpu.memref_slice %arg12[%dma_start3A] : memref<128xf32, #tpu.memory_space<vmem>> -> memref<64xf32, #tpu.memory_space<vmem>>
      %dma_start3A_937 = tpu.memref_slice %arg15[%mul3A_933] : memref<2048xf32, #tpu.memory_space<vmem_shared>> -> memref<64xf32, #tpu.memory_space<vmem_shared>>
      %dma_start3A_938 = arith.constant 0 : i32
      %dma_start3A_939 = tpu.memref_slice %arg12[%dma_start3A_938] : memref<128xf32, #tpu.memory_space<vmem>> -> memref<64xf32, #tpu.memory_space<vmem>>
      %dma_start3A_940 = tpu.memref_slice %arg15[%mul3A_933] : memref<2048xf32, #tpu.memory_space<vmem_shared>> -> memref<64xf32, #tpu.memory_space<vmem_shared>>
      tpu.enqueue_dma source(%dma_start3A_940 : memref<64xf32, #tpu.memory_space<vmem_shared>>) target(%dma_start3A_939 : memref<64xf32, #tpu.memory_space<vmem>>) target_semaphore(%run_scoped3A : memref<!tpu.dma_semaphore, #tpu.memory_space<semaphore_mem>>)
      %dma_wait3A = arith.constant 0 : i32
      %dma_wait3A_941 = tpu.memref_slice %arg12[%dma_wait3A] : memref<128xf32, #tpu.memory_space<vmem>> -> memref<64xf32, #tpu.memory_space<vmem>>
      %dma_wait3A_942 = tpu.memref_slice %arg15[%mul3A_933] : memref<2048xf32, #tpu.memory_space<vmem_shared>> -> memref<64xf32, #tpu.memory_space<vmem_shared>>
      %dma_wait3A_943 = arith.constant 0 : i32
      %dma_wait3A_944 = tpu.memref_slice %arg12[%dma_wait3A_943] : memref<128xf32, #tpu.memory_space<vmem>> -> memref<64xf32, #tpu.memory_space<vmem>>
      %dma_wait3A_945 = tpu.memref_slice %arg15[%mul3A_933] : memref<2048xf32, #tpu.memory_space<vmem_shared>> -> memref<64xf32, #tpu.memory_space<vmem_shared>>
      tpu.wait_dma2 semaphore(%run_scoped3A : memref<!tpu.dma_semaphore, #tpu.memory_space<semaphore_mem>>) src(%dma_wait3A_945 : memref<64xf32, #tpu.memory_space<vmem_shared>>) dst(%dma_wait3A_944 : memref<64xf32, #tpu.memory_space<vmem>>)
      tpu.yield
    }) : () -> ()
    %mul3A_934 = arith.constant 64 : i32
    %mul3A_935 = arith.muli %arg1, %mul3A_934 : i32
    "tpu.region"() ({
      %run_scoped3A = tpu.sem_alloc : memref<!tpu.dma_semaphore, #tpu.memory_space<semaphore_mem>>
      %dma_start3A = arith.constant 0 : i32
      %dma_start3A_936 = tpu.memref_slice %arg12[%dma_start3A] : memref<128xf32, #tpu.memory_space<vmem>> -> memref<64xf32, #tpu.memory_space<vmem>>
      %dma_start3A_937 = tpu.memref_slice %arg5[%arg0, %mul3A_935] : memref<2x1024xf32, #tpu.memory_space<hbm>> -> memref<1x64xf32, #tpu.memory_space<hbm>>
      %dma_start3A_938 = tpu.memref_squeeze %dma_start3A_937 : memref<1x64xf32, #tpu.memory_space<hbm>> -> memref<64xf32, #tpu.memory_space<hbm>>
      %dma_start3A_939 = tpu.memref_slice %arg5[%arg0, %mul3A_935] : memref<2x1024xf32, #tpu.memory_space<hbm>> -> memref<1x64xf32, #tpu.memory_space<hbm>>
      %dma_start3A_940 = tpu.memref_squeeze %dma_start3A_939 : memref<1x64xf32, #tpu.memory_space<hbm>> -> memref<64xf32, #tpu.memory_space<hbm>>
      %dma_start3A_941 = arith.constant 0 : i32
      %dma_start3A_942 = tpu.memref_slice %arg12[%dma_start3A_941] : memref<128xf32, #tpu.memory_space<vmem>> -> memref<64xf32, #tpu.memory_space<vmem>>
      tpu.enqueue_dma source(%dma_start3A_942 : memref<64xf32, #tpu.memory_space<vmem>>) target(%dma_start3A_940 : memref<64xf32, #tpu.memory_space<hbm>>) target_semaphore(%run_scoped3A : memref<!tpu.dma_semaphore, #tpu.memory_space<semaphore_mem>>)
      %dma_wait3A = arith.constant 0 : i32
      %dma_wait3A_943 = tpu.memref_slice %arg12[%dma_wait3A] : memref<128xf32, #tpu.memory_space<vmem>> -> memref<64xf32, #tpu.memory_space<vmem>>
      %dma_wait3A_944 = tpu.memref_slice %arg5[%arg0, %mul3A_935] : memref<2x1024xf32, #tpu.memory_space<hbm>> -> memref<1x64xf32, #tpu.memory_space<hbm>>
      %dma_wait3A_945 = tpu.memref_squeeze %dma_wait3A_944 : memref<1x64xf32, #tpu.memory_space<hbm>> -> memref<64xf32, #tpu.memory_space<hbm>>
      %dma_wait3A_946 = tpu.memref_slice %arg5[%arg0, %mul3A_935] : memref<2x1024xf32, #tpu.memory_space<hbm>> -> memref<1x64xf32, #tpu.memory_space<hbm>>
      %dma_wait3A_947 = tpu.memref_squeeze %dma_wait3A_946 : memref<1x64xf32, #tpu.memory_space<hbm>> -> memref<64xf32, #tpu.memory_space<hbm>>
      %dma_wait3A_948 = arith.constant 0 : i32
      %dma_wait3A_949 = tpu.memref_slice %arg12[%dma_wait3A_948] : memref<128xf32, #tpu.memory_space<vmem>> -> memref<64xf32, #tpu.memory_space<vmem>>
      tpu.wait_dma2 semaphore(%run_scoped3A : memref<!tpu.dma_semaphore, #tpu.memory_space<semaphore_mem>>) src(%dma_wait3A_949 : memref<64xf32, #tpu.memory_space<vmem>>) dst(%dma_wait3A_947 : memref<64xf32, #tpu.memory_space<hbm>>)
      tpu.yield
    }) : () -> ()
    return
  }
}

#map = affine_map<(d0, d1) -> (0, 0)>
#map1 = affine_map<(d0, d1) -> (0, 0, 0)>
module attributes {stable_mosaic.version = 14 : i64} {
  func.func @sc_agg(%arg0: i32, %arg1: i32, %arg2: memref<1024x128xf32, #tpu.memory_space<hbm>>, %arg3: memref<32x8x128xi32, #tpu.memory_space<hbm>>, %arg4: memref<32x8x128xi32, #tpu.memory_space<hbm>>, %arg5: memref<2x1024x128xf32, #tpu.memory_space<hbm>>, %arg6: memref<2x1024xf32, #tpu.memory_space<hbm>>, %arg7: memref<8x128xi32, #tpu.memory_space<vmem>>, %arg8: memref<8x128xi32, #tpu.memory_space<vmem>>, %arg9: memref<128x128xf32, #tpu.memory_space<vmem>>, %arg10: memref<128xf32, #tpu.memory_space<vmem>>, %arg11: memref<128xf32, #tpu.memory_space<vmem>>, %arg12: memref<16x128xf32, #tpu.memory_space<vmem>>, %arg13: memref<1024x128xf32, #tpu.memory_space<vmem_shared>>, %arg14: memref<2048xf32, #tpu.memory_space<vmem_shared>>, %arg15: memref<!tpu.dma_semaphore, #tpu.memory_space<semaphore_mem>>) attributes {dimension_semantics = [#tpu.dimension_semantics<core_parallel>, #tpu.dimension_semantics<subcore_parallel>], iteration_bounds = array<i64: 2, 16>, scalar_prefetch = 0 : i64, scratch_operands = 9 : i64, tpu.core_type = #tpu.core_type<sc_vector_subcore>, window_params = [{transform_indices = #map}, {transform_indices = #map1}, {transform_indices = #map1}, {transform_indices = #map1}, {transform_indices = #map}]} {
    %mul3A = arith.constant 16 : i32
    %mul3A_0 = arith.muli %arg0, %mul3A : i32
    %add3A = arith.addi %mul3A_0, %arg1 : i32
    %broadcast_in_dim3A = arith.constant 0.000000e+00 : f32
    %broadcast_in_dim3A_1 = vector.broadcast %broadcast_in_dim3A : f32 to vector<16xf32>
    %broadcast_in_dim3A_2 = arith.constant 1.000000e+00 : f32
    %broadcast_in_dim3A_3 = vector.broadcast %broadcast_in_dim3A_2 : f32 to vector<16xf32>
    %swap3A = arith.constant 0 : index
    %swap3A_4 = tpu.vector_load %arg10[%swap3A] {strides = array<i32>} : memref<128xf32, #tpu.memory_space<vmem>>, vector<16xf32>,
    %swap3A_5 = vector.shape_cast %swap3A_4 : vector<16xf32> to vector<16xf32>
    %swap3A_6 = vector.shape_cast %broadcast_in_dim3A_3 : vector<16xf32> to vector<16xf32>
    tpu.vector_store %arg10[%swap3A], %swap3A_6 {strides = array<i32>} : memref<128xf32, #tpu.memory_space<vmem>>, vector<16xf32>,
    %swap3A_7 = arith.constant 0 : index
    %swap3A_8 = tpu.vector_load %arg11[%swap3A_7] {strides = array<i32>} : memref<128xf32, #tpu.memory_space<vmem>>, vector<16xf32>,
    %swap3A_9 = vector.shape_cast %swap3A_8 : vector<16xf32> to vector<16xf32>
    %swap3A_10 = vector.shape_cast %broadcast_in_dim3A_1 : vector<16xf32> to vector<16xf32>
    tpu.vector_store %arg11[%swap3A_7], %swap3A_10 {strides = array<i32>} : memref<128xf32, #tpu.memory_space<vmem>>, vector<16xf32>,
    %swap3A_11 = arith.constant 16 : index
    %swap3A_12 = tpu.vector_load %arg10[%swap3A_11] {strides = array<i32>} : memref<128xf32, #tpu.memory_space<vmem>>, vector<16xf32>,
    %swap3A_13 = vector.shape_cast %swap3A_12 : vector<16xf32> to vector<16xf32>
    %swap3A_14 = vector.shape_cast %broadcast_in_dim3A_3 : vector<16xf32> to vector<16xf32>
    tpu.vector_store %arg10[%swap3A_11], %swap3A_14 {strides = array<i32>} : memref<128xf32, #tpu.memory_space<vmem>>, vector<16xf32>,
    %swap3A_15 = arith.constant 16 : index
    %swap3A_16 = tpu.vector_load %arg11[%swap3A_15] {strides = array<i32>} : memref<128xf32, #tpu.memory_space<vmem>>, vector<16xf32>,
    %swap3A_17 = vector.shape_cast %swap3A_16 : vector<16xf32> to vector<16xf32>
    %swap3A_18 = vector.shape_cast %broadcast_in_dim3A_1 : vector<16xf32> to vector<16xf32>
    tpu.vector_store %arg11[%swap3A_15], %swap3A_18 {strides = array<i32>} : memref<128xf32, #tpu.memory_space<vmem>>, vector<16xf32>,
    %swap3A_19 = arith.constant 32 : index
    %swap3A_20 = tpu.vector_load %arg10[%swap3A_19] {strides = array<i32>} : memref<128xf32, #tpu.memory_space<vmem>>, vector<16xf32>,
    %swap3A_21 = vector.shape_cast %swap3A_20 : vector<16xf32> to vector<16xf32>
    %swap3A_22 = vector.shape_cast %broadcast_in_dim3A_3 : vector<16xf32> to vector<16xf32>
    tpu.vector_store %arg10[%swap3A_19], %swap3A_22 {strides = array<i32>} : memref<128xf32, #tpu.memory_space<vmem>>, vector<16xf32>,
    %swap3A_23 = arith.constant 32 : index
    %swap3A_24 = tpu.vector_load %arg11[%swap3A_23] {strides = array<i32>} : memref<128xf32, #tpu.memory_space<vmem>>, vector<16xf32>,
    %swap3A_25 = vector.shape_cast %swap3A_24 : vector<16xf32> to vector<16xf32>
    %swap3A_26 = vector.shape_cast %broadcast_in_dim3A_1 : vector<16xf32> to vector<16xf32>
    tpu.vector_store %arg11[%swap3A_23], %swap3A_26 {strides = array<i32>} : memref<128xf32, #tpu.memory_space<vmem>>, vector<16xf32>,
    %swap3A_27 = arith.constant 48 : index
    %swap3A_28 = tpu.vector_load %arg10[%swap3A_27] {strides = array<i32>} : memref<128xf32, #tpu.memory_space<vmem>>, vector<16xf32>,
    %swap3A_29 = vector.shape_cast %swap3A_28 : vector<16xf32> to vector<16xf32>
    %swap3A_30 = vector.shape_cast %broadcast_in_dim3A_3 : vector<16xf32> to vector<16xf32>
    tpu.vector_store %arg10[%swap3A_27], %swap3A_30 {strides = array<i32>} : memref<128xf32, #tpu.memory_space<vmem>>, vector<16xf32>,
    %swap3A_31 = arith.constant 48 : index
    %swap3A_32 = tpu.vector_load %arg11[%swap3A_31] {strides = array<i32>} : memref<128xf32, #tpu.memory_space<vmem>>, vector<16xf32>,
    %swap3A_33 = vector.shape_cast %swap3A_32 : vector<16xf32> to vector<16xf32>
    %swap3A_34 = vector.shape_cast %broadcast_in_dim3A_1 : vector<16xf32> to vector<16xf32>
    tpu.vector_store %arg11[%swap3A_31], %swap3A_34 {strides = array<i32>} : memref<128xf32, #tpu.memory_space<vmem>>, vector<16xf32>,
    %swap3A_35 = arith.constant 64 : index
    %swap3A_36 = tpu.vector_load %arg10[%swap3A_35] {strides = array<i32>} : memref<128xf32, #tpu.memory_space<vmem>>, vector<16xf32>,
    %swap3A_37 = vector.shape_cast %swap3A_36 : vector<16xf32> to vector<16xf32>
    %swap3A_38 = vector.shape_cast %broadcast_in_dim3A_3 : vector<16xf32> to vector<16xf32>
    tpu.vector_store %arg10[%swap3A_35], %swap3A_38 {strides = array<i32>} : memref<128xf32, #tpu.memory_space<vmem>>, vector<16xf32>,
    %swap3A_39 = arith.constant 64 : index
    %swap3A_40 = tpu.vector_load %arg11[%swap3A_39] {strides = array<i32>} : memref<128xf32, #tpu.memory_space<vmem>>, vector<16xf32>,
    %swap3A_41 = vector.shape_cast %swap3A_40 : vector<16xf32> to vector<16xf32>
    %swap3A_42 = vector.shape_cast %broadcast_in_dim3A_1 : vector<16xf32> to vector<16xf32>
    tpu.vector_store %arg11[%swap3A_39], %swap3A_42 {strides = array<i32>} : memref<128xf32, #tpu.memory_space<vmem>>, vector<16xf32>,
    %swap3A_43 = arith.constant 80 : index
    %swap3A_44 = tpu.vector_load %arg10[%swap3A_43] {strides = array<i32>} : memref<128xf32, #tpu.memory_space<vmem>>, vector<16xf32>,
    %swap3A_45 = vector.shape_cast %swap3A_44 : vector<16xf32> to vector<16xf32>
    %swap3A_46 = vector.shape_cast %broadcast_in_dim3A_3 : vector<16xf32> to vector<16xf32>
    tpu.vector_store %arg10[%swap3A_43], %swap3A_46 {strides = array<i32>} : memref<128xf32, #tpu.memory_space<vmem>>, vector<16xf32>,
    %swap3A_47 = arith.constant 80 : index
    %swap3A_48 = tpu.vector_load %arg11[%swap3A_47] {strides = array<i32>} : memref<128xf32, #tpu.memory_space<vmem>>, vector<16xf32>,
    %swap3A_49 = vector.shape_cast %swap3A_48 : vector<16xf32> to vector<16xf32>
    %swap3A_50 = vector.shape_cast %broadcast_in_dim3A_1 : vector<16xf32> to vector<16xf32>
    tpu.vector_store %arg11[%swap3A_47], %swap3A_50 {strides = array<i32>} : memref<128xf32, #tpu.memory_space<vmem>>, vector<16xf32>,
    %swap3A_51 = arith.constant 96 : index
    %swap3A_52 = tpu.vector_load %arg10[%swap3A_51] {strides = array<i32>} : memref<128xf32, #tpu.memory_space<vmem>>, vector<16xf32>,
    %swap3A_53 = vector.shape_cast %swap3A_52 : vector<16xf32> to vector<16xf32>
    %swap3A_54 = vector.shape_cast %broadcast_in_dim3A_3 : vector<16xf32> to vector<16xf32>
    tpu.vector_store %arg10[%swap3A_51], %swap3A_54 {strides = array<i32>} : memref<128xf32, #tpu.memory_space<vmem>>, vector<16xf32>,
    %swap3A_55 = arith.constant 96 : index
    %swap3A_56 = tpu.vector_load %arg11[%swap3A_55] {strides = array<i32>} : memref<128xf32, #tpu.memory_space<vmem>>, vector<16xf32>,
    %swap3A_57 = vector.shape_cast %swap3A_56 : vector<16xf32> to vector<16xf32>
    %swap3A_58 = vector.shape_cast %broadcast_in_dim3A_1 : vector<16xf32> to vector<16xf32>
    tpu.vector_store %arg11[%swap3A_55], %swap3A_58 {strides = array<i32>} : memref<128xf32, #tpu.memory_space<vmem>>, vector<16xf32>,
    %swap3A_59 = arith.constant 112 : index
    %swap3A_60 = tpu.vector_load %arg10[%swap3A_59] {strides = array<i32>} : memref<128xf32, #tpu.memory_space<vmem>>, vector<16xf32>,
    %swap3A_61 = vector.shape_cast %swap3A_60 : vector<16xf32> to vector<16xf32>
    %swap3A_62 = vector.shape_cast %broadcast_in_dim3A_3 : vector<16xf32> to vector<16xf32>
    tpu.vector_store %arg10[%swap3A_59], %swap3A_62 {strides = array<i32>} : memref<128xf32, #tpu.memory_space<vmem>>, vector<16xf32>,
    %swap3A_63 = arith.constant 112 : index
    %swap3A_64 = tpu.vector_load %arg11[%swap3A_63] {strides = array<i32>} : memref<128xf32, #tpu.memory_space<vmem>>, vector<16xf32>,
    %swap3A_65 = vector.shape_cast %swap3A_64 : vector<16xf32> to vector<16xf32>
    %swap3A_66 = vector.shape_cast %broadcast_in_dim3A_1 : vector<16xf32> to vector<16xf32>
    tpu.vector_store %arg11[%swap3A_63], %swap3A_66 {strides = array<i32>} : memref<128xf32, #tpu.memory_space<vmem>>, vector<16xf32>,
    %swap3A_67 = arith.constant 0 : i32
    %swap3A_68 = arith.index_cast %swap3A_67 : i32 to index
    %swap3A_69 = arith.constant 0 : index
    %swap3A_70 = tpu.vector_load %arg12[%swap3A_68, %swap3A_69] {strides = array<i32>} : memref<16x128xf32, #tpu.memory_space<vmem>>, vector<1x16xf32>,
    %swap3A_71 = vector.shape_cast %swap3A_70 : vector<1x16xf32> to vector<16xf32>
    %swap3A_72 = vector.shape_cast %broadcast_in_dim3A_1 : vector<16xf32> to vector<1x16xf32>
    tpu.vector_store %arg12[%swap3A_68, %swap3A_69], %swap3A_72 {strides = array<i32>} : memref<16x128xf32, #tpu.memory_space<vmem>>, vector<1x16xf32>,
    %swap3A_73 = arith.constant 0 : i32
    %swap3A_74 = arith.index_cast %swap3A_73 : i32 to index
    %swap3A_75 = arith.constant 16 : index
    %swap3A_76 = tpu.vector_load %arg12[%swap3A_74, %swap3A_75] {strides = array<i32>} : memref<16x128xf32, #tpu.memory_space<vmem>>, vector<1x16xf32>,
    %swap3A_77 = vector.shape_cast %swap3A_76 : vector<1x16xf32> to vector<16xf32>
    %swap3A_78 = vector.shape_cast %broadcast_in_dim3A_1 : vector<16xf32> to vector<1x16xf32>
    tpu.vector_store %arg12[%swap3A_74, %swap3A_75], %swap3A_78 {strides = array<i32>} : memref<16x128xf32, #tpu.memory_space<vmem>>, vector<1x16xf32>,
    %swap3A_79 = arith.constant 0 : i32
    %swap3A_80 = arith.index_cast %swap3A_79 : i32 to index
    %swap3A_81 = arith.constant 32 : index
    %swap3A_82 = tpu.vector_load %arg12[%swap3A_80, %swap3A_81] {strides = array<i32>} : memref<16x128xf32, #tpu.memory_space<vmem>>, vector<1x16xf32>,
    %swap3A_83 = vector.shape_cast %swap3A_82 : vector<1x16xf32> to vector<16xf32>
    %swap3A_84 = vector.shape_cast %broadcast_in_dim3A_1 : vector<16xf32> to vector<1x16xf32>
    tpu.vector_store %arg12[%swap3A_80, %swap3A_81], %swap3A_84 {strides = array<i32>} : memref<16x128xf32, #tpu.memory_space<vmem>>, vector<1x16xf32>,
    %swap3A_85 = arith.constant 0 : i32
    %swap3A_86 = arith.index_cast %swap3A_85 : i32 to index
    %swap3A_87 = arith.constant 48 : index
    %swap3A_88 = tpu.vector_load %arg12[%swap3A_86, %swap3A_87] {strides = array<i32>} : memref<16x128xf32, #tpu.memory_space<vmem>>, vector<1x16xf32>,
    %swap3A_89 = vector.shape_cast %swap3A_88 : vector<1x16xf32> to vector<16xf32>
    %swap3A_90 = vector.shape_cast %broadcast_in_dim3A_1 : vector<16xf32> to vector<1x16xf32>
    tpu.vector_store %arg12[%swap3A_86, %swap3A_87], %swap3A_90 {strides = array<i32>} : memref<16x128xf32, #tpu.memory_space<vmem>>, vector<1x16xf32>,
    %swap3A_91 = arith.constant 0 : i32
    %swap3A_92 = arith.index_cast %swap3A_91 : i32 to index
    %swap3A_93 = arith.constant 64 : index
    %swap3A_94 = tpu.vector_load %arg12[%swap3A_92, %swap3A_93] {strides = array<i32>} : memref<16x128xf32, #tpu.memory_space<vmem>>, vector<1x16xf32>,
    %swap3A_95 = vector.shape_cast %swap3A_94 : vector<1x16xf32> to vector<16xf32>
    %swap3A_96 = vector.shape_cast %broadcast_in_dim3A_1 : vector<16xf32> to vector<1x16xf32>
    tpu.vector_store %arg12[%swap3A_92, %swap3A_93], %swap3A_96 {strides = array<i32>} : memref<16x128xf32, #tpu.memory_space<vmem>>, vector<1x16xf32>,
    %swap3A_97 = arith.constant 0 : i32
    %swap3A_98 = arith.index_cast %swap3A_97 : i32 to index
    %swap3A_99 = arith.constant 80 : index
    %swap3A_100 = tpu.vector_load %arg12[%swap3A_98, %swap3A_99] {strides = array<i32>} : memref<16x128xf32, #tpu.memory_space<vmem>>, vector<1x16xf32>,
    %swap3A_101 = vector.shape_cast %swap3A_100 : vector<1x16xf32> to vector<16xf32>
    %swap3A_102 = vector.shape_cast %broadcast_in_dim3A_1 : vector<16xf32> to vector<1x16xf32>
    tpu.vector_store %arg12[%swap3A_98, %swap3A_99], %swap3A_102 {strides = array<i32>} : memref<16x128xf32, #tpu.memory_space<vmem>>, vector<1x16xf32>,
    %swap3A_103 = arith.constant 0 : i32
    %swap3A_104 = arith.index_cast %swap3A_103 : i32 to index
    %swap3A_105 = arith.constant 96 : index
    %swap3A_106 = tpu.vector_load %arg12[%swap3A_104, %swap3A_105] {strides = array<i32>} : memref<16x128xf32, #tpu.memory_space<vmem>>, vector<1x16xf32>,
    %swap3A_107 = vector.shape_cast %swap3A_106 : vector<1x16xf32> to vector<16xf32>
    %swap3A_108 = vector.shape_cast %broadcast_in_dim3A_1 : vector<16xf32> to vector<1x16xf32>
    tpu.vector_store %arg12[%swap3A_104, %swap3A_105], %swap3A_108 {strides = array<i32>} : memref<16x128xf32, #tpu.memory_space<vmem>>, vector<1x16xf32>,
    %swap3A_109 = arith.constant 0 : i32
    %swap3A_110 = arith.index_cast %swap3A_109 : i32 to index
    %swap3A_111 = arith.constant 112 : index
    %swap3A_112 = tpu.vector_load %arg12[%swap3A_110, %swap3A_111] {strides = array<i32>} : memref<16x128xf32, #tpu.memory_space<vmem>>, vector<1x16xf32>,
    %swap3A_113 = vector.shape_cast %swap3A_112 : vector<1x16xf32> to vector<16xf32>
    %swap3A_114 = vector.shape_cast %broadcast_in_dim3A_1 : vector<16xf32> to vector<1x16xf32>
    tpu.vector_store %arg12[%swap3A_110, %swap3A_111], %swap3A_114 {strides = array<i32>} : memref<16x128xf32, #tpu.memory_space<vmem>>, vector<1x16xf32>,
    %swap3A_115 = arith.constant 1 : i32
    %swap3A_116 = arith.index_cast %swap3A_115 : i32 to index
    %swap3A_117 = arith.constant 0 : index
    %swap3A_118 = tpu.vector_load %arg12[%swap3A_116, %swap3A_117] {strides = array<i32>} : memref<16x128xf32, #tpu.memory_space<vmem>>, vector<1x16xf32>,
    %swap3A_119 = vector.shape_cast %swap3A_118 : vector<1x16xf32> to vector<16xf32>
    %swap3A_120 = vector.shape_cast %broadcast_in_dim3A_1 : vector<16xf32> to vector<1x16xf32>
    tpu.vector_store %arg12[%swap3A_116, %swap3A_117], %swap3A_120 {strides = array<i32>} : memref<16x128xf32, #tpu.memory_space<vmem>>, vector<1x16xf32>,
    %swap3A_121 = arith.constant 1 : i32
    %swap3A_122 = arith.index_cast %swap3A_121 : i32 to index
    %swap3A_123 = arith.constant 16 : index
    %swap3A_124 = tpu.vector_load %arg12[%swap3A_122, %swap3A_123] {strides = array<i32>} : memref<16x128xf32, #tpu.memory_space<vmem>>, vector<1x16xf32>,
    %swap3A_125 = vector.shape_cast %swap3A_124 : vector<1x16xf32> to vector<16xf32>
    %swap3A_126 = vector.shape_cast %broadcast_in_dim3A_1 : vector<16xf32> to vector<1x16xf32>
    tpu.vector_store %arg12[%swap3A_122, %swap3A_123], %swap3A_126 {strides = array<i32>} : memref<16x128xf32, #tpu.memory_space<vmem>>, vector<1x16xf32>,
    %swap3A_127 = arith.constant 1 : i32
    %swap3A_128 = arith.index_cast %swap3A_127 : i32 to index
    %swap3A_129 = arith.constant 32 : index
    %swap3A_130 = tpu.vector_load %arg12[%swap3A_128, %swap3A_129] {strides = array<i32>} : memref<16x128xf32, #tpu.memory_space<vmem>>, vector<1x16xf32>,
    %swap3A_131 = vector.shape_cast %swap3A_130 : vector<1x16xf32> to vector<16xf32>
    %swap3A_132 = vector.shape_cast %broadcast_in_dim3A_1 : vector<16xf32> to vector<1x16xf32>
    tpu.vector_store %arg12[%swap3A_128, %swap3A_129], %swap3A_132 {strides = array<i32>} : memref<16x128xf32, #tpu.memory_space<vmem>>, vector<1x16xf32>,
    %swap3A_133 = arith.constant 1 : i32
    %swap3A_134 = arith.index_cast %swap3A_133 : i32 to index
    %swap3A_135 = arith.constant 48 : index
    %swap3A_136 = tpu.vector_load %arg12[%swap3A_134, %swap3A_135] {strides = array<i32>} : memref<16x128xf32, #tpu.memory_space<vmem>>, vector<1x16xf32>,
    %swap3A_137 = vector.shape_cast %swap3A_136 : vector<1x16xf32> to vector<16xf32>
    %swap3A_138 = vector.shape_cast %broadcast_in_dim3A_1 : vector<16xf32> to vector<1x16xf32>
    tpu.vector_store %arg12[%swap3A_134, %swap3A_135], %swap3A_138 {strides = array<i32>} : memref<16x128xf32, #tpu.memory_space<vmem>>, vector<1x16xf32>,
    %swap3A_139 = arith.constant 1 : i32
    %swap3A_140 = arith.index_cast %swap3A_139 : i32 to index
    %swap3A_141 = arith.constant 64 : index
    %swap3A_142 = tpu.vector_load %arg12[%swap3A_140, %swap3A_141] {strides = array<i32>} : memref<16x128xf32, #tpu.memory_space<vmem>>, vector<1x16xf32>,
    %swap3A_143 = vector.shape_cast %swap3A_142 : vector<1x16xf32> to vector<16xf32>
    %swap3A_144 = vector.shape_cast %broadcast_in_dim3A_1 : vector<16xf32> to vector<1x16xf32>
    tpu.vector_store %arg12[%swap3A_140, %swap3A_141], %swap3A_144 {strides = array<i32>} : memref<16x128xf32, #tpu.memory_space<vmem>>, vector<1x16xf32>,
    %swap3A_145 = arith.constant 1 : i32
    %swap3A_146 = arith.index_cast %swap3A_145 : i32 to index
    %swap3A_147 = arith.constant 80 : index
    %swap3A_148 = tpu.vector_load %arg12[%swap3A_146, %swap3A_147] {strides = array<i32>} : memref<16x128xf32, #tpu.memory_space<vmem>>, vector<1x16xf32>,
    %swap3A_149 = vector.shape_cast %swap3A_148 : vector<1x16xf32> to vector<16xf32>
    %swap3A_150 = vector.shape_cast %broadcast_in_dim3A_1 : vector<16xf32> to vector<1x16xf32>
    tpu.vector_store %arg12[%swap3A_146, %swap3A_147], %swap3A_150 {strides = array<i32>} : memref<16x128xf32, #tpu.memory_space<vmem>>, vector<1x16xf32>,
    %swap3A_151 = arith.constant 1 : i32
    %swap3A_152 = arith.index_cast %swap3A_151 : i32 to index
    %swap3A_153 = arith.constant 96 : index
    %swap3A_154 = tpu.vector_load %arg12[%swap3A_152, %swap3A_153] {strides = array<i32>} : memref<16x128xf32, #tpu.memory_space<vmem>>, vector<1x16xf32>,
    %swap3A_155 = vector.shape_cast %swap3A_154 : vector<1x16xf32> to vector<16xf32>
    %swap3A_156 = vector.shape_cast %broadcast_in_dim3A_1 : vector<16xf32> to vector<1x16xf32>
    tpu.vector_store %arg12[%swap3A_152, %swap3A_153], %swap3A_156 {strides = array<i32>} : memref<16x128xf32, #tpu.memory_space<vmem>>, vector<1x16xf32>,
    %swap3A_157 = arith.constant 1 : i32
    %swap3A_158 = arith.index_cast %swap3A_157 : i32 to index
    %swap3A_159 = arith.constant 112 : index
    %swap3A_160 = tpu.vector_load %arg12[%swap3A_158, %swap3A_159] {strides = array<i32>} : memref<16x128xf32, #tpu.memory_space<vmem>>, vector<1x16xf32>,
    %swap3A_161 = vector.shape_cast %swap3A_160 : vector<1x16xf32> to vector<16xf32>
    %swap3A_162 = vector.shape_cast %broadcast_in_dim3A_1 : vector<16xf32> to vector<1x16xf32>
    tpu.vector_store %arg12[%swap3A_158, %swap3A_159], %swap3A_162 {strides = array<i32>} : memref<16x128xf32, #tpu.memory_space<vmem>>, vector<1x16xf32>,
    %swap3A_163 = arith.constant 2 : i32
    %swap3A_164 = arith.index_cast %swap3A_163 : i32 to index
    %swap3A_165 = arith.constant 0 : index
    %swap3A_166 = tpu.vector_load %arg12[%swap3A_164, %swap3A_165] {strides = array<i32>} : memref<16x128xf32, #tpu.memory_space<vmem>>, vector<1x16xf32>,
    %swap3A_167 = vector.shape_cast %swap3A_166 : vector<1x16xf32> to vector<16xf32>
    %swap3A_168 = vector.shape_cast %broadcast_in_dim3A_1 : vector<16xf32> to vector<1x16xf32>
    tpu.vector_store %arg12[%swap3A_164, %swap3A_165], %swap3A_168 {strides = array<i32>} : memref<16x128xf32, #tpu.memory_space<vmem>>, vector<1x16xf32>,
    %swap3A_169 = arith.constant 2 : i32
    %swap3A_170 = arith.index_cast %swap3A_169 : i32 to index
    %swap3A_171 = arith.constant 16 : index
    %swap3A_172 = tpu.vector_load %arg12[%swap3A_170, %swap3A_171] {strides = array<i32>} : memref<16x128xf32, #tpu.memory_space<vmem>>, vector<1x16xf32>,
    %swap3A_173 = vector.shape_cast %swap3A_172 : vector<1x16xf32> to vector<16xf32>
    %swap3A_174 = vector.shape_cast %broadcast_in_dim3A_1 : vector<16xf32> to vector<1x16xf32>
    tpu.vector_store %arg12[%swap3A_170, %swap3A_171], %swap3A_174 {strides = array<i32>} : memref<16x128xf32, #tpu.memory_space<vmem>>, vector<1x16xf32>,
    %swap3A_175 = arith.constant 2 : i32
    %swap3A_176 = arith.index_cast %swap3A_175 : i32 to index
    %swap3A_177 = arith.constant 32 : index
    %swap3A_178 = tpu.vector_load %arg12[%swap3A_176, %swap3A_177] {strides = array<i32>} : memref<16x128xf32, #tpu.memory_space<vmem>>, vector<1x16xf32>,
    %swap3A_179 = vector.shape_cast %swap3A_178 : vector<1x16xf32> to vector<16xf32>
    %swap3A_180 = vector.shape_cast %broadcast_in_dim3A_1 : vector<16xf32> to vector<1x16xf32>
    tpu.vector_store %arg12[%swap3A_176, %swap3A_177], %swap3A_180 {strides = array<i32>} : memref<16x128xf32, #tpu.memory_space<vmem>>, vector<1x16xf32>,
    %swap3A_181 = arith.constant 2 : i32
    %swap3A_182 = arith.index_cast %swap3A_181 : i32 to index
    %swap3A_183 = arith.constant 48 : index
    %swap3A_184 = tpu.vector_load %arg12[%swap3A_182, %swap3A_183] {strides = array<i32>} : memref<16x128xf32, #tpu.memory_space<vmem>>, vector<1x16xf32>,
    %swap3A_185 = vector.shape_cast %swap3A_184 : vector<1x16xf32> to vector<16xf32>
    %swap3A_186 = vector.shape_cast %broadcast_in_dim3A_1 : vector<16xf32> to vector<1x16xf32>
    tpu.vector_store %arg12[%swap3A_182, %swap3A_183], %swap3A_186 {strides = array<i32>} : memref<16x128xf32, #tpu.memory_space<vmem>>, vector<1x16xf32>,
    %swap3A_187 = arith.constant 2 : i32
    %swap3A_188 = arith.index_cast %swap3A_187 : i32 to index
    %swap3A_189 = arith.constant 64 : index
    %swap3A_190 = tpu.vector_load %arg12[%swap3A_188, %swap3A_189] {strides = array<i32>} : memref<16x128xf32, #tpu.memory_space<vmem>>, vector<1x16xf32>,
    %swap3A_191 = vector.shape_cast %swap3A_190 : vector<1x16xf32> to vector<16xf32>
    %swap3A_192 = vector.shape_cast %broadcast_in_dim3A_1 : vector<16xf32> to vector<1x16xf32>
    tpu.vector_store %arg12[%swap3A_188, %swap3A_189], %swap3A_192 {strides = array<i32>} : memref<16x128xf32, #tpu.memory_space<vmem>>, vector<1x16xf32>,
    %swap3A_193 = arith.constant 2 : i32
    %swap3A_194 = arith.index_cast %swap3A_193 : i32 to index
    %swap3A_195 = arith.constant 80 : index
    %swap3A_196 = tpu.vector_load %arg12[%swap3A_194, %swap3A_195] {strides = array<i32>} : memref<16x128xf32, #tpu.memory_space<vmem>>, vector<1x16xf32>,
    %swap3A_197 = vector.shape_cast %swap3A_196 : vector<1x16xf32> to vector<16xf32>
    %swap3A_198 = vector.shape_cast %broadcast_in_dim3A_1 : vector<16xf32> to vector<1x16xf32>
    tpu.vector_store %arg12[%swap3A_194, %swap3A_195], %swap3A_198 {strides = array<i32>} : memref<16x128xf32, #tpu.memory_space<vmem>>, vector<1x16xf32>,
    %swap3A_199 = arith.constant 2 : i32
    %swap3A_200 = arith.index_cast %swap3A_199 : i32 to index
    %swap3A_201 = arith.constant 96 : index
    %swap3A_202 = tpu.vector_load %arg12[%swap3A_200, %swap3A_201] {strides = array<i32>} : memref<16x128xf32, #tpu.memory_space<vmem>>, vector<1x16xf32>,
    %swap3A_203 = vector.shape_cast %swap3A_202 : vector<1x16xf32> to vector<16xf32>
    %swap3A_204 = vector.shape_cast %broadcast_in_dim3A_1 : vector<16xf32> to vector<1x16xf32>
    tpu.vector_store %arg12[%swap3A_200, %swap3A_201], %swap3A_204 {strides = array<i32>} : memref<16x128xf32, #tpu.memory_space<vmem>>, vector<1x16xf32>,
    %swap3A_205 = arith.constant 2 : i32
    %swap3A_206 = arith.index_cast %swap3A_205 : i32 to index
    %swap3A_207 = arith.constant 112 : index
    %swap3A_208 = tpu.vector_load %arg12[%swap3A_206, %swap3A_207] {strides = array<i32>} : memref<16x128xf32, #tpu.memory_space<vmem>>, vector<1x16xf32>,
    %swap3A_209 = vector.shape_cast %swap3A_208 : vector<1x16xf32> to vector<16xf32>
    %swap3A_210 = vector.shape_cast %broadcast_in_dim3A_1 : vector<16xf32> to vector<1x16xf32>
    tpu.vector_store %arg12[%swap3A_206, %swap3A_207], %swap3A_210 {strides = array<i32>} : memref<16x128xf32, #tpu.memory_space<vmem>>, vector<1x16xf32>,
    %swap3A_211 = arith.constant 3 : i32
    %swap3A_212 = arith.index_cast %swap3A_211 : i32 to index
    %swap3A_213 = arith.constant 0 : index
    %swap3A_214 = tpu.vector_load %arg12[%swap3A_212, %swap3A_213] {strides = array<i32>} : memref<16x128xf32, #tpu.memory_space<vmem>>, vector<1x16xf32>,
    %swap3A_215 = vector.shape_cast %swap3A_214 : vector<1x16xf32> to vector<16xf32>
    %swap3A_216 = vector.shape_cast %broadcast_in_dim3A_1 : vector<16xf32> to vector<1x16xf32>
    tpu.vector_store %arg12[%swap3A_212, %swap3A_213], %swap3A_216 {strides = array<i32>} : memref<16x128xf32, #tpu.memory_space<vmem>>, vector<1x16xf32>,
    %swap3A_217 = arith.constant 3 : i32
    %swap3A_218 = arith.index_cast %swap3A_217 : i32 to index
    %swap3A_219 = arith.constant 16 : index
    %swap3A_220 = tpu.vector_load %arg12[%swap3A_218, %swap3A_219] {strides = array<i32>} : memref<16x128xf32, #tpu.memory_space<vmem>>, vector<1x16xf32>,
    %swap3A_221 = vector.shape_cast %swap3A_220 : vector<1x16xf32> to vector<16xf32>
    %swap3A_222 = vector.shape_cast %broadcast_in_dim3A_1 : vector<16xf32> to vector<1x16xf32>
    tpu.vector_store %arg12[%swap3A_218, %swap3A_219], %swap3A_222 {strides = array<i32>} : memref<16x128xf32, #tpu.memory_space<vmem>>, vector<1x16xf32>,
    %swap3A_223 = arith.constant 3 : i32
    %swap3A_224 = arith.index_cast %swap3A_223 : i32 to index
    %swap3A_225 = arith.constant 32 : index
    %swap3A_226 = tpu.vector_load %arg12[%swap3A_224, %swap3A_225] {strides = array<i32>} : memref<16x128xf32, #tpu.memory_space<vmem>>, vector<1x16xf32>,
    %swap3A_227 = vector.shape_cast %swap3A_226 : vector<1x16xf32> to vector<16xf32>
    %swap3A_228 = vector.shape_cast %broadcast_in_dim3A_1 : vector<16xf32> to vector<1x16xf32>
    tpu.vector_store %arg12[%swap3A_224, %swap3A_225], %swap3A_228 {strides = array<i32>} : memref<16x128xf32, #tpu.memory_space<vmem>>, vector<1x16xf32>,
    %swap3A_229 = arith.constant 3 : i32
    %swap3A_230 = arith.index_cast %swap3A_229 : i32 to index
    %swap3A_231 = arith.constant 48 : index
    %swap3A_232 = tpu.vector_load %arg12[%swap3A_230, %swap3A_231] {strides = array<i32>} : memref<16x128xf32, #tpu.memory_space<vmem>>, vector<1x16xf32>,
    %swap3A_233 = vector.shape_cast %swap3A_232 : vector<1x16xf32> to vector<16xf32>
    %swap3A_234 = vector.shape_cast %broadcast_in_dim3A_1 : vector<16xf32> to vector<1x16xf32>
    tpu.vector_store %arg12[%swap3A_230, %swap3A_231], %swap3A_234 {strides = array<i32>} : memref<16x128xf32, #tpu.memory_space<vmem>>, vector<1x16xf32>,
    %swap3A_235 = arith.constant 3 : i32
    %swap3A_236 = arith.index_cast %swap3A_235 : i32 to index
    %swap3A_237 = arith.constant 64 : index
    %swap3A_238 = tpu.vector_load %arg12[%swap3A_236, %swap3A_237] {strides = array<i32>} : memref<16x128xf32, #tpu.memory_space<vmem>>, vector<1x16xf32>,
    %swap3A_239 = vector.shape_cast %swap3A_238 : vector<1x16xf32> to vector<16xf32>
    %swap3A_240 = vector.shape_cast %broadcast_in_dim3A_1 : vector<16xf32> to vector<1x16xf32>
    tpu.vector_store %arg12[%swap3A_236, %swap3A_237], %swap3A_240 {strides = array<i32>} : memref<16x128xf32, #tpu.memory_space<vmem>>, vector<1x16xf32>,
    %swap3A_241 = arith.constant 3 : i32
    %swap3A_242 = arith.index_cast %swap3A_241 : i32 to index
    %swap3A_243 = arith.constant 80 : index
    %swap3A_244 = tpu.vector_load %arg12[%swap3A_242, %swap3A_243] {strides = array<i32>} : memref<16x128xf32, #tpu.memory_space<vmem>>, vector<1x16xf32>,
    %swap3A_245 = vector.shape_cast %swap3A_244 : vector<1x16xf32> to vector<16xf32>
    %swap3A_246 = vector.shape_cast %broadcast_in_dim3A_1 : vector<16xf32> to vector<1x16xf32>
    tpu.vector_store %arg12[%swap3A_242, %swap3A_243], %swap3A_246 {strides = array<i32>} : memref<16x128xf32, #tpu.memory_space<vmem>>, vector<1x16xf32>,
    %swap3A_247 = arith.constant 3 : i32
    %swap3A_248 = arith.index_cast %swap3A_247 : i32 to index
    %swap3A_249 = arith.constant 96 : index
    %swap3A_250 = tpu.vector_load %arg12[%swap3A_248, %swap3A_249] {strides = array<i32>} : memref<16x128xf32, #tpu.memory_space<vmem>>, vector<1x16xf32>,
    %swap3A_251 = vector.shape_cast %swap3A_250 : vector<1x16xf32> to vector<16xf32>
    %swap3A_252 = vector.shape_cast %broadcast_in_dim3A_1 : vector<16xf32> to vector<1x16xf32>
    tpu.vector_store %arg12[%swap3A_248, %swap3A_249], %swap3A_252 {strides = array<i32>} : memref<16x128xf32, #tpu.memory_space<vmem>>, vector<1x16xf32>,
    %swap3A_253 = arith.constant 3 : i32
    %swap3A_254 = arith.index_cast %swap3A_253 : i32 to index
    %swap3A_255 = arith.constant 112 : index
    %swap3A_256 = tpu.vector_load %arg12[%swap3A_254, %swap3A_255] {strides = array<i32>} : memref<16x128xf32, #tpu.memory_space<vmem>>, vector<1x16xf32>,
    %swap3A_257 = vector.shape_cast %swap3A_256 : vector<1x16xf32> to vector<16xf32>
    %swap3A_258 = vector.shape_cast %broadcast_in_dim3A_1 : vector<16xf32> to vector<1x16xf32>
    tpu.vector_store %arg12[%swap3A_254, %swap3A_255], %swap3A_258 {strides = array<i32>} : memref<16x128xf32, #tpu.memory_space<vmem>>, vector<1x16xf32>,
    %swap3A_259 = arith.constant 4 : i32
    %swap3A_260 = arith.index_cast %swap3A_259 : i32 to index
    %swap3A_261 = arith.constant 0 : index
    %swap3A_262 = tpu.vector_load %arg12[%swap3A_260, %swap3A_261] {strides = array<i32>} : memref<16x128xf32, #tpu.memory_space<vmem>>, vector<1x16xf32>,
    %swap3A_263 = vector.shape_cast %swap3A_262 : vector<1x16xf32> to vector<16xf32>
    %swap3A_264 = vector.shape_cast %broadcast_in_dim3A_1 : vector<16xf32> to vector<1x16xf32>
    tpu.vector_store %arg12[%swap3A_260, %swap3A_261], %swap3A_264 {strides = array<i32>} : memref<16x128xf32, #tpu.memory_space<vmem>>, vector<1x16xf32>,
    %swap3A_265 = arith.constant 4 : i32
    %swap3A_266 = arith.index_cast %swap3A_265 : i32 to index
    %swap3A_267 = arith.constant 16 : index
    %swap3A_268 = tpu.vector_load %arg12[%swap3A_266, %swap3A_267] {strides = array<i32>} : memref<16x128xf32, #tpu.memory_space<vmem>>, vector<1x16xf32>,
    %swap3A_269 = vector.shape_cast %swap3A_268 : vector<1x16xf32> to vector<16xf32>
    %swap3A_270 = vector.shape_cast %broadcast_in_dim3A_1 : vector<16xf32> to vector<1x16xf32>
    tpu.vector_store %arg12[%swap3A_266, %swap3A_267], %swap3A_270 {strides = array<i32>} : memref<16x128xf32, #tpu.memory_space<vmem>>, vector<1x16xf32>,
    %swap3A_271 = arith.constant 4 : i32
    %swap3A_272 = arith.index_cast %swap3A_271 : i32 to index
    %swap3A_273 = arith.constant 32 : index
    %swap3A_274 = tpu.vector_load %arg12[%swap3A_272, %swap3A_273] {strides = array<i32>} : memref<16x128xf32, #tpu.memory_space<vmem>>, vector<1x16xf32>,
    %swap3A_275 = vector.shape_cast %swap3A_274 : vector<1x16xf32> to vector<16xf32>
    %swap3A_276 = vector.shape_cast %broadcast_in_dim3A_1 : vector<16xf32> to vector<1x16xf32>
    tpu.vector_store %arg12[%swap3A_272, %swap3A_273], %swap3A_276 {strides = array<i32>} : memref<16x128xf32, #tpu.memory_space<vmem>>, vector<1x16xf32>,
    %swap3A_277 = arith.constant 4 : i32
    %swap3A_278 = arith.index_cast %swap3A_277 : i32 to index
    %swap3A_279 = arith.constant 48 : index
    %swap3A_280 = tpu.vector_load %arg12[%swap3A_278, %swap3A_279] {strides = array<i32>} : memref<16x128xf32, #tpu.memory_space<vmem>>, vector<1x16xf32>,
    %swap3A_281 = vector.shape_cast %swap3A_280 : vector<1x16xf32> to vector<16xf32>
    %swap3A_282 = vector.shape_cast %broadcast_in_dim3A_1 : vector<16xf32> to vector<1x16xf32>
    tpu.vector_store %arg12[%swap3A_278, %swap3A_279], %swap3A_282 {strides = array<i32>} : memref<16x128xf32, #tpu.memory_space<vmem>>, vector<1x16xf32>,
    %swap3A_283 = arith.constant 4 : i32
    %swap3A_284 = arith.index_cast %swap3A_283 : i32 to index
    %swap3A_285 = arith.constant 64 : index
    %swap3A_286 = tpu.vector_load %arg12[%swap3A_284, %swap3A_285] {strides = array<i32>} : memref<16x128xf32, #tpu.memory_space<vmem>>, vector<1x16xf32>,
    %swap3A_287 = vector.shape_cast %swap3A_286 : vector<1x16xf32> to vector<16xf32>
    %swap3A_288 = vector.shape_cast %broadcast_in_dim3A_1 : vector<16xf32> to vector<1x16xf32>
    tpu.vector_store %arg12[%swap3A_284, %swap3A_285], %swap3A_288 {strides = array<i32>} : memref<16x128xf32, #tpu.memory_space<vmem>>, vector<1x16xf32>,
    %swap3A_289 = arith.constant 4 : i32
    %swap3A_290 = arith.index_cast %swap3A_289 : i32 to index
    %swap3A_291 = arith.constant 80 : index
    %swap3A_292 = tpu.vector_load %arg12[%swap3A_290, %swap3A_291] {strides = array<i32>} : memref<16x128xf32, #tpu.memory_space<vmem>>, vector<1x16xf32>,
    %swap3A_293 = vector.shape_cast %swap3A_292 : vector<1x16xf32> to vector<16xf32>
    %swap3A_294 = vector.shape_cast %broadcast_in_dim3A_1 : vector<16xf32> to vector<1x16xf32>
    tpu.vector_store %arg12[%swap3A_290, %swap3A_291], %swap3A_294 {strides = array<i32>} : memref<16x128xf32, #tpu.memory_space<vmem>>, vector<1x16xf32>,
    %swap3A_295 = arith.constant 4 : i32
    %swap3A_296 = arith.index_cast %swap3A_295 : i32 to index
    %swap3A_297 = arith.constant 96 : index
    %swap3A_298 = tpu.vector_load %arg12[%swap3A_296, %swap3A_297] {strides = array<i32>} : memref<16x128xf32, #tpu.memory_space<vmem>>, vector<1x16xf32>,
    %swap3A_299 = vector.shape_cast %swap3A_298 : vector<1x16xf32> to vector<16xf32>
    %swap3A_300 = vector.shape_cast %broadcast_in_dim3A_1 : vector<16xf32> to vector<1x16xf32>
    tpu.vector_store %arg12[%swap3A_296, %swap3A_297], %swap3A_300 {strides = array<i32>} : memref<16x128xf32, #tpu.memory_space<vmem>>, vector<1x16xf32>,
    %swap3A_301 = arith.constant 4 : i32
    %swap3A_302 = arith.index_cast %swap3A_301 : i32 to index
    %swap3A_303 = arith.constant 112 : index
    %swap3A_304 = tpu.vector_load %arg12[%swap3A_302, %swap3A_303] {strides = array<i32>} : memref<16x128xf32, #tpu.memory_space<vmem>>, vector<1x16xf32>,
    %swap3A_305 = vector.shape_cast %swap3A_304 : vector<1x16xf32> to vector<16xf32>
    %swap3A_306 = vector.shape_cast %broadcast_in_dim3A_1 : vector<16xf32> to vector<1x16xf32>
    tpu.vector_store %arg12[%swap3A_302, %swap3A_303], %swap3A_306 {strides = array<i32>} : memref<16x128xf32, #tpu.memory_space<vmem>>, vector<1x16xf32>,
    %swap3A_307 = arith.constant 5 : i32
    %swap3A_308 = arith.index_cast %swap3A_307 : i32 to index
    %swap3A_309 = arith.constant 0 : index
    %swap3A_310 = tpu.vector_load %arg12[%swap3A_308, %swap3A_309] {strides = array<i32>} : memref<16x128xf32, #tpu.memory_space<vmem>>, vector<1x16xf32>,
    %swap3A_311 = vector.shape_cast %swap3A_310 : vector<1x16xf32> to vector<16xf32>
    %swap3A_312 = vector.shape_cast %broadcast_in_dim3A_1 : vector<16xf32> to vector<1x16xf32>
    tpu.vector_store %arg12[%swap3A_308, %swap3A_309], %swap3A_312 {strides = array<i32>} : memref<16x128xf32, #tpu.memory_space<vmem>>, vector<1x16xf32>,
    %swap3A_313 = arith.constant 5 : i32
    %swap3A_314 = arith.index_cast %swap3A_313 : i32 to index
    %swap3A_315 = arith.constant 16 : index
    %swap3A_316 = tpu.vector_load %arg12[%swap3A_314, %swap3A_315] {strides = array<i32>} : memref<16x128xf32, #tpu.memory_space<vmem>>, vector<1x16xf32>,
    %swap3A_317 = vector.shape_cast %swap3A_316 : vector<1x16xf32> to vector<16xf32>
    %swap3A_318 = vector.shape_cast %broadcast_in_dim3A_1 : vector<16xf32> to vector<1x16xf32>
    tpu.vector_store %arg12[%swap3A_314, %swap3A_315], %swap3A_318 {strides = array<i32>} : memref<16x128xf32, #tpu.memory_space<vmem>>, vector<1x16xf32>,
    %swap3A_319 = arith.constant 5 : i32
    %swap3A_320 = arith.index_cast %swap3A_319 : i32 to index
    %swap3A_321 = arith.constant 32 : index
    %swap3A_322 = tpu.vector_load %arg12[%swap3A_320, %swap3A_321] {strides = array<i32>} : memref<16x128xf32, #tpu.memory_space<vmem>>, vector<1x16xf32>,
    %swap3A_323 = vector.shape_cast %swap3A_322 : vector<1x16xf32> to vector<16xf32>
    %swap3A_324 = vector.shape_cast %broadcast_in_dim3A_1 : vector<16xf32> to vector<1x16xf32>
    tpu.vector_store %arg12[%swap3A_320, %swap3A_321], %swap3A_324 {strides = array<i32>} : memref<16x128xf32, #tpu.memory_space<vmem>>, vector<1x16xf32>,
    %swap3A_325 = arith.constant 5 : i32
    %swap3A_326 = arith.index_cast %swap3A_325 : i32 to index
    %swap3A_327 = arith.constant 48 : index
    %swap3A_328 = tpu.vector_load %arg12[%swap3A_326, %swap3A_327] {strides = array<i32>} : memref<16x128xf32, #tpu.memory_space<vmem>>, vector<1x16xf32>,
    %swap3A_329 = vector.shape_cast %swap3A_328 : vector<1x16xf32> to vector<16xf32>
    %swap3A_330 = vector.shape_cast %broadcast_in_dim3A_1 : vector<16xf32> to vector<1x16xf32>
    tpu.vector_store %arg12[%swap3A_326, %swap3A_327], %swap3A_330 {strides = array<i32>} : memref<16x128xf32, #tpu.memory_space<vmem>>, vector<1x16xf32>,
    %swap3A_331 = arith.constant 5 : i32
    %swap3A_332 = arith.index_cast %swap3A_331 : i32 to index
    %swap3A_333 = arith.constant 64 : index
    %swap3A_334 = tpu.vector_load %arg12[%swap3A_332, %swap3A_333] {strides = array<i32>} : memref<16x128xf32, #tpu.memory_space<vmem>>, vector<1x16xf32>,
    %swap3A_335 = vector.shape_cast %swap3A_334 : vector<1x16xf32> to vector<16xf32>
    %swap3A_336 = vector.shape_cast %broadcast_in_dim3A_1 : vector<16xf32> to vector<1x16xf32>
    tpu.vector_store %arg12[%swap3A_332, %swap3A_333], %swap3A_336 {strides = array<i32>} : memref<16x128xf32, #tpu.memory_space<vmem>>, vector<1x16xf32>,
    %swap3A_337 = arith.constant 5 : i32
    %swap3A_338 = arith.index_cast %swap3A_337 : i32 to index
    %swap3A_339 = arith.constant 80 : index
    %swap3A_340 = tpu.vector_load %arg12[%swap3A_338, %swap3A_339] {strides = array<i32>} : memref<16x128xf32, #tpu.memory_space<vmem>>, vector<1x16xf32>,
    %swap3A_341 = vector.shape_cast %swap3A_340 : vector<1x16xf32> to vector<16xf32>
    %swap3A_342 = vector.shape_cast %broadcast_in_dim3A_1 : vector<16xf32> to vector<1x16xf32>
    tpu.vector_store %arg12[%swap3A_338, %swap3A_339], %swap3A_342 {strides = array<i32>} : memref<16x128xf32, #tpu.memory_space<vmem>>, vector<1x16xf32>,
    %swap3A_343 = arith.constant 5 : i32
    %swap3A_344 = arith.index_cast %swap3A_343 : i32 to index
    %swap3A_345 = arith.constant 96 : index
    %swap3A_346 = tpu.vector_load %arg12[%swap3A_344, %swap3A_345] {strides = array<i32>} : memref<16x128xf32, #tpu.memory_space<vmem>>, vector<1x16xf32>,
    %swap3A_347 = vector.shape_cast %swap3A_346 : vector<1x16xf32> to vector<16xf32>
    %swap3A_348 = vector.shape_cast %broadcast_in_dim3A_1 : vector<16xf32> to vector<1x16xf32>
    tpu.vector_store %arg12[%swap3A_344, %swap3A_345], %swap3A_348 {strides = array<i32>} : memref<16x128xf32, #tpu.memory_space<vmem>>, vector<1x16xf32>,
    %swap3A_349 = arith.constant 5 : i32
    %swap3A_350 = arith.index_cast %swap3A_349 : i32 to index
    %swap3A_351 = arith.constant 112 : index
    %swap3A_352 = tpu.vector_load %arg12[%swap3A_350, %swap3A_351] {strides = array<i32>} : memref<16x128xf32, #tpu.memory_space<vmem>>, vector<1x16xf32>,
    %swap3A_353 = vector.shape_cast %swap3A_352 : vector<1x16xf32> to vector<16xf32>
    %swap3A_354 = vector.shape_cast %broadcast_in_dim3A_1 : vector<16xf32> to vector<1x16xf32>
    tpu.vector_store %arg12[%swap3A_350, %swap3A_351], %swap3A_354 {strides = array<i32>} : memref<16x128xf32, #tpu.memory_space<vmem>>, vector<1x16xf32>,
    %swap3A_355 = arith.constant 6 : i32
    %swap3A_356 = arith.index_cast %swap3A_355 : i32 to index
    %swap3A_357 = arith.constant 0 : index
    %swap3A_358 = tpu.vector_load %arg12[%swap3A_356, %swap3A_357] {strides = array<i32>} : memref<16x128xf32, #tpu.memory_space<vmem>>, vector<1x16xf32>,
    %swap3A_359 = vector.shape_cast %swap3A_358 : vector<1x16xf32> to vector<16xf32>
    %swap3A_360 = vector.shape_cast %broadcast_in_dim3A_1 : vector<16xf32> to vector<1x16xf32>
    tpu.vector_store %arg12[%swap3A_356, %swap3A_357], %swap3A_360 {strides = array<i32>} : memref<16x128xf32, #tpu.memory_space<vmem>>, vector<1x16xf32>,
    %swap3A_361 = arith.constant 6 : i32
    %swap3A_362 = arith.index_cast %swap3A_361 : i32 to index
    %swap3A_363 = arith.constant 16 : index
    %swap3A_364 = tpu.vector_load %arg12[%swap3A_362, %swap3A_363] {strides = array<i32>} : memref<16x128xf32, #tpu.memory_space<vmem>>, vector<1x16xf32>,
    %swap3A_365 = vector.shape_cast %swap3A_364 : vector<1x16xf32> to vector<16xf32>
    %swap3A_366 = vector.shape_cast %broadcast_in_dim3A_1 : vector<16xf32> to vector<1x16xf32>
    tpu.vector_store %arg12[%swap3A_362, %swap3A_363], %swap3A_366 {strides = array<i32>} : memref<16x128xf32, #tpu.memory_space<vmem>>, vector<1x16xf32>,
    %swap3A_367 = arith.constant 6 : i32
    %swap3A_368 = arith.index_cast %swap3A_367 : i32 to index
    %swap3A_369 = arith.constant 32 : index
    %swap3A_370 = tpu.vector_load %arg12[%swap3A_368, %swap3A_369] {strides = array<i32>} : memref<16x128xf32, #tpu.memory_space<vmem>>, vector<1x16xf32>,
    %swap3A_371 = vector.shape_cast %swap3A_370 : vector<1x16xf32> to vector<16xf32>
    %swap3A_372 = vector.shape_cast %broadcast_in_dim3A_1 : vector<16xf32> to vector<1x16xf32>
    tpu.vector_store %arg12[%swap3A_368, %swap3A_369], %swap3A_372 {strides = array<i32>} : memref<16x128xf32, #tpu.memory_space<vmem>>, vector<1x16xf32>,
    %swap3A_373 = arith.constant 6 : i32
    %swap3A_374 = arith.index_cast %swap3A_373 : i32 to index
    %swap3A_375 = arith.constant 48 : index
    %swap3A_376 = tpu.vector_load %arg12[%swap3A_374, %swap3A_375] {strides = array<i32>} : memref<16x128xf32, #tpu.memory_space<vmem>>, vector<1x16xf32>,
    %swap3A_377 = vector.shape_cast %swap3A_376 : vector<1x16xf32> to vector<16xf32>
    %swap3A_378 = vector.shape_cast %broadcast_in_dim3A_1 : vector<16xf32> to vector<1x16xf32>
    tpu.vector_store %arg12[%swap3A_374, %swap3A_375], %swap3A_378 {strides = array<i32>} : memref<16x128xf32, #tpu.memory_space<vmem>>, vector<1x16xf32>,
    %swap3A_379 = arith.constant 6 : i32
    %swap3A_380 = arith.index_cast %swap3A_379 : i32 to index
    %swap3A_381 = arith.constant 64 : index
    %swap3A_382 = tpu.vector_load %arg12[%swap3A_380, %swap3A_381] {strides = array<i32>} : memref<16x128xf32, #tpu.memory_space<vmem>>, vector<1x16xf32>,
    %swap3A_383 = vector.shape_cast %swap3A_382 : vector<1x16xf32> to vector<16xf32>
    %swap3A_384 = vector.shape_cast %broadcast_in_dim3A_1 : vector<16xf32> to vector<1x16xf32>
    tpu.vector_store %arg12[%swap3A_380, %swap3A_381], %swap3A_384 {strides = array<i32>} : memref<16x128xf32, #tpu.memory_space<vmem>>, vector<1x16xf32>,
    %swap3A_385 = arith.constant 6 : i32
    %swap3A_386 = arith.index_cast %swap3A_385 : i32 to index
    %swap3A_387 = arith.constant 80 : index
    %swap3A_388 = tpu.vector_load %arg12[%swap3A_386, %swap3A_387] {strides = array<i32>} : memref<16x128xf32, #tpu.memory_space<vmem>>, vector<1x16xf32>,
    %swap3A_389 = vector.shape_cast %swap3A_388 : vector<1x16xf32> to vector<16xf32>
    %swap3A_390 = vector.shape_cast %broadcast_in_dim3A_1 : vector<16xf32> to vector<1x16xf32>
    tpu.vector_store %arg12[%swap3A_386, %swap3A_387], %swap3A_390 {strides = array<i32>} : memref<16x128xf32, #tpu.memory_space<vmem>>, vector<1x16xf32>,
    %swap3A_391 = arith.constant 6 : i32
    %swap3A_392 = arith.index_cast %swap3A_391 : i32 to index
    %swap3A_393 = arith.constant 96 : index
    %swap3A_394 = tpu.vector_load %arg12[%swap3A_392, %swap3A_393] {strides = array<i32>} : memref<16x128xf32, #tpu.memory_space<vmem>>, vector<1x16xf32>,
    %swap3A_395 = vector.shape_cast %swap3A_394 : vector<1x16xf32> to vector<16xf32>
    %swap3A_396 = vector.shape_cast %broadcast_in_dim3A_1 : vector<16xf32> to vector<1x16xf32>
    tpu.vector_store %arg12[%swap3A_392, %swap3A_393], %swap3A_396 {strides = array<i32>} : memref<16x128xf32, #tpu.memory_space<vmem>>, vector<1x16xf32>,
    %swap3A_397 = arith.constant 6 : i32
    %swap3A_398 = arith.index_cast %swap3A_397 : i32 to index
    %swap3A_399 = arith.constant 112 : index
    %swap3A_400 = tpu.vector_load %arg12[%swap3A_398, %swap3A_399] {strides = array<i32>} : memref<16x128xf32, #tpu.memory_space<vmem>>, vector<1x16xf32>,
    %swap3A_401 = vector.shape_cast %swap3A_400 : vector<1x16xf32> to vector<16xf32>
    %swap3A_402 = vector.shape_cast %broadcast_in_dim3A_1 : vector<16xf32> to vector<1x16xf32>
    tpu.vector_store %arg12[%swap3A_398, %swap3A_399], %swap3A_402 {strides = array<i32>} : memref<16x128xf32, #tpu.memory_space<vmem>>, vector<1x16xf32>,
    %swap3A_403 = arith.constant 7 : i32
    %swap3A_404 = arith.index_cast %swap3A_403 : i32 to index
    %swap3A_405 = arith.constant 0 : index
    %swap3A_406 = tpu.vector_load %arg12[%swap3A_404, %swap3A_405] {strides = array<i32>} : memref<16x128xf32, #tpu.memory_space<vmem>>, vector<1x16xf32>,
    %swap3A_407 = vector.shape_cast %swap3A_406 : vector<1x16xf32> to vector<16xf32>
    %swap3A_408 = vector.shape_cast %broadcast_in_dim3A_1 : vector<16xf32> to vector<1x16xf32>
    tpu.vector_store %arg12[%swap3A_404, %swap3A_405], %swap3A_408 {strides = array<i32>} : memref<16x128xf32, #tpu.memory_space<vmem>>, vector<1x16xf32>,
    %swap3A_409 = arith.constant 7 : i32
    %swap3A_410 = arith.index_cast %swap3A_409 : i32 to index
    %swap3A_411 = arith.constant 16 : index
    %swap3A_412 = tpu.vector_load %arg12[%swap3A_410, %swap3A_411] {strides = array<i32>} : memref<16x128xf32, #tpu.memory_space<vmem>>, vector<1x16xf32>,
    %swap3A_413 = vector.shape_cast %swap3A_412 : vector<1x16xf32> to vector<16xf32>
    %swap3A_414 = vector.shape_cast %broadcast_in_dim3A_1 : vector<16xf32> to vector<1x16xf32>
    tpu.vector_store %arg12[%swap3A_410, %swap3A_411], %swap3A_414 {strides = array<i32>} : memref<16x128xf32, #tpu.memory_space<vmem>>, vector<1x16xf32>,
    %swap3A_415 = arith.constant 7 : i32
    %swap3A_416 = arith.index_cast %swap3A_415 : i32 to index
    %swap3A_417 = arith.constant 32 : index
    %swap3A_418 = tpu.vector_load %arg12[%swap3A_416, %swap3A_417] {strides = array<i32>} : memref<16x128xf32, #tpu.memory_space<vmem>>, vector<1x16xf32>,
    %swap3A_419 = vector.shape_cast %swap3A_418 : vector<1x16xf32> to vector<16xf32>
    %swap3A_420 = vector.shape_cast %broadcast_in_dim3A_1 : vector<16xf32> to vector<1x16xf32>
    tpu.vector_store %arg12[%swap3A_416, %swap3A_417], %swap3A_420 {strides = array<i32>} : memref<16x128xf32, #tpu.memory_space<vmem>>, vector<1x16xf32>,
    %swap3A_421 = arith.constant 7 : i32
    %swap3A_422 = arith.index_cast %swap3A_421 : i32 to index
    %swap3A_423 = arith.constant 48 : index
    %swap3A_424 = tpu.vector_load %arg12[%swap3A_422, %swap3A_423] {strides = array<i32>} : memref<16x128xf32, #tpu.memory_space<vmem>>, vector<1x16xf32>,
    %swap3A_425 = vector.shape_cast %swap3A_424 : vector<1x16xf32> to vector<16xf32>
    %swap3A_426 = vector.shape_cast %broadcast_in_dim3A_1 : vector<16xf32> to vector<1x16xf32>
    tpu.vector_store %arg12[%swap3A_422, %swap3A_423], %swap3A_426 {strides = array<i32>} : memref<16x128xf32, #tpu.memory_space<vmem>>, vector<1x16xf32>,
    %swap3A_427 = arith.constant 7 : i32
    %swap3A_428 = arith.index_cast %swap3A_427 : i32 to index
    %swap3A_429 = arith.constant 64 : index
    %swap3A_430 = tpu.vector_load %arg12[%swap3A_428, %swap3A_429] {strides = array<i32>} : memref<16x128xf32, #tpu.memory_space<vmem>>, vector<1x16xf32>,
    %swap3A_431 = vector.shape_cast %swap3A_430 : vector<1x16xf32> to vector<16xf32>
    %swap3A_432 = vector.shape_cast %broadcast_in_dim3A_1 : vector<16xf32> to vector<1x16xf32>
    tpu.vector_store %arg12[%swap3A_428, %swap3A_429], %swap3A_432 {strides = array<i32>} : memref<16x128xf32, #tpu.memory_space<vmem>>, vector<1x16xf32>,
    %swap3A_433 = arith.constant 7 : i32
    %swap3A_434 = arith.index_cast %swap3A_433 : i32 to index
    %swap3A_435 = arith.constant 80 : index
    %swap3A_436 = tpu.vector_load %arg12[%swap3A_434, %swap3A_435] {strides = array<i32>} : memref<16x128xf32, #tpu.memory_space<vmem>>, vector<1x16xf32>,
    %swap3A_437 = vector.shape_cast %swap3A_436 : vector<1x16xf32> to vector<16xf32>
    %swap3A_438 = vector.shape_cast %broadcast_in_dim3A_1 : vector<16xf32> to vector<1x16xf32>
    tpu.vector_store %arg12[%swap3A_434, %swap3A_435], %swap3A_438 {strides = array<i32>} : memref<16x128xf32, #tpu.memory_space<vmem>>, vector<1x16xf32>,
    %swap3A_439 = arith.constant 7 : i32
    %swap3A_440 = arith.index_cast %swap3A_439 : i32 to index
    %swap3A_441 = arith.constant 96 : index
    %swap3A_442 = tpu.vector_load %arg12[%swap3A_440, %swap3A_441] {strides = array<i32>} : memref<16x128xf32, #tpu.memory_space<vmem>>, vector<1x16xf32>,
    %swap3A_443 = vector.shape_cast %swap3A_442 : vector<1x16xf32> to vector<16xf32>
    %swap3A_444 = vector.shape_cast %broadcast_in_dim3A_1 : vector<16xf32> to vector<1x16xf32>
    tpu.vector_store %arg12[%swap3A_440, %swap3A_441], %swap3A_444 {strides = array<i32>} : memref<16x128xf32, #tpu.memory_space<vmem>>, vector<1x16xf32>,
    %swap3A_445 = arith.constant 7 : i32
    %swap3A_446 = arith.index_cast %swap3A_445 : i32 to index
    %swap3A_447 = arith.constant 112 : index
    %swap3A_448 = tpu.vector_load %arg12[%swap3A_446, %swap3A_447] {strides = array<i32>} : memref<16x128xf32, #tpu.memory_space<vmem>>, vector<1x16xf32>,
    %swap3A_449 = vector.shape_cast %swap3A_448 : vector<1x16xf32> to vector<16xf32>
    %swap3A_450 = vector.shape_cast %broadcast_in_dim3A_1 : vector<16xf32> to vector<1x16xf32>
    tpu.vector_store %arg12[%swap3A_446, %swap3A_447], %swap3A_450 {strides = array<i32>} : memref<16x128xf32, #tpu.memory_space<vmem>>, vector<1x16xf32>,
    %swap3A_451 = arith.constant 8 : i32
    %swap3A_452 = arith.index_cast %swap3A_451 : i32 to index
    %swap3A_453 = arith.constant 0 : index
    %swap3A_454 = tpu.vector_load %arg12[%swap3A_452, %swap3A_453] {strides = array<i32>} : memref<16x128xf32, #tpu.memory_space<vmem>>, vector<1x16xf32>,
    %swap3A_455 = vector.shape_cast %swap3A_454 : vector<1x16xf32> to vector<16xf32>
    %swap3A_456 = vector.shape_cast %broadcast_in_dim3A_1 : vector<16xf32> to vector<1x16xf32>
    tpu.vector_store %arg12[%swap3A_452, %swap3A_453], %swap3A_456 {strides = array<i32>} : memref<16x128xf32, #tpu.memory_space<vmem>>, vector<1x16xf32>,
    %swap3A_457 = arith.constant 8 : i32
    %swap3A_458 = arith.index_cast %swap3A_457 : i32 to index
    %swap3A_459 = arith.constant 16 : index
    %swap3A_460 = tpu.vector_load %arg12[%swap3A_458, %swap3A_459] {strides = array<i32>} : memref<16x128xf32, #tpu.memory_space<vmem>>, vector<1x16xf32>,
    %swap3A_461 = vector.shape_cast %swap3A_460 : vector<1x16xf32> to vector<16xf32>
    %swap3A_462 = vector.shape_cast %broadcast_in_dim3A_1 : vector<16xf32> to vector<1x16xf32>
    tpu.vector_store %arg12[%swap3A_458, %swap3A_459], %swap3A_462 {strides = array<i32>} : memref<16x128xf32, #tpu.memory_space<vmem>>, vector<1x16xf32>,
    %swap3A_463 = arith.constant 8 : i32
    %swap3A_464 = arith.index_cast %swap3A_463 : i32 to index
    %swap3A_465 = arith.constant 32 : index
    %swap3A_466 = tpu.vector_load %arg12[%swap3A_464, %swap3A_465] {strides = array<i32>} : memref<16x128xf32, #tpu.memory_space<vmem>>, vector<1x16xf32>,
    %swap3A_467 = vector.shape_cast %swap3A_466 : vector<1x16xf32> to vector<16xf32>
    %swap3A_468 = vector.shape_cast %broadcast_in_dim3A_1 : vector<16xf32> to vector<1x16xf32>
    tpu.vector_store %arg12[%swap3A_464, %swap3A_465], %swap3A_468 {strides = array<i32>} : memref<16x128xf32, #tpu.memory_space<vmem>>, vector<1x16xf32>,
    %swap3A_469 = arith.constant 8 : i32
    %swap3A_470 = arith.index_cast %swap3A_469 : i32 to index
    %swap3A_471 = arith.constant 48 : index
    %swap3A_472 = tpu.vector_load %arg12[%swap3A_470, %swap3A_471] {strides = array<i32>} : memref<16x128xf32, #tpu.memory_space<vmem>>, vector<1x16xf32>,
    %swap3A_473 = vector.shape_cast %swap3A_472 : vector<1x16xf32> to vector<16xf32>
    %swap3A_474 = vector.shape_cast %broadcast_in_dim3A_1 : vector<16xf32> to vector<1x16xf32>
    tpu.vector_store %arg12[%swap3A_470, %swap3A_471], %swap3A_474 {strides = array<i32>} : memref<16x128xf32, #tpu.memory_space<vmem>>, vector<1x16xf32>,
    %swap3A_475 = arith.constant 8 : i32
    %swap3A_476 = arith.index_cast %swap3A_475 : i32 to index
    %swap3A_477 = arith.constant 64 : index
    %swap3A_478 = tpu.vector_load %arg12[%swap3A_476, %swap3A_477] {strides = array<i32>} : memref<16x128xf32, #tpu.memory_space<vmem>>, vector<1x16xf32>,
    %swap3A_479 = vector.shape_cast %swap3A_478 : vector<1x16xf32> to vector<16xf32>
    %swap3A_480 = vector.shape_cast %broadcast_in_dim3A_1 : vector<16xf32> to vector<1x16xf32>
    tpu.vector_store %arg12[%swap3A_476, %swap3A_477], %swap3A_480 {strides = array<i32>} : memref<16x128xf32, #tpu.memory_space<vmem>>, vector<1x16xf32>,
    %swap3A_481 = arith.constant 8 : i32
    %swap3A_482 = arith.index_cast %swap3A_481 : i32 to index
    %swap3A_483 = arith.constant 80 : index
    %swap3A_484 = tpu.vector_load %arg12[%swap3A_482, %swap3A_483] {strides = array<i32>} : memref<16x128xf32, #tpu.memory_space<vmem>>, vector<1x16xf32>,
    %swap3A_485 = vector.shape_cast %swap3A_484 : vector<1x16xf32> to vector<16xf32>
    %swap3A_486 = vector.shape_cast %broadcast_in_dim3A_1 : vector<16xf32> to vector<1x16xf32>
    tpu.vector_store %arg12[%swap3A_482, %swap3A_483], %swap3A_486 {strides = array<i32>} : memref<16x128xf32, #tpu.memory_space<vmem>>, vector<1x16xf32>,
    %swap3A_487 = arith.constant 8 : i32
    %swap3A_488 = arith.index_cast %swap3A_487 : i32 to index
    %swap3A_489 = arith.constant 96 : index
    %swap3A_490 = tpu.vector_load %arg12[%swap3A_488, %swap3A_489] {strides = array<i32>} : memref<16x128xf32, #tpu.memory_space<vmem>>, vector<1x16xf32>,
    %swap3A_491 = vector.shape_cast %swap3A_490 : vector<1x16xf32> to vector<16xf32>
    %swap3A_492 = vector.shape_cast %broadcast_in_dim3A_1 : vector<16xf32> to vector<1x16xf32>
    tpu.vector_store %arg12[%swap3A_488, %swap3A_489], %swap3A_492 {strides = array<i32>} : memref<16x128xf32, #tpu.memory_space<vmem>>, vector<1x16xf32>,
    %swap3A_493 = arith.constant 8 : i32
    %swap3A_494 = arith.index_cast %swap3A_493 : i32 to index
    %swap3A_495 = arith.constant 112 : index
    %swap3A_496 = tpu.vector_load %arg12[%swap3A_494, %swap3A_495] {strides = array<i32>} : memref<16x128xf32, #tpu.memory_space<vmem>>, vector<1x16xf32>,
    %swap3A_497 = vector.shape_cast %swap3A_496 : vector<1x16xf32> to vector<16xf32>
    %swap3A_498 = vector.shape_cast %broadcast_in_dim3A_1 : vector<16xf32> to vector<1x16xf32>
    tpu.vector_store %arg12[%swap3A_494, %swap3A_495], %swap3A_498 {strides = array<i32>} : memref<16x128xf32, #tpu.memory_space<vmem>>, vector<1x16xf32>,
    %swap3A_499 = arith.constant 9 : i32
    %swap3A_500 = arith.index_cast %swap3A_499 : i32 to index
    %swap3A_501 = arith.constant 0 : index
    %swap3A_502 = tpu.vector_load %arg12[%swap3A_500, %swap3A_501] {strides = array<i32>} : memref<16x128xf32, #tpu.memory_space<vmem>>, vector<1x16xf32>,
    %swap3A_503 = vector.shape_cast %swap3A_502 : vector<1x16xf32> to vector<16xf32>
    %swap3A_504 = vector.shape_cast %broadcast_in_dim3A_1 : vector<16xf32> to vector<1x16xf32>
    tpu.vector_store %arg12[%swap3A_500, %swap3A_501], %swap3A_504 {strides = array<i32>} : memref<16x128xf32, #tpu.memory_space<vmem>>, vector<1x16xf32>,
    %swap3A_505 = arith.constant 9 : i32
    %swap3A_506 = arith.index_cast %swap3A_505 : i32 to index
    %swap3A_507 = arith.constant 16 : index
    %swap3A_508 = tpu.vector_load %arg12[%swap3A_506, %swap3A_507] {strides = array<i32>} : memref<16x128xf32, #tpu.memory_space<vmem>>, vector<1x16xf32>,
    %swap3A_509 = vector.shape_cast %swap3A_508 : vector<1x16xf32> to vector<16xf32>
    %swap3A_510 = vector.shape_cast %broadcast_in_dim3A_1 : vector<16xf32> to vector<1x16xf32>
    tpu.vector_store %arg12[%swap3A_506, %swap3A_507], %swap3A_510 {strides = array<i32>} : memref<16x128xf32, #tpu.memory_space<vmem>>, vector<1x16xf32>,
    %swap3A_511 = arith.constant 9 : i32
    %swap3A_512 = arith.index_cast %swap3A_511 : i32 to index
    %swap3A_513 = arith.constant 32 : index
    %swap3A_514 = tpu.vector_load %arg12[%swap3A_512, %swap3A_513] {strides = array<i32>} : memref<16x128xf32, #tpu.memory_space<vmem>>, vector<1x16xf32>,
    %swap3A_515 = vector.shape_cast %swap3A_514 : vector<1x16xf32> to vector<16xf32>
    %swap3A_516 = vector.shape_cast %broadcast_in_dim3A_1 : vector<16xf32> to vector<1x16xf32>
    tpu.vector_store %arg12[%swap3A_512, %swap3A_513], %swap3A_516 {strides = array<i32>} : memref<16x128xf32, #tpu.memory_space<vmem>>, vector<1x16xf32>,
    %swap3A_517 = arith.constant 9 : i32
    %swap3A_518 = arith.index_cast %swap3A_517 : i32 to index
    %swap3A_519 = arith.constant 48 : index
    %swap3A_520 = tpu.vector_load %arg12[%swap3A_518, %swap3A_519] {strides = array<i32>} : memref<16x128xf32, #tpu.memory_space<vmem>>, vector<1x16xf32>,
    %swap3A_521 = vector.shape_cast %swap3A_520 : vector<1x16xf32> to vector<16xf32>
    %swap3A_522 = vector.shape_cast %broadcast_in_dim3A_1 : vector<16xf32> to vector<1x16xf32>
    tpu.vector_store %arg12[%swap3A_518, %swap3A_519], %swap3A_522 {strides = array<i32>} : memref<16x128xf32, #tpu.memory_space<vmem>>, vector<1x16xf32>,
    %swap3A_523 = arith.constant 9 : i32
    %swap3A_524 = arith.index_cast %swap3A_523 : i32 to index
    %swap3A_525 = arith.constant 64 : index
    %swap3A_526 = tpu.vector_load %arg12[%swap3A_524, %swap3A_525] {strides = array<i32>} : memref<16x128xf32, #tpu.memory_space<vmem>>, vector<1x16xf32>,
    %swap3A_527 = vector.shape_cast %swap3A_526 : vector<1x16xf32> to vector<16xf32>
    %swap3A_528 = vector.shape_cast %broadcast_in_dim3A_1 : vector<16xf32> to vector<1x16xf32>
    tpu.vector_store %arg12[%swap3A_524, %swap3A_525], %swap3A_528 {strides = array<i32>} : memref<16x128xf32, #tpu.memory_space<vmem>>, vector<1x16xf32>,
    %swap3A_529 = arith.constant 9 : i32
    %swap3A_530 = arith.index_cast %swap3A_529 : i32 to index
    %swap3A_531 = arith.constant 80 : index
    %swap3A_532 = tpu.vector_load %arg12[%swap3A_530, %swap3A_531] {strides = array<i32>} : memref<16x128xf32, #tpu.memory_space<vmem>>, vector<1x16xf32>,
    %swap3A_533 = vector.shape_cast %swap3A_532 : vector<1x16xf32> to vector<16xf32>
    %swap3A_534 = vector.shape_cast %broadcast_in_dim3A_1 : vector<16xf32> to vector<1x16xf32>
    tpu.vector_store %arg12[%swap3A_530, %swap3A_531], %swap3A_534 {strides = array<i32>} : memref<16x128xf32, #tpu.memory_space<vmem>>, vector<1x16xf32>,
    %swap3A_535 = arith.constant 9 : i32
    %swap3A_536 = arith.index_cast %swap3A_535 : i32 to index
    %swap3A_537 = arith.constant 96 : index
    %swap3A_538 = tpu.vector_load %arg12[%swap3A_536, %swap3A_537] {strides = array<i32>} : memref<16x128xf32, #tpu.memory_space<vmem>>, vector<1x16xf32>,
    %swap3A_539 = vector.shape_cast %swap3A_538 : vector<1x16xf32> to vector<16xf32>
    %swap3A_540 = vector.shape_cast %broadcast_in_dim3A_1 : vector<16xf32> to vector<1x16xf32>
    tpu.vector_store %arg12[%swap3A_536, %swap3A_537], %swap3A_540 {strides = array<i32>} : memref<16x128xf32, #tpu.memory_space<vmem>>, vector<1x16xf32>,
    %swap3A_541 = arith.constant 9 : i32
    %swap3A_542 = arith.index_cast %swap3A_541 : i32 to index
    %swap3A_543 = arith.constant 112 : index
    %swap3A_544 = tpu.vector_load %arg12[%swap3A_542, %swap3A_543] {strides = array<i32>} : memref<16x128xf32, #tpu.memory_space<vmem>>, vector<1x16xf32>,
    %swap3A_545 = vector.shape_cast %swap3A_544 : vector<1x16xf32> to vector<16xf32>
    %swap3A_546 = vector.shape_cast %broadcast_in_dim3A_1 : vector<16xf32> to vector<1x16xf32>
    tpu.vector_store %arg12[%swap3A_542, %swap3A_543], %swap3A_546 {strides = array<i32>} : memref<16x128xf32, #tpu.memory_space<vmem>>, vector<1x16xf32>,
    %swap3A_547 = arith.constant 10 : i32
    %swap3A_548 = arith.index_cast %swap3A_547 : i32 to index
    %swap3A_549 = arith.constant 0 : index
    %swap3A_550 = tpu.vector_load %arg12[%swap3A_548, %swap3A_549] {strides = array<i32>} : memref<16x128xf32, #tpu.memory_space<vmem>>, vector<1x16xf32>,
    %swap3A_551 = vector.shape_cast %swap3A_550 : vector<1x16xf32> to vector<16xf32>
    %swap3A_552 = vector.shape_cast %broadcast_in_dim3A_1 : vector<16xf32> to vector<1x16xf32>
    tpu.vector_store %arg12[%swap3A_548, %swap3A_549], %swap3A_552 {strides = array<i32>} : memref<16x128xf32, #tpu.memory_space<vmem>>, vector<1x16xf32>,
    %swap3A_553 = arith.constant 10 : i32
    %swap3A_554 = arith.index_cast %swap3A_553 : i32 to index
    %swap3A_555 = arith.constant 16 : index
    %swap3A_556 = tpu.vector_load %arg12[%swap3A_554, %swap3A_555] {strides = array<i32>} : memref<16x128xf32, #tpu.memory_space<vmem>>, vector<1x16xf32>,
    %swap3A_557 = vector.shape_cast %swap3A_556 : vector<1x16xf32> to vector<16xf32>
    %swap3A_558 = vector.shape_cast %broadcast_in_dim3A_1 : vector<16xf32> to vector<1x16xf32>
    tpu.vector_store %arg12[%swap3A_554, %swap3A_555], %swap3A_558 {strides = array<i32>} : memref<16x128xf32, #tpu.memory_space<vmem>>, vector<1x16xf32>,
    %swap3A_559 = arith.constant 10 : i32
    %swap3A_560 = arith.index_cast %swap3A_559 : i32 to index
    %swap3A_561 = arith.constant 32 : index
    %swap3A_562 = tpu.vector_load %arg12[%swap3A_560, %swap3A_561] {strides = array<i32>} : memref<16x128xf32, #tpu.memory_space<vmem>>, vector<1x16xf32>,
    %swap3A_563 = vector.shape_cast %swap3A_562 : vector<1x16xf32> to vector<16xf32>
    %swap3A_564 = vector.shape_cast %broadcast_in_dim3A_1 : vector<16xf32> to vector<1x16xf32>
    tpu.vector_store %arg12[%swap3A_560, %swap3A_561], %swap3A_564 {strides = array<i32>} : memref<16x128xf32, #tpu.memory_space<vmem>>, vector<1x16xf32>,
    %swap3A_565 = arith.constant 10 : i32
    %swap3A_566 = arith.index_cast %swap3A_565 : i32 to index
    %swap3A_567 = arith.constant 48 : index
    %swap3A_568 = tpu.vector_load %arg12[%swap3A_566, %swap3A_567] {strides = array<i32>} : memref<16x128xf32, #tpu.memory_space<vmem>>, vector<1x16xf32>,
    %swap3A_569 = vector.shape_cast %swap3A_568 : vector<1x16xf32> to vector<16xf32>
    %swap3A_570 = vector.shape_cast %broadcast_in_dim3A_1 : vector<16xf32> to vector<1x16xf32>
    tpu.vector_store %arg12[%swap3A_566, %swap3A_567], %swap3A_570 {strides = array<i32>} : memref<16x128xf32, #tpu.memory_space<vmem>>, vector<1x16xf32>,
    %swap3A_571 = arith.constant 10 : i32
    %swap3A_572 = arith.index_cast %swap3A_571 : i32 to index
    %swap3A_573 = arith.constant 64 : index
    %swap3A_574 = tpu.vector_load %arg12[%swap3A_572, %swap3A_573] {strides = array<i32>} : memref<16x128xf32, #tpu.memory_space<vmem>>, vector<1x16xf32>,
    %swap3A_575 = vector.shape_cast %swap3A_574 : vector<1x16xf32> to vector<16xf32>
    %swap3A_576 = vector.shape_cast %broadcast_in_dim3A_1 : vector<16xf32> to vector<1x16xf32>
    tpu.vector_store %arg12[%swap3A_572, %swap3A_573], %swap3A_576 {strides = array<i32>} : memref<16x128xf32, #tpu.memory_space<vmem>>, vector<1x16xf32>,
    %swap3A_577 = arith.constant 10 : i32
    %swap3A_578 = arith.index_cast %swap3A_577 : i32 to index
    %swap3A_579 = arith.constant 80 : index
    %swap3A_580 = tpu.vector_load %arg12[%swap3A_578, %swap3A_579] {strides = array<i32>} : memref<16x128xf32, #tpu.memory_space<vmem>>, vector<1x16xf32>,
    %swap3A_581 = vector.shape_cast %swap3A_580 : vector<1x16xf32> to vector<16xf32>
    %swap3A_582 = vector.shape_cast %broadcast_in_dim3A_1 : vector<16xf32> to vector<1x16xf32>
    tpu.vector_store %arg12[%swap3A_578, %swap3A_579], %swap3A_582 {strides = array<i32>} : memref<16x128xf32, #tpu.memory_space<vmem>>, vector<1x16xf32>,
    %swap3A_583 = arith.constant 10 : i32
    %swap3A_584 = arith.index_cast %swap3A_583 : i32 to index
    %swap3A_585 = arith.constant 96 : index
    %swap3A_586 = tpu.vector_load %arg12[%swap3A_584, %swap3A_585] {strides = array<i32>} : memref<16x128xf32, #tpu.memory_space<vmem>>, vector<1x16xf32>,
    %swap3A_587 = vector.shape_cast %swap3A_586 : vector<1x16xf32> to vector<16xf32>
    %swap3A_588 = vector.shape_cast %broadcast_in_dim3A_1 : vector<16xf32> to vector<1x16xf32>
    tpu.vector_store %arg12[%swap3A_584, %swap3A_585], %swap3A_588 {strides = array<i32>} : memref<16x128xf32, #tpu.memory_space<vmem>>, vector<1x16xf32>,
    %swap3A_589 = arith.constant 10 : i32
    %swap3A_590 = arith.index_cast %swap3A_589 : i32 to index
    %swap3A_591 = arith.constant 112 : index
    %swap3A_592 = tpu.vector_load %arg12[%swap3A_590, %swap3A_591] {strides = array<i32>} : memref<16x128xf32, #tpu.memory_space<vmem>>, vector<1x16xf32>,
    %swap3A_593 = vector.shape_cast %swap3A_592 : vector<1x16xf32> to vector<16xf32>
    %swap3A_594 = vector.shape_cast %broadcast_in_dim3A_1 : vector<16xf32> to vector<1x16xf32>
    tpu.vector_store %arg12[%swap3A_590, %swap3A_591], %swap3A_594 {strides = array<i32>} : memref<16x128xf32, #tpu.memory_space<vmem>>, vector<1x16xf32>,
    %swap3A_595 = arith.constant 11 : i32
    %swap3A_596 = arith.index_cast %swap3A_595 : i32 to index
    %swap3A_597 = arith.constant 0 : index
    %swap3A_598 = tpu.vector_load %arg12[%swap3A_596, %swap3A_597] {strides = array<i32>} : memref<16x128xf32, #tpu.memory_space<vmem>>, vector<1x16xf32>,
    %swap3A_599 = vector.shape_cast %swap3A_598 : vector<1x16xf32> to vector<16xf32>
    %swap3A_600 = vector.shape_cast %broadcast_in_dim3A_1 : vector<16xf32> to vector<1x16xf32>
    tpu.vector_store %arg12[%swap3A_596, %swap3A_597], %swap3A_600 {strides = array<i32>} : memref<16x128xf32, #tpu.memory_space<vmem>>, vector<1x16xf32>,
    %swap3A_601 = arith.constant 11 : i32
    %swap3A_602 = arith.index_cast %swap3A_601 : i32 to index
    %swap3A_603 = arith.constant 16 : index
    %swap3A_604 = tpu.vector_load %arg12[%swap3A_602, %swap3A_603] {strides = array<i32>} : memref<16x128xf32, #tpu.memory_space<vmem>>, vector<1x16xf32>,
    %swap3A_605 = vector.shape_cast %swap3A_604 : vector<1x16xf32> to vector<16xf32>
    %swap3A_606 = vector.shape_cast %broadcast_in_dim3A_1 : vector<16xf32> to vector<1x16xf32>
    tpu.vector_store %arg12[%swap3A_602, %swap3A_603], %swap3A_606 {strides = array<i32>} : memref<16x128xf32, #tpu.memory_space<vmem>>, vector<1x16xf32>,
    %swap3A_607 = arith.constant 11 : i32
    %swap3A_608 = arith.index_cast %swap3A_607 : i32 to index
    %swap3A_609 = arith.constant 32 : index
    %swap3A_610 = tpu.vector_load %arg12[%swap3A_608, %swap3A_609] {strides = array<i32>} : memref<16x128xf32, #tpu.memory_space<vmem>>, vector<1x16xf32>,
    %swap3A_611 = vector.shape_cast %swap3A_610 : vector<1x16xf32> to vector<16xf32>
    %swap3A_612 = vector.shape_cast %broadcast_in_dim3A_1 : vector<16xf32> to vector<1x16xf32>
    tpu.vector_store %arg12[%swap3A_608, %swap3A_609], %swap3A_612 {strides = array<i32>} : memref<16x128xf32, #tpu.memory_space<vmem>>, vector<1x16xf32>,
    %swap3A_613 = arith.constant 11 : i32
    %swap3A_614 = arith.index_cast %swap3A_613 : i32 to index
    %swap3A_615 = arith.constant 48 : index
    %swap3A_616 = tpu.vector_load %arg12[%swap3A_614, %swap3A_615] {strides = array<i32>} : memref<16x128xf32, #tpu.memory_space<vmem>>, vector<1x16xf32>,
    %swap3A_617 = vector.shape_cast %swap3A_616 : vector<1x16xf32> to vector<16xf32>
    %swap3A_618 = vector.shape_cast %broadcast_in_dim3A_1 : vector<16xf32> to vector<1x16xf32>
    tpu.vector_store %arg12[%swap3A_614, %swap3A_615], %swap3A_618 {strides = array<i32>} : memref<16x128xf32, #tpu.memory_space<vmem>>, vector<1x16xf32>,
    %swap3A_619 = arith.constant 11 : i32
    %swap3A_620 = arith.index_cast %swap3A_619 : i32 to index
    %swap3A_621 = arith.constant 64 : index
    %swap3A_622 = tpu.vector_load %arg12[%swap3A_620, %swap3A_621] {strides = array<i32>} : memref<16x128xf32, #tpu.memory_space<vmem>>, vector<1x16xf32>,
    %swap3A_623 = vector.shape_cast %swap3A_622 : vector<1x16xf32> to vector<16xf32>
    %swap3A_624 = vector.shape_cast %broadcast_in_dim3A_1 : vector<16xf32> to vector<1x16xf32>
    tpu.vector_store %arg12[%swap3A_620, %swap3A_621], %swap3A_624 {strides = array<i32>} : memref<16x128xf32, #tpu.memory_space<vmem>>, vector<1x16xf32>,
    %swap3A_625 = arith.constant 11 : i32
    %swap3A_626 = arith.index_cast %swap3A_625 : i32 to index
    %swap3A_627 = arith.constant 80 : index
    %swap3A_628 = tpu.vector_load %arg12[%swap3A_626, %swap3A_627] {strides = array<i32>} : memref<16x128xf32, #tpu.memory_space<vmem>>, vector<1x16xf32>,
    %swap3A_629 = vector.shape_cast %swap3A_628 : vector<1x16xf32> to vector<16xf32>
    %swap3A_630 = vector.shape_cast %broadcast_in_dim3A_1 : vector<16xf32> to vector<1x16xf32>
    tpu.vector_store %arg12[%swap3A_626, %swap3A_627], %swap3A_630 {strides = array<i32>} : memref<16x128xf32, #tpu.memory_space<vmem>>, vector<1x16xf32>,
    %swap3A_631 = arith.constant 11 : i32
    %swap3A_632 = arith.index_cast %swap3A_631 : i32 to index
    %swap3A_633 = arith.constant 96 : index
    %swap3A_634 = tpu.vector_load %arg12[%swap3A_632, %swap3A_633] {strides = array<i32>} : memref<16x128xf32, #tpu.memory_space<vmem>>, vector<1x16xf32>,
    %swap3A_635 = vector.shape_cast %swap3A_634 : vector<1x16xf32> to vector<16xf32>
    %swap3A_636 = vector.shape_cast %broadcast_in_dim3A_1 : vector<16xf32> to vector<1x16xf32>
    tpu.vector_store %arg12[%swap3A_632, %swap3A_633], %swap3A_636 {strides = array<i32>} : memref<16x128xf32, #tpu.memory_space<vmem>>, vector<1x16xf32>,
    %swap3A_637 = arith.constant 11 : i32
    %swap3A_638 = arith.index_cast %swap3A_637 : i32 to index
    %swap3A_639 = arith.constant 112 : index
    %swap3A_640 = tpu.vector_load %arg12[%swap3A_638, %swap3A_639] {strides = array<i32>} : memref<16x128xf32, #tpu.memory_space<vmem>>, vector<1x16xf32>,
    %swap3A_641 = vector.shape_cast %swap3A_640 : vector<1x16xf32> to vector<16xf32>
    %swap3A_642 = vector.shape_cast %broadcast_in_dim3A_1 : vector<16xf32> to vector<1x16xf32>
    tpu.vector_store %arg12[%swap3A_638, %swap3A_639], %swap3A_642 {strides = array<i32>} : memref<16x128xf32, #tpu.memory_space<vmem>>, vector<1x16xf32>,
    %swap3A_643 = arith.constant 12 : i32
    %swap3A_644 = arith.index_cast %swap3A_643 : i32 to index
    %swap3A_645 = arith.constant 0 : index
    %swap3A_646 = tpu.vector_load %arg12[%swap3A_644, %swap3A_645] {strides = array<i32>} : memref<16x128xf32, #tpu.memory_space<vmem>>, vector<1x16xf32>,
    %swap3A_647 = vector.shape_cast %swap3A_646 : vector<1x16xf32> to vector<16xf32>
    %swap3A_648 = vector.shape_cast %broadcast_in_dim3A_1 : vector<16xf32> to vector<1x16xf32>
    tpu.vector_store %arg12[%swap3A_644, %swap3A_645], %swap3A_648 {strides = array<i32>} : memref<16x128xf32, #tpu.memory_space<vmem>>, vector<1x16xf32>,
    %swap3A_649 = arith.constant 12 : i32
    %swap3A_650 = arith.index_cast %swap3A_649 : i32 to index
    %swap3A_651 = arith.constant 16 : index
    %swap3A_652 = tpu.vector_load %arg12[%swap3A_650, %swap3A_651] {strides = array<i32>} : memref<16x128xf32, #tpu.memory_space<vmem>>, vector<1x16xf32>,
    %swap3A_653 = vector.shape_cast %swap3A_652 : vector<1x16xf32> to vector<16xf32>
    %swap3A_654 = vector.shape_cast %broadcast_in_dim3A_1 : vector<16xf32> to vector<1x16xf32>
    tpu.vector_store %arg12[%swap3A_650, %swap3A_651], %swap3A_654 {strides = array<i32>} : memref<16x128xf32, #tpu.memory_space<vmem>>, vector<1x16xf32>,
    %swap3A_655 = arith.constant 12 : i32
    %swap3A_656 = arith.index_cast %swap3A_655 : i32 to index
    %swap3A_657 = arith.constant 32 : index
    %swap3A_658 = tpu.vector_load %arg12[%swap3A_656, %swap3A_657] {strides = array<i32>} : memref<16x128xf32, #tpu.memory_space<vmem>>, vector<1x16xf32>,
    %swap3A_659 = vector.shape_cast %swap3A_658 : vector<1x16xf32> to vector<16xf32>
    %swap3A_660 = vector.shape_cast %broadcast_in_dim3A_1 : vector<16xf32> to vector<1x16xf32>
    tpu.vector_store %arg12[%swap3A_656, %swap3A_657], %swap3A_660 {strides = array<i32>} : memref<16x128xf32, #tpu.memory_space<vmem>>, vector<1x16xf32>,
    %swap3A_661 = arith.constant 12 : i32
    %swap3A_662 = arith.index_cast %swap3A_661 : i32 to index
    %swap3A_663 = arith.constant 48 : index
    %swap3A_664 = tpu.vector_load %arg12[%swap3A_662, %swap3A_663] {strides = array<i32>} : memref<16x128xf32, #tpu.memory_space<vmem>>, vector<1x16xf32>,
    %swap3A_665 = vector.shape_cast %swap3A_664 : vector<1x16xf32> to vector<16xf32>
    %swap3A_666 = vector.shape_cast %broadcast_in_dim3A_1 : vector<16xf32> to vector<1x16xf32>
    tpu.vector_store %arg12[%swap3A_662, %swap3A_663], %swap3A_666 {strides = array<i32>} : memref<16x128xf32, #tpu.memory_space<vmem>>, vector<1x16xf32>,
    %swap3A_667 = arith.constant 12 : i32
    %swap3A_668 = arith.index_cast %swap3A_667 : i32 to index
    %swap3A_669 = arith.constant 64 : index
    %swap3A_670 = tpu.vector_load %arg12[%swap3A_668, %swap3A_669] {strides = array<i32>} : memref<16x128xf32, #tpu.memory_space<vmem>>, vector<1x16xf32>,
    %swap3A_671 = vector.shape_cast %swap3A_670 : vector<1x16xf32> to vector<16xf32>
    %swap3A_672 = vector.shape_cast %broadcast_in_dim3A_1 : vector<16xf32> to vector<1x16xf32>
    tpu.vector_store %arg12[%swap3A_668, %swap3A_669], %swap3A_672 {strides = array<i32>} : memref<16x128xf32, #tpu.memory_space<vmem>>, vector<1x16xf32>,
    %swap3A_673 = arith.constant 12 : i32
    %swap3A_674 = arith.index_cast %swap3A_673 : i32 to index
    %swap3A_675 = arith.constant 80 : index
    %swap3A_676 = tpu.vector_load %arg12[%swap3A_674, %swap3A_675] {strides = array<i32>} : memref<16x128xf32, #tpu.memory_space<vmem>>, vector<1x16xf32>,
    %swap3A_677 = vector.shape_cast %swap3A_676 : vector<1x16xf32> to vector<16xf32>
    %swap3A_678 = vector.shape_cast %broadcast_in_dim3A_1 : vector<16xf32> to vector<1x16xf32>
    tpu.vector_store %arg12[%swap3A_674, %swap3A_675], %swap3A_678 {strides = array<i32>} : memref<16x128xf32, #tpu.memory_space<vmem>>, vector<1x16xf32>,
    %swap3A_679 = arith.constant 12 : i32
    %swap3A_680 = arith.index_cast %swap3A_679 : i32 to index
    %swap3A_681 = arith.constant 96 : index
    %swap3A_682 = tpu.vector_load %arg12[%swap3A_680, %swap3A_681] {strides = array<i32>} : memref<16x128xf32, #tpu.memory_space<vmem>>, vector<1x16xf32>,
    %swap3A_683 = vector.shape_cast %swap3A_682 : vector<1x16xf32> to vector<16xf32>
    %swap3A_684 = vector.shape_cast %broadcast_in_dim3A_1 : vector<16xf32> to vector<1x16xf32>
    tpu.vector_store %arg12[%swap3A_680, %swap3A_681], %swap3A_684 {strides = array<i32>} : memref<16x128xf32, #tpu.memory_space<vmem>>, vector<1x16xf32>,
    %swap3A_685 = arith.constant 12 : i32
    %swap3A_686 = arith.index_cast %swap3A_685 : i32 to index
    %swap3A_687 = arith.constant 112 : index
    %swap3A_688 = tpu.vector_load %arg12[%swap3A_686, %swap3A_687] {strides = array<i32>} : memref<16x128xf32, #tpu.memory_space<vmem>>, vector<1x16xf32>,
    %swap3A_689 = vector.shape_cast %swap3A_688 : vector<1x16xf32> to vector<16xf32>
    %swap3A_690 = vector.shape_cast %broadcast_in_dim3A_1 : vector<16xf32> to vector<1x16xf32>
    tpu.vector_store %arg12[%swap3A_686, %swap3A_687], %swap3A_690 {strides = array<i32>} : memref<16x128xf32, #tpu.memory_space<vmem>>, vector<1x16xf32>,
    %swap3A_691 = arith.constant 13 : i32
    %swap3A_692 = arith.index_cast %swap3A_691 : i32 to index
    %swap3A_693 = arith.constant 0 : index
    %swap3A_694 = tpu.vector_load %arg12[%swap3A_692, %swap3A_693] {strides = array<i32>} : memref<16x128xf32, #tpu.memory_space<vmem>>, vector<1x16xf32>,
    %swap3A_695 = vector.shape_cast %swap3A_694 : vector<1x16xf32> to vector<16xf32>
    %swap3A_696 = vector.shape_cast %broadcast_in_dim3A_1 : vector<16xf32> to vector<1x16xf32>
    tpu.vector_store %arg12[%swap3A_692, %swap3A_693], %swap3A_696 {strides = array<i32>} : memref<16x128xf32, #tpu.memory_space<vmem>>, vector<1x16xf32>,
    %swap3A_697 = arith.constant 13 : i32
    %swap3A_698 = arith.index_cast %swap3A_697 : i32 to index
    %swap3A_699 = arith.constant 16 : index
    %swap3A_700 = tpu.vector_load %arg12[%swap3A_698, %swap3A_699] {strides = array<i32>} : memref<16x128xf32, #tpu.memory_space<vmem>>, vector<1x16xf32>,
    %swap3A_701 = vector.shape_cast %swap3A_700 : vector<1x16xf32> to vector<16xf32>
    %swap3A_702 = vector.shape_cast %broadcast_in_dim3A_1 : vector<16xf32> to vector<1x16xf32>
    tpu.vector_store %arg12[%swap3A_698, %swap3A_699], %swap3A_702 {strides = array<i32>} : memref<16x128xf32, #tpu.memory_space<vmem>>, vector<1x16xf32>,
    %swap3A_703 = arith.constant 13 : i32
    %swap3A_704 = arith.index_cast %swap3A_703 : i32 to index
    %swap3A_705 = arith.constant 32 : index
    %swap3A_706 = tpu.vector_load %arg12[%swap3A_704, %swap3A_705] {strides = array<i32>} : memref<16x128xf32, #tpu.memory_space<vmem>>, vector<1x16xf32>,
    %swap3A_707 = vector.shape_cast %swap3A_706 : vector<1x16xf32> to vector<16xf32>
    %swap3A_708 = vector.shape_cast %broadcast_in_dim3A_1 : vector<16xf32> to vector<1x16xf32>
    tpu.vector_store %arg12[%swap3A_704, %swap3A_705], %swap3A_708 {strides = array<i32>} : memref<16x128xf32, #tpu.memory_space<vmem>>, vector<1x16xf32>,
    %swap3A_709 = arith.constant 13 : i32
    %swap3A_710 = arith.index_cast %swap3A_709 : i32 to index
    %swap3A_711 = arith.constant 48 : index
    %swap3A_712 = tpu.vector_load %arg12[%swap3A_710, %swap3A_711] {strides = array<i32>} : memref<16x128xf32, #tpu.memory_space<vmem>>, vector<1x16xf32>,
    %swap3A_713 = vector.shape_cast %swap3A_712 : vector<1x16xf32> to vector<16xf32>
    %swap3A_714 = vector.shape_cast %broadcast_in_dim3A_1 : vector<16xf32> to vector<1x16xf32>
    tpu.vector_store %arg12[%swap3A_710, %swap3A_711], %swap3A_714 {strides = array<i32>} : memref<16x128xf32, #tpu.memory_space<vmem>>, vector<1x16xf32>,
    %swap3A_715 = arith.constant 13 : i32
    %swap3A_716 = arith.index_cast %swap3A_715 : i32 to index
    %swap3A_717 = arith.constant 64 : index
    %swap3A_718 = tpu.vector_load %arg12[%swap3A_716, %swap3A_717] {strides = array<i32>} : memref<16x128xf32, #tpu.memory_space<vmem>>, vector<1x16xf32>,
    %swap3A_719 = vector.shape_cast %swap3A_718 : vector<1x16xf32> to vector<16xf32>
    %swap3A_720 = vector.shape_cast %broadcast_in_dim3A_1 : vector<16xf32> to vector<1x16xf32>
    tpu.vector_store %arg12[%swap3A_716, %swap3A_717], %swap3A_720 {strides = array<i32>} : memref<16x128xf32, #tpu.memory_space<vmem>>, vector<1x16xf32>,
    %swap3A_721 = arith.constant 13 : i32
    %swap3A_722 = arith.index_cast %swap3A_721 : i32 to index
    %swap3A_723 = arith.constant 80 : index
    %swap3A_724 = tpu.vector_load %arg12[%swap3A_722, %swap3A_723] {strides = array<i32>} : memref<16x128xf32, #tpu.memory_space<vmem>>, vector<1x16xf32>,
    %swap3A_725 = vector.shape_cast %swap3A_724 : vector<1x16xf32> to vector<16xf32>
    %swap3A_726 = vector.shape_cast %broadcast_in_dim3A_1 : vector<16xf32> to vector<1x16xf32>
    tpu.vector_store %arg12[%swap3A_722, %swap3A_723], %swap3A_726 {strides = array<i32>} : memref<16x128xf32, #tpu.memory_space<vmem>>, vector<1x16xf32>,
    %swap3A_727 = arith.constant 13 : i32
    %swap3A_728 = arith.index_cast %swap3A_727 : i32 to index
    %swap3A_729 = arith.constant 96 : index
    %swap3A_730 = tpu.vector_load %arg12[%swap3A_728, %swap3A_729] {strides = array<i32>} : memref<16x128xf32, #tpu.memory_space<vmem>>, vector<1x16xf32>,
    %swap3A_731 = vector.shape_cast %swap3A_730 : vector<1x16xf32> to vector<16xf32>
    %swap3A_732 = vector.shape_cast %broadcast_in_dim3A_1 : vector<16xf32> to vector<1x16xf32>
    tpu.vector_store %arg12[%swap3A_728, %swap3A_729], %swap3A_732 {strides = array<i32>} : memref<16x128xf32, #tpu.memory_space<vmem>>, vector<1x16xf32>,
    %swap3A_733 = arith.constant 13 : i32
    %swap3A_734 = arith.index_cast %swap3A_733 : i32 to index
    %swap3A_735 = arith.constant 112 : index
    %swap3A_736 = tpu.vector_load %arg12[%swap3A_734, %swap3A_735] {strides = array<i32>} : memref<16x128xf32, #tpu.memory_space<vmem>>, vector<1x16xf32>,
    %swap3A_737 = vector.shape_cast %swap3A_736 : vector<1x16xf32> to vector<16xf32>
    %swap3A_738 = vector.shape_cast %broadcast_in_dim3A_1 : vector<16xf32> to vector<1x16xf32>
    tpu.vector_store %arg12[%swap3A_734, %swap3A_735], %swap3A_738 {strides = array<i32>} : memref<16x128xf32, #tpu.memory_space<vmem>>, vector<1x16xf32>,
    %swap3A_739 = arith.constant 14 : i32
    %swap3A_740 = arith.index_cast %swap3A_739 : i32 to index
    %swap3A_741 = arith.constant 0 : index
    %swap3A_742 = tpu.vector_load %arg12[%swap3A_740, %swap3A_741] {strides = array<i32>} : memref<16x128xf32, #tpu.memory_space<vmem>>, vector<1x16xf32>,
    %swap3A_743 = vector.shape_cast %swap3A_742 : vector<1x16xf32> to vector<16xf32>
    %swap3A_744 = vector.shape_cast %broadcast_in_dim3A_1 : vector<16xf32> to vector<1x16xf32>
    tpu.vector_store %arg12[%swap3A_740, %swap3A_741], %swap3A_744 {strides = array<i32>} : memref<16x128xf32, #tpu.memory_space<vmem>>, vector<1x16xf32>,
    %swap3A_745 = arith.constant 14 : i32
    %swap3A_746 = arith.index_cast %swap3A_745 : i32 to index
    %swap3A_747 = arith.constant 16 : index
    %swap3A_748 = tpu.vector_load %arg12[%swap3A_746, %swap3A_747] {strides = array<i32>} : memref<16x128xf32, #tpu.memory_space<vmem>>, vector<1x16xf32>,
    %swap3A_749 = vector.shape_cast %swap3A_748 : vector<1x16xf32> to vector<16xf32>
    %swap3A_750 = vector.shape_cast %broadcast_in_dim3A_1 : vector<16xf32> to vector<1x16xf32>
    tpu.vector_store %arg12[%swap3A_746, %swap3A_747], %swap3A_750 {strides = array<i32>} : memref<16x128xf32, #tpu.memory_space<vmem>>, vector<1x16xf32>,
    %swap3A_751 = arith.constant 14 : i32
    %swap3A_752 = arith.index_cast %swap3A_751 : i32 to index
    %swap3A_753 = arith.constant 32 : index
    %swap3A_754 = tpu.vector_load %arg12[%swap3A_752, %swap3A_753] {strides = array<i32>} : memref<16x128xf32, #tpu.memory_space<vmem>>, vector<1x16xf32>,
    %swap3A_755 = vector.shape_cast %swap3A_754 : vector<1x16xf32> to vector<16xf32>
    %swap3A_756 = vector.shape_cast %broadcast_in_dim3A_1 : vector<16xf32> to vector<1x16xf32>
    tpu.vector_store %arg12[%swap3A_752, %swap3A_753], %swap3A_756 {strides = array<i32>} : memref<16x128xf32, #tpu.memory_space<vmem>>, vector<1x16xf32>,
    %swap3A_757 = arith.constant 14 : i32
    %swap3A_758 = arith.index_cast %swap3A_757 : i32 to index
    %swap3A_759 = arith.constant 48 : index
    %swap3A_760 = tpu.vector_load %arg12[%swap3A_758, %swap3A_759] {strides = array<i32>} : memref<16x128xf32, #tpu.memory_space<vmem>>, vector<1x16xf32>,
    %swap3A_761 = vector.shape_cast %swap3A_760 : vector<1x16xf32> to vector<16xf32>
    %swap3A_762 = vector.shape_cast %broadcast_in_dim3A_1 : vector<16xf32> to vector<1x16xf32>
    tpu.vector_store %arg12[%swap3A_758, %swap3A_759], %swap3A_762 {strides = array<i32>} : memref<16x128xf32, #tpu.memory_space<vmem>>, vector<1x16xf32>,
    %swap3A_763 = arith.constant 14 : i32
    %swap3A_764 = arith.index_cast %swap3A_763 : i32 to index
    %swap3A_765 = arith.constant 64 : index
    %swap3A_766 = tpu.vector_load %arg12[%swap3A_764, %swap3A_765] {strides = array<i32>} : memref<16x128xf32, #tpu.memory_space<vmem>>, vector<1x16xf32>,
    %swap3A_767 = vector.shape_cast %swap3A_766 : vector<1x16xf32> to vector<16xf32>
    %swap3A_768 = vector.shape_cast %broadcast_in_dim3A_1 : vector<16xf32> to vector<1x16xf32>
    tpu.vector_store %arg12[%swap3A_764, %swap3A_765], %swap3A_768 {strides = array<i32>} : memref<16x128xf32, #tpu.memory_space<vmem>>, vector<1x16xf32>,
    %swap3A_769 = arith.constant 14 : i32
    %swap3A_770 = arith.index_cast %swap3A_769 : i32 to index
    %swap3A_771 = arith.constant 80 : index
    %swap3A_772 = tpu.vector_load %arg12[%swap3A_770, %swap3A_771] {strides = array<i32>} : memref<16x128xf32, #tpu.memory_space<vmem>>, vector<1x16xf32>,
    %swap3A_773 = vector.shape_cast %swap3A_772 : vector<1x16xf32> to vector<16xf32>
    %swap3A_774 = vector.shape_cast %broadcast_in_dim3A_1 : vector<16xf32> to vector<1x16xf32>
    tpu.vector_store %arg12[%swap3A_770, %swap3A_771], %swap3A_774 {strides = array<i32>} : memref<16x128xf32, #tpu.memory_space<vmem>>, vector<1x16xf32>,
    %swap3A_775 = arith.constant 14 : i32
    %swap3A_776 = arith.index_cast %swap3A_775 : i32 to index
    %swap3A_777 = arith.constant 96 : index
    %swap3A_778 = tpu.vector_load %arg12[%swap3A_776, %swap3A_777] {strides = array<i32>} : memref<16x128xf32, #tpu.memory_space<vmem>>, vector<1x16xf32>,
    %swap3A_779 = vector.shape_cast %swap3A_778 : vector<1x16xf32> to vector<16xf32>
    %swap3A_780 = vector.shape_cast %broadcast_in_dim3A_1 : vector<16xf32> to vector<1x16xf32>
    tpu.vector_store %arg12[%swap3A_776, %swap3A_777], %swap3A_780 {strides = array<i32>} : memref<16x128xf32, #tpu.memory_space<vmem>>, vector<1x16xf32>,
    %swap3A_781 = arith.constant 14 : i32
    %swap3A_782 = arith.index_cast %swap3A_781 : i32 to index
    %swap3A_783 = arith.constant 112 : index
    %swap3A_784 = tpu.vector_load %arg12[%swap3A_782, %swap3A_783] {strides = array<i32>} : memref<16x128xf32, #tpu.memory_space<vmem>>, vector<1x16xf32>,
    %swap3A_785 = vector.shape_cast %swap3A_784 : vector<1x16xf32> to vector<16xf32>
    %swap3A_786 = vector.shape_cast %broadcast_in_dim3A_1 : vector<16xf32> to vector<1x16xf32>
    tpu.vector_store %arg12[%swap3A_782, %swap3A_783], %swap3A_786 {strides = array<i32>} : memref<16x128xf32, #tpu.memory_space<vmem>>, vector<1x16xf32>,
    %swap3A_787 = arith.constant 15 : i32
    %swap3A_788 = arith.index_cast %swap3A_787 : i32 to index
    %swap3A_789 = arith.constant 0 : index
    %swap3A_790 = tpu.vector_load %arg12[%swap3A_788, %swap3A_789] {strides = array<i32>} : memref<16x128xf32, #tpu.memory_space<vmem>>, vector<1x16xf32>,
    %swap3A_791 = vector.shape_cast %swap3A_790 : vector<1x16xf32> to vector<16xf32>
    %swap3A_792 = vector.shape_cast %broadcast_in_dim3A_1 : vector<16xf32> to vector<1x16xf32>
    tpu.vector_store %arg12[%swap3A_788, %swap3A_789], %swap3A_792 {strides = array<i32>} : memref<16x128xf32, #tpu.memory_space<vmem>>, vector<1x16xf32>,
    %swap3A_793 = arith.constant 15 : i32
    %swap3A_794 = arith.index_cast %swap3A_793 : i32 to index
    %swap3A_795 = arith.constant 16 : index
    %swap3A_796 = tpu.vector_load %arg12[%swap3A_794, %swap3A_795] {strides = array<i32>} : memref<16x128xf32, #tpu.memory_space<vmem>>, vector<1x16xf32>,
    %swap3A_797 = vector.shape_cast %swap3A_796 : vector<1x16xf32> to vector<16xf32>
    %swap3A_798 = vector.shape_cast %broadcast_in_dim3A_1 : vector<16xf32> to vector<1x16xf32>
    tpu.vector_store %arg12[%swap3A_794, %swap3A_795], %swap3A_798 {strides = array<i32>} : memref<16x128xf32, #tpu.memory_space<vmem>>, vector<1x16xf32>,
    %swap3A_799 = arith.constant 15 : i32
    %swap3A_800 = arith.index_cast %swap3A_799 : i32 to index
    %swap3A_801 = arith.constant 32 : index
    %swap3A_802 = tpu.vector_load %arg12[%swap3A_800, %swap3A_801] {strides = array<i32>} : memref<16x128xf32, #tpu.memory_space<vmem>>, vector<1x16xf32>,
    %swap3A_803 = vector.shape_cast %swap3A_802 : vector<1x16xf32> to vector<16xf32>
    %swap3A_804 = vector.shape_cast %broadcast_in_dim3A_1 : vector<16xf32> to vector<1x16xf32>
    tpu.vector_store %arg12[%swap3A_800, %swap3A_801], %swap3A_804 {strides = array<i32>} : memref<16x128xf32, #tpu.memory_space<vmem>>, vector<1x16xf32>,
    %swap3A_805 = arith.constant 15 : i32
    %swap3A_806 = arith.index_cast %swap3A_805 : i32 to index
    %swap3A_807 = arith.constant 48 : index
    %swap3A_808 = tpu.vector_load %arg12[%swap3A_806, %swap3A_807] {strides = array<i32>} : memref<16x128xf32, #tpu.memory_space<vmem>>, vector<1x16xf32>,
    %swap3A_809 = vector.shape_cast %swap3A_808 : vector<1x16xf32> to vector<16xf32>
    %swap3A_810 = vector.shape_cast %broadcast_in_dim3A_1 : vector<16xf32> to vector<1x16xf32>
    tpu.vector_store %arg12[%swap3A_806, %swap3A_807], %swap3A_810 {strides = array<i32>} : memref<16x128xf32, #tpu.memory_space<vmem>>, vector<1x16xf32>,
    %swap3A_811 = arith.constant 15 : i32
    %swap3A_812 = arith.index_cast %swap3A_811 : i32 to index
    %swap3A_813 = arith.constant 64 : index
    %swap3A_814 = tpu.vector_load %arg12[%swap3A_812, %swap3A_813] {strides = array<i32>} : memref<16x128xf32, #tpu.memory_space<vmem>>, vector<1x16xf32>,
    %swap3A_815 = vector.shape_cast %swap3A_814 : vector<1x16xf32> to vector<16xf32>
    %swap3A_816 = vector.shape_cast %broadcast_in_dim3A_1 : vector<16xf32> to vector<1x16xf32>
    tpu.vector_store %arg12[%swap3A_812, %swap3A_813], %swap3A_816 {strides = array<i32>} : memref<16x128xf32, #tpu.memory_space<vmem>>, vector<1x16xf32>,
    %swap3A_817 = arith.constant 15 : i32
    %swap3A_818 = arith.index_cast %swap3A_817 : i32 to index
    %swap3A_819 = arith.constant 80 : index
    %swap3A_820 = tpu.vector_load %arg12[%swap3A_818, %swap3A_819] {strides = array<i32>} : memref<16x128xf32, #tpu.memory_space<vmem>>, vector<1x16xf32>,
    %swap3A_821 = vector.shape_cast %swap3A_820 : vector<1x16xf32> to vector<16xf32>
    %swap3A_822 = vector.shape_cast %broadcast_in_dim3A_1 : vector<16xf32> to vector<1x16xf32>
    tpu.vector_store %arg12[%swap3A_818, %swap3A_819], %swap3A_822 {strides = array<i32>} : memref<16x128xf32, #tpu.memory_space<vmem>>, vector<1x16xf32>,
    %swap3A_823 = arith.constant 15 : i32
    %swap3A_824 = arith.index_cast %swap3A_823 : i32 to index
    %swap3A_825 = arith.constant 96 : index
    %swap3A_826 = tpu.vector_load %arg12[%swap3A_824, %swap3A_825] {strides = array<i32>} : memref<16x128xf32, #tpu.memory_space<vmem>>, vector<1x16xf32>,
    %swap3A_827 = vector.shape_cast %swap3A_826 : vector<1x16xf32> to vector<16xf32>
    %swap3A_828 = vector.shape_cast %broadcast_in_dim3A_1 : vector<16xf32> to vector<1x16xf32>
    tpu.vector_store %arg12[%swap3A_824, %swap3A_825], %swap3A_828 {strides = array<i32>} : memref<16x128xf32, #tpu.memory_space<vmem>>, vector<1x16xf32>,
    %swap3A_829 = arith.constant 15 : i32
    %swap3A_830 = arith.index_cast %swap3A_829 : i32 to index
    %swap3A_831 = arith.constant 112 : index
    %swap3A_832 = tpu.vector_load %arg12[%swap3A_830, %swap3A_831] {strides = array<i32>} : memref<16x128xf32, #tpu.memory_space<vmem>>, vector<1x16xf32>,
    %swap3A_833 = vector.shape_cast %swap3A_832 : vector<1x16xf32> to vector<16xf32>
    %swap3A_834 = vector.shape_cast %broadcast_in_dim3A_1 : vector<16xf32> to vector<1x16xf32>
    tpu.vector_store %arg12[%swap3A_830, %swap3A_831], %swap3A_834 {strides = array<i32>} : memref<16x128xf32, #tpu.memory_space<vmem>>, vector<1x16xf32>,
    %mul3A_835 = arith.constant 64 : i32
    %mul3A_836 = arith.muli %arg1, %mul3A_835 : i32
    %add3A_837 = arith.constant 0 : i32
    %add3A_838 = arith.addi %mul3A_836, %add3A_837 : i32
    "tpu.region"() ({
      %run_scoped3A = tpu.sem_alloc : memref<!tpu.dma_semaphore, #tpu.memory_space<semaphore_mem>>
      %dma_start3A = arith.constant 0 : i32
      %dma_start3A_867 = tpu.memref_slice %arg13[%add3A_838, %dma_start3A] : memref<1024x128xf32, #tpu.memory_space<vmem_shared>> -> memref<16x128xf32, #tpu.memory_space<vmem_shared>>
      %dma_start3A_868 = arith.constant 0 : i32
      %dma_start3A_869 = tpu.memref_slice %arg13[%add3A_838, %dma_start3A_868] : memref<1024x128xf32, #tpu.memory_space<vmem_shared>> -> memref<16x128xf32, #tpu.memory_space<vmem_shared>>
      tpu.enqueue_dma source(%arg12 : memref<16x128xf32, #tpu.memory_space<vmem>>) target(%dma_start3A_869 : memref<16x128xf32, #tpu.memory_space<vmem_shared>>) target_semaphore(%run_scoped3A : memref<!tpu.dma_semaphore, #tpu.memory_space<semaphore_mem>>)
      %dma_wait3A = arith.constant 0 : i32
      %dma_wait3A_870 = tpu.memref_slice %arg13[%add3A_838, %dma_wait3A] : memref<1024x128xf32, #tpu.memory_space<vmem_shared>> -> memref<16x128xf32, #tpu.memory_space<vmem_shared>>
      %dma_wait3A_871 = arith.constant 0 : i32
      %dma_wait3A_872 = tpu.memref_slice %arg13[%add3A_838, %dma_wait3A_871] : memref<1024x128xf32, #tpu.memory_space<vmem_shared>> -> memref<16x128xf32, #tpu.memory_space<vmem_shared>>
      tpu.wait_dma2 semaphore(%run_scoped3A : memref<!tpu.dma_semaphore, #tpu.memory_space<semaphore_mem>>) src(%arg12 : memref<16x128xf32, #tpu.memory_space<vmem>>) dst(%dma_wait3A_872 : memref<16x128xf32, #tpu.memory_space<vmem_shared>>)
      tpu.yield
    }) : () -> ()
    %mul3A_839 = arith.constant 64 : i32
    %mul3A_840 = arith.muli %arg1, %mul3A_839 : i32
    %add3A_841 = arith.constant 16 : i32
    %add3A_842 = arith.addi %mul3A_840, %add3A_841 : i32
    "tpu.region"() ({
      %run_scoped3A = tpu.sem_alloc : memref<!tpu.dma_semaphore, #tpu.memory_space<semaphore_mem>>
      %dma_start3A = arith.constant 0 : i32
      %dma_start3A_867 = tpu.memref_slice %arg13[%add3A_842, %dma_start3A] : memref<1024x128xf32, #tpu.memory_space<vmem_shared>> -> memref<16x128xf32, #tpu.memory_space<vmem_shared>>
      %dma_start3A_868 = arith.constant 0 : i32
      %dma_start3A_869 = tpu.memref_slice %arg13[%add3A_842, %dma_start3A_868] : memref<1024x128xf32, #tpu.memory_space<vmem_shared>> -> memref<16x128xf32, #tpu.memory_space<vmem_shared>>
      tpu.enqueue_dma source(%arg12 : memref<16x128xf32, #tpu.memory_space<vmem>>) target(%dma_start3A_869 : memref<16x128xf32, #tpu.memory_space<vmem_shared>>) target_semaphore(%run_scoped3A : memref<!tpu.dma_semaphore, #tpu.memory_space<semaphore_mem>>)
      %dma_wait3A = arith.constant 0 : i32
      %dma_wait3A_870 = tpu.memref_slice %arg13[%add3A_842, %dma_wait3A] : memref<1024x128xf32, #tpu.memory_space<vmem_shared>> -> memref<16x128xf32, #tpu.memory_space<vmem_shared>>
      %dma_wait3A_871 = arith.constant 0 : i32
      %dma_wait3A_872 = tpu.memref_slice %arg13[%add3A_842, %dma_wait3A_871] : memref<1024x128xf32, #tpu.memory_space<vmem_shared>> -> memref<16x128xf32, #tpu.memory_space<vmem_shared>>
      tpu.wait_dma2 semaphore(%run_scoped3A : memref<!tpu.dma_semaphore, #tpu.memory_space<semaphore_mem>>) src(%arg12 : memref<16x128xf32, #tpu.memory_space<vmem>>) dst(%dma_wait3A_872 : memref<16x128xf32, #tpu.memory_space<vmem_shared>>)
      tpu.yield
    }) : () -> ()
    %mul3A_843 = arith.constant 64 : i32
    %mul3A_844 = arith.muli %arg1, %mul3A_843 : i32
    %add3A_845 = arith.constant 32 : i32
    %add3A_846 = arith.addi %mul3A_844, %add3A_845 : i32
    "tpu.region"() ({
      %run_scoped3A = tpu.sem_alloc : memref<!tpu.dma_semaphore, #tpu.memory_space<semaphore_mem>>
      %dma_start3A = arith.constant 0 : i32
      %dma_start3A_867 = tpu.memref_slice %arg13[%add3A_846, %dma_start3A] : memref<1024x128xf32, #tpu.memory_space<vmem_shared>> -> memref<16x128xf32, #tpu.memory_space<vmem_shared>>
      %dma_start3A_868 = arith.constant 0 : i32
      %dma_start3A_869 = tpu.memref_slice %arg13[%add3A_846, %dma_start3A_868] : memref<1024x128xf32, #tpu.memory_space<vmem_shared>> -> memref<16x128xf32, #tpu.memory_space<vmem_shared>>
      tpu.enqueue_dma source(%arg12 : memref<16x128xf32, #tpu.memory_space<vmem>>) target(%dma_start3A_869 : memref<16x128xf32, #tpu.memory_space<vmem_shared>>) target_semaphore(%run_scoped3A : memref<!tpu.dma_semaphore, #tpu.memory_space<semaphore_mem>>)
      %dma_wait3A = arith.constant 0 : i32
      %dma_wait3A_870 = tpu.memref_slice %arg13[%add3A_846, %dma_wait3A] : memref<1024x128xf32, #tpu.memory_space<vmem_shared>> -> memref<16x128xf32, #tpu.memory_space<vmem_shared>>
      %dma_wait3A_871 = arith.constant 0 : i32
      %dma_wait3A_872 = tpu.memref_slice %arg13[%add3A_846, %dma_wait3A_871] : memref<1024x128xf32, #tpu.memory_space<vmem_shared>> -> memref<16x128xf32, #tpu.memory_space<vmem_shared>>
      tpu.wait_dma2 semaphore(%run_scoped3A : memref<!tpu.dma_semaphore, #tpu.memory_space<semaphore_mem>>) src(%arg12 : memref<16x128xf32, #tpu.memory_space<vmem>>) dst(%dma_wait3A_872 : memref<16x128xf32, #tpu.memory_space<vmem_shared>>)
      tpu.yield
    }) : () -> ()
    %mul3A_847 = arith.constant 64 : i32
    %mul3A_848 = arith.muli %arg1, %mul3A_847 : i32
    %add3A_849 = arith.constant 48 : i32
    %add3A_850 = arith.addi %mul3A_848, %add3A_849 : i32
    "tpu.region"() ({
      %run_scoped3A = tpu.sem_alloc : memref<!tpu.dma_semaphore, #tpu.memory_space<semaphore_mem>>
      %dma_start3A = arith.constant 0 : i32
      %dma_start3A_867 = tpu.memref_slice %arg13[%add3A_850, %dma_start3A] : memref<1024x128xf32, #tpu.memory_space<vmem_shared>> -> memref<16x128xf32, #tpu.memory_space<vmem_shared>>
      %dma_start3A_868 = arith.constant 0 : i32
      %dma_start3A_869 = tpu.memref_slice %arg13[%add3A_850, %dma_start3A_868] : memref<1024x128xf32, #tpu.memory_space<vmem_shared>> -> memref<16x128xf32, #tpu.memory_space<vmem_shared>>
      tpu.enqueue_dma source(%arg12 : memref<16x128xf32, #tpu.memory_space<vmem>>) target(%dma_start3A_869 : memref<16x128xf32, #tpu.memory_space<vmem_shared>>) target_semaphore(%run_scoped3A : memref<!tpu.dma_semaphore, #tpu.memory_space<semaphore_mem>>)
      %dma_wait3A = arith.constant 0 : i32
      %dma_wait3A_870 = tpu.memref_slice %arg13[%add3A_850, %dma_wait3A] : memref<1024x128xf32, #tpu.memory_space<vmem_shared>> -> memref<16x128xf32, #tpu.memory_space<vmem_shared>>
      %dma_wait3A_871 = arith.constant 0 : i32
      %dma_wait3A_872 = tpu.memref_slice %arg13[%add3A_850, %dma_wait3A_871] : memref<1024x128xf32, #tpu.memory_space<vmem_shared>> -> memref<16x128xf32, #tpu.memory_space<vmem_shared>>
      tpu.wait_dma2 semaphore(%run_scoped3A : memref<!tpu.dma_semaphore, #tpu.memory_space<semaphore_mem>>) src(%arg12 : memref<16x128xf32, #tpu.memory_space<vmem>>) dst(%dma_wait3A_872 : memref<16x128xf32, #tpu.memory_space<vmem_shared>>)
      tpu.yield
    }) : () -> ()
    %mul3A_851 = arith.constant 128 : i32
    %mul3A_852 = arith.muli %arg1, %mul3A_851 : i32
    "tpu.region"() ({
      %run_scoped3A = tpu.sem_alloc : memref<!tpu.dma_semaphore, #tpu.memory_space<semaphore_mem>>
      %dma_start3A = tpu.memref_slice %arg14[%mul3A_852] : memref<2048xf32, #tpu.memory_space<vmem_shared>> -> memref<128xf32, #tpu.memory_space<vmem_shared>>
      %dma_start3A_867 = tpu.memref_slice %arg14[%mul3A_852] : memref<2048xf32, #tpu.memory_space<vmem_shared>> -> memref<128xf32, #tpu.memory_space<vmem_shared>>
      tpu.enqueue_dma source(%arg11 : memref<128xf32, #tpu.memory_space<vmem>>) target(%dma_start3A_867 : memref<128xf32, #tpu.memory_space<vmem_shared>>) target_semaphore(%run_scoped3A : memref<!tpu.dma_semaphore, #tpu.memory_space<semaphore_mem>>)
      %dma_wait3A = tpu.memref_slice %arg14[%mul3A_852] : memref<2048xf32, #tpu.memory_space<vmem_shared>> -> memref<128xf32, #tpu.memory_space<vmem_shared>>
      %dma_wait3A_868 = tpu.memref_slice %arg14[%mul3A_852] : memref<2048xf32, #tpu.memory_space<vmem_shared>> -> memref<128xf32, #tpu.memory_space<vmem_shared>>
      tpu.wait_dma2 semaphore(%run_scoped3A : memref<!tpu.dma_semaphore, #tpu.memory_space<semaphore_mem>>) src(%arg11 : memref<128xf32, #tpu.memory_space<vmem>>) dst(%dma_wait3A_868 : memref<128xf32, #tpu.memory_space<vmem_shared>>)
      tpu.yield
    }) : () -> ()
    "tpu.region"() ({
      %run_scoped3A = tpu.sem_alloc : memref<!tpu.dma_semaphore, #tpu.memory_space<semaphore_mem>>
      %dma_start3A = arith.constant 0 : i32
      %dma_start3A_867 = arith.constant 0 : i32
      %dma_start3A_868 = tpu.memref_slice %arg3[%add3A, %dma_start3A, %dma_start3A_867] : memref<32x8x128xi32, #tpu.memory_space<hbm>> -> memref<1x8x128xi32, #tpu.memory_space<hbm>>
      %dma_start3A_869 = tpu.memref_squeeze %dma_start3A_868 : memref<1x8x128xi32, #tpu.memory_space<hbm>> -> memref<8x128xi32, #tpu.memory_space<hbm>>
      %dma_start3A_870 = arith.constant 0 : i32
      %dma_start3A_871 = arith.constant 0 : i32
      %dma_start3A_872 = tpu.memref_slice %arg3[%add3A, %dma_start3A_870, %dma_start3A_871] : memref<32x8x128xi32, #tpu.memory_space<hbm>> -> memref<1x8x128xi32, #tpu.memory_space<hbm>>
      %dma_start3A_873 = tpu.memref_squeeze %dma_start3A_872 : memref<1x8x128xi32, #tpu.memory_space<hbm>> -> memref<8x128xi32, #tpu.memory_space<hbm>>
      tpu.enqueue_dma source(%dma_start3A_873 : memref<8x128xi32, #tpu.memory_space<hbm>>) target(%arg7 : memref<8x128xi32, #tpu.memory_space<vmem>>) target_semaphore(%run_scoped3A : memref<!tpu.dma_semaphore, #tpu.memory_space<semaphore_mem>>)
      %dma_wait3A = arith.constant 0 : i32
      %dma_wait3A_874 = arith.constant 0 : i32
      %dma_wait3A_875 = tpu.memref_slice %arg3[%add3A, %dma_wait3A, %dma_wait3A_874] : memref<32x8x128xi32, #tpu.memory_space<hbm>> -> memref<1x8x128xi32, #tpu.memory_space<hbm>>
      %dma_wait3A_876 = tpu.memref_squeeze %dma_wait3A_875 : memref<1x8x128xi32, #tpu.memory_space<hbm>> -> memref<8x128xi32, #tpu.memory_space<hbm>>
      %dma_wait3A_877 = arith.constant 0 : i32
      %dma_wait3A_878 = arith.constant 0 : i32
      %dma_wait3A_879 = tpu.memref_slice %arg3[%add3A, %dma_wait3A_877, %dma_wait3A_878] : memref<32x8x128xi32, #tpu.memory_space<hbm>> -> memref<1x8x128xi32, #tpu.memory_space<hbm>>
      %dma_wait3A_880 = tpu.memref_squeeze %dma_wait3A_879 : memref<1x8x128xi32, #tpu.memory_space<hbm>> -> memref<8x128xi32, #tpu.memory_space<hbm>>
      tpu.wait_dma2 semaphore(%run_scoped3A : memref<!tpu.dma_semaphore, #tpu.memory_space<semaphore_mem>>) src(%dma_wait3A_880 : memref<8x128xi32, #tpu.memory_space<hbm>>) dst(%arg7 : memref<8x128xi32, #tpu.memory_space<vmem>>)
      tpu.yield
    }) : () -> ()
    "tpu.region"() ({
      %run_scoped3A = tpu.sem_alloc : memref<!tpu.dma_semaphore, #tpu.memory_space<semaphore_mem>>
      %dma_start3A = arith.constant 0 : i32
      %dma_start3A_867 = arith.constant 0 : i32
      %dma_start3A_868 = tpu.memref_slice %arg4[%add3A, %dma_start3A, %dma_start3A_867] : memref<32x8x128xi32, #tpu.memory_space<hbm>> -> memref<1x8x128xi32, #tpu.memory_space<hbm>>
      %dma_start3A_869 = tpu.memref_squeeze %dma_start3A_868 : memref<1x8x128xi32, #tpu.memory_space<hbm>> -> memref<8x128xi32, #tpu.memory_space<hbm>>
      %dma_start3A_870 = arith.constant 0 : i32
      %dma_start3A_871 = arith.constant 0 : i32
      %dma_start3A_872 = tpu.memref_slice %arg4[%add3A, %dma_start3A_870, %dma_start3A_871] : memref<32x8x128xi32, #tpu.memory_space<hbm>> -> memref<1x8x128xi32, #tpu.memory_space<hbm>>
      %dma_start3A_873 = tpu.memref_squeeze %dma_start3A_872 : memref<1x8x128xi32, #tpu.memory_space<hbm>> -> memref<8x128xi32, #tpu.memory_space<hbm>>
      tpu.enqueue_dma source(%dma_start3A_873 : memref<8x128xi32, #tpu.memory_space<hbm>>) target(%arg8 : memref<8x128xi32, #tpu.memory_space<vmem>>) target_semaphore(%run_scoped3A : memref<!tpu.dma_semaphore, #tpu.memory_space<semaphore_mem>>)
      %dma_wait3A = arith.constant 0 : i32
      %dma_wait3A_874 = arith.constant 0 : i32
      %dma_wait3A_875 = tpu.memref_slice %arg4[%add3A, %dma_wait3A, %dma_wait3A_874] : memref<32x8x128xi32, #tpu.memory_space<hbm>> -> memref<1x8x128xi32, #tpu.memory_space<hbm>>
      %dma_wait3A_876 = tpu.memref_squeeze %dma_wait3A_875 : memref<1x8x128xi32, #tpu.memory_space<hbm>> -> memref<8x128xi32, #tpu.memory_space<hbm>>
      %dma_wait3A_877 = arith.constant 0 : i32
      %dma_wait3A_878 = arith.constant 0 : i32
      %dma_wait3A_879 = tpu.memref_slice %arg4[%add3A, %dma_wait3A_877, %dma_wait3A_878] : memref<32x8x128xi32, #tpu.memory_space<hbm>> -> memref<1x8x128xi32, #tpu.memory_space<hbm>>
      %dma_wait3A_880 = tpu.memref_squeeze %dma_wait3A_879 : memref<1x8x128xi32, #tpu.memory_space<hbm>> -> memref<8x128xi32, #tpu.memory_space<hbm>>
      tpu.wait_dma2 semaphore(%run_scoped3A : memref<!tpu.dma_semaphore, #tpu.memory_space<semaphore_mem>>) src(%dma_wait3A_880 : memref<8x128xi32, #tpu.memory_space<hbm>>) dst(%arg8 : memref<8x128xi32, #tpu.memory_space<vmem>>)
      tpu.yield
    }) : () -> ()
    %barrier3A = arith.constant 0 : index
    tpu.barrier barrier_id(%barrier3A)
    %scan3A = arith.constant 0 : i32
    %scan3A_853 = arith.constant 0 : i32
    %scan3A_854 = arith.constant 8 : i32
    %scan3A_855 = arith.addi %scan3A_853, %scan3A_854 : i32
    %scan3A_856 = arith.constant 1 : i32
    scf.for %scan3A_867 = %scan3A_853 to %scan3A_855 step %scan3A_856  : i32 {
      %dma_start3A = arith.constant 0 : i32
      %dma_start3A_868 = tpu.memref_slice %arg7[%scan3A_867, %dma_start3A] : memref<8x128xi32, #tpu.memory_space<vmem>> -> memref<1x128xi32, #tpu.memory_space<vmem>>
      %dma_start3A_869 = tpu.memref_squeeze %dma_start3A_868 : memref<1x128xi32, #tpu.memory_space<vmem>> -> memref<128xi32, #tpu.memory_space<vmem>>
      %dma_start3A_870 = arith.constant 0 : i32
      %dma_start3A_871 = arith.constant 0 : i32
      %dma_start3A_872 = tpu.memref_slice %arg2[%dma_start3A_870, %dma_start3A_871] : memref<1024x128xf32, #tpu.memory_space<hbm>> -> memref<1024x128xf32, #tpu.memory_space<hbm>>
      tpu.enqueue_indirect_dma source(%dma_start3A_872 : memref<1024x128xf32, #tpu.memory_space<hbm>>) target(%arg9 : memref<128x128xf32, #tpu.memory_space<vmem>>) offsets(%dma_start3A_869 : memref<128xi32, #tpu.memory_space<vmem>>) semaphore(%arg15 : memref<!tpu.dma_semaphore, #tpu.memory_space<semaphore_mem>>)
      %dma_wait3A = arith.constant 0 : i32
      %dma_wait3A_873 = tpu.memref_slice %arg7[%scan3A_867, %dma_wait3A] : memref<8x128xi32, #tpu.memory_space<vmem>> -> memref<1x128xi32, #tpu.memory_space<vmem>>
      %dma_wait3A_874 = tpu.memref_squeeze %dma_wait3A_873 : memref<1x128xi32, #tpu.memory_space<vmem>> -> memref<128xi32, #tpu.memory_space<vmem>>
      %dma_wait3A_875 = arith.constant 0 : i32
      %dma_wait3A_876 = arith.constant 0 : i32
      %dma_wait3A_877 = tpu.memref_slice %arg2[%dma_wait3A_875, %dma_wait3A_876] : memref<1024x128xf32, #tpu.memory_space<hbm>> -> memref<1024x128xf32, #tpu.memory_space<hbm>>
      tpu.wait_indirect_dma semaphore(%arg15 : memref<!tpu.dma_semaphore, #tpu.memory_space<semaphore_mem>>) src(%dma_wait3A_877 : memref<1024x128xf32, #tpu.memory_space<hbm>>) dst(%arg9 : memref<128x128xf32, #tpu.memory_space<vmem>>)
      "tpu.region"() ({
        %run_scoped3A = tpu.sem_alloc : memref<!tpu.dma_semaphore, #tpu.memory_space<semaphore_mem>>
        %dma_start3A_878 = arith.constant 0 : i32
        %dma_start3A_879 = tpu.memref_slice %arg8[%scan3A_867, %dma_start3A_878] : memref<8x128xi32, #tpu.memory_space<vmem>> -> memref<1x128xi32, #tpu.memory_space<vmem>>
        %dma_start3A_880 = tpu.memref_squeeze %dma_start3A_879 : memref<1x128xi32, #tpu.memory_space<vmem>> -> memref<128xi32, #tpu.memory_space<vmem>>
        %dma_start3A_881 = arith.constant 0 : i32
        %dma_start3A_882 = arith.constant 0 : i32
        %dma_start3A_883 = tpu.memref_slice %arg13[%dma_start3A_881, %dma_start3A_882] : memref<1024x128xf32, #tpu.memory_space<vmem_shared>> -> memref<1024x128xf32, #tpu.memory_space<vmem_shared>>
        tpu.enqueue_indirect_dma source(%arg9 : memref<128x128xf32, #tpu.memory_space<vmem>>) target(%dma_start3A_883 : memref<1024x128xf32, #tpu.memory_space<vmem_shared>>) offsets(%dma_start3A_880 : memref<128xi32, #tpu.memory_space<vmem>>) semaphore(%run_scoped3A : memref<!tpu.dma_semaphore, #tpu.memory_space<semaphore_mem>>) {add = true}
        %dma_wait3A_884 = arith.constant 0 : i32
        %dma_wait3A_885 = tpu.memref_slice %arg8[%scan3A_867, %dma_wait3A_884] : memref<8x128xi32, #tpu.memory_space<vmem>> -> memref<1x128xi32, #tpu.memory_space<vmem>>
        %dma_wait3A_886 = tpu.memref_squeeze %dma_wait3A_885 : memref<1x128xi32, #tpu.memory_space<vmem>> -> memref<128xi32, #tpu.memory_space<vmem>>
        %dma_wait3A_887 = arith.constant 0 : i32
        %dma_wait3A_888 = arith.constant 0 : i32
        %dma_wait3A_889 = tpu.memref_slice %arg13[%dma_wait3A_887, %dma_wait3A_888] : memref<1024x128xf32, #tpu.memory_space<vmem_shared>> -> memref<1024x128xf32, #tpu.memory_space<vmem_shared>>
        tpu.wait_indirect_dma semaphore(%run_scoped3A : memref<!tpu.dma_semaphore, #tpu.memory_space<semaphore_mem>>) src(%arg9 : memref<128x128xf32, #tpu.memory_space<vmem>>) dst(%dma_wait3A_889 : memref<1024x128xf32, #tpu.memory_space<vmem_shared>>)
        tpu.yield
      }) : () -> ()
      "tpu.region"() ({
        %run_scoped3A = tpu.sem_alloc : memref<!tpu.dma_semaphore, #tpu.memory_space<semaphore_mem>>
        %dma_start3A_878 = arith.constant 0 : i32
        %dma_start3A_879 = tpu.memref_slice %arg8[%scan3A_867, %dma_start3A_878] : memref<8x128xi32, #tpu.memory_space<vmem>> -> memref<1x128xi32, #tpu.memory_space<vmem>>
        %dma_start3A_880 = tpu.memref_squeeze %dma_start3A_879 : memref<1x128xi32, #tpu.memory_space<vmem>> -> memref<128xi32, #tpu.memory_space<vmem>>
        %dma_start3A_881 = arith.constant 0 : i32
        %dma_start3A_882 = tpu.memref_slice %arg14[%dma_start3A_881] : memref<2048xf32, #tpu.memory_space<vmem_shared>> -> memref<2048xf32, #tpu.memory_space<vmem_shared>>
        tpu.enqueue_indirect_dma source(%arg10 : memref<128xf32, #tpu.memory_space<vmem>>) target(%dma_start3A_882 : memref<2048xf32, #tpu.memory_space<vmem_shared>>) offsets(%dma_start3A_880 : memref<128xi32, #tpu.memory_space<vmem>>) semaphore(%run_scoped3A : memref<!tpu.dma_semaphore, #tpu.memory_space<semaphore_mem>>) {add = true}
        %dma_wait3A_883 = arith.constant 0 : i32
        %dma_wait3A_884 = tpu.memref_slice %arg8[%scan3A_867, %dma_wait3A_883] : memref<8x128xi32, #tpu.memory_space<vmem>> -> memref<1x128xi32, #tpu.memory_space<vmem>>
        %dma_wait3A_885 = tpu.memref_squeeze %dma_wait3A_884 : memref<1x128xi32, #tpu.memory_space<vmem>> -> memref<128xi32, #tpu.memory_space<vmem>>
        %dma_wait3A_886 = arith.constant 0 : i32
        %dma_wait3A_887 = tpu.memref_slice %arg14[%dma_wait3A_886] : memref<2048xf32, #tpu.memory_space<vmem_shared>> -> memref<2048xf32, #tpu.memory_space<vmem_shared>>
        tpu.wait_indirect_dma semaphore(%run_scoped3A : memref<!tpu.dma_semaphore, #tpu.memory_space<semaphore_mem>>) src(%arg10 : memref<128xf32, #tpu.memory_space<vmem>>) dst(%dma_wait3A_887 : memref<2048xf32, #tpu.memory_space<vmem_shared>>)
        tpu.yield
      }) : () -> ()
    }
    %scan3A_857 = arith.constant 8 : i32
    %barrier3A_858 = arith.constant 0 : index
    tpu.barrier barrier_id(%barrier3A_858)
    %mul3A_859 = arith.constant 64 : i32
    %mul3A_860 = arith.muli %arg1, %mul3A_859 : i32
    "tpu.region"() ({
      %run_scoped3A = tpu.sem_alloc : memref<!tpu.dma_semaphore, #tpu.memory_space<semaphore_mem>>
      %dma_start3A = arith.constant 0 : i32
      %dma_start3A_867 = arith.constant 0 : i32
      %dma_start3A_868 = tpu.memref_slice %arg9[%dma_start3A, %dma_start3A_867] : memref<128x128xf32, #tpu.memory_space<vmem>> -> memref<64x128xf32, #tpu.memory_space<vmem>>
      %dma_start3A_869 = arith.constant 0 : i32
      %dma_start3A_870 = tpu.memref_slice %arg13[%mul3A_860, %dma_start3A_869] : memref<1024x128xf32, #tpu.memory_space<vmem_shared>> -> memref<64x128xf32, #tpu.memory_space<vmem_shared>>
      %dma_start3A_871 = arith.constant 0 : i32
      %dma_start3A_872 = arith.constant 0 : i32
      %dma_start3A_873 = tpu.memref_slice %arg9[%dma_start3A_871, %dma_start3A_872] : memref<128x128xf32, #tpu.memory_space<vmem>> -> memref<64x128xf32, #tpu.memory_space<vmem>>
      %dma_start3A_874 = arith.constant 0 : i32
      %dma_start3A_875 = tpu.memref_slice %arg13[%mul3A_860, %dma_start3A_874] : memref<1024x128xf32, #tpu.memory_space<vmem_shared>> -> memref<64x128xf32, #tpu.memory_space<vmem_shared>>
      tpu.enqueue_dma source(%dma_start3A_875 : memref<64x128xf32, #tpu.memory_space<vmem_shared>>) target(%dma_start3A_873 : memref<64x128xf32, #tpu.memory_space<vmem>>) target_semaphore(%run_scoped3A : memref<!tpu.dma_semaphore, #tpu.memory_space<semaphore_mem>>)
      %dma_wait3A = arith.constant 0 : i32
      %dma_wait3A_876 = arith.constant 0 : i32
      %dma_wait3A_877 = tpu.memref_slice %arg9[%dma_wait3A, %dma_wait3A_876] : memref<128x128xf32, #tpu.memory_space<vmem>> -> memref<64x128xf32, #tpu.memory_space<vmem>>
      %dma_wait3A_878 = arith.constant 0 : i32
      %dma_wait3A_879 = tpu.memref_slice %arg13[%mul3A_860, %dma_wait3A_878] : memref<1024x128xf32, #tpu.memory_space<vmem_shared>> -> memref<64x128xf32, #tpu.memory_space<vmem_shared>>
      %dma_wait3A_880 = arith.constant 0 : i32
      %dma_wait3A_881 = arith.constant 0 : i32
      %dma_wait3A_882 = tpu.memref_slice %arg9[%dma_wait3A_880, %dma_wait3A_881] : memref<128x128xf32, #tpu.memory_space<vmem>> -> memref<64x128xf32, #tpu.memory_space<vmem>>
      %dma_wait3A_883 = arith.constant 0 : i32
      %dma_wait3A_884 = tpu.memref_slice %arg13[%mul3A_860, %dma_wait3A_883] : memref<1024x128xf32, #tpu.memory_space<vmem_shared>> -> memref<64x128xf32, #tpu.memory_space<vmem_shared>>
      tpu.wait_dma2 semaphore(%run_scoped3A : memref<!tpu.dma_semaphore, #tpu.memory_space<semaphore_mem>>) src(%dma_wait3A_884 : memref<64x128xf32, #tpu.memory_space<vmem_shared>>) dst(%dma_wait3A_882 : memref<64x128xf32, #tpu.memory_space<vmem>>)
      tpu.yield
    }) : () -> ()
    %mul3A_861 = arith.constant 64 : i32
    %mul3A_862 = arith.muli %arg1, %mul3A_861 : i32
    "tpu.region"() ({
      %run_scoped3A = tpu.sem_alloc : memref<!tpu.dma_semaphore, #tpu.memory_space<semaphore_mem>>
      %dma_start3A = arith.constant 0 : i32
      %dma_start3A_867 = arith.constant 0 : i32
      %dma_start3A_868 = tpu.memref_slice %arg9[%dma_start3A, %dma_start3A_867] : memref<128x128xf32, #tpu.memory_space<vmem>> -> memref<64x128xf32, #tpu.memory_space<vmem>>
      %dma_start3A_869 = arith.constant 0 : i32
      %dma_start3A_870 = tpu.memref_slice %arg5[%arg0, %mul3A_862, %dma_start3A_869] : memref<2x1024x128xf32, #tpu.memory_space<hbm>> -> memref<1x64x128xf32, #tpu.memory_space<hbm>>
      %dma_start3A_871 = tpu.memref_squeeze %dma_start3A_870 : memref<1x64x128xf32, #tpu.memory_space<hbm>> -> memref<64x128xf32, #tpu.memory_space<hbm>>
      %dma_start3A_872 = arith.constant 0 : i32
      %dma_start3A_873 = tpu.memref_slice %arg5[%arg0, %mul3A_862, %dma_start3A_872] : memref<2x1024x128xf32, #tpu.memory_space<hbm>> -> memref<1x64x128xf32, #tpu.memory_space<hbm>>
      %dma_start3A_874 = tpu.memref_squeeze %dma_start3A_873 : memref<1x64x128xf32, #tpu.memory_space<hbm>> -> memref<64x128xf32, #tpu.memory_space<hbm>>
      %dma_start3A_875 = arith.constant 0 : i32
      %dma_start3A_876 = arith.constant 0 : i32
      %dma_start3A_877 = tpu.memref_slice %arg9[%dma_start3A_875, %dma_start3A_876] : memref<128x128xf32, #tpu.memory_space<vmem>> -> memref<64x128xf32, #tpu.memory_space<vmem>>
      tpu.enqueue_dma source(%dma_start3A_877 : memref<64x128xf32, #tpu.memory_space<vmem>>) target(%dma_start3A_874 : memref<64x128xf32, #tpu.memory_space<hbm>>) target_semaphore(%run_scoped3A : memref<!tpu.dma_semaphore, #tpu.memory_space<semaphore_mem>>)
      %dma_wait3A = arith.constant 0 : i32
      %dma_wait3A_878 = arith.constant 0 : i32
      %dma_wait3A_879 = tpu.memref_slice %arg9[%dma_wait3A, %dma_wait3A_878] : memref<128x128xf32, #tpu.memory_space<vmem>> -> memref<64x128xf32, #tpu.memory_space<vmem>>
      %dma_wait3A_880 = arith.constant 0 : i32
      %dma_wait3A_881 = tpu.memref_slice %arg5[%arg0, %mul3A_862, %dma_wait3A_880] : memref<2x1024x128xf32, #tpu.memory_space<hbm>> -> memref<1x64x128xf32, #tpu.memory_space<hbm>>
      %dma_wait3A_882 = tpu.memref_squeeze %dma_wait3A_881 : memref<1x64x128xf32, #tpu.memory_space<hbm>> -> memref<64x128xf32, #tpu.memory_space<hbm>>
      %dma_wait3A_883 = arith.constant 0 : i32
      %dma_wait3A_884 = tpu.memref_slice %arg5[%arg0, %mul3A_862, %dma_wait3A_883] : memref<2x1024x128xf32, #tpu.memory_space<hbm>> -> memref<1x64x128xf32, #tpu.memory_space<hbm>>
      %dma_wait3A_885 = tpu.memref_squeeze %dma_wait3A_884 : memref<1x64x128xf32, #tpu.memory_space<hbm>> -> memref<64x128xf32, #tpu.memory_space<hbm>>
      %dma_wait3A_886 = arith.constant 0 : i32
      %dma_wait3A_887 = arith.constant 0 : i32
      %dma_wait3A_888 = tpu.memref_slice %arg9[%dma_wait3A_886, %dma_wait3A_887] : memref<128x128xf32, #tpu.memory_space<vmem>> -> memref<64x128xf32, #tpu.memory_space<vmem>>
      tpu.wait_dma2 semaphore(%run_scoped3A : memref<!tpu.dma_semaphore, #tpu.memory_space<semaphore_mem>>) src(%dma_wait3A_888 : memref<64x128xf32, #tpu.memory_space<vmem>>) dst(%dma_wait3A_885 : memref<64x128xf32, #tpu.memory_space<hbm>>)
      tpu.yield
    }) : () -> ()
    %mul3A_863 = arith.constant 64 : i32
    %mul3A_864 = arith.muli %arg1, %mul3A_863 : i32
    "tpu.region"() ({
      %run_scoped3A = tpu.sem_alloc : memref<!tpu.dma_semaphore, #tpu.memory_space<semaphore_mem>>
      %dma_start3A = arith.constant 0 : i32
      %dma_start3A_867 = tpu.memref_slice %arg11[%dma_start3A] : memref<128xf32, #tpu.memory_space<vmem>> -> memref<64xf32, #tpu.memory_space<vmem>>
      %dma_start3A_868 = tpu.memref_slice %arg14[%mul3A_864] : memref<2048xf32, #tpu.memory_space<vmem_shared>> -> memref<64xf32, #tpu.memory_space<vmem_shared>>
      %dma_start3A_869 = arith.constant 0 : i32
      %dma_start3A_870 = tpu.memref_slice %arg11[%dma_start3A_869] : memref<128xf32, #tpu.memory_space<vmem>> -> memref<64xf32, #tpu.memory_space<vmem>>
      %dma_start3A_871 = tpu.memref_slice %arg14[%mul3A_864] : memref<2048xf32, #tpu.memory_space<vmem_shared>> -> memref<64xf32, #tpu.memory_space<vmem_shared>>
      tpu.enqueue_dma source(%dma_start3A_871 : memref<64xf32, #tpu.memory_space<vmem_shared>>) target(%dma_start3A_870 : memref<64xf32, #tpu.memory_space<vmem>>) target_semaphore(%run_scoped3A : memref<!tpu.dma_semaphore, #tpu.memory_space<semaphore_mem>>)
      %dma_wait3A = arith.constant 0 : i32
      %dma_wait3A_872 = tpu.memref_slice %arg11[%dma_wait3A] : memref<128xf32, #tpu.memory_space<vmem>> -> memref<64xf32, #tpu.memory_space<vmem>>
      %dma_wait3A_873 = tpu.memref_slice %arg14[%mul3A_864] : memref<2048xf32, #tpu.memory_space<vmem_shared>> -> memref<64xf32, #tpu.memory_space<vmem_shared>>
      %dma_wait3A_874 = arith.constant 0 : i32
      %dma_wait3A_875 = tpu.memref_slice %arg11[%dma_wait3A_874] : memref<128xf32, #tpu.memory_space<vmem>> -> memref<64xf32, #tpu.memory_space<vmem>>
      %dma_wait3A_876 = tpu.memref_slice %arg14[%mul3A_864] : memref<2048xf32, #tpu.memory_space<vmem_shared>> -> memref<64xf32, #tpu.memory_space<vmem_shared>>
      tpu.wait_dma2 semaphore(%run_scoped3A : memref<!tpu.dma_semaphore, #tpu.memory_space<semaphore_mem>>) src(%dma_wait3A_876 : memref<64xf32, #tpu.memory_space<vmem_shared>>) dst(%dma_wait3A_875 : memref<64xf32, #tpu.memory_space<vmem>>)
      tpu.yield
    }) : () -> ()
    %mul3A_865 = arith.constant 64 : i32
    %mul3A_866 = arith.muli %arg1, %mul3A_865 : i32
    "tpu.region"() ({
      %run_scoped3A = tpu.sem_alloc : memref<!tpu.dma_semaphore, #tpu.memory_space<semaphore_mem>>
      %dma_start3A = arith.constant 0 : i32
      %dma_start3A_867 = tpu.memref_slice %arg11[%dma_start3A] : memref<128xf32, #tpu.memory_space<vmem>> -> memref<64xf32, #tpu.memory_space<vmem>>
      %dma_start3A_868 = tpu.memref_slice %arg6[%arg0, %mul3A_866] : memref<2x1024xf32, #tpu.memory_space<hbm>> -> memref<1x64xf32, #tpu.memory_space<hbm>>
      %dma_start3A_869 = tpu.memref_squeeze %dma_start3A_868 : memref<1x64xf32, #tpu.memory_space<hbm>> -> memref<64xf32, #tpu.memory_space<hbm>>
      %dma_start3A_870 = tpu.memref_slice %arg6[%arg0, %mul3A_866] : memref<2x1024xf32, #tpu.memory_space<hbm>> -> memref<1x64xf32, #tpu.memory_space<hbm>>
      %dma_start3A_871 = tpu.memref_squeeze %dma_start3A_870 : memref<1x64xf32, #tpu.memory_space<hbm>> -> memref<64xf32, #tpu.memory_space<hbm>>
      %dma_start3A_872 = arith.constant 0 : i32
      %dma_start3A_873 = tpu.memref_slice %arg11[%dma_start3A_872] : memref<128xf32, #tpu.memory_space<vmem>> -> memref<64xf32, #tpu.memory_space<vmem>>
      tpu.enqueue_dma source(%dma_start3A_873 : memref<64xf32, #tpu.memory_space<vmem>>) target(%dma_start3A_871 : memref<64xf32, #tpu.memory_space<hbm>>) target_semaphore(%run_scoped3A : memref<!tpu.dma_semaphore, #tpu.memory_space<semaphore_mem>>)
      %dma_wait3A = arith.constant 0 : i32
      %dma_wait3A_874 = tpu.memref_slice %arg11[%dma_wait3A] : memref<128xf32, #tpu.memory_space<vmem>> -> memref<64xf32, #tpu.memory_space<vmem>>
      %dma_wait3A_875 = tpu.memref_slice %arg6[%arg0, %mul3A_866] : memref<2x1024xf32, #tpu.memory_space<hbm>> -> memref<1x64xf32, #tpu.memory_space<hbm>>
      %dma_wait3A_876 = tpu.memref_squeeze %dma_wait3A_875 : memref<1x64xf32, #tpu.memory_space<hbm>> -> memref<64xf32, #tpu.memory_space<hbm>>
      %dma_wait3A_877 = tpu.memref_slice %arg6[%arg0, %mul3A_866] : memref<2x1024xf32, #tpu.memory_space<hbm>> -> memref<1x64xf32, #tpu.memory_space<hbm>>
      %dma_wait3A_878 = tpu.memref_squeeze %dma_wait3A_877 : memref<1x64xf32, #tpu.memory_space<hbm>> -> memref<64xf32, #tpu.memory_space<hbm>>
      %dma_wait3A_879 = arith.constant 0 : i32
      %dma_wait3A_880 = tpu.memref_slice %arg11[%dma_wait3A_879] : memref<128xf32, #tpu.memory_space<vmem>> -> memref<64xf32, #tpu.memory_space<vmem>>
      tpu.wait_dma2 semaphore(%run_scoped3A : memref<!tpu.dma_semaphore, #tpu.memory_space<semaphore_mem>>) src(%dma_wait3A_880 : memref<64xf32, #tpu.memory_space<vmem>>) dst(%dma_wait3A_878 : memref<64xf32, #tpu.memory_space<hbm>>)
      tpu.yield
    }) : () -> ()
    return
  }
}

module attributes {stable_mosaic.version = 14 : i64} {
  func.func @body(%arg0: memref<2x1024x128xf32, #tpu.memory_space<vmem>>, %arg1: memref<2x1024x1xf32, #tpu.memory_space<vmem>>, %arg2: memref<1024x128xf32, #tpu.memory_space<vmem>>, %arg3: memref<128x128xf32, #tpu.memory_space<vmem>>, %arg4: memref<128x128xf32, #tpu.memory_space<vmem>>, %arg5: memref<1x128xf32, #tpu.memory_space<vmem>>, %arg6: memref<1024x128xf32, #tpu.memory_space<vmem>>) attributes {dimension_semantics = [], scalar_prefetch = 0 : i64, scratch_operands = 0 : i64, tpu.core_type = #tpu.core_type<tc>} {
    %get3A = arith.constant 0 : index
    %get3A_0 = arith.constant 0 : index
    %get3A_1 = arith.constant 0 : index
    %get3A_2 = vector.load %arg0[%get3A, %get3A_0, %get3A_1] : memref<2x1024x128xf32, #tpu.memory_space<vmem>>, vector<1x1024x128xf32>
    %get3A_3 = vector.shape_cast %get3A_2 : vector<1x1024x128xf32> to vector<1024x128xf32>
    %get3A_4 = arith.constant 1 : index
    %get3A_5 = arith.constant 0 : index
    %get3A_6 = arith.constant 0 : index
    %get3A_7 = vector.load %arg0[%get3A_4, %get3A_5, %get3A_6] : memref<2x1024x128xf32, #tpu.memory_space<vmem>>, vector<1x1024x128xf32>
    %get3A_8 = vector.shape_cast %get3A_7 : vector<1x1024x128xf32> to vector<1024x128xf32>
    %add3A = arith.addf %get3A_3, %get3A_8 : vector<1024x128xf32>
    %get3A_9 = arith.constant 0 : index
    %get3A_10 = arith.constant 0 : index
    %get3A_11 = arith.constant 0 : index
    %get3A_12 = vector.load %arg1[%get3A_9, %get3A_10, %get3A_11] : memref<2x1024x1xf32, #tpu.memory_space<vmem>>, vector<1x1024x1xf32>
    %get3A_13 = vector.shape_cast %get3A_12 : vector<1x1024x1xf32> to vector<1024x1xf32>
    %get3A_14 = arith.constant 1 : index
    %get3A_15 = arith.constant 0 : index
    %get3A_16 = arith.constant 0 : index
    %get3A_17 = vector.load %arg1[%get3A_14, %get3A_15, %get3A_16] : memref<2x1024x1xf32, #tpu.memory_space<vmem>>, vector<1x1024x1xf32>
    %get3A_18 = vector.shape_cast %get3A_17 : vector<1x1024x1xf32> to vector<1024x1xf32>
    %add3A_19 = arith.addf %get3A_13, %get3A_18 : vector<1024x1xf32>
    %max3A = arith.constant 1.000000e+00 : f32
    %max3A_20 = vector.broadcast %max3A : f32 to vector<1024x1xf32>
    %max3A_21 = arith.maximumf %add3A_19, %max3A_20 : vector<1024x1xf32>
    %div3A = vector.broadcast %max3A_21 : vector<1024x1xf32> to vector<1024x128xf32>
    %div3A_22 = arith.divf %add3A, %div3A : vector<1024x128xf32>
    %get3A_23 = arith.constant 0 : index
    %get3A_24 = arith.constant 0 : index
    %get3A_25 = vector.load %arg3[%get3A_23, %get3A_24] : memref<128x128xf32, #tpu.memory_space<vmem>>, vector<128x128xf32>
    %dot_general3A = arith.constant dense<0.000000e+00> : vector<1024x128xf32>
    %dot_general3A_26 = tpu.matmul %div3A_22, %get3A_25, %dot_general3A {dimension_numbers = #tpu.dot_dimension_numbers<[1], [0], [0], [1], [0, 0, 1, 1], [], []>, transpose_lhs_hint = false} : vector<1024x128xf32>, vector<128x128xf32>, vector<1024x128xf32> -> vector<1024x128xf32>
    %get3A_27 = arith.constant 0 : index
    %get3A_28 = arith.constant 0 : index
    %get3A_29 = vector.load %arg2[%get3A_27, %get3A_28] : memref<1024x128xf32, #tpu.memory_space<vmem>>, vector<1024x128xf32>
    %get3A_30 = arith.constant 0 : index
    %get3A_31 = arith.constant 0 : index
    %get3A_32 = vector.load %arg4[%get3A_30, %get3A_31] : memref<128x128xf32, #tpu.memory_space<vmem>>, vector<128x128xf32>
    %dot_general3A_33 = arith.constant dense<0.000000e+00> : vector<1024x128xf32>
    %dot_general3A_34 = tpu.matmul %get3A_29, %get3A_32, %dot_general3A_33 {dimension_numbers = #tpu.dot_dimension_numbers<[1], [0], [0], [1], [0, 0, 1, 1], [], []>, transpose_lhs_hint = false} : vector<1024x128xf32>, vector<128x128xf32>, vector<1024x128xf32> -> vector<1024x128xf32>
    %add3A_35 = arith.addf %dot_general3A_26, %dot_general3A_34 : vector<1024x128xf32>
    %get3A_36 = arith.constant 0 : index
    %get3A_37 = arith.constant 0 : index
    %get3A_38 = vector.load %arg5[%get3A_36, %get3A_37] : memref<1x128xf32, #tpu.memory_space<vmem>>, vector<1x128xf32>
    %add3A_39 = vector.broadcast %get3A_38 : vector<1x128xf32> to vector<1024x128xf32>
    %add3A_40 = arith.addf %add3A_35, %add3A_39 : vector<1024x128xf32>
    %max3A_41 = arith.constant 0.000000e+00 : f32
    %max3A_42 = vector.broadcast %max3A_41 : f32 to vector<1024x128xf32>
    %max3A_43 = arith.maximumf %add3A_40, %max3A_42 : vector<1024x128xf32>
    %swap3A = arith.constant 0 : index
    %swap3A_44 = arith.constant 0 : index
    %swap3A_45 = vector.load %arg6[%swap3A, %swap3A_44] : memref<1024x128xf32, #tpu.memory_space<vmem>>, vector<1024x128xf32>
    tpu.vector_store %arg6[%swap3A, %swap3A_44], %max3A_43 {strides = array<i32>} : memref<1024x128xf32, #tpu.memory_space<vmem>>, vector<1024x128xf32>,
    return
  }
}

module attributes {stable_mosaic.version = 14 : i64} {
  func.func @body(%arg0: memref<2x1024x128xf32, #tpu.memory_space<vmem>>, %arg1: memref<2x1024x1xf32, #tpu.memory_space<vmem>>, %arg2: memref<1024x128xf32, #tpu.memory_space<vmem>>, %arg3: memref<128x128xf32, #tpu.memory_space<vmem>>, %arg4: memref<128x128xf32, #tpu.memory_space<vmem>>, %arg5: memref<1x128xf32, #tpu.memory_space<vmem>>, %arg6: memref<1024x128xf32, #tpu.memory_space<vmem>>) attributes {dimension_semantics = [], scalar_prefetch = 0 : i64, scratch_operands = 0 : i64, tpu.core_type = #tpu.core_type<tc>} {
    %get3A = arith.constant 0 : index
    %get3A_0 = arith.constant 0 : index
    %get3A_1 = arith.constant 0 : index
    %get3A_2 = vector.load %arg0[%get3A, %get3A_0, %get3A_1] : memref<2x1024x128xf32, #tpu.memory_space<vmem>>, vector<1x1024x128xf32>
    %get3A_3 = vector.shape_cast %get3A_2 : vector<1x1024x128xf32> to vector<1024x128xf32>
    %get3A_4 = arith.constant 1 : index
    %get3A_5 = arith.constant 0 : index
    %get3A_6 = arith.constant 0 : index
    %get3A_7 = vector.load %arg0[%get3A_4, %get3A_5, %get3A_6] : memref<2x1024x128xf32, #tpu.memory_space<vmem>>, vector<1x1024x128xf32>
    %get3A_8 = vector.shape_cast %get3A_7 : vector<1x1024x128xf32> to vector<1024x128xf32>
    %add3A = arith.addf %get3A_3, %get3A_8 : vector<1024x128xf32>
    %get3A_9 = arith.constant 0 : index
    %get3A_10 = arith.constant 0 : index
    %get3A_11 = arith.constant 0 : index
    %get3A_12 = vector.load %arg1[%get3A_9, %get3A_10, %get3A_11] : memref<2x1024x1xf32, #tpu.memory_space<vmem>>, vector<1x1024x1xf32>
    %get3A_13 = vector.shape_cast %get3A_12 : vector<1x1024x1xf32> to vector<1024x1xf32>
    %get3A_14 = arith.constant 1 : index
    %get3A_15 = arith.constant 0 : index
    %get3A_16 = arith.constant 0 : index
    %get3A_17 = vector.load %arg1[%get3A_14, %get3A_15, %get3A_16] : memref<2x1024x1xf32, #tpu.memory_space<vmem>>, vector<1x1024x1xf32>
    %get3A_18 = vector.shape_cast %get3A_17 : vector<1x1024x1xf32> to vector<1024x1xf32>
    %add3A_19 = arith.addf %get3A_13, %get3A_18 : vector<1024x1xf32>
    %max3A = arith.constant 1.000000e+00 : f32
    %max3A_20 = vector.broadcast %max3A : f32 to vector<1024x1xf32>
    %max3A_21 = arith.maximumf %add3A_19, %max3A_20 : vector<1024x1xf32>
    %div3A = vector.broadcast %max3A_21 : vector<1024x1xf32> to vector<1024x128xf32>
    %div3A_22 = arith.divf %add3A, %div3A : vector<1024x128xf32>
    %get3A_23 = arith.constant 0 : index
    %get3A_24 = arith.constant 0 : index
    %get3A_25 = vector.load %arg3[%get3A_23, %get3A_24] : memref<128x128xf32, #tpu.memory_space<vmem>>, vector<128x128xf32>
    %dot_general3A = arith.constant dense<0.000000e+00> : vector<1024x128xf32>
    %dot_general3A_26 = tpu.matmul %div3A_22, %get3A_25, %dot_general3A {dimension_numbers = #tpu.dot_dimension_numbers<[1], [0], [0], [1], [0, 0, 1, 1], [], []>, transpose_lhs_hint = false} : vector<1024x128xf32>, vector<128x128xf32>, vector<1024x128xf32> -> vector<1024x128xf32>
    %get3A_27 = arith.constant 0 : index
    %get3A_28 = arith.constant 0 : index
    %get3A_29 = vector.load %arg2[%get3A_27, %get3A_28] : memref<1024x128xf32, #tpu.memory_space<vmem>>, vector<1024x128xf32>
    %get3A_30 = arith.constant 0 : index
    %get3A_31 = arith.constant 0 : index
    %get3A_32 = vector.load %arg4[%get3A_30, %get3A_31] : memref<128x128xf32, #tpu.memory_space<vmem>>, vector<128x128xf32>
    %dot_general3A_33 = arith.constant dense<0.000000e+00> : vector<1024x128xf32>
    %dot_general3A_34 = tpu.matmul %get3A_29, %get3A_32, %dot_general3A_33 {dimension_numbers = #tpu.dot_dimension_numbers<[1], [0], [0], [1], [0, 0, 1, 1], [], []>, transpose_lhs_hint = false} : vector<1024x128xf32>, vector<128x128xf32>, vector<1024x128xf32> -> vector<1024x128xf32>
    %add3A_35 = arith.addf %dot_general3A_26, %dot_general3A_34 : vector<1024x128xf32>
    %get3A_36 = arith.constant 0 : index
    %get3A_37 = arith.constant 0 : index
    %get3A_38 = vector.load %arg5[%get3A_36, %get3A_37] : memref<1x128xf32, #tpu.memory_space<vmem>>, vector<1x128xf32>
    %add3A_39 = vector.broadcast %get3A_38 : vector<1x128xf32> to vector<1024x128xf32>
    %add3A_40 = arith.addf %add3A_35, %add3A_39 : vector<1024x128xf32>
    %swap3A = arith.constant 0 : index
    %swap3A_41 = arith.constant 0 : index
    %swap3A_42 = vector.load %arg6[%swap3A, %swap3A_41] : memref<1024x128xf32, #tpu.memory_space<vmem>>, vector<1024x128xf32>
    tpu.vector_store %arg6[%swap3A, %swap3A_41], %add3A_40 {strides = array<i32>} : memref<1024x128xf32, #tpu.memory_space<vmem>>, vector<1024x128xf32>,
    return
  }
}

</mosaic_0001>

<sc_bundles>
// kernel: kernel.6.cloned.1.call-start
scs
__scs_entry_jumppad:
0x0: {  	(pc) =	sbr.rel $0x88, $3  }
0x1: {  	(tag) =	ssettag $0x0;
	lr =	simm.s32 $0x1  }
0x2: {  	[smem:$0x3F98] =	sst lr;
	_ =	strace $0xD0000000  }
0x3: {  	_ = 	snop  }
0x4: {  	_ = 	snop  }
0x5: {  	_ = 	snop  }
0x6: {  	_ = 	snop  }
0x7: {  	_ = 	snop  }
__scs_overlays_trampoline_lowered:
0x8: {  	[smem:$0x3FA7] =	sst s0  }
0x9: {  	[smem:$0x3FA8] =	sst s1  }
0xa: {  	[smem:$0x3FA9] =	sst s2  }
0xb: {  	[smem:$0x3FAA] =	sst s3  }
0xc: {  	[smem:$0x3FAB] =	sst s4  }
0xd: {  	[smem:$0x3FAC] =	sst s5  }
0xe: {  	[smem:$0x3FAD] =	sst s6  }
0xf: {  	[smem:$0x3FAE] =	sst s7  }
0x10: {  	[smem:$0x3FAF] =	sst s8  }
0x11: {  	[smem:$0x3FB0] =	sst s9;
	s0 =	simm.s32 @!p0 $0x0  }
0x12: {  	s1 =	sld [smem:$0x3F96];
	s0 =	simm.s32 @p0 $0x1  }
0x13: {  	[smem:$0x3FB1] =	sst s0;
	s0 =	simm.s32 @!p1 $0x0  }
0x14: {  	s2 =	sld [smem:$0x3F95];
	s0 =	simm.s32 @p1 $0x1  }
0x15: {  	[smem:$0x3FB2] =	sst s0;
	s0 =	simm.s32 @!p2 $0x0  }
0x16: {  	s3 =	sld [smem:$0x3FDB];
	s0 =	simm.s32 @p2 $0x1  }
0x17: {  	s4 =	simm.s32 $0x1BF5;
	[smem:$0x3FB4] =	sst s0  }
0x18: {  	s0 =	sld [smem:$0x3F97];
	_ =	swait.ge [sflag:s4], $0x0  }
0x19: {  	s7 =	sld [smem:$0x3F98]  }
0x1a: {  	s8 =	sadd.s32 $0xFFFFE003, lr  }
0x1b: {  	s9 =	sadd.s32 $0xFFFFFEF7, lr;
	s5 =	simm.s32 $0xFFFFFFFF;
	p2 =	slt.u32 s8, $0xFFFFF086  }
0x1c: {  	p1 =	slt.u32 s9, $0xF7A;
	s5 =	simm.s32 @!p2 $0x0  }
0x1d: {  	s5 =	simm.s32 @p1 $0x1;
	p0 =	seq.s32 s7, s2  }
0x1e: {  	s7 =	smul.u32 @!p0 $0xF7A, s2;
	p2 =	seq.s32 @!p0 s5, $0x0  }
0x1f: {  	s9 =	smul.u32 $0xF7A, s1;
	s8 =	simm.s32 @!p0 $0x1BF5;
	p2 =	por !p2, p0  }
0x20: {  	[sflag:s8] =	ssyncset.s32 @!p0 $0xFFFFF086;
	s6 =	sadd.s32 @!p0 s3, s7;
	s7 =	simm.s32 @!p0 $0x108  }
0x21: {  	s3 =	sadd.s32 s3, s9;
	s6 =	sadd.s32 @!p0 $0x88, s6;
	s7 =	simm.s32 @p2 $0x1082  }
0x22: {  	[simem:s7], [sflag:s8] =	dma.local @!p0 [hbm:s6], $0xF7A  }
0x23: {  	s9 =	sor.u32 $0xD0000000, s2;
	s6 =	simm.s32 $0x108;
	_ =	swait.ge @!p0 [sflag:s8], $0x0  }
0x24: {  	s3 =	sadd.s32 $0x88, s3;
	s6 =	simm.s32 @!p1 $0x1082;
	[sflag:s4] =	ssyncset.s32 $0xFFFFF086  }
0x25: {  	[simem:s6], [sflag:s4] =	dma.local [hbm:s3], $0xF7A  }
0x26: {  	[smem:$0x3F98] =	sst s1;
	(tag) =	ssettag s2;
	_ =	strace s9  }
0x27: {  	s1 =	sld [smem:$0x3FA8]  }
0x28: {  	s2 =	sld [smem:$0x3FA9]  }
0x29: {  	s4 =	sld [smem:$0x3FAB]  }
0x2a: {  	p0 =	seq.s32 s5, $0x0;
	s5 =	sld [smem:$0x3FAC]  }
0x2b: {  	s6 =	sld [smem:$0x3FAD]  }
0x2c: {  	s7 =	sld [smem:$0x3FAE]  }
0x2d: {  	s3 =	simm.s32 $0x108;
	s8 =	sld [smem:$0x3FAF]  }
0x2e: {  	s3 =	simm.s32 @!p0 $0x1082;
	s9 =	sld [smem:$0x3FB0]  }
0x2f: {  	lr =	sadd.s32 s0, s3;
	s0 =	sld [smem:$0x3FA7]  }
0x30: {  	s3 =	sld [smem:$0x3FAA]  }
0x31: {  	[smem:$0x3FB3] =	sst s10  }
0x32: {  	s10 =	sld [smem:$0x3FB1];
	_ =	sdelay $0x3  }
0x33: {  	p0 =	seq.s32 s10, $0x1;
	s10 =	sld [smem:$0x3FB3];
	_ =	sdelay $0x3  }
0x34: {  	[smem:$0x3FB3] =	sst s10  }
0x35: {  	s10 =	sld [smem:$0x3FB2];
	_ =	sdelay $0x3  }
0x36: {  	p1 =	seq.s32 s10, $0x1;
	s10 =	sld [smem:$0x3FB3];
	_ =	sdelay $0x3  }
0x37: {  	[smem:$0x3FB3] =	sst s10  }
0x38: {  	s10 =	sld [smem:$0x3FB4]  }
0x39: {  	_ = 	snop;
	(pc) =	sbr.ind lr, $3  }
0x3a: {  	_ = 	snop  }
0x3b: {  	_ = 	snop  }
0x3c: {  	p2 =	seq.s32 s10, $0x1;
	s10 =	sld [smem:$0x3FB3]  }
0x3d: {  	_ =	shalt  }
0x3e: {  	_ =	shalt  }
0x3f: {  	_ =	shalt  }
0x40: {  	_ =	shalt  }
0x41: {  	_ =	shalt  }
0x42: {  	_ =	shalt  }
0x43: {  	_ =	shalt  }
0x44: {  	_ =	shalt  }
0x45: {  	_ =	shalt  }
0x46: {  	_ =	shalt  }
0x47: {  	_ =	shalt  }
0x48: {  	_ =	shalt  }
0x49: {  	_ =	shalt  }
0x4a: {  	_ =	shalt  }
0x4b: {  	_ =	shalt  }
0x4c: {  	_ =	shalt  }
0x4d: {  	_ =	shalt  }
0x4e: {  	_ =	shalt  }
0x4f: {  	_ =	shalt  }
0x50: {  	_ =	shalt  }
0x51: {  	_ =	shalt  }
0x52: {  	_ =	shalt  }
0x53: {  	_ =	shalt  }
0x54: {  	_ =	shalt  }
0x55: {  	_ =	shalt  }
0x56: {  	_ =	shalt  }
0x57: {  	_ =	shalt  }
0x58: {  	_ =	shalt  }
0x59: {  	_ =	shalt  }
0x5a: {  	_ =	shalt  }
0x5b: {  	_ =	shalt  }
0x5c: {  	_ =	shalt  }
0x5d: {  	_ =	shalt  }
0x5e: {  	_ =	shalt  }
0x5f: {  	_ =	shalt  }
0x60: {  	_ =	shalt  }
0x61: {  	_ =	shalt  }
0x62: {  	_ =	shalt  }
0x63: {  	_ =	shalt  }
0x64: {  	_ =	shalt  }
0x65: {  	_ =	shalt  }
0x66: {  	_ =	shalt  }
0x67: {  	_ =	shalt  }
0x68: {  	_ =	shalt  }
0x69: {  	_ =	shalt  }
0x6a: {  	_ =	shalt  }
0x6b: {  	_ =	shalt  }
0x6c: {  	_ =	shalt  }
0x6d: {  	_ =	shalt  }
0x6e: {  	_ =	shalt  }
0x6f: {  	_ =	shalt  }
0x70: {  	_ =	shalt  }
0x71: {  	_ =	shalt  }
0x72: {  	_ =	shalt  }
0x73: {  	_ =	shalt  }
0x74: {  	_ =	shalt  }
0x75: {  	_ =	shalt  }
0x76: {  	_ =	shalt  }
0x77: {  	_ =	shalt  }
0x78: {  	_ =	shalt  }
0x79: {  	_ =	shalt  }
0x7a: {  	_ =	shalt  }
0x7b: {  	_ =	shalt  }
0x7c: {  	_ =	shalt  }
0x7d: {  	_ =	shalt  }
0x7e: {  	_ =	shalt  }
0x7f: {  	_ =	shalt  }
0x80: {  	_ =	shalt  }
0x81: {  	_ =	shalt  }
0x82: {  	_ =	shalt  }
0x83: {  	_ =	shalt  }
0x84: {  	_ =	shalt  }
0x85: {  	_ =	shalt  }
0x86: {  	_ =	shalt  }
0x87: {  	_ =	shalt  }
.Lfunc_end0:
.L_simem_size_0:
called_computation_lowered:
.L_overlay_start_0:
0x88: {  	s2 =	sld [smem:$0x3FD9]  }
0x89: {  	s3 =	sld [smem:$0x3FFE];
	_ =	sdelay $0x1  }
0x8a: {  	s1 =	srdreg.scid  }
0x8b: {  	s0 =	sand.u32 $0x1, s1  }
0x8c: {  	s17 =	sshll.u32 s0, $0xA;
	s2 =	sadd.s32 s3, s2  }
0x8d: {  	s2 =	sadd.s32 s2, s17  }
0x8e: {  	[smem:$0x3FBF] =	sst s2  }
0x8f: {  	_ = 	snop  }
0x90: {  	s2 =	sld [smem:$0x3FC9]  }
0x91: {  	s18 =	sld [smem:$0x3FD0];
	(tm) =	ssettm $0x1  }
0x92: {  	s4 =	sld [smem:$0x3FFB];
	_ =	sdelay $0x3  }
0x93: {  	_ =	strace s4  }
0x94: {  	s4 =	sld [smem:$0x3FFC];
	_ =	sdelay $0x3  }
0x95: {  	_ =	strace s4  }
0x96: {  	s4 =	sld [smem:$0x3FFD];
	_ =	sdelay $0x3  }
0x97: {  	_ =	strace s4  }
0x98: {  	_ =	strace $0x8FFFFFFF  }
0x99: {  	s19 =	sld [smem:$0x3FDB];
	_ =	sdelay $0x1  }
0x9a: {  	s5 =	simm.s32 $_scs_section_size  }
0x9b: {  	s6 =	simm.s32 $_size__tile_overlayer_lowered;
	s7 =	simm.s32 $_tile_overlayer_lowered  }
0x9c: {  	s22 =	simm.s32 $0x1BFF;
	s21 =	sshll.u32 s7, $0x1;
	s4 =	sadd.s32 s5, s19  }
0x9d: {  	s8 =	simm.s32 $0x0;
	s20 =	sshll.u32 s6, $0x1;
	s6 =	sadd.s32 s21, s4  }
0x9e: {  	[timem:s8], [sflag:s22] =	dma.local [hbm:s6], s20  }
0x9f: {  	_ =	swait.ge [sflag:s22], s20  }
0xa0: {  	s5 =	ssub.s32 $0x0, s20;
	[sflag:s22] =	ssyncset.done $0x0  }
0xa1: {  	[sflag:s22] =	ssyncadd.s32 s5;
	_ =	sdelay $0x1  }
0xa2: {  	s23 =	simm.s32 $0x1B8B  }
0xa3: {  	_ =	swait.ge [sflag:s23], $0x1  }
0xa4: {  	[sflag:s23] =	ssyncset.done $0x0  }
0xa5: {  	s25 =	simm.s32 $0x1B8E;
	s24 =	sld [smem:$0x3FFE];
	[sflag:s23] =	ssyncadd.s32 $0xFFFFFFFF  }
0xa6: {  	s26 =	simm.s32 $execute0_lowered;
	[smem:$0x3FD2] =	sst s25  }
0xa7: {  	s6 =	sshll.u32 s26, $0x1;
	_ =	strace $0x80000046;
	[dreg:$0x1] =	wrdreg $0xFFFFFFFF  }
0xa8: {  	s28 =	simm.s32 $_size_execute0_lowered;
	s4 =	sadd.s32 s4, s6;
	[dreg:$0x0] =	wrdreg $0x0  }
0xa9: {  	s6 =	sshll.u32 s28, $0x1;
	[dreg:$0x2] =	wrdreg s4  }
0xaa: {  	[dreg:$0x3] =	wrdreg s6  }
0xab: {  	[dreg:$0x4] =	wrdreg $0xC0  }
0xac: {  	_ =	task [dreg:s8], $0x5FFFF  }
0xad: {  	[dreg:$0x1] =	wrdreg $0xFFFFFFFF  }
0xae: {  	[dreg:$0x0] =	wrdreg $0x60  }
0xaf: {  	[dreg:$0x2] =	wrdreg s2  }
0xb0: {  	[dreg:$0x3] =	wrdreg s24  }
0xb1: {  	[dreg:$0x4] =	wrdreg s18  }
0xb2: {  	[dreg:$0x5] =	wrdreg $0x72800  }
0xb3: {  	[dreg:$0x6] =	wrdreg $0x9A800  }
0xb4: {  	[dreg:$0x7] =	wrdreg $0x9  }
0xb5: {  	_ =	task.clear_ibuf [dreg:s8], $0x8FFFF;
	_ =	strace $0x90000046  }
0xb6: {  	s29 =	simm.s32 $0x9;
	_ =	strace $0x80000048  }
0xb7: {  	_ =	swait.ge [sflag:s29], $0x1  }
0xb8: {  	[sflag:s29] =	ssyncadd.s32 $0xFFFFFFFF  }
0xb9: {  	_ =	strace $0x90000048  }
0xba: {  	_ =	sfence  }
0xbb: {  	s30 =	sld [smem:$0x0];
	_ =	sdelay $0x2  }
0xbc: {  	s31 =	sshll.u32 s1, $0xD;
	s1 =	sshrl.u32 s1, $0x2  }
0xbd: {  	s3 =	sand.u32 $0x4000, s31;
	s1 =	sadd.s32 s1, s30  }
0xbe: {  	s0 =	sor.u32 s3, s0;
	s1 =	sshll.u32 s1, $0x11  }
0xbf: {  	s0 =	sor.u32 s1, s0  }
0xc0: {  	s0 =	sadd.s32 $0x8F2B, s0  }
0xc1: {  	[sflag:s0] =	ssyncadd.remote.s32 $0x1  }
0xc2: {  	_ =	sfence.sel $0xFFFF  }
0xc3: {  	[dreg:$0x0] =	wrdreg $0xFFFFFFFF;
	(pc) =	sbr.abs _section_cstart, $3  }
0xc4: {  	[dreg:$0x1] =	wrdreg $0xFFFFFFFF  }
0xc5: {  	_ =	task.clear_ibuf [dreg:s8], $0x2FFFF;
	_ =	strace $0x9FFFFFFF  }
0xc6: {  	(tm) =	ssettm $0x7FFFFFFF  }
0xc7: {  	_ =	shalt  }
tec
execute0_lowered:
.L_overlay_start_1:
0x0: {  	(tag) =	ssettag $0x1  }
0x1: {  	s1 =	rddreg [dreg:$0x0]  }
0x2: {  	s0 =	srdreg.scid;
	s6 =	rddreg [dreg:$0x1]  }
0x3: {  	s11 =	stileid.u32;
	s16 =	rddreg [dreg:$0x2]  }
0x4: {  	s5 =	simm.s32 $0x0;
	s28 =	simm.s32 $0x6980;
	s29 =	simm.s32 $0x0  }
0x5: {  	s2 =	sand.u32 $0x1, s0;
	s12 =	sshll.u32 s11, $0x7;
	[smem:$0x7FF] =	sst s5  }
0x6: {  	s18 =	smul.u32 $0xA000, s11;
	s19 =	sshll.u32 s11, $0xA;
	s15 =	sshll.u32 s11, $0x6  }
0x7: {  	s31 =	sshll.u32 s11, $0xD;
	s3 =	sshll.u32 s2, $0x4;
	s8 =	sand.u32 $0x380, s12  }
0x8: {  	s9 =	ssub.s32 $0x2, s2;
	s14 =	sadd.s32 s19, s6;
	s19 =	sshll.u32 s2, $0x7  }
0x9: {  	s30 =	sand.u32 $0x40, s15;
	s2 =	sshll.u32 s2, $0xE;
	s3 =	sor.u32 s11, s3  }
0xa: {  	s20 =	sshrl.u32 s9, $0x1;
	s2 =	sadd.s32 s2, s14;
	s4 =	sshrl.u32 s3, $0x3  }
0xb: {  	s3 =	rddreg [dreg:$0x3];
	s17 =	ssub.s32 s9, s20;
	s14 =	sadd.s32 $0x7000, s2  }
0xc: {  	s20 =	simm.s32 $0x6A00;
	s7 =	smul.u32 $0xA000, s4;
	s4 =	rddreg [dreg:$0x4]  }
0xd: {  	_ =	strace $0x80000047;
	s17 =	smax.u32 s17, $0x1;
	s25 =	sadd.s32 s12, s4  }
0xe: {  	s15 =	sadd.s32 s15, s4;
	s7 =	sor.u32 s8, s7;
	s8 =	sshrl.u32 s18, $0x2  }
0xf: {  	[dreg:$0xa] =	wrdreg s25;
	s18 =	sand.u32 $0x700, s12;
	s25 =	simm.s32 $0x2880  }
0x10: {  	s7 =	sshrl.u32 s7, $0x3;
	s26 =	sor.u32 s19, s18;
	s19 =	simm.s32 $0x2  }
0x11: {  	s13 =	sadd.s32 s7, s6;
	s6 =	sadd.s32 s8, s3;
	s18 =	sor.u32 s30, s26  }
0x12: {  	s26 =	simm.s32 $0x2900;
	s21 =	sadd.s32 $0x800, s6;
	s22 =	sadd.s32 $0x1000, s6  }
.Ltmp0:
0x13: {  	s23 =	sadd.s32 $0x1800, s6;
	[dreg:$0x6] =	wrdreg s21;
	(pc) =	sbr.rel .LBB2_1-.Ltmp0, $4  }
0x14: {  	s24 =	sadd.s32 $0x2000, s6;
	s12 =	sadd.s32 $0x2000, s13;
	[dreg:$0x7] =	wrdreg s22  }
0x15: {  	s13 =	sadd.s32 s31, s3;
	s18 =	sshrl.u32 s18, $0x3;
	[dreg:$0x8] =	wrdreg s23  }
0x16: {  	[dreg:$0x9] =	wrdreg s24;
	s16 =	sadd.s32 s16, s18;
	s18 =	simm.s32 $0x6A80  }
0x17: {  	v0 =	vimm.f32 $1.000000000e+00;
	v1 =	vimm.f32 $0.0e+00;
	v2 =	vimm.s32 $0x800000;
	s21 =	simm.s32 $0x80;
	s23 =	simm.s32 $0x1;
	s24 =	simm.s32 $0x2980  }
.LBB2_6:
0x18: {  	[sflag:s23] =	ssyncadd.s32 $0xFFFFC000  }
0x19: {  	[spmem:s3] =	stream.indirect.scatter.add.f32 [tilespmem:s24], [sflag:$0x2], $0x80, s26, s21, $0xb8;
	[tilespmem:$0x9B00] =	vst v63  }
0x1a: {  	_ =	swait.ge [sflag:s19], $0x4000  }
0x1b: {  	[sflag:s19] =	ssyncset.done $0x0  }
0x1c: {  	[sflag:s19] =	ssyncadd.s32 $0xFFFFC000  }
0x1d: {  	[spmem:s4] =	stream.indirect.scatter.add.f32 [tilespmem:s28], [sflag:$0x2], $0x1, s26, s21, $0xb8;
	[tilespmem:$0x9B00] =	vst v63  }
0x1e: {  	_ =	swait.ge [sflag:s19], $0x80  }
0x1f: {  	[sflag:s19] =	ssyncset.done $0x0  }
0x20: {  	[sflag:s19] =	ssyncadd.s32 $0xFFFFFF80  }
.LBB2_7:
0x21: {  	[bflag:$0x0] =	sbarrier.arrive $0xFFFF  }
0x22: {  	[tilespmem:s24], [sflag:$0x2] =	stream.linear.gather [spmem:s13], $0x2000, $0x38;
	[tilespmem:$0x9B00] =	vst v63  }
0x23: {  	_ =	swait.ge [sflag:s19], $0x2000  }
0x24: {  	[sflag:s19] =	ssyncset.done $0x0  }
0x25: {  	[sflag:s19] =	ssyncadd.s32 $0xFFFFE000  }
0x26: {  	[hbm4b:s14+s5] =	stream.linear.scatter [tilespmem:s24], [sflag:$0x2], $0x2000, $0x38;
	[tilespmem:$0x9B00] =	vst v63  }
0x27: {  	_ =	swait.ge [sflag:s19], $0x2000  }
0x28: {  	[sflag:s19] =	ssyncset.done $0x0  }
0x29: {  	[sflag:s19] =	ssyncadd.s32 $0xFFFFE000  }
0x2a: {  	[tilespmem:s20], [sflag:$0x2] =	stream.linear.gather [spmem:s15], $0x40, $0x38;
	[tilespmem:$0x9B00] =	vst v63  }
0x2b: {  	s29 =	sadd.s32 $0x1, s29;
	_ =	swait.ge [sflag:s19], $0x40  }
0x2c: {  	p0 =	sne.s32 s29, s17;
	[sflag:s19] =	ssyncset.done $0x0  }
.Ltmp1:
0x2d: {  	[sflag:s19] =	ssyncadd.s32 $0xFFFFFFC0;
	(pc) =	sbr.rel @!p0 .LBB2_8-.Ltmp1, $4  }
0x2e: {  	[hbm4b:s16+s5] =	stream.linear.scatter [tilespmem:s20], [sflag:$0x2], $0x40, $0x38;
	[tilespmem:$0x9B00] =	vst v63  }
0x2f: {  	_ =	swait.ge [sflag:s19], $0x40  }
0x30: {  	[sflag:s19] =	ssyncset.done $0x0  }
0x31: {  	[sflag:s19] =	ssyncadd.s32 $0xFFFFFFC0  }
.LBB2_1:
0x32: {  	[tilespmem:$0x6980] =	vst v0  }
0x33: {  	[tilespmem:$0x6A00] =	vst v1  }
0x34: {  	[tilespmem:$0x6990] =	vst v0  }
0x35: {  	[tilespmem:$0x6A10] =	vst v1  }
0x36: {  	[tilespmem:$0x69A0] =	vst v0  }
0x37: {  	[tilespmem:$0x6A20] =	vst v1  }
0x38: {  	[tilespmem:$0x69B0] =	vst v0  }
0x39: {  	[tilespmem:$0x6A30] =	vst v1  }
0x3a: {  	[tilespmem:$0x69C0] =	vst v0  }
0x3b: {  	[tilespmem:$0x6A40] =	vst v1  }
0x3c: {  	[tilespmem:$0x69D0] =	vst v0  }
0x3d: {  	[tilespmem:$0x6A50] =	vst v1  }
0x3e: {  	[tilespmem:$0x69E0] =	vst v0  }
0x3f: {  	[tilespmem:$0x6A60] =	vst v1  }
0x40: {  	[tilespmem:$0x69F0] =	vst v0  }
0x41: {  	[tilespmem:$0x6A70] =	vst v1  }
0x42: {  	[tilespmem:$0x6A80] =	vst v1  }
0x43: {  	[tilespmem:$0x6A90] =	vst v1  }
0x44: {  	[tilespmem:$0x6AA0] =	vst v1  }
0x45: {  	[tilespmem:$0x6AB0] =	vst v1  }
0x46: {  	[tilespmem:$0x6AC0] =	vst v1  }
0x47: {  	[tilespmem:$0x6AD0] =	vst v1  }
0x48: {  	[tilespmem:$0x6AE0] =	vst v1  }
0x49: {  	[tilespmem:$0x6AF0] =	vst v1  }
0x4a: {  	[tilespmem:$0x6B00] =	vst v1  }
0x4b: {  	[tilespmem:$0x6B10] =	vst v1  }
0x4c: {  	[tilespmem:$0x6B20] =	vst v1  }
0x4d: {  	[tilespmem:$0x6B30] =	vst v1  }
0x4e: {  	[tilespmem:$0x6B40] =	vst v1  }
0x4f: {  	[tilespmem:$0x6B50] =	vst v1  }
0x50: {  	[tilespmem:$0x6B60] =	vst v1  }
0x51: {  	[tilespmem:$0x6B70] =	vst v1  }
0x52: {  	[tilespmem:$0x6B80] =	vst v1  }
0x53: {  	[tilespmem:$0x6B90] =	vst v1  }
0x54: {  	[tilespmem:$0x6BA0] =	vst v1  }
0x55: {  	[tilespmem:$0x6BB0] =	vst v1  }
0x56: {  	[tilespmem:$0x6BC0] =	vst v1  }
0x57: {  	[tilespmem:$0x6BD0] =	vst v1  }
0x58: {  	[tilespmem:$0x6BE0] =	vst v1  }
0x59: {  	[tilespmem:$0x6BF0] =	vst v1  }
0x5a: {  	[tilespmem:$0x6C00] =	vst v1  }
0x5b: {  	[tilespmem:$0x6C10] =	vst v1  }
0x5c: {  	[tilespmem:$0x6C20] =	vst v1  }
0x5d: {  	[tilespmem:$0x6C30] =	vst v1  }
0x5e: {  	[tilespmem:$0x6C40] =	vst v1  }
0x5f: {  	[tilespmem:$0x6C50] =	vst v1  }
0x60: {  	[tilespmem:$0x6C60] =	vst v1  }
0x61: {  	[tilespmem:$0x6C70] =	vst v1  }
0x62: {  	[tilespmem:$0x6C80] =	vst v1  }
0x63: {  	[tilespmem:$0x6C90] =	vst v1  }
0x64: {  	[tilespmem:$0x6CA0] =	vst v1  }
0x65: {  	[tilespmem:$0x6CB0] =	vst v1  }
0x66: {  	[tilespmem:$0x6CC0] =	vst v1  }
0x67: {  	[tilespmem:$0x6CD0] =	vst v1  }
0x68: {  	[tilespmem:$0x6CE0] =	vst v1  }
0x69: {  	[tilespmem:$0x6CF0] =	vst v1  }
0x6a: {  	[tilespmem:$0x6D00] =	vst v1  }
0x6b: {  	[tilespmem:$0x6D10] =	vst v1  }
0x6c: {  	[tilespmem:$0x6D20] =	vst v1  }
0x6d: {  	[tilespmem:$0x6D30] =	vst v1  }
0x6e: {  	[tilespmem:$0x6D40] =	vst v1  }
0x6f: {  	[tilespmem:$0x6D50] =	vst v1  }
0x70: {  	[tilespmem:$0x6D60] =	vst v1  }
0x71: {  	[tilespmem:$0x6D70] =	vst v1  }
0x72: {  	[tilespmem:$0x6D80] =	vst v1  }
0x73: {  	[tilespmem:$0x6D90] =	vst v1  }
0x74: {  	[tilespmem:$0x6DA0] =	vst v1  }
0x75: {  	[tilespmem:$0x6DB0] =	vst v1  }
0x76: {  	[tilespmem:$0x6DC0] =	vst v1  }
0x77: {  	[tilespmem:$0x6DD0] =	vst v1  }
0x78: {  	[tilespmem:$0x6DE0] =	vst v1  }
0x79: {  	[tilespmem:$0x6DF0] =	vst v1  }
0x7a: {  	[tilespmem:$0x6E00] =	vst v1  }
0x7b: {  	[tilespmem:$0x6E10] =	vst v1  }
0x7c: {  	[tilespmem:$0x6E20] =	vst v1  }
0x7d: {  	[tilespmem:$0x6E30] =	vst v1  }
0x7e: {  	[tilespmem:$0x6E40] =	vst v1  }
0x7f: {  	[tilespmem:$0x6E50] =	vst v1  }
0x80: {  	[tilespmem:$0x6E60] =	vst v1  }
0x81: {  	[tilespmem:$0x6E70] =	vst v1  }
0x82: {  	[tilespmem:$0x6E80] =	vst v1  }
0x83: {  	[tilespmem:$0x6E90] =	vst v1  }
0x84: {  	[tilespmem:$0x6EA0] =	vst v1  }
0x85: {  	[tilespmem:$0x6EB0] =	vst v1  }
0x86: {  	[tilespmem:$0x6EC0] =	vst v1  }
0x87: {  	[tilespmem:$0x6ED0] =	vst v1  }
0x88: {  	[tilespmem:$0x6EE0] =	vst v1  }
0x89: {  	[tilespmem:$0x6EF0] =	vst v1  }
0x8a: {  	[tilespmem:$0x6F00] =	vst v1  }
0x8b: {  	[tilespmem:$0x6F10] =	vst v1  }
0x8c: {  	[tilespmem:$0x6F20] =	vst v1  }
0x8d: {  	[tilespmem:$0x6F30] =	vst v1  }
0x8e: {  	[tilespmem:$0x6F40] =	vst v1  }
0x8f: {  	[tilespmem:$0x6F50] =	vst v1  }
0x90: {  	[tilespmem:$0x6F60] =	vst v1  }
0x91: {  	[tilespmem:$0x6F70] =	vst v1  }
0x92: {  	[tilespmem:$0x6F80] =	vst v1  }
0x93: {  	[tilespmem:$0x6F90] =	vst v1  }
0x94: {  	[tilespmem:$0x6FA0] =	vst v1  }
0x95: {  	[tilespmem:$0x6FB0] =	vst v1  }
0x96: {  	[tilespmem:$0x6FC0] =	vst v1  }
0x97: {  	[tilespmem:$0x6FD0] =	vst v1  }
0x98: {  	[tilespmem:$0x6FE0] =	vst v1  }
0x99: {  	[tilespmem:$0x6FF0] =	vst v1  }
0x9a: {  	[tilespmem:$0x7000] =	vst v1  }
0x9b: {  	[tilespmem:$0x7010] =	vst v1  }
0x9c: {  	[tilespmem:$0x7020] =	vst v1  }
0x9d: {  	[tilespmem:$0x7030] =	vst v1  }
0x9e: {  	[tilespmem:$0x7040] =	vst v1  }
0x9f: {  	[tilespmem:$0x7050] =	vst v1  }
0xa0: {  	[tilespmem:$0x7060] =	vst v1  }
0xa1: {  	[tilespmem:$0x7070] =	vst v1  }
0xa2: {  	[tilespmem:$0x7080] =	vst v1  }
0xa3: {  	[tilespmem:$0x7090] =	vst v1  }
0xa4: {  	[tilespmem:$0x70A0] =	vst v1  }
0xa5: {  	[tilespmem:$0x70B0] =	vst v1  }
0xa6: {  	[tilespmem:$0x70C0] =	vst v1  }
0xa7: {  	[tilespmem:$0x70D0] =	vst v1  }
0xa8: {  	[tilespmem:$0x70E0] =	vst v1  }
0xa9: {  	[tilespmem:$0x70F0] =	vst v1  }
0xaa: {  	[tilespmem:$0x7100] =	vst v1  }
0xab: {  	[tilespmem:$0x7110] =	vst v1  }
0xac: {  	[tilespmem:$0x7120] =	vst v1  }
0xad: {  	[tilespmem:$0x7130] =	vst v1  }
0xae: {  	[tilespmem:$0x7140] =	vst v1  }
0xaf: {  	[tilespmem:$0x7150] =	vst v1  }
0xb0: {  	[tilespmem:$0x7160] =	vst v1  }
0xb1: {  	[tilespmem:$0x7170] =	vst v1  }
0xb2: {  	[tilespmem:$0x7180] =	vst v1  }
0xb3: {  	[tilespmem:$0x7190] =	vst v1  }
0xb4: {  	[tilespmem:$0x71A0] =	vst v1  }
0xb5: {  	[tilespmem:$0x71B0] =	vst v1  }
0xb6: {  	[tilespmem:$0x71C0] =	vst v1  }
0xb7: {  	[tilespmem:$0x71D0] =	vst v1  }
0xb8: {  	[tilespmem:$0x71E0] =	vst v1  }
0xb9: {  	[tilespmem:$0x71F0] =	vst v1  }
0xba: {  	[tilespmem:$0x7200] =	vst v1  }
0xbb: {  	[tilespmem:$0x7210] =	vst v1  }
0xbc: {  	[tilespmem:$0x7220] =	vst v1  }
0xbd: {  	[tilespmem:$0x7230] =	vst v1  }
0xbe: {  	[tilespmem:$0x7240] =	vst v1  }
0xbf: {  	[tilespmem:$0x7250] =	vst v1  }
0xc0: {  	[tilespmem:$0x7260] =	vst v1  }
0xc1: {  	[tilespmem:$0x7270] =	vst v1  }
0xc2: {  	[spmem:s6] =	stream.linear.scatter [tilespmem:s18], [sflag:$0x2], $0x800, $0x38;
	[tilespmem:$0x9B00] =	vst v63  }
0xc3: {  	_ =	swait.ge [sflag:s19], $0x800  }
0xc4: {  	[sflag:s19] =	ssyncset.done $0x0  }
0xc5: {  	s0 =	rddreg [dreg:$0x6];
	[sflag:s19] =	ssyncadd.s32 $0xFFFFF800  }
0xc6: {  	[spmem:s0] =	stream.linear.scatter [tilespmem:s18], [sflag:$0x2], $0x800, $0x38;
	[tilespmem:$0x9B00] =	vst v63  }
0xc7: {  	_ =	swait.ge [sflag:s19], $0x800  }
0xc8: {  	[sflag:s19] =	ssyncset.done $0x0  }
0xc9: {  	s9 =	rddreg [dreg:$0x7];
	[sflag:s19] =	ssyncadd.s32 $0xFFFFF800  }
0xca: {  	[spmem:s9] =	stream.linear.scatter [tilespmem:s18], [sflag:$0x2], $0x800, $0x38;
	[tilespmem:$0x9B00] =	vst v63  }
0xcb: {  	_ =	swait.ge [sflag:s19], $0x800  }
0xcc: {  	[sflag:s19] =	ssyncset.done $0x0  }
0xcd: {  	s10 =	rddreg [dreg:$0x8];
	[sflag:s19] =	ssyncadd.s32 $0xFFFFF800  }
0xce: {  	[spmem:s10] =	stream.linear.scatter [tilespmem:s18], [sflag:$0x2], $0x800, $0x38;
	[tilespmem:$0x9B00] =	vst v63  }
0xcf: {  	_ =	swait.ge [sflag:s19], $0x800  }
0xd0: {  	[sflag:s19] =	ssyncset.done $0x0  }
0xd1: {  	s11 =	rddreg [dreg:$0x9];
	[sflag:s19] =	ssyncadd.s32 $0xFFFFF800  }
0xd2: {  	[spmem:s11] =	stream.linear.scatter [tilespmem:s18], [sflag:$0x2], $0x800, $0x38;
	[tilespmem:$0x9B00] =	vst v63  }
0xd3: {  	_ =	swait.ge [sflag:s19], $0x800  }
0xd4: {  	[sflag:s19] =	ssyncset.done $0x0  }
0xd5: {  	s22 =	rddreg [dreg:$0xa];
	[sflag:s19] =	ssyncadd.s32 $0xFFFFF800  }
0xd6: {  	[spmem:s22] =	stream.linear.scatter [tilespmem:s20], [sflag:$0x2], $0x80, $0x38;
	[tilespmem:$0x9B00] =	vst v63  }
0xd7: {  	_ =	swait.ge [sflag:s19], $0x80  }
0xd8: {  	[sflag:s19] =	ssyncset.done $0x0  }
0xd9: {  	s31 =	simm.s32 $0x400;
	[sflag:s19] =	ssyncadd.s32 $0xFFFFFF80  }
0xda: {  	[tilespmem:s5], [sflag:$0x2] =	stream.strided.gather [hbm4b:s12+s21], $0x1400, s31, s21, $0x38;
	[tilespmem:$0x9B00] =	vst v63  }
0xdb: {  	_ =	swait.ge [sflag:s19], $0x1400  }
0xdc: {  	[sflag:s19] =	ssyncset.done $0x0  }
0xdd: {  	[sflag:s19] =	ssyncadd.s32 $0xFFFFEC00  }
0xde: {  	s2 =	simm.s32 $0x0;
	[bflag:$0x0] =	sbarrier.arrive $0xFFFF  }
0xdf: {  	s30 =	simm.s32 $0x40;
	v3 =	vld [tilespmem:s2+$0x0];
	s2 =	simm.s32 $0x0  }
.LBB2_2:
0xe0: {  	_ =	sdelay $0x3  }
0xe1: {  	p0 =	sne.s32 s30, $0x4FC0;
	s31 =	smov.u32 s30;
	s30 =	sadd.s32 $0x40, s30;
	(v2sf) =	vpush v3, $0xA  }
0xe2: {  	(v2sf) =	vpush v3, $0x5  }
0xe3: {  	(v2sf) =	vpush v3, $0x6  }
0xe4: {  	(v2sf) =	vpush v3, $0x2  }
0xe5: {  	(v2sf) =	vpush v3, $0x1  }
0xe6: {  	s31 =	sshra.s32 s31, $0x2;
	(v2sf) =	vpush v3, $0x0  }
0xe7: {  	(v2sf) =	vpush v3, $0xB  }
0xe8: {  	(v2sf) =	vpush v3, $0x3  }
0xe9: {  	(v2sf) =	vpush v3, $0xD  }
0xea: {  	(v2sf) =	vpush v3, $0x4  }
0xeb: {  	(v2sf) =	vpush v3, $0x7  }
0xec: {  	(v2sf) =	vpush v3, $0x8;
	_ =	sdelay $0x1  }
0xed: {  	(v2sf) =	vpush v3, $0x9;
	_ =	sdelay $0x1  }
0xee: {  	s0 =	spop (v2sf)  }
0xef: {  	p1 =	slt.s32 s0, $0x800000;
	s0 =	spop (v2sf);
	(v2sf) =	vpush v3, $0xF  }
0xf0: {  	p3 =	slt.s32 s0, $0x800000;
	s0 =	spop (v2sf);
	(v2sf) =	vpush v3, $0xC  }
0xf1: {  	p2 =	slt.s32 s0, $0x800000;
	s0 =	spop (v2sf)  }
0xf2: {  	p4 =	slt.s32 s0, $0x800000;
	s0 =	simm.s32 $0x1  }
0xf3: {  	s22 =	spop (v2sf);
	(v2sf) =	vpush v3, $0xE;
	s0 =	simm.s32 @!p2 $0x0  }
0xf4: {  	p2 =	slt.s32 s22, $0x800000;
	s22 =	simm.s32 $0x1;
	s7 =	spop (v2sf)  }
0xf5: {  	s22 =	simm.s32 @!p4 $0x0;
	p4 =	slt.s32 s7, $0x800000;
	s7 =	simm.s32 $0x1  }
0xf6: {  	s9 =	simm.s32 $0x1;
	v4 =	vbroadcast v3, $0x0;
	s8 =	spop (v2sf);
	s7 =	simm.s32 @!p2 $0x0  }
0xf7: {  	v5 =	vbroadcast v3, $0x1;
	s9 =	simm.s32 @!p4 $0x0;
	p2 =	slt.s32 s8, $0x800000;
	s8 =	spop (v2sf)  }
0xf8: {  	[tilespmem:s2+$0x1400] =	vst v4;
	s2 =	sadd.s32 s9, s2;
	v4 =	vbroadcast v3, $0x2;
	p4 =	slt.s32 s8, $0x800000;
	s8 =	spop (v2sf)  }
0xf9: {  	[tilespmem:s2+$0x1400] =	vst v5;
	s2 =	sadd.s32 s7, s2;
	s7 =	simm.s32 $0x1  }
0xfa: {  	v5 =	vbroadcast v3, $0x3;
	s9 =	spop (v2sf);
	s7 =	simm.s32 @!p4 $0x0  }
0xfb: {  	p4 =	slt.s32 s9, $0x800000;
	[tilespmem:s2+$0x1400] =	vst v4;
	s2 =	sadd.s32 s22, s2;
	v4 =	vbroadcast v3, $0x4;
	s9 =	spop (v2sf)  }
0xfc: {  	[tilespmem:s2+$0x1400] =	vst v5;
	s2 =	sadd.s32 s7, s2;
	s7 =	simm.s32 $0x1  }
0xfd: {  	v5 =	vbroadcast v3, $0x5;
	s22 =	spop (v2sf);
	s7 =	simm.s32 @!p4 $0x0  }
0xfe: {  	[tilespmem:s2+$0x1400] =	vst v4;
	s2 =	sadd.s32 s7, s2;
	s7 =	simm.s32 $0x1  }
0xff: {  	v4 =	vbroadcast v3, $0x6;
	s7 =	simm.s32 @!p3 $0x0;
	p3 =	slt.s32 s22, $0x800000  }
0x100: {  	p4 =	slt.s32 s9, $0x800000;
	[tilespmem:s2+$0x1400] =	vst v5;
	s2 =	sadd.s32 s7, s2;
	v5 =	vbroadcast v3, $0x7;
	s7 =	spop (v2sf)  }
0x101: {  	[tilespmem:s2+$0x1400] =	vst v4;
	s0 =	sadd.s32 s0, s2;
	s2 =	simm.s32 $0x1  }
0x102: {  	v4 =	vbroadcast v3, $0x8;
	s2 =	simm.s32 @!p4 $0x0;
	p4 =	slt.s32 s7, $0x800000  }
0x103: {  	[tilespmem:s0+$0x1400] =	vst v5;
	s0 =	sadd.s32 s2, s0;
	s2 =	simm.s32 $0x1  }
0x104: {  	v5 =	vbroadcast v3, $0x9;
	s2 =	simm.s32 @!p3 $0x0;
	p3 =	slt.s32 s8, $0x800000  }
0x105: {  	[tilespmem:s0+$0x1400] =	vst v4;
	s0 =	sadd.s32 s2, s0;
	s2 =	simm.s32 $0x1  }
0x106: {  	v4 =	vbroadcast v3, $0xA;
	s7 =	spop (v2sf);
	s2 =	simm.s32 @!p4 $0x0  }
0x107: {  	[tilespmem:s0+$0x1400] =	vst v5;
	s0 =	sadd.s32 s2, s0;
	s2 =	simm.s32 $0x1  }
0x108: {  	v5 =	vbroadcast v3, $0xB;
	s8 =	spop (v2sf);
	s2 =	simm.s32 @!p1 $0x0  }
0x109: {  	[tilespmem:s0+$0x1400] =	vst v4;
	s0 =	sadd.s32 s2, s0;
	s2 =	simm.s32 $0x1  }
0x10a: {  	p1 =	slt.s32 s8, $0x800000;
	v4 =	vbroadcast v3, $0xC;
	s2 =	simm.s32 @!p2 $0x0  }
0x10b: {  	[tilespmem:s0+$0x1400] =	vst v5;
	s0 =	sadd.s32 s2, s0;
	s2 =	simm.s32 $0x1  }
0x10c: {  	v5 =	vbroadcast v3, $0xD;
	s8 =	spop (v2sf);
	s2 =	simm.s32 @!p1 $0x0  }
0x10d: {  	[tilespmem:s0+$0x1400] =	vst v4;
	s0 =	sadd.s32 s2, s0;
	s2 =	simm.s32 $0x1  }
0x10e: {  	p1 =	slt.s32 s8, $0x800000;
	v4 =	vbroadcast v3, $0xE;
	s2 =	simm.s32 @!p3 $0x0  }
0x10f: {  	[tilespmem:s0+$0x1400] =	vst v5;
	s0 =	sadd.s32 s2, s0;
	s2 =	simm.s32 $0x1  }
.Ltmp2:
0x110: {  	v3 =	vbroadcast v3, $0xF;
	s2 =	simm.s32 @!p1 $0x0;
	p1 =	slt.s32 s7, $0x800000;
	(pc) =	sbr.rel @p0 .LBB2_2-.Ltmp2, $4  }
0x111: {  	[tilespmem:s0+$0x1400] =	vst v4;
	s0 =	sadd.s32 s2, s0;
	s2 =	simm.s32 $0x1  }
0x112: {  	s2 =	simm.s32 @!p1 $0x0  }
0x113: {  	[tilespmem:s0+$0x1400] =	vst v3;
	s2 =	sadd.s32 s2, s0  }
0x114: {  	v3 =	vld [tilespmem:s31+$0x0]  }
0x115: {  	_ =	sdelay $0x3  }
0x116: {  	(v2sf) =	vpush v3, $0xA  }
0x117: {  	(v2sf) =	vpush v3, $0x5  }
0x118: {  	(v2sf) =	vpush v3, $0x6  }
0x119: {  	(v2sf) =	vpush v3, $0x2  }
0x11a: {  	(v2sf) =	vpush v3, $0x1  }
0x11b: {  	(v2sf) =	vpush v3, $0x0;
	_ =	sdelay $0x1  }
0x11c: {  	(v2sf) =	vpush v3, $0xB  }
0x11d: {  	(v2sf) =	vpush v3, $0x3  }
0x11e: {  	(v2sf) =	vpush v3, $0xD  }
0x11f: {  	(v2sf) =	vpush v3, $0x4;
	_ =	sdelay $0x1  }
0x120: {  	(v2sf) =	vpush v3, $0x7  }
0x121: {  	(v2sf) =	vpush v3, $0x8;
	_ =	sdelay $0x1  }
0x122: {  	s9 =	simm.s32 $0x1;
	s0 =	spop (v2sf)  }
0x123: {  	s30 =	simm.s32 $0x1;
	(v2sf) =	vpush v3, $0x9;
	s7 =	spop (v2sf);
	p0 =	slt.s32 s0, $0x800000  }
0x124: {  	s0 =	simm.s32 $0x1;
	s8 =	spop (v2sf);
	p2 =	slt.s32 s7, $0x800000  }
0x125: {  	(v2sf) =	vpush v3, $0xF;
	s7 =	simm.s32 $0x1;
	s10 =	spop (v2sf);
	p3 =	slt.s32 s8, $0x800000  }
0x126: {  	s8 =	simm.s32 $0x1;
	s11 =	spop (v2sf);
	p1 =	slt.s32 s10, $0x800000  }
0x127: {  	(v2sf) =	vpush v3, $0xC;
	s10 =	simm.s32 $0x1;
	s9 =	simm.s32 @!p3 $0x0;
	s22 =	spop (v2sf)  }
0x128: {  	p4 =	slt.s32 s11, $0x800000;
	s0 =	simm.s32 @!p1 $0x0;
	p1 =	slt.s32 s22, $0x800000  }
0x129: {  	v4 =	vbroadcast v3, $0x0;
	s8 =	simm.s32 @!p4 $0x0;
	s22 =	spop (v2sf);
	s7 =	simm.s32 @!p1 $0x0  }
0x12a: {  	(v2sf) =	vpush v3, $0xE;
	p1 =	slt.s32 s22, $0x800000;
	s31 =	spop (v2sf);
	s7 =	sadd.s32 s7, s2  }
0x12b: {  	v5 =	vbroadcast v3, $0x1;
	[tilespmem:s2+$0x1400] =	vst v4;
	p4 =	slt.s32 s31, $0x800000;
	s22 =	spop (v2sf);
	s2 =	simm.s32 $0x1  }
0x12c: {  	v51 =	vbroadcast v3, $0x2;
	s8 =	sadd.s32 s8, s7;
	s30 =	simm.s32 @!p4 $0x0;
	s31 =	spop (v2sf)  }
0x12d: {  	[tilespmem:s7+$0x1400] =	vst v5;
	s2 =	simm.s32 @!p2 $0x0;
	s0 =	sadd.s32 s0, s8;
	p4 =	slt.s32 s31, $0x800000  }
0x12e: {  	v52 =	vbroadcast v3, $0x3;
	s31 =	spop (v2sf);
	[tilespmem:s8+$0x1400] =	vst v51;
	s8 =	simm.s32 $0x1;
	s30 =	sadd.s32 s30, s0  }
0x12f: {  	v53 =	vbroadcast v3, $0x4;
	s11 =	spop (v2sf);
	s10 =	simm.s32 @!p4 $0x0;
	p2 =	slt.s32 s31, $0x800000  }
0x130: {  	v54 =	vbroadcast v3, $0x5;
	[tilespmem:s0+$0x1400] =	vst v52;
	s0 =	simm.s32 $0x1;
	p4 =	slt.s32 s11, $0x800000;
	s7 =	sadd.s32 s10, s30  }
0x131: {  	v55 =	vbroadcast v3, $0x6;
	s8 =	simm.s32 @!p2 $0x0;
	[tilespmem:s30+$0x1400] =	vst v53;
	p2 =	slt.s32 s22, $0x800000;
	s2 =	sadd.s32 s2, s7  }
0x132: {  	v56 =	vbroadcast v3, $0x7;
	[tilespmem:s7+$0x1400] =	vst v54;
	s7 =	simm.s32 $0x1;
	s9 =	sadd.s32 s9, s2;
	s10 =	spop (v2sf)  }
0x133: {  	[tilespmem:s2+$0x1400] =	vst v55;
	s11 =	sadd.s32 s8, s9;
	s8 =	simm.s32 $0x1;
	p3 =	slt.s32 s10, $0x800000  }
0x134: {  	v57 =	vbroadcast v3, $0x8;
	[tilespmem:s9+$0x1400] =	vst v56;
	s8 =	simm.s32 @!p4 $0x0;
	s9 =	spop (v2sf);
	s10 =	simm.s32 $0x1  }
0x135: {  	v58 =	vbroadcast v3, $0x9;
	s22 =	sadd.s32 s8, s11;
	s7 =	simm.s32 @!p3 $0x0;
	s8 =	simm.s32 $0x1  }
0x136: {  	v59 =	vbroadcast v3, $0xA;
	[tilespmem:s11+$0x1400] =	vst v57;
	s31 =	spop (v2sf);
	s7 =	sadd.s32 s7, s22;
	s8 =	simm.s32 @!p0 $0x0  }
0x137: {  	v60 =	vbroadcast v3, $0xB;
	s10 =	simm.s32 @!p1 $0x0;
	[tilespmem:s22+$0x1400] =	vst v58;
	p0 =	slt.s32 s31, $0x800000;
	s8 =	sadd.s32 s8, s7  }
0x138: {  	v61 =	vbroadcast v3, $0xC;
	[tilespmem:s7+$0x1400] =	vst v59;
	s0 =	simm.s32 @!p0 $0x0;
	s7 =	simm.s32 $0x1;
	s11 =	sadd.s32 s10, s8  }
0x139: {  	v62 =	vbroadcast v3, $0xD;
	s22 =	spop (v2sf);
	[tilespmem:s8+$0x1400] =	vst v60;
	s7 =	simm.s32 @!p2 $0x0;
	s0 =	sadd.s32 s0, s11  }
0x13a: {  	v63 =	vbroadcast v3, $0xE;
	p0 =	slt.s32 s22, $0x800000;
	[tilespmem:s11+$0x1400] =	vst v61;
	s31 =	sadd.s32 s7, s0;
	s7 =	simm.s32 $0x1  }
0x13b: {  	v3 =	vbroadcast v3, $0xF;
	[tilespmem:s0+$0x1400] =	vst v62;
	s0 =	simm.s32 $0x1;
	s7 =	simm.s32 @!p0 $0x0;
	p0 =	slt.s32 s9, $0x800000  }
0x13c: {  	[tilespmem:s31+$0x1400] =	vst v63;
	s2 =	sadd.s32 s7, s31;
	s0 =	simm.s32 @!p0 $0x0  }
0x13d: {  	[tilespmem:s2+$0x1400] =	vst v3;
	s0 =	sadd.s32 s0, s2  }
0x13e: {  	[tilespmem:s0+$0x1400] =	vst v2;
	s2 =	sadd.s32 $0x7F, s0  }
0x13f: {  	[tilespmem:s0+$0x1410] =	vst v2;
	s2 =	sshrl.u32 s2, $0x7  }
0x140: {  	[tilespmem:s0+$0x1420] =	vst v2;
	p0 =	seq.s32 s2, $0x0  }
.Ltmp3:
0x141: {  	[tilespmem:s0+$0x1430] =	vst v2;
	(pc) =	sbr.rel @p0 .LBB2_7-.Ltmp3, $4  }
0x142: {  	[tilespmem:s0+$0x1440] =	vst v2  }
0x143: {  	[tilespmem:s0+$0x1450] =	vst v2  }
0x144: {  	[tilespmem:s0+$0x1460] =	vst v2  }
0x145: {  	s30 =	simm.s32 $0x1440;
	[tilespmem:s0+$0x1470] =	vst v2  }
0x146: {  	v3 =	vld [tilespmem:s30+$0xFFFFFFC0];
	_ =	sdelay $0x4  }
0x147: {  	v4 =	vand.u32 $0x1FFF, v3  }
0x148: {  	v3 =	vshrl.u32 v3, $0xD;
	[tilespmem:$0x2880] =	vst v4  }
0x149: {  	[tilespmem:$0x2900] =	vst v3  }
0x14a: {  	v3 =	vld [tilespmem:s30+$0xFFFFFFD0];
	_ =	sdelay $0x4  }
0x14b: {  	v57 =	vand.u32 $0x1FFF, v3  }
0x14c: {  	v3 =	vshrl.u32 v3, $0xD;
	[tilespmem:$0x2890] =	vst v57  }
0x14d: {  	[tilespmem:$0x2910] =	vst v3  }
0x14e: {  	v3 =	vld [tilespmem:s30+$0xFFFFFFE0];
	_ =	sdelay $0x4  }
0x14f: {  	v58 =	vand.u32 $0x1FFF, v3  }
0x150: {  	v3 =	vshrl.u32 v3, $0xD;
	[tilespmem:$0x28A0] =	vst v58  }
0x151: {  	[tilespmem:$0x2920] =	vst v3  }
0x152: {  	v3 =	vld [tilespmem:s30+$0xFFFFFFF0];
	_ =	sdelay $0x4  }
0x153: {  	v59 =	vand.u32 $0x1FFF, v3  }
0x154: {  	v3 =	vshrl.u32 v3, $0xD;
	[tilespmem:$0x28B0] =	vst v59  }
0x155: {  	[tilespmem:$0x2930] =	vst v3  }
0x156: {  	v3 =	vld [tilespmem:s30+$0x0];
	_ =	sdelay $0x4  }
0x157: {  	v60 =	vand.u32 $0x1FFF, v3  }
0x158: {  	v3 =	vshrl.u32 v3, $0xD;
	[tilespmem:$0x28C0] =	vst v60  }
0x159: {  	[tilespmem:$0x2940] =	vst v3  }
0x15a: {  	v3 =	vld [tilespmem:s30+$0x10];
	_ =	sdelay $0x4  }
0x15b: {  	v61 =	vand.u32 $0x1FFF, v3  }
0x15c: {  	v3 =	vshrl.u32 v3, $0xD;
	[tilespmem:$0x28D0] =	vst v61  }
0x15d: {  	[tilespmem:$0x2950] =	vst v3  }
0x15e: {  	v3 =	vld [tilespmem:s30+$0x20];
	_ =	sdelay $0x4  }
0x15f: {  	v62 =	vand.u32 $0x1FFF, v3  }
0x160: {  	v3 =	vshrl.u32 v3, $0xD;
	[tilespmem:$0x28E0] =	vst v62  }
0x161: {  	[tilespmem:$0x2960] =	vst v3  }
0x162: {  	v3 =	vld [tilespmem:s30+$0x30];
	_ =	sdelay $0x4  }
0x163: {  	p0 =	sne.s32 s2, $0x1;
	v63 =	vand.u32 $0x1FFF, v3  }
.Ltmp4:
0x164: {  	v3 =	vshrl.u32 v3, $0xD;
	[tilespmem:$0x28F0] =	vst v63;
	(pc) =	sbr.rel @!p0 .LBB2_6-.Ltmp4, $4  }
0x165: {  	[tilespmem:$0x2970] =	vst v3  }
0x166: {  	[tilespmem:s24], [sflag:$0x1] =	stream.indirect.gather [hbm4b:s1+s21], $0x80, s25, s21, $0xb8;
	[tilespmem:$0x9B00] =	vst v63  }
0x167: {  	_ =	swait.ge [sflag:s23], $0x4000  }
0x168: {  	s31 =	sadd.s32 $0xFFFFFFFF, s2;
	[sflag:s23] =	ssyncset.done $0x0  }
.LBB2_5:
0x169: {  	p0 =	sne.s32 s31, $0x1;
	[sflag:s23] =	ssyncadd.s32 $0xFFFFC000;
	s30 =	sadd.s32 $0x80, s30  }
0x16a: {  	[spmem:s3] =	stream.indirect.scatter.add.f32 [tilespmem:s24], [sflag:$0x2], $0x80, s26, s21, $0xb8;
	[tilespmem:$0x9B00] =	vst v63  }
0x16b: {  	s31 =	sadd.s32 $0xFFFFFFFF, s31;
	_ =	swait.ge [sflag:s19], $0x4000  }
0x16c: {  	[sflag:s19] =	ssyncset.done $0x0  }
0x16d: {  	[sflag:s19] =	ssyncadd.s32 $0xFFFFC000  }
0x16e: {  	[spmem:s4] =	stream.indirect.scatter.add.f32 [tilespmem:s28], [sflag:$0x2], $0x1, s26, s21, $0xb8;
	[tilespmem:$0x9B00] =	vst v63  }
0x16f: {  	_ =	swait.ge [sflag:s19], $0x80  }
0x170: {  	[sflag:s19] =	ssyncset.done $0x0  }
0x171: {  	[sflag:s19] =	ssyncadd.s32 $0xFFFFFF80  }
0x172: {  	v3 =	vld [tilespmem:s30+$0xFFFFFFC0];
	_ =	sdelay $0x4  }
0x173: {  	v4 =	vand.u32 $0x1FFF, v3;
	v3 =	vshrl.u32 v3, $0xD  }
0x174: {  	[tilespmem:$0x2880] =	vst v4  }
0x175: {  	[tilespmem:$0x2900] =	vst v3  }
0x176: {  	v3 =	vld [tilespmem:s30+$0xFFFFFFD0];
	_ =	sdelay $0x4  }
0x177: {  	v4 =	vand.u32 $0x1FFF, v3;
	v3 =	vshrl.u32 v3, $0xD  }
0x178: {  	[tilespmem:$0x2890] =	vst v4  }
0x179: {  	[tilespmem:$0x2910] =	vst v3  }
0x17a: {  	v3 =	vld [tilespmem:s30+$0xFFFFFFE0];
	_ =	sdelay $0x4  }
0x17b: {  	v4 =	vand.u32 $0x1FFF, v3;
	v3 =	vshrl.u32 v3, $0xD  }
0x17c: {  	[tilespmem:$0x28A0] =	vst v4  }
0x17d: {  	[tilespmem:$0x2920] =	vst v3  }
0x17e: {  	v3 =	vld [tilespmem:s30+$0xFFFFFFF0];
	_ =	sdelay $0x4  }
0x17f: {  	v4 =	vand.u32 $0x1FFF, v3;
	v3 =	vshrl.u32 v3, $0xD  }
0x180: {  	[tilespmem:$0x28B0] =	vst v4  }
0x181: {  	[tilespmem:$0x2930] =	vst v3  }
0x182: {  	v3 =	vld [tilespmem:s30+$0x0];
	_ =	sdelay $0x4  }
0x183: {  	v4 =	vand.u32 $0x1FFF, v3;
	v3 =	vshrl.u32 v3, $0xD  }
0x184: {  	[tilespmem:$0x28C0] =	vst v4  }
0x185: {  	[tilespmem:$0x2940] =	vst v3  }
0x186: {  	v3 =	vld [tilespmem:s30+$0x10];
	_ =	sdelay $0x4  }
0x187: {  	v4 =	vand.u32 $0x1FFF, v3;
	v3 =	vshrl.u32 v3, $0xD  }
0x188: {  	[tilespmem:$0x28D0] =	vst v4  }
0x189: {  	[tilespmem:$0x2950] =	vst v3  }
0x18a: {  	v3 =	vld [tilespmem:s30+$0x20];
	_ =	sdelay $0x4  }
0x18b: {  	v4 =	vand.u32 $0x1FFF, v3;
	v3 =	vshrl.u32 v3, $0xD  }
0x18c: {  	[tilespmem:$0x28E0] =	vst v4  }
0x18d: {  	[tilespmem:$0x2960] =	vst v3  }
0x18e: {  	v3 =	vld [tilespmem:s30+$0x30];
	_ =	sdelay $0x4  }
0x18f: {  	v4 =	vand.u32 $0x1FFF, v3;
	v3 =	vshrl.u32 v3, $0xD  }
.Ltmp5:
0x190: {  	[tilespmem:$0x28F0] =	vst v4;
	(pc) =	sbr.rel @p0 .LBB2_5-.Ltmp5, $4  }
0x191: {  	[tilespmem:$0x2970] =	vst v3  }
0x192: {  	[tilespmem:s24], [sflag:$0x1] =	stream.indirect.gather [hbm4b:s1+s21], $0x80, s25, s21, $0xb8;
	[tilespmem:$0x9B00] =	vst v63  }
0x193: {  	_ =	swait.ge [sflag:s23], $0x4000  }
0x194: {  	[sflag:s23] =	ssyncset.done $0x0  }
.Ltmp6:
0x195: {  	_ = 	snop;
	(pc) =	sbr.rel .LBB2_6-.Ltmp6, $1  }
0x196: {  	_ =	sdelay $0x3  }
.LBB2_8:
0x197: {  	_ =	sfence.sel $0x180000  }
0x198: {  	[bflag:$0x0] =	sbarrier.arrive $0xFFFF  }
0x199: {  	_ =	strace $0x90000047  }
0x19a: {  	s0 =	stileid.u32;
	[bflag:$0x2] =	sbarrier.arrive $0xFFFF  }
0x19b: {  	p0 =	sne.s32 s0, $0x0;
	s0 =	rddreg [dreg:$0x5]  }
0x19c: {  	s0 =	sadd.s32 @!p0 $0x100000, s0  }
0x19d: {  	[sflag:s0] =	ssyncadd.tile.s32 @!p0 $0x1;
	_ =	shalt  }
.Lfunc_end2:
_tile_overlayer_lowered:
.L_overlay_start_2:
0x19e: {  	(tag) =	ssettag $0x2  }
0x19f: {  	s0 =	rddreg [dreg:$0x0];
	s2 =	stileid.u32  }
0x1a0: {  	s1 =	rddreg [dreg:$0x1];
	p0 =	sne.s32 s2, $0x0  }
0x1a1: {  	s3 =	rddreg [dreg:$0x2];
	[bflag:$0x3] =	sbarrier.arrive $0xFFFF;
	s2 =	simm.s32 @!p0 $0x1C02  }
0x1a2: {  	[timem:s3], [sflag:s2] =	dma.local @!p0 [hbm:s0], s1  }
0x1a3: {  	s0 =	simm.s32 @!p0 $0x2  }
0x1a4: {  	_ =	swait.ge @!p0 [sflag:s0], s1  }
0x1a5: {  	s1 =	ssub.s32 @!p0 $0x0, s1;
	[sflag:s0] =	ssyncset.done @!p0 $0x0  }
0x1a6: {  	[sflag:s0] =	ssyncadd.s32 @!p0 s1  }
0x1a7: {  	[bflag:$0x3] =	sbarrier.arrive $0xFFFF  }
0x1a8: {  	_ =	shalt  }

// kernel: kernel.9.cloned.1.call-start
scs
__scs_entry_jumppad:
0x0: {  	(pc) =	sbr.rel $0x88, $3  }
0x1: {  	(tag) =	ssettag $0x0;
	lr =	simm.s32 $0x1  }
0x2: {  	[smem:$0x3F98] =	sst lr;
	_ =	strace $0xD0000000  }
0x3: {  	_ = 	snop  }
0x4: {  	_ = 	snop  }
0x5: {  	_ = 	snop  }
0x6: {  	_ = 	snop  }
0x7: {  	_ = 	snop  }
__scs_overlays_trampoline_lowered:
0x8: {  	[smem:$0x3FA7] =	sst s0  }
0x9: {  	[smem:$0x3FA8] =	sst s1  }
0xa: {  	[smem:$0x3FA9] =	sst s2  }
0xb: {  	[smem:$0x3FAA] =	sst s3  }
0xc: {  	[smem:$0x3FAB] =	sst s4  }
0xd: {  	[smem:$0x3FAC] =	sst s5  }
0xe: {  	[smem:$0x3FAD] =	sst s6  }
0xf: {  	[smem:$0x3FAE] =	sst s7  }
0x10: {  	[smem:$0x3FAF] =	sst s8  }
0x11: {  	[smem:$0x3FB0] =	sst s9;
	s0 =	simm.s32 @!p0 $0x0  }
0x12: {  	s1 =	sld [smem:$0x3F96];
	s0 =	simm.s32 @p0 $0x1  }
0x13: {  	[smem:$0x3FB1] =	sst s0;
	s0 =	simm.s32 @!p1 $0x0  }
0x14: {  	s2 =	sld [smem:$0x3F95];
	s0 =	simm.s32 @p1 $0x1  }
0x15: {  	[smem:$0x3FB2] =	sst s0;
	s0 =	simm.s32 @!p2 $0x0  }
0x16: {  	s3 =	sld [smem:$0x3FDB];
	s0 =	simm.s32 @p2 $0x1  }
0x17: {  	s4 =	simm.s32 $0x1BF5;
	[smem:$0x3FB4] =	sst s0  }
0x18: {  	s0 =	sld [smem:$0x3F97];
	_ =	swait.ge [sflag:s4], $0x0  }
0x19: {  	s7 =	sld [smem:$0x3F98]  }
0x1a: {  	s8 =	sadd.s32 $0xFFFFE003, lr  }
0x1b: {  	s9 =	sadd.s32 $0xFFFFFEF7, lr;
	s5 =	simm.s32 $0xFFFFFFFF;
	p2 =	slt.u32 s8, $0xFFFFF086  }
0x1c: {  	p1 =	slt.u32 s9, $0xF7A;
	s5 =	simm.s32 @!p2 $0x0  }
0x1d: {  	s5 =	simm.s32 @p1 $0x1;
	p0 =	seq.s32 s7, s2  }
0x1e: {  	s7 =	smul.u32 @!p0 $0xF7A, s2;
	p2 =	seq.s32 @!p0 s5, $0x0  }
0x1f: {  	s9 =	smul.u32 $0xF7A, s1;
	s8 =	simm.s32 @!p0 $0x1BF5;
	p2 =	por !p2, p0  }
0x20: {  	[sflag:s8] =	ssyncset.s32 @!p0 $0xFFFFF086;
	s6 =	sadd.s32 @!p0 s3, s7;
	s7 =	simm.s32 @!p0 $0x108  }
0x21: {  	s3 =	sadd.s32 s3, s9;
	s6 =	sadd.s32 @!p0 $0x88, s6;
	s7 =	simm.s32 @p2 $0x1082  }
0x22: {  	[simem:s7], [sflag:s8] =	dma.local @!p0 [hbm:s6], $0xF7A  }
0x23: {  	s9 =	sor.u32 $0xD0000000, s2;
	s6 =	simm.s32 $0x108;
	_ =	swait.ge @!p0 [sflag:s8], $0x0  }
0x24: {  	s3 =	sadd.s32 $0x88, s3;
	s6 =	simm.s32 @!p1 $0x1082;
	[sflag:s4] =	ssyncset.s32 $0xFFFFF086  }
0x25: {  	[simem:s6], [sflag:s4] =	dma.local [hbm:s3], $0xF7A  }
0x26: {  	[smem:$0x3F98] =	sst s1;
	(tag) =	ssettag s2;
	_ =	strace s9  }
0x27: {  	s1 =	sld [smem:$0x3FA8]  }
0x28: {  	s2 =	sld [smem:$0x3FA9]  }
0x29: {  	s4 =	sld [smem:$0x3FAB]  }
0x2a: {  	p0 =	seq.s32 s5, $0x0;
	s5 =	sld [smem:$0x3FAC]  }
0x2b: {  	s6 =	sld [smem:$0x3FAD]  }
0x2c: {  	s7 =	sld [smem:$0x3FAE]  }
0x2d: {  	s3 =	simm.s32 $0x108;
	s8 =	sld [smem:$0x3FAF]  }
0x2e: {  	s3 =	simm.s32 @!p0 $0x1082;
	s9 =	sld [smem:$0x3FB0]  }
0x2f: {  	lr =	sadd.s32 s0, s3;
	s0 =	sld [smem:$0x3FA7]  }
0x30: {  	s3 =	sld [smem:$0x3FAA]  }
0x31: {  	[smem:$0x3FB3] =	sst s10  }
0x32: {  	s10 =	sld [smem:$0x3FB1];
	_ =	sdelay $0x3  }
0x33: {  	p0 =	seq.s32 s10, $0x1;
	s10 =	sld [smem:$0x3FB3];
	_ =	sdelay $0x3  }
0x34: {  	[smem:$0x3FB3] =	sst s10  }
0x35: {  	s10 =	sld [smem:$0x3FB2];
	_ =	sdelay $0x3  }
0x36: {  	p1 =	seq.s32 s10, $0x1;
	s10 =	sld [smem:$0x3FB3];
	_ =	sdelay $0x3  }
0x37: {  	[smem:$0x3FB3] =	sst s10  }
0x38: {  	s10 =	sld [smem:$0x3FB4]  }
0x39: {  	_ = 	snop;
	(pc) =	sbr.ind lr, $3  }
0x3a: {  	_ = 	snop  }
0x3b: {  	_ = 	snop  }
0x3c: {  	p2 =	seq.s32 s10, $0x1;
	s10 =	sld [smem:$0x3FB3]  }
0x3d: {  	_ =	shalt  }
0x3e: {  	_ =	shalt  }
0x3f: {  	_ =	shalt  }
0x40: {  	_ =	shalt  }
0x41: {  	_ =	shalt  }
0x42: {  	_ =	shalt  }
0x43: {  	_ =	shalt  }
0x44: {  	_ =	shalt  }
0x45: {  	_ =	shalt  }
0x46: {  	_ =	shalt  }
0x47: {  	_ =	shalt  }
0x48: {  	_ =	shalt  }
0x49: {  	_ =	shalt  }
0x4a: {  	_ =	shalt  }
0x4b: {  	_ =	shalt  }
0x4c: {  	_ =	shalt  }
0x4d: {  	_ =	shalt  }
0x4e: {  	_ =	shalt  }
0x4f: {  	_ =	shalt  }
0x50: {  	_ =	shalt  }
0x51: {  	_ =	shalt  }
0x52: {  	_ =	shalt  }
0x53: {  	_ =	shalt  }
0x54: {  	_ =	shalt  }
0x55: {  	_ =	shalt  }
0x56: {  	_ =	shalt  }
0x57: {  	_ =	shalt  }
0x58: {  	_ =	shalt  }
0x59: {  	_ =	shalt  }
0x5a: {  	_ =	shalt  }
0x5b: {  	_ =	shalt  }
0x5c: {  	_ =	shalt  }
0x5d: {  	_ =	shalt  }
0x5e: {  	_ =	shalt  }
0x5f: {  	_ =	shalt  }
0x60: {  	_ =	shalt  }
0x61: {  	_ =	shalt  }
0x62: {  	_ =	shalt  }
0x63: {  	_ =	shalt  }
0x64: {  	_ =	shalt  }
0x65: {  	_ =	shalt  }
0x66: {  	_ =	shalt  }
0x67: {  	_ =	shalt  }
0x68: {  	_ =	shalt  }
0x69: {  	_ =	shalt  }
0x6a: {  	_ =	shalt  }
0x6b: {  	_ =	shalt  }
0x6c: {  	_ =	shalt  }
0x6d: {  	_ =	shalt  }
0x6e: {  	_ =	shalt  }
0x6f: {  	_ =	shalt  }
0x70: {  	_ =	shalt  }
0x71: {  	_ =	shalt  }
0x72: {  	_ =	shalt  }
0x73: {  	_ =	shalt  }
0x74: {  	_ =	shalt  }
0x75: {  	_ =	shalt  }
0x76: {  	_ =	shalt  }
0x77: {  	_ =	shalt  }
0x78: {  	_ =	shalt  }
0x79: {  	_ =	shalt  }
0x7a: {  	_ =	shalt  }
0x7b: {  	_ =	shalt  }
0x7c: {  	_ =	shalt  }
0x7d: {  	_ =	shalt  }
0x7e: {  	_ =	shalt  }
0x7f: {  	_ =	shalt  }
0x80: {  	_ =	shalt  }
0x81: {  	_ =	shalt  }
0x82: {  	_ =	shalt  }
0x83: {  	_ =	shalt  }
0x84: {  	_ =	shalt  }
0x85: {  	_ =	shalt  }
0x86: {  	_ =	shalt  }
0x87: {  	_ =	shalt  }
.Lfunc_end0:
.L_simem_size_0:
called_computation.1_lowered:
.L_overlay_start_0:
0x88: {  	s2 =	sld [smem:$0x3FD9]  }
0x89: {  	s3 =	sld [smem:$0x3FFE];
	_ =	sdelay $0x1  }
0x8a: {  	s1 =	srdreg.scid  }
0x8b: {  	s0 =	sand.u32 $0x1, s1  }
0x8c: {  	s17 =	sshll.u32 s0, $0xA;
	s2 =	sadd.s32 s3, s2  }
0x8d: {  	s2 =	sadd.s32 s2, s17  }
0x8e: {  	[smem:$0x3FBF] =	sst s2  }
0x8f: {  	_ = 	snop  }
0x90: {  	s2 =	sld [smem:$0x3FD0];
	(tm) =	ssettm $0x1  }
0x91: {  	s18 =	sld [smem:$0x3FFB];
	_ =	sdelay $0x3  }
0x92: {  	_ =	strace s18  }
0x93: {  	s3 =	sld [smem:$0x3FFC];
	_ =	sdelay $0x3  }
0x94: {  	_ =	strace s3  }
0x95: {  	s3 =	sld [smem:$0x3FFD];
	_ =	sdelay $0x3  }
0x96: {  	_ =	strace s3  }
0x97: {  	_ =	strace $0x8FFFFFFF  }
0x98: {  	s19 =	sld [smem:$0x3FDB];
	_ =	sdelay $0x1  }
0x99: {  	s4 =	simm.s32 $_scs_section_size  }
0x9a: {  	s5 =	simm.s32 $_size__tile_overlayer_lowered;
	s6 =	simm.s32 $_tile_overlayer_lowered  }
0x9b: {  	s22 =	simm.s32 $0x1BFF;
	s21 =	sshll.u32 s6, $0x1;
	s3 =	sadd.s32 s4, s19  }
0x9c: {  	s7 =	simm.s32 $0x0;
	s20 =	sshll.u32 s5, $0x1;
	s5 =	sadd.s32 s21, s3  }
0x9d: {  	[timem:s7], [sflag:s22] =	dma.local [hbm:s5], s20  }
0x9e: {  	_ =	swait.ge [sflag:s22], s20  }
0x9f: {  	s4 =	ssub.s32 $0x0, s20;
	[sflag:s22] =	ssyncset.done $0x0  }
0xa0: {  	[sflag:s22] =	ssyncadd.s32 s4;
	_ =	sdelay $0x1  }
0xa1: {  	s23 =	simm.s32 $0x1B8B  }
0xa2: {  	_ =	swait.ge [sflag:s23], $0x1  }
0xa3: {  	[sflag:s23] =	ssyncset.done $0x0  }
0xa4: {  	s25 =	simm.s32 $0x1B8E;
	s24 =	sld [smem:$0x3FFE];
	[sflag:s23] =	ssyncadd.s32 $0xFFFFFFFF  }
0xa5: {  	s26 =	simm.s32 $execute0_lowered;
	[smem:$0x3FD2] =	sst s25  }
0xa6: {  	s5 =	sshll.u32 s26, $0x1;
	_ =	strace $0x80000049;
	[dreg:$0x1] =	wrdreg $0xFFFFFFFF  }
0xa7: {  	s28 =	simm.s32 $_size_execute0_lowered;
	s3 =	sadd.s32 s3, s5;
	[dreg:$0x0] =	wrdreg $0x0  }
0xa8: {  	s5 =	sshll.u32 s28, $0x1;
	[dreg:$0x2] =	wrdreg s3  }
0xa9: {  	[dreg:$0x3] =	wrdreg s5  }
0xaa: {  	[dreg:$0x4] =	wrdreg $0xC0  }
0xab: {  	_ =	task [dreg:s7], $0x5FFFF  }
0xac: {  	[dreg:$0x1] =	wrdreg $0xFFFFFFFF  }
0xad: {  	[dreg:$0x0] =	wrdreg $0x60  }
0xae: {  	[dreg:$0x2] =	wrdreg s2  }
0xaf: {  	[dreg:$0x3] =	wrdreg s24  }
0xb0: {  	[dreg:$0x4] =	wrdreg $0x51000  }
0xb1: {  	[dreg:$0x5] =	wrdreg $0x71000  }
0xb2: {  	[dreg:$0x6] =	wrdreg $0x9  }
0xb3: {  	_ =	task.clear_ibuf [dreg:s7], $0x7FFFF;
	_ =	strace $0x90000049  }
0xb4: {  	s29 =	simm.s32 $0x9;
	_ =	strace $0x8000004B  }
0xb5: {  	_ =	swait.ge [sflag:s29], $0x1  }
0xb6: {  	[sflag:s29] =	ssyncadd.s32 $0xFFFFFFFF  }
0xb7: {  	_ =	strace $0x9000004B  }
0xb8: {  	_ =	sfence  }
0xb9: {  	s30 =	sld [smem:$0x0];
	_ =	sdelay $0x2  }
0xba: {  	s31 =	sshll.u32 s1, $0xD;
	s1 =	sshrl.u32 s1, $0x2  }
0xbb: {  	s3 =	sand.u32 $0x4000, s31;
	s1 =	sadd.s32 s1, s30  }
0xbc: {  	s0 =	sor.u32 s3, s0;
	s1 =	sshll.u32 s1, $0x11  }
0xbd: {  	s0 =	sor.u32 s1, s0  }
0xbe: {  	s0 =	sadd.s32 $0x8F2B, s0  }
0xbf: {  	[sflag:s0] =	ssyncadd.remote.s32 $0x1  }
0xc0: {  	_ =	sfence.sel $0xFFFF  }
0xc1: {  	[dreg:$0x0] =	wrdreg $0xFFFFFFFF;
	(pc) =	sbr.abs _section_cstart, $3  }
0xc2: {  	[dreg:$0x1] =	wrdreg $0xFFFFFFFF  }
0xc3: {  	_ =	task.clear_ibuf [dreg:s7], $0x2FFFF;
	_ =	strace $0x9FFFFFFF  }
0xc4: {  	(tm) =	ssettm $0x7FFFFFFF  }
0xc5: {  	_ =	shalt  }
tec
execute0_lowered:
.L_overlay_start_1:
0x0: {  	(tag) =	ssettag $0x1  }
0x1: {  	s1 =	rddreg [dreg:$0x0]  }
0x2: {  	s5 =	rddreg [dreg:$0x1]  }
0x3: {  	s2 =	rddreg [dreg:$0x2];
	s4 =	simm.s32 $0x0  }
0x4: {  	v0 =	vimm.f32 $1.000000000e+00;
	[smem:$0x7FF] =	sst s4  }
0x5: {  	s3 =	rddreg [dreg:$0x3];
	v1 =	vimm.f32 $0.0e+00;
	_ =	strace $0x8000004A;
	[tilespmem:$0x4810] =	vst v0  }
0x6: {  	[tilespmem:$0x4890] =	vst v1  }
0x7: {  	[tilespmem:$0x4820] =	vst v0  }
0x8: {  	[tilespmem:$0x48A0] =	vst v1  }
0x9: {  	[tilespmem:$0x4830] =	vst v0  }
0xa: {  	[tilespmem:$0x48B0] =	vst v1  }
0xb: {  	[tilespmem:$0x4840] =	vst v0  }
0xc: {  	[tilespmem:$0x48C0] =	vst v1  }
0xd: {  	[tilespmem:$0x4850] =	vst v0  }
0xe: {  	[tilespmem:$0x48D0] =	vst v1  }
0xf: {  	[tilespmem:$0x4860] =	vst v0  }
0x10: {  	[tilespmem:$0x48E0] =	vst v1  }
0x11: {  	[tilespmem:$0x4870] =	vst v0  }
0x12: {  	[tilespmem:$0x48F0] =	vst v1  }
0x13: {  	[tilespmem:$0x4900] =	vst v1  }
0x14: {  	[tilespmem:$0x4910] =	vst v1  }
0x15: {  	[tilespmem:$0x4920] =	vst v1  }
0x16: {  	[tilespmem:$0x4800] =	vst v0  }
0x17: {  	[tilespmem:$0x50F0] =	vst v1  }
0x18: {  	[tilespmem:$0x50E0] =	vst v1  }
0x19: {  	[tilespmem:$0x50D0] =	vst v1  }
0x1a: {  	[tilespmem:$0x50C0] =	vst v1  }
0x1b: {  	[tilespmem:$0x50B0] =	vst v1  }
0x1c: {  	[tilespmem:$0x50A0] =	vst v1  }
0x1d: {  	[tilespmem:$0x5090] =	vst v1  }
0x1e: {  	[tilespmem:$0x5080] =	vst v1  }
0x1f: {  	[tilespmem:$0x5070] =	vst v1  }
0x20: {  	[tilespmem:$0x5060] =	vst v1  }
0x21: {  	[tilespmem:$0x5050] =	vst v1  }
0x22: {  	[tilespmem:$0x5040] =	vst v1  }
0x23: {  	[tilespmem:$0x5030] =	vst v1  }
0x24: {  	[tilespmem:$0x5020] =	vst v1  }
0x25: {  	[tilespmem:$0x5010] =	vst v1  }
0x26: {  	[tilespmem:$0x5000] =	vst v1  }
0x27: {  	[tilespmem:$0x4FF0] =	vst v1  }
0x28: {  	[tilespmem:$0x4FE0] =	vst v1  }
0x29: {  	[tilespmem:$0x4FD0] =	vst v1  }
0x2a: {  	[tilespmem:$0x4FC0] =	vst v1  }
0x2b: {  	[tilespmem:$0x4FB0] =	vst v1  }
0x2c: {  	[tilespmem:$0x4FA0] =	vst v1  }
0x2d: {  	[tilespmem:$0x4F90] =	vst v1  }
0x2e: {  	[tilespmem:$0x4F80] =	vst v1  }
0x2f: {  	[tilespmem:$0x4F70] =	vst v1  }
0x30: {  	[tilespmem:$0x4F60] =	vst v1  }
0x31: {  	[tilespmem:$0x4F50] =	vst v1  }
0x32: {  	[tilespmem:$0x4F40] =	vst v1  }
0x33: {  	[tilespmem:$0x4F30] =	vst v1  }
0x34: {  	[tilespmem:$0x4F20] =	vst v1  }
0x35: {  	[tilespmem:$0x4F10] =	vst v1  }
0x36: {  	[tilespmem:$0x4F00] =	vst v1  }
0x37: {  	[tilespmem:$0x4EF0] =	vst v1  }
0x38: {  	[tilespmem:$0x4EE0] =	vst v1  }
0x39: {  	[tilespmem:$0x4ED0] =	vst v1  }
0x3a: {  	[tilespmem:$0x4EC0] =	vst v1  }
0x3b: {  	[tilespmem:$0x4EB0] =	vst v1  }
0x3c: {  	[tilespmem:$0x4EA0] =	vst v1  }
0x3d: {  	[tilespmem:$0x4E90] =	vst v1  }
0x3e: {  	[tilespmem:$0x4E80] =	vst v1  }
0x3f: {  	[tilespmem:$0x4E70] =	vst v1  }
0x40: {  	[tilespmem:$0x4E60] =	vst v1  }
0x41: {  	[tilespmem:$0x4E50] =	vst v1  }
0x42: {  	[tilespmem:$0x4E40] =	vst v1  }
0x43: {  	[tilespmem:$0x4E30] =	vst v1  }
0x44: {  	[tilespmem:$0x4E20] =	vst v1  }
0x45: {  	[tilespmem:$0x4E10] =	vst v1  }
0x46: {  	[tilespmem:$0x4E00] =	vst v1  }
0x47: {  	[tilespmem:$0x4DF0] =	vst v1  }
0x48: {  	[tilespmem:$0x4DE0] =	vst v1  }
0x49: {  	[tilespmem:$0x4DD0] =	vst v1  }
0x4a: {  	[tilespmem:$0x4DC0] =	vst v1  }
0x4b: {  	[tilespmem:$0x4DB0] =	vst v1  }
0x4c: {  	[tilespmem:$0x4DA0] =	vst v1  }
0x4d: {  	[tilespmem:$0x4D90] =	vst v1  }
0x4e: {  	[tilespmem:$0x4D80] =	vst v1  }
0x4f: {  	[tilespmem:$0x4D70] =	vst v1  }
0x50: {  	[tilespmem:$0x4D60] =	vst v1  }
0x51: {  	[tilespmem:$0x4D50] =	vst v1  }
0x52: {  	[tilespmem:$0x4D40] =	vst v1  }
0x53: {  	[tilespmem:$0x4D30] =	vst v1  }
0x54: {  	[tilespmem:$0x4D20] =	vst v1  }
0x55: {  	[tilespmem:$0x4D10] =	vst v1  }
0x56: {  	[tilespmem:$0x4D00] =	vst v1  }
0x57: {  	[tilespmem:$0x4CF0] =	vst v1  }
0x58: {  	[tilespmem:$0x4CE0] =	vst v1  }
0x59: {  	[tilespmem:$0x4CD0] =	vst v1  }
0x5a: {  	[tilespmem:$0x4CC0] =	vst v1  }
0x5b: {  	[tilespmem:$0x4CB0] =	vst v1  }
0x5c: {  	[tilespmem:$0x4CA0] =	vst v1  }
0x5d: {  	[tilespmem:$0x4C90] =	vst v1  }
0x5e: {  	[tilespmem:$0x4C80] =	vst v1  }
0x5f: {  	[tilespmem:$0x4C70] =	vst v1  }
0x60: {  	[tilespmem:$0x4C60] =	vst v1  }
0x61: {  	[tilespmem:$0x4C50] =	vst v1  }
0x62: {  	[tilespmem:$0x4C40] =	vst v1  }
0x63: {  	[tilespmem:$0x4C30] =	vst v1  }
0x64: {  	[tilespmem:$0x4C20] =	vst v1  }
0x65: {  	[tilespmem:$0x4C10] =	vst v1  }
0x66: {  	[tilespmem:$0x4C00] =	vst v1  }
0x67: {  	[tilespmem:$0x4BF0] =	vst v1  }
0x68: {  	[tilespmem:$0x4BE0] =	vst v1  }
0x69: {  	[tilespmem:$0x4BD0] =	vst v1  }
0x6a: {  	[tilespmem:$0x4BC0] =	vst v1  }
0x6b: {  	[tilespmem:$0x4BB0] =	vst v1  }
0x6c: {  	[tilespmem:$0x4BA0] =	vst v1  }
0x6d: {  	[tilespmem:$0x4B90] =	vst v1  }
0x6e: {  	[tilespmem:$0x4B80] =	vst v1  }
0x6f: {  	[tilespmem:$0x4B70] =	vst v1  }
0x70: {  	[tilespmem:$0x4B60] =	vst v1  }
0x71: {  	[tilespmem:$0x4B50] =	vst v1  }
0x72: {  	[tilespmem:$0x4B40] =	vst v1  }
0x73: {  	[tilespmem:$0x4B30] =	vst v1  }
0x74: {  	[tilespmem:$0x4B20] =	vst v1  }
0x75: {  	[tilespmem:$0x4B10] =	vst v1  }
0x76: {  	[tilespmem:$0x4B00] =	vst v1  }
0x77: {  	[tilespmem:$0x4AF0] =	vst v1  }
0x78: {  	[tilespmem:$0x4AE0] =	vst v1  }
0x79: {  	[tilespmem:$0x4AD0] =	vst v1  }
0x7a: {  	[tilespmem:$0x4AC0] =	vst v1  }
0x7b: {  	[tilespmem:$0x4AB0] =	vst v1  }
0x7c: {  	[tilespmem:$0x4AA0] =	vst v1  }
0x7d: {  	[tilespmem:$0x4A90] =	vst v1  }
0x7e: {  	[tilespmem:$0x4A80] =	vst v1  }
0x7f: {  	[tilespmem:$0x4A70] =	vst v1  }
0x80: {  	[tilespmem:$0x4A60] =	vst v1  }
0x81: {  	[tilespmem:$0x4A50] =	vst v1  }
0x82: {  	[tilespmem:$0x4A40] =	vst v1  }
0x83: {  	[tilespmem:$0x4A30] =	vst v1  }
0x84: {  	[tilespmem:$0x4A20] =	vst v1  }
0x85: {  	[tilespmem:$0x4A10] =	vst v1  }
0x86: {  	[tilespmem:$0x4A00] =	vst v1  }
0x87: {  	[tilespmem:$0x49F0] =	vst v1  }
0x88: {  	[tilespmem:$0x49E0] =	vst v1  }
0x89: {  	[tilespmem:$0x49D0] =	vst v1  }
0x8a: {  	[tilespmem:$0x49C0] =	vst v1  }
0x8b: {  	[tilespmem:$0x49B0] =	vst v1  }
0x8c: {  	[tilespmem:$0x49A0] =	vst v1  }
0x8d: {  	[tilespmem:$0x4990] =	vst v1  }
0x8e: {  	s0 =	stileid.u32;
	[tilespmem:$0x4980] =	vst v1  }
0x8f: {  	s6 =	srdreg.scid;
	s7 =	sshll.u32 s0, $0xD;
	s9 =	sshll.u32 s0, $0x7;
	[tilespmem:$0x4970] =	vst v1  }
0x90: {  	s30 =	sand.u32 $0x1, s6;
	s6 =	sadd.s32 s7, s2;
	[tilespmem:$0x4960] =	vst v1;
	s21 =	sadd.s32 s9, s3  }
0x91: {  	s18 =	sshll.u32 s30, $0xB;
	[tilespmem:$0x4950] =	vst v1;
	s8 =	sadd.s32 $0x800, s6;
	[dreg:$0x8] =	wrdreg s21  }
0x92: {  	[tilespmem:$0x4940] =	vst v1;
	s19 =	sadd.s32 $0x1000, s6;
	s7 =	sor.u32 s9, s18;
	[dreg:$0x5] =	wrdreg s8  }
0x93: {  	[tilespmem:$0x4930] =	vst v1;
	s20 =	sadd.s32 $0x1800, s6;
	[dreg:$0x6] =	wrdreg s19;
	s7 =	sadd.s32 s7, s5  }
0x94: {  	[tilespmem:$0x4880] =	vst v1;
	[dreg:$0x7] =	wrdreg s20;
	s8 =	simm.s32 $0x4900;
	s22 =	sadd.s32 $0x10000, s7  }
0x95: {  	[spmem:s6] =	stream.linear.scatter [tilespmem:s8], [sflag:$0x2], $0x800, $0x38;
	[tilespmem:$0x7180] =	vst v63  }
0x96: {  	s7 =	sadd.s32 $0xF000, s7;
	[dreg:$0x9] =	wrdreg s22  }
0x97: {  	[dreg:$0xa] =	wrdreg s7;
	s7 =	simm.s32 $0x2  }
0x98: {  	_ =	swait.ge [sflag:s7], $0x800  }
0x99: {  	[sflag:s7] =	ssyncset.done $0x0  }
0x9a: {  	s23 =	rddreg [dreg:$0x5];
	[sflag:s7] =	ssyncadd.s32 $0xFFFFF800  }
0x9b: {  	[spmem:s23] =	stream.linear.scatter [tilespmem:s8], [sflag:$0x2], $0x800, $0x38;
	[tilespmem:$0x7180] =	vst v63  }
0x9c: {  	_ =	swait.ge [sflag:s7], $0x800  }
0x9d: {  	[sflag:s7] =	ssyncset.done $0x0  }
0x9e: {  	s24 =	rddreg [dreg:$0x6];
	[sflag:s7] =	ssyncadd.s32 $0xFFFFF800  }
0x9f: {  	[spmem:s24] =	stream.linear.scatter [tilespmem:s8], [sflag:$0x2], $0x800, $0x38;
	[tilespmem:$0x7180] =	vst v63  }
0xa0: {  	_ =	swait.ge [sflag:s7], $0x800  }
0xa1: {  	[sflag:s7] =	ssyncset.done $0x0  }
0xa2: {  	s25 =	rddreg [dreg:$0x7];
	[sflag:s7] =	ssyncadd.s32 $0xFFFFF800  }
0xa3: {  	[spmem:s25] =	stream.linear.scatter [tilespmem:s8], [sflag:$0x2], $0x800, $0x38;
	[tilespmem:$0x7180] =	vst v63  }
0xa4: {  	_ =	swait.ge [sflag:s7], $0x800  }
0xa5: {  	[sflag:s7] =	ssyncset.done $0x0  }
0xa6: {  	s9 =	simm.s32 $0x4880;
	s10 =	rddreg [dreg:$0x8];
	[sflag:s7] =	ssyncadd.s32 $0xFFFFF800  }
0xa7: {  	[spmem:s10] =	stream.linear.scatter [tilespmem:s9], [sflag:$0x2], $0x80, $0x38;
	[tilespmem:$0x7180] =	vst v63  }
0xa8: {  	_ =	swait.ge [sflag:s7], $0x80  }
0xa9: {  	[sflag:s7] =	ssyncset.done $0x0  }
0xaa: {  	s26 =	rddreg [dreg:$0x9];
	[sflag:s7] =	ssyncadd.s32 $0xFFFFFF80  }
0xab: {  	[tilespmem:s4], [sflag:$0x2] =	stream.linear.gather [hbm4b:s26+s4], $0x400, $0x38;
	[tilespmem:$0x7180] =	vst v63  }
0xac: {  	_ =	swait.ge [sflag:s7], $0x400  }
0xad: {  	[sflag:s7] =	ssyncset.done $0x0  }
0xae: {  	s10 =	simm.s32 $0x400;
	s11 =	rddreg [dreg:$0xa];
	[sflag:s7] =	ssyncadd.s32 $0xFFFFFC00  }
0xaf: {  	[tilespmem:s10], [sflag:$0x2] =	stream.linear.gather [hbm4b:s11+s4], $0x400, $0x38;
	[tilespmem:$0x7180] =	vst v63  }
0xb0: {  	_ =	swait.ge [sflag:s7], $0x400  }
0xb1: {  	[sflag:s7] =	ssyncset.done $0x0  }
0xb2: {  	s12 =	simm.s32 $0x800;
	[sflag:s7] =	ssyncadd.s32 $0xFFFFFC00  }
0xb3: {  	s13 =	simm.s32 $0x1;
	s11 =	simm.s32 $0x80;
	[bflag:$0x0] =	sbarrier.arrive $0xFFFF  }
0xb4: {  	[tilespmem:s12], [sflag:$0x1] =	stream.indirect.gather [hbm4b:s1+s11], $0x80, s4, s11, $0xb8;
	[tilespmem:$0x7180] =	vst v63  }
0xb5: {  	_ =	swait.ge [sflag:s13], $0x4000  }
0xb6: {  	[sflag:s13] =	ssyncset.done $0x0  }
0xb7: {  	[sflag:s13] =	ssyncadd.s32 $0xFFFFC000  }
0xb8: {  	[spmem:s2] =	stream.indirect.scatter.add.f32 [tilespmem:s12], [sflag:$0x2], $0x80, s10, s11, $0xb8;
	[tilespmem:$0x7180] =	vst v63  }
0xb9: {  	_ =	swait.ge [sflag:s7], $0x4000  }
0xba: {  	[sflag:s7] =	ssyncset.done $0x0  }
0xbb: {  	s14 =	simm.s32 $0x4800;
	[sflag:s7] =	ssyncadd.s32 $0xFFFFC000  }
0xbc: {  	[spmem:s3] =	stream.indirect.scatter.add.f32 [tilespmem:s14], [sflag:$0x2], $0x1, s10, s11, $0xb8;
	[tilespmem:$0x7180] =	vst v63  }
0xbd: {  	_ =	swait.ge [sflag:s7], $0x80  }
0xbe: {  	[sflag:s7] =	ssyncset.done $0x0  }
0xbf: {  	[sflag:s7] =	ssyncadd.s32 $0xFFFFFF80  }
0xc0: {  	[tilespmem:s12], [sflag:$0x1] =	stream.indirect.gather [hbm4b:s1+s11], $0x80, s11, s11, $0xb8;
	[tilespmem:$0x7180] =	vst v63  }
0xc1: {  	_ =	swait.ge [sflag:s13], $0x4000  }
0xc2: {  	[sflag:s13] =	ssyncset.done $0x0  }
0xc3: {  	s15 =	simm.s32 $0x480;
	[sflag:s13] =	ssyncadd.s32 $0xFFFFC000  }
0xc4: {  	[spmem:s2] =	stream.indirect.scatter.add.f32 [tilespmem:s12], [sflag:$0x2], $0x80, s15, s11, $0xb8;
	[tilespmem:$0x7180] =	vst v63  }
0xc5: {  	_ =	swait.ge [sflag:s7], $0x4000  }
0xc6: {  	[sflag:s7] =	ssyncset.done $0x0  }
0xc7: {  	[sflag:s7] =	ssyncadd.s32 $0xFFFFC000  }
0xc8: {  	[spmem:s3] =	stream.indirect.scatter.add.f32 [tilespmem:s14], [sflag:$0x2], $0x1, s15, s11, $0xb8;
	[tilespmem:$0x7180] =	vst v63  }
0xc9: {  	_ =	swait.ge [sflag:s7], $0x80  }
0xca: {  	[sflag:s7] =	ssyncset.done $0x0  }
0xcb: {  	s16 =	simm.s32 $0x100;
	[sflag:s7] =	ssyncadd.s32 $0xFFFFFF80  }
0xcc: {  	[tilespmem:s12], [sflag:$0x1] =	stream.indirect.gather [hbm4b:s1+s11], $0x80, s16, s11, $0xb8;
	[tilespmem:$0x7180] =	vst v63  }
0xcd: {  	_ =	swait.ge [sflag:s13], $0x4000  }
0xce: {  	[sflag:s13] =	ssyncset.done $0x0  }
0xcf: {  	s17 =	simm.s32 $0x500;
	[sflag:s13] =	ssyncadd.s32 $0xFFFFC000  }
0xd0: {  	[spmem:s2] =	stream.indirect.scatter.add.f32 [tilespmem:s12], [sflag:$0x2], $0x80, s17, s11, $0xb8;
	[tilespmem:$0x7180] =	vst v63  }
0xd1: {  	_ =	swait.ge [sflag:s7], $0x4000  }
0xd2: {  	[sflag:s7] =	ssyncset.done $0x0  }
0xd3: {  	[sflag:s7] =	ssyncadd.s32 $0xFFFFC000  }
0xd4: {  	[spmem:s3] =	stream.indirect.scatter.add.f32 [tilespmem:s14], [sflag:$0x2], $0x1, s17, s11, $0xb8;
	[tilespmem:$0x7180] =	vst v63  }
0xd5: {  	_ =	swait.ge [sflag:s7], $0x80  }
0xd6: {  	[sflag:s7] =	ssyncset.done $0x0  }
0xd7: {  	s18 =	simm.s32 $0x180;
	[sflag:s7] =	ssyncadd.s32 $0xFFFFFF80  }
0xd8: {  	[tilespmem:s12], [sflag:$0x1] =	stream.indirect.gather [hbm4b:s1+s11], $0x80, s18, s11, $0xb8;
	[tilespmem:$0x7180] =	vst v63  }
0xd9: {  	_ =	swait.ge [sflag:s13], $0x4000  }
0xda: {  	[sflag:s13] =	ssyncset.done $0x0  }
0xdb: {  	s19 =	simm.s32 $0x580;
	[sflag:s13] =	ssyncadd.s32 $0xFFFFC000  }
0xdc: {  	[spmem:s2] =	stream.indirect.scatter.add.f32 [tilespmem:s12], [sflag:$0x2], $0x80, s19, s11, $0xb8;
	[tilespmem:$0x7180] =	vst v63  }
0xdd: {  	_ =	swait.ge [sflag:s7], $0x4000  }
0xde: {  	[sflag:s7] =	ssyncset.done $0x0  }
0xdf: {  	[sflag:s7] =	ssyncadd.s32 $0xFFFFC000  }
0xe0: {  	[spmem:s3] =	stream.indirect.scatter.add.f32 [tilespmem:s14], [sflag:$0x2], $0x1, s19, s11, $0xb8;
	[tilespmem:$0x7180] =	vst v63  }
0xe1: {  	_ =	swait.ge [sflag:s7], $0x80  }
0xe2: {  	[sflag:s7] =	ssyncset.done $0x0  }
0xe3: {  	s20 =	simm.s32 $0x200;
	[sflag:s7] =	ssyncadd.s32 $0xFFFFFF80  }
0xe4: {  	[tilespmem:s12], [sflag:$0x1] =	stream.indirect.gather [hbm4b:s1+s11], $0x80, s20, s11, $0xb8;
	[tilespmem:$0x7180] =	vst v63  }
0xe5: {  	_ =	swait.ge [sflag:s13], $0x4000  }
0xe6: {  	[sflag:s13] =	ssyncset.done $0x0  }
0xe7: {  	s21 =	simm.s32 $0x600;
	[sflag:s13] =	ssyncadd.s32 $0xFFFFC000  }
0xe8: {  	[spmem:s2] =	stream.indirect.scatter.add.f32 [tilespmem:s12], [sflag:$0x2], $0x80, s21, s11, $0xb8;
	[tilespmem:$0x7180] =	vst v63  }
0xe9: {  	_ =	swait.ge [sflag:s7], $0x4000  }
0xea: {  	[sflag:s7] =	ssyncset.done $0x0  }
0xeb: {  	[sflag:s7] =	ssyncadd.s32 $0xFFFFC000  }
0xec: {  	[spmem:s3] =	stream.indirect.scatter.add.f32 [tilespmem:s14], [sflag:$0x2], $0x1, s21, s11, $0xb8;
	[tilespmem:$0x7180] =	vst v63  }
0xed: {  	_ =	swait.ge [sflag:s7], $0x80  }
0xee: {  	[sflag:s7] =	ssyncset.done $0x0  }
0xef: {  	s22 =	simm.s32 $0x280;
	[sflag:s7] =	ssyncadd.s32 $0xFFFFFF80  }
0xf0: {  	[tilespmem:s12], [sflag:$0x1] =	stream.indirect.gather [hbm4b:s1+s11], $0x80, s22, s11, $0xb8;
	[tilespmem:$0x7180] =	vst v63  }
0xf1: {  	_ =	swait.ge [sflag:s13], $0x4000  }
0xf2: {  	[sflag:s13] =	ssyncset.done $0x0  }
0xf3: {  	s23 =	simm.s32 $0x680;
	[sflag:s13] =	ssyncadd.s32 $0xFFFFC000  }
0xf4: {  	[spmem:s2] =	stream.indirect.scatter.add.f32 [tilespmem:s12], [sflag:$0x2], $0x80, s23, s11, $0xb8;
	[tilespmem:$0x7180] =	vst v63  }
0xf5: {  	_ =	swait.ge [sflag:s7], $0x4000  }
0xf6: {  	[sflag:s7] =	ssyncset.done $0x0  }
0xf7: {  	[sflag:s7] =	ssyncadd.s32 $0xFFFFC000  }
0xf8: {  	[spmem:s3] =	stream.indirect.scatter.add.f32 [tilespmem:s14], [sflag:$0x2], $0x1, s23, s11, $0xb8;
	[tilespmem:$0x7180] =	vst v63  }
0xf9: {  	_ =	swait.ge [sflag:s7], $0x80  }
0xfa: {  	[sflag:s7] =	ssyncset.done $0x0  }
0xfb: {  	s24 =	simm.s32 $0x300;
	[sflag:s7] =	ssyncadd.s32 $0xFFFFFF80  }
0xfc: {  	[tilespmem:s12], [sflag:$0x1] =	stream.indirect.gather [hbm4b:s1+s11], $0x80, s24, s11, $0xb8;
	[tilespmem:$0x7180] =	vst v63  }
0xfd: {  	_ =	swait.ge [sflag:s13], $0x4000  }
0xfe: {  	[sflag:s13] =	ssyncset.done $0x0  }
0xff: {  	s25 =	simm.s32 $0x700;
	[sflag:s13] =	ssyncadd.s32 $0xFFFFC000  }
0x100: {  	[spmem:s2] =	stream.indirect.scatter.add.f32 [tilespmem:s12], [sflag:$0x2], $0x80, s25, s11, $0xb8;
	[tilespmem:$0x7180] =	vst v63  }
0x101: {  	_ =	swait.ge [sflag:s7], $0x4000  }
0x102: {  	[sflag:s7] =	ssyncset.done $0x0  }
0x103: {  	[sflag:s7] =	ssyncadd.s32 $0xFFFFC000  }
0x104: {  	[spmem:s3] =	stream.indirect.scatter.add.f32 [tilespmem:s14], [sflag:$0x2], $0x1, s25, s11, $0xb8;
	[tilespmem:$0x7180] =	vst v63  }
0x105: {  	_ =	swait.ge [sflag:s7], $0x80  }
0x106: {  	[sflag:s7] =	ssyncset.done $0x0  }
0x107: {  	s26 =	simm.s32 $0x380;
	[sflag:s7] =	ssyncadd.s32 $0xFFFFFF80  }
0x108: {  	[tilespmem:s12], [sflag:$0x1] =	stream.indirect.gather [hbm4b:s1+s11], $0x80, s26, s11, $0xb8;
	[tilespmem:$0x7180] =	vst v63  }
0x109: {  	_ =	swait.ge [sflag:s13], $0x4000  }
0x10a: {  	[sflag:s13] =	ssyncset.done $0x0  }
0x10b: {  	s28 =	simm.s32 $0x780;
	[sflag:s13] =	ssyncadd.s32 $0xFFFFC000  }
0x10c: {  	[spmem:s2] =	stream.indirect.scatter.add.f32 [tilespmem:s12], [sflag:$0x2], $0x80, s28, s11, $0xb8;
	[tilespmem:$0x7180] =	vst v63  }
0x10d: {  	_ =	swait.ge [sflag:s7], $0x4000  }
0x10e: {  	[sflag:s7] =	ssyncset.done $0x0  }
0x10f: {  	[sflag:s7] =	ssyncadd.s32 $0xFFFFC000  }
0x110: {  	[spmem:s3] =	stream.indirect.scatter.add.f32 [tilespmem:s14], [sflag:$0x2], $0x1, s28, s11, $0xb8;
	[tilespmem:$0x7180] =	vst v63  }
0x111: {  	_ =	swait.ge [sflag:s7], $0x80  }
0x112: {  	s29 =	sshll.u32 s0, $0xA;
	[sflag:s7] =	ssyncset.done $0x0  }
0x113: {  	s29 =	sadd.s32 s29, s5;
	s31 =	sshll.u32 s30, $0xE;
	[sflag:s7] =	ssyncadd.s32 $0xFFFFFF80  }
0x114: {  	s29 =	sadd.s32 s31, s29;
	[bflag:$0x0] =	sbarrier.arrive $0xFFFF  }
0x115: {  	[tilespmem:s12], [sflag:$0x2] =	stream.linear.gather [spmem:s6], $0x2000, $0x38;
	[tilespmem:$0x7180] =	vst v63  }
0x116: {  	s31 =	sand.u32 $0xE, s0;
	s29 =	sadd.s32 $0x2200, s29;
	_ =	swait.ge [sflag:s7], $0x2000  }
0x117: {  	s31 =	sor.u32 s30, s31;
	s5 =	sshll.u32 s0, $0x6;
	[sflag:s7] =	ssyncset.done $0x0  }
0x118: {  	s31 =	sshll.u32 s31, $0x7;
	s0 =	sand.u32 $0x40, s5;
	[sflag:s7] =	ssyncadd.s32 $0xFFFFE000  }
0x119: {  	[hbm4b:s29+s4] =	stream.linear.scatter [tilespmem:s12], [sflag:$0x2], $0x2000, $0x38;
	[tilespmem:$0x7180] =	vst v63  }
0x11a: {  	s0 =	sor.u32 s0, s31;
	s31 =	ssub.s32 $0x2, s30;
	_ =	swait.ge [sflag:s7], $0x2000  }
0x11b: {  	s30 =	sadd.s32 s5, s3;
	s0 =	sshrl.u32 s0, $0x3;
	[sflag:s7] =	ssyncset.done $0x0  }
0x11c: {  	s5 =	sshrl.u32 s31, $0x1;
	[dreg:$0xb] =	wrdreg s0;
	[sflag:s7] =	ssyncadd.s32 $0xFFFFE000  }
0x11d: {  	[tilespmem:s9], [sflag:$0x2] =	stream.linear.gather [spmem:s30], $0x40, $0x38;
	[tilespmem:$0x7180] =	vst v63  }
0x11e: {  	_ =	swait.ge [sflag:s7], $0x40;
	[dreg:$0xc] =	wrdreg s5  }
0x11f: {  	s0 =	rddreg [dreg:$0x1]  }
0x120: {  	s5 =	rddreg [dreg:$0xb]  }
0x121: {  	s0 =	sadd.s32 s5, s0;
	s5 =	rddreg [dreg:$0xc]  }
0x122: {  	s5 =	ssub.s32 s31, s5  }
0x123: {  	s5 =	smax.u32 s5, $0x1  }
0x124: {  	p0 =	sne.s32 s5, $0x1  }
.Ltmp0:
0x125: {  	[sflag:s7] =	ssyncset.done $0x0;
	(pc) =	sbr.rel @!p0 .LBB2_2-.Ltmp0, $4  }
0x126: {  	[sflag:s7] =	ssyncadd.s32 $0xFFFFFFC0;
	s31 =	sadd.s32 $0x2000, s0  }
0x127: {  	[hbm4b:s31+s4] =	stream.linear.scatter [tilespmem:s9], [sflag:$0x2], $0x40, $0x38;
	[tilespmem:$0x7180] =	vst v63  }
0x128: {  	_ =	swait.ge [sflag:s7], $0x40  }
0x129: {  	s0 =	sadd.s32 $0xFFFFFFFF, s5;
	[sflag:s7] =	ssyncset.done $0x0  }
.LBB2_1:
0x12a: {  	[sflag:s7] =	ssyncadd.s32 $0xFFFFFFC0  }
0x12b: {  	[tilespmem:$0x4810] =	vst v0  }
0x12c: {  	[tilespmem:$0x4890] =	vst v1  }
0x12d: {  	[tilespmem:$0x4820] =	vst v0  }
0x12e: {  	[tilespmem:$0x48A0] =	vst v1  }
0x12f: {  	[tilespmem:$0x4830] =	vst v0  }
0x130: {  	[tilespmem:$0x48B0] =	vst v1  }
0x131: {  	[tilespmem:$0x4840] =	vst v0  }
0x132: {  	[tilespmem:$0x48C0] =	vst v1  }
0x133: {  	[tilespmem:$0x4850] =	vst v0  }
0x134: {  	[tilespmem:$0x48D0] =	vst v1  }
0x135: {  	[tilespmem:$0x4860] =	vst v0  }
0x136: {  	[tilespmem:$0x48E0] =	vst v1  }
0x137: {  	[tilespmem:$0x4870] =	vst v0  }
0x138: {  	[tilespmem:$0x48F0] =	vst v1  }
0x139: {  	[tilespmem:$0x4900] =	vst v1  }
0x13a: {  	[tilespmem:$0x4910] =	vst v1  }
0x13b: {  	[tilespmem:$0x4920] =	vst v1  }
0x13c: {  	[tilespmem:$0x4800] =	vst v0  }
0x13d: {  	[tilespmem:$0x50F0] =	vst v1  }
0x13e: {  	[tilespmem:$0x50E0] =	vst v1  }
0x13f: {  	[tilespmem:$0x50D0] =	vst v1  }
0x140: {  	[tilespmem:$0x50C0] =	vst v1  }
0x141: {  	[tilespmem:$0x50B0] =	vst v1  }
0x142: {  	[tilespmem:$0x50A0] =	vst v1  }
0x143: {  	[tilespmem:$0x5090] =	vst v1  }
0x144: {  	[tilespmem:$0x5080] =	vst v1  }
0x145: {  	[tilespmem:$0x5070] =	vst v1  }
0x146: {  	[tilespmem:$0x5060] =	vst v1  }
0x147: {  	[tilespmem:$0x5050] =	vst v1  }
0x148: {  	[tilespmem:$0x5040] =	vst v1  }
0x149: {  	[tilespmem:$0x5030] =	vst v1  }
0x14a: {  	[tilespmem:$0x5020] =	vst v1  }
0x14b: {  	[tilespmem:$0x5010] =	vst v1  }
0x14c: {  	[tilespmem:$0x5000] =	vst v1  }
0x14d: {  	[tilespmem:$0x4FF0] =	vst v1  }
0x14e: {  	[tilespmem:$0x4FE0] =	vst v1  }
0x14f: {  	[tilespmem:$0x4FD0] =	vst v1  }
0x150: {  	[tilespmem:$0x4FC0] =	vst v1  }
0x151: {  	[tilespmem:$0x4FB0] =	vst v1  }
0x152: {  	[tilespmem:$0x4FA0] =	vst v1  }
0x153: {  	[tilespmem:$0x4F90] =	vst v1  }
0x154: {  	[tilespmem:$0x4F80] =	vst v1  }
0x155: {  	[tilespmem:$0x4F70] =	vst v1  }
0x156: {  	[tilespmem:$0x4F60] =	vst v1  }
0x157: {  	[tilespmem:$0x4F50] =	vst v1  }
0x158: {  	[tilespmem:$0x4F40] =	vst v1  }
0x159: {  	[tilespmem:$0x4F30] =	vst v1  }
0x15a: {  	[tilespmem:$0x4F20] =	vst v1  }
0x15b: {  	[tilespmem:$0x4F10] =	vst v1  }
0x15c: {  	[tilespmem:$0x4F00] =	vst v1  }
0x15d: {  	[tilespmem:$0x4EF0] =	vst v1  }
0x15e: {  	[tilespmem:$0x4EE0] =	vst v1  }
0x15f: {  	[tilespmem:$0x4ED0] =	vst v1  }
0x160: {  	[tilespmem:$0x4EC0] =	vst v1  }
0x161: {  	[tilespmem:$0x4EB0] =	vst v1  }
0x162: {  	[tilespmem:$0x4EA0] =	vst v1  }
0x163: {  	[tilespmem:$0x4E90] =	vst v1  }
0x164: {  	[tilespmem:$0x4E80] =	vst v1  }
0x165: {  	[tilespmem:$0x4E70] =	vst v1  }
0x166: {  	[tilespmem:$0x4E60] =	vst v1  }
0x167: {  	[tilespmem:$0x4E50] =	vst v1  }
0x168: {  	[tilespmem:$0x4E40] =	vst v1  }
0x169: {  	[tilespmem:$0x4E30] =	vst v1  }
0x16a: {  	[tilespmem:$0x4E20] =	vst v1  }
0x16b: {  	[tilespmem:$0x4E10] =	vst v1  }
0x16c: {  	[tilespmem:$0x4E00] =	vst v1  }
0x16d: {  	[tilespmem:$0x4DF0] =	vst v1  }
0x16e: {  	[tilespmem:$0x4DE0] =	vst v1  }
0x16f: {  	[tilespmem:$0x4DD0] =	vst v1  }
0x170: {  	[tilespmem:$0x4DC0] =	vst v1  }
0x171: {  	[tilespmem:$0x4DB0] =	vst v1  }
0x172: {  	[tilespmem:$0x4DA0] =	vst v1  }
0x173: {  	[tilespmem:$0x4D90] =	vst v1  }
0x174: {  	[tilespmem:$0x4D80] =	vst v1  }
0x175: {  	[tilespmem:$0x4D70] =	vst v1  }
0x176: {  	[tilespmem:$0x4D60] =	vst v1  }
0x177: {  	[tilespmem:$0x4D50] =	vst v1  }
0x178: {  	[tilespmem:$0x4D40] =	vst v1  }
0x179: {  	[tilespmem:$0x4D30] =	vst v1  }
0x17a: {  	[tilespmem:$0x4D20] =	vst v1  }
0x17b: {  	[tilespmem:$0x4D10] =	vst v1  }
0x17c: {  	[tilespmem:$0x4D00] =	vst v1  }
0x17d: {  	[tilespmem:$0x4CF0] =	vst v1  }
0x17e: {  	[tilespmem:$0x4CE0] =	vst v1  }
0x17f: {  	[tilespmem:$0x4CD0] =	vst v1  }
0x180: {  	[tilespmem:$0x4CC0] =	vst v1  }
0x181: {  	[tilespmem:$0x4CB0] =	vst v1  }
0x182: {  	[tilespmem:$0x4CA0] =	vst v1  }
0x183: {  	[tilespmem:$0x4C90] =	vst v1  }
0x184: {  	[tilespmem:$0x4C80] =	vst v1  }
0x185: {  	[tilespmem:$0x4C70] =	vst v1  }
0x186: {  	[tilespmem:$0x4C60] =	vst v1  }
0x187: {  	[tilespmem:$0x4C50] =	vst v1  }
0x188: {  	[tilespmem:$0x4C40] =	vst v1  }
0x189: {  	[tilespmem:$0x4C30] =	vst v1  }
0x18a: {  	[tilespmem:$0x4C20] =	vst v1  }
0x18b: {  	[tilespmem:$0x4C10] =	vst v1  }
0x18c: {  	[tilespmem:$0x4C00] =	vst v1  }
0x18d: {  	[tilespmem:$0x4BF0] =	vst v1  }
0x18e: {  	[tilespmem:$0x4BE0] =	vst v1  }
0x18f: {  	[tilespmem:$0x4BD0] =	vst v1  }
0x190: {  	[tilespmem:$0x4BC0] =	vst v1  }
0x191: {  	[tilespmem:$0x4BB0] =	vst v1  }
0x192: {  	[tilespmem:$0x4BA0] =	vst v1  }
0x193: {  	[tilespmem:$0x4B90] =	vst v1  }
0x194: {  	[tilespmem:$0x4B80] =	vst v1  }
0x195: {  	[tilespmem:$0x4B70] =	vst v1  }
0x196: {  	[tilespmem:$0x4B60] =	vst v1  }
0x197: {  	[tilespmem:$0x4B50] =	vst v1  }
0x198: {  	[tilespmem:$0x4B40] =	vst v1  }
0x199: {  	[tilespmem:$0x4B30] =	vst v1  }
0x19a: {  	[tilespmem:$0x4B20] =	vst v1  }
0x19b: {  	[tilespmem:$0x4B10] =	vst v1  }
0x19c: {  	[tilespmem:$0x4B00] =	vst v1  }
0x19d: {  	[tilespmem:$0x4AF0] =	vst v1  }
0x19e: {  	[tilespmem:$0x4AE0] =	vst v1  }
0x19f: {  	[tilespmem:$0x4AD0] =	vst v1  }
0x1a0: {  	[tilespmem:$0x4AC0] =	vst v1  }
0x1a1: {  	[tilespmem:$0x4AB0] =	vst v1  }
0x1a2: {  	[tilespmem:$0x4AA0] =	vst v1  }
0x1a3: {  	[tilespmem:$0x4A90] =	vst v1  }
0x1a4: {  	[tilespmem:$0x4A80] =	vst v1  }
0x1a5: {  	[tilespmem:$0x4A70] =	vst v1  }
0x1a6: {  	[tilespmem:$0x4A60] =	vst v1  }
0x1a7: {  	[tilespmem:$0x4A50] =	vst v1  }
0x1a8: {  	[tilespmem:$0x4A40] =	vst v1  }
0x1a9: {  	[tilespmem:$0x4A30] =	vst v1  }
0x1aa: {  	[tilespmem:$0x4A20] =	vst v1  }
0x1ab: {  	[tilespmem:$0x4A10] =	vst v1  }
0x1ac: {  	[tilespmem:$0x4A00] =	vst v1  }
0x1ad: {  	[tilespmem:$0x49F0] =	vst v1  }
0x1ae: {  	[tilespmem:$0x49E0] =	vst v1  }
0x1af: {  	[tilespmem:$0x49D0] =	vst v1  }
0x1b0: {  	[tilespmem:$0x49C0] =	vst v1  }
0x1b1: {  	[tilespmem:$0x49B0] =	vst v1  }
0x1b2: {  	[tilespmem:$0x49A0] =	vst v1  }
0x1b3: {  	[tilespmem:$0x4990] =	vst v1  }
0x1b4: {  	[tilespmem:$0x4980] =	vst v1  }
0x1b5: {  	[tilespmem:$0x4970] =	vst v1  }
0x1b6: {  	[tilespmem:$0x4960] =	vst v1  }
0x1b7: {  	[tilespmem:$0x4950] =	vst v1  }
0x1b8: {  	[tilespmem:$0x4940] =	vst v1  }
0x1b9: {  	[tilespmem:$0x4930] =	vst v1  }
0x1ba: {  	[tilespmem:$0x4880] =	vst v1  }
0x1bb: {  	[spmem:s6] =	stream.linear.scatter [tilespmem:s8], [sflag:$0x2], $0x800, $0x38;
	[tilespmem:$0x7180] =	vst v63  }
0x1bc: {  	_ =	swait.ge [sflag:s7], $0x800  }
0x1bd: {  	[sflag:s7] =	ssyncset.done $0x0  }
0x1be: {  	s5 =	rddreg [dreg:$0x5];
	[sflag:s7] =	ssyncadd.s32 $0xFFFFF800  }
0x1bf: {  	[spmem:s5] =	stream.linear.scatter [tilespmem:s8], [sflag:$0x2], $0x800, $0x38;
	[tilespmem:$0x7180] =	vst v63  }
0x1c0: {  	_ =	swait.ge [sflag:s7], $0x800  }
0x1c1: {  	[sflag:s7] =	ssyncset.done $0x0  }
0x1c2: {  	s5 =	rddreg [dreg:$0x6];
	[sflag:s7] =	ssyncadd.s32 $0xFFFFF800  }
0x1c3: {  	[spmem:s5] =	stream.linear.scatter [tilespmem:s8], [sflag:$0x2], $0x800, $0x38;
	[tilespmem:$0x7180] =	vst v63  }
0x1c4: {  	_ =	swait.ge [sflag:s7], $0x800  }
0x1c5: {  	[sflag:s7] =	ssyncset.done $0x0  }
0x1c6: {  	s5 =	rddreg [dreg:$0x7];
	[sflag:s7] =	ssyncadd.s32 $0xFFFFF800  }
0x1c7: {  	[spmem:s5] =	stream.linear.scatter [tilespmem:s8], [sflag:$0x2], $0x800, $0x38;
	[tilespmem:$0x7180] =	vst v63  }
0x1c8: {  	_ =	swait.ge [sflag:s7], $0x800  }
0x1c9: {  	[sflag:s7] =	ssyncset.done $0x0  }
0x1ca: {  	s5 =	rddreg [dreg:$0x8];
	[sflag:s7] =	ssyncadd.s32 $0xFFFFF800  }
0x1cb: {  	[spmem:s5] =	stream.linear.scatter [tilespmem:s9], [sflag:$0x2], $0x80, $0x38;
	[tilespmem:$0x7180] =	vst v63  }
0x1cc: {  	_ =	swait.ge [sflag:s7], $0x80  }
0x1cd: {  	[sflag:s7] =	ssyncset.done $0x0  }
0x1ce: {  	s5 =	rddreg [dreg:$0x9];
	[sflag:s7] =	ssyncadd.s32 $0xFFFFFF80  }
0x1cf: {  	[tilespmem:s4], [sflag:$0x2] =	stream.linear.gather [hbm4b:s5+s4], $0x400, $0x38;
	[tilespmem:$0x7180] =	vst v63  }
0x1d0: {  	_ =	swait.ge [sflag:s7], $0x400  }
0x1d1: {  	[sflag:s7] =	ssyncset.done $0x0  }
0x1d2: {  	s5 =	rddreg [dreg:$0xa];
	[sflag:s7] =	ssyncadd.s32 $0xFFFFFC00  }
0x1d3: {  	[tilespmem:s10], [sflag:$0x2] =	stream.linear.gather [hbm4b:s5+s4], $0x400, $0x38;
	[tilespmem:$0x7180] =	vst v63  }
0x1d4: {  	_ =	swait.ge [sflag:s7], $0x400  }
0x1d5: {  	[sflag:s7] =	ssyncset.done $0x0  }
0x1d6: {  	[sflag:s7] =	ssyncadd.s32 $0xFFFFFC00  }
0x1d7: {  	[bflag:$0x0] =	sbarrier.arrive $0xFFFF  }
0x1d8: {  	[tilespmem:s12], [sflag:$0x1] =	stream.indirect.gather [hbm4b:s1+s11], $0x80, s4, s11, $0xb8;
	[tilespmem:$0x7180] =	vst v63  }
0x1d9: {  	_ =	swait.ge [sflag:s13], $0x4000  }
0x1da: {  	[sflag:s13] =	ssyncset.done $0x0  }
0x1db: {  	[sflag:s13] =	ssyncadd.s32 $0xFFFFC000  }
0x1dc: {  	[spmem:s2] =	stream.indirect.scatter.add.f32 [tilespmem:s12], [sflag:$0x2], $0x80, s10, s11, $0xb8;
	[tilespmem:$0x7180] =	vst v63  }
0x1dd: {  	_ =	swait.ge [sflag:s7], $0x4000  }
0x1de: {  	[sflag:s7] =	ssyncset.done $0x0  }
0x1df: {  	[sflag:s7] =	ssyncadd.s32 $0xFFFFC000  }
0x1e0: {  	[spmem:s3] =	stream.indirect.scatter.add.f32 [tilespmem:s14], [sflag:$0x2], $0x1, s10, s11, $0xb8;
	[tilespmem:$0x7180] =	vst v63  }
0x1e1: {  	_ =	swait.ge [sflag:s7], $0x80  }
0x1e2: {  	[sflag:s7] =	ssyncset.done $0x0  }
0x1e3: {  	[sflag:s7] =	ssyncadd.s32 $0xFFFFFF80  }
0x1e4: {  	[tilespmem:s12], [sflag:$0x1] =	stream.indirect.gather [hbm4b:s1+s11], $0x80, s11, s11, $0xb8;
	[tilespmem:$0x7180] =	vst v63  }
0x1e5: {  	_ =	swait.ge [sflag:s13], $0x4000  }
0x1e6: {  	[sflag:s13] =	ssyncset.done $0x0  }
0x1e7: {  	[sflag:s13] =	ssyncadd.s32 $0xFFFFC000  }
0x1e8: {  	[spmem:s2] =	stream.indirect.scatter.add.f32 [tilespmem:s12], [sflag:$0x2], $0x80, s15, s11, $0xb8;
	[tilespmem:$0x7180] =	vst v63  }
0x1e9: {  	_ =	swait.ge [sflag:s7], $0x4000  }
0x1ea: {  	[sflag:s7] =	ssyncset.done $0x0  }
0x1eb: {  	[sflag:s7] =	ssyncadd.s32 $0xFFFFC000  }
0x1ec: {  	[spmem:s3] =	stream.indirect.scatter.add.f32 [tilespmem:s14], [sflag:$0x2], $0x1, s15, s11, $0xb8;
	[tilespmem:$0x7180] =	vst v63  }
0x1ed: {  	_ =	swait.ge [sflag:s7], $0x80  }
0x1ee: {  	[sflag:s7] =	ssyncset.done $0x0  }
0x1ef: {  	[sflag:s7] =	ssyncadd.s32 $0xFFFFFF80  }
0x1f0: {  	[tilespmem:s12], [sflag:$0x1] =	stream.indirect.gather [hbm4b:s1+s11], $0x80, s16, s11, $0xb8;
	[tilespmem:$0x7180] =	vst v63  }
0x1f1: {  	_ =	swait.ge [sflag:s13], $0x4000  }
0x1f2: {  	[sflag:s13] =	ssyncset.done $0x0  }
0x1f3: {  	[sflag:s13] =	ssyncadd.s32 $0xFFFFC000  }
0x1f4: {  	[spmem:s2] =	stream.indirect.scatter.add.f32 [tilespmem:s12], [sflag:$0x2], $0x80, s17, s11, $0xb8;
	[tilespmem:$0x7180] =	vst v63  }
0x1f5: {  	_ =	swait.ge [sflag:s7], $0x4000  }
0x1f6: {  	[sflag:s7] =	ssyncset.done $0x0  }
0x1f7: {  	[sflag:s7] =	ssyncadd.s32 $0xFFFFC000  }
0x1f8: {  	[spmem:s3] =	stream.indirect.scatter.add.f32 [tilespmem:s14], [sflag:$0x2], $0x1, s17, s11, $0xb8;
	[tilespmem:$0x7180] =	vst v63  }
0x1f9: {  	_ =	swait.ge [sflag:s7], $0x80  }
0x1fa: {  	[sflag:s7] =	ssyncset.done $0x0  }
0x1fb: {  	[sflag:s7] =	ssyncadd.s32 $0xFFFFFF80  }
0x1fc: {  	[tilespmem:s12], [sflag:$0x1] =	stream.indirect.gather [hbm4b:s1+s11], $0x80, s18, s11, $0xb8;
	[tilespmem:$0x7180] =	vst v63  }
0x1fd: {  	_ =	swait.ge [sflag:s13], $0x4000  }
0x1fe: {  	[sflag:s13] =	ssyncset.done $0x0  }
0x1ff: {  	[sflag:s13] =	ssyncadd.s32 $0xFFFFC000  }
0x200: {  	[spmem:s2] =	stream.indirect.scatter.add.f32 [tilespmem:s12], [sflag:$0x2], $0x80, s19, s11, $0xb8;
	[tilespmem:$0x7180] =	vst v63  }
0x201: {  	_ =	swait.ge [sflag:s7], $0x4000  }
0x202: {  	[sflag:s7] =	ssyncset.done $0x0  }
0x203: {  	[sflag:s7] =	ssyncadd.s32 $0xFFFFC000  }
0x204: {  	[spmem:s3] =	stream.indirect.scatter.add.f32 [tilespmem:s14], [sflag:$0x2], $0x1, s19, s11, $0xb8;
	[tilespmem:$0x7180] =	vst v63  }
0x205: {  	_ =	swait.ge [sflag:s7], $0x80  }
0x206: {  	[sflag:s7] =	ssyncset.done $0x0  }
0x207: {  	[sflag:s7] =	ssyncadd.s32 $0xFFFFFF80  }
0x208: {  	[tilespmem:s12], [sflag:$0x1] =	stream.indirect.gather [hbm4b:s1+s11], $0x80, s20, s11, $0xb8;
	[tilespmem:$0x7180] =	vst v63  }
0x209: {  	_ =	swait.ge [sflag:s13], $0x4000  }
0x20a: {  	[sflag:s13] =	ssyncset.done $0x0  }
0x20b: {  	[sflag:s13] =	ssyncadd.s32 $0xFFFFC000  }
0x20c: {  	[spmem:s2] =	stream.indirect.scatter.add.f32 [tilespmem:s12], [sflag:$0x2], $0x80, s21, s11, $0xb8;
	[tilespmem:$0x7180] =	vst v63  }
0x20d: {  	_ =	swait.ge [sflag:s7], $0x4000  }
0x20e: {  	[sflag:s7] =	ssyncset.done $0x0  }
0x20f: {  	[sflag:s7] =	ssyncadd.s32 $0xFFFFC000  }
0x210: {  	[spmem:s3] =	stream.indirect.scatter.add.f32 [tilespmem:s14], [sflag:$0x2], $0x1, s21, s11, $0xb8;
	[tilespmem:$0x7180] =	vst v63  }
0x211: {  	_ =	swait.ge [sflag:s7], $0x80  }
0x212: {  	[sflag:s7] =	ssyncset.done $0x0  }
0x213: {  	[sflag:s7] =	ssyncadd.s32 $0xFFFFFF80  }
0x214: {  	[tilespmem:s12], [sflag:$0x1] =	stream.indirect.gather [hbm4b:s1+s11], $0x80, s22, s11, $0xb8;
	[tilespmem:$0x7180] =	vst v63  }
0x215: {  	_ =	swait.ge [sflag:s13], $0x4000  }
0x216: {  	[sflag:s13] =	ssyncset.done $0x0  }
0x217: {  	[sflag:s13] =	ssyncadd.s32 $0xFFFFC000  }
0x218: {  	[spmem:s2] =	stream.indirect.scatter.add.f32 [tilespmem:s12], [sflag:$0x2], $0x80, s23, s11, $0xb8;
	[tilespmem:$0x7180] =	vst v63  }
0x219: {  	_ =	swait.ge [sflag:s7], $0x4000  }
0x21a: {  	[sflag:s7] =	ssyncset.done $0x0  }
0x21b: {  	[sflag:s7] =	ssyncadd.s32 $0xFFFFC000  }
0x21c: {  	[spmem:s3] =	stream.indirect.scatter.add.f32 [tilespmem:s14], [sflag:$0x2], $0x1, s23, s11, $0xb8;
	[tilespmem:$0x7180] =	vst v63  }
0x21d: {  	_ =	swait.ge [sflag:s7], $0x80  }
0x21e: {  	[sflag:s7] =	ssyncset.done $0x0  }
0x21f: {  	[sflag:s7] =	ssyncadd.s32 $0xFFFFFF80  }
0x220: {  	[tilespmem:s12], [sflag:$0x1] =	stream.indirect.gather [hbm4b:s1+s11], $0x80, s24, s11, $0xb8;
	[tilespmem:$0x7180] =	vst v63  }
0x221: {  	_ =	swait.ge [sflag:s13], $0x4000  }
0x222: {  	[sflag:s13] =	ssyncset.done $0x0  }
0x223: {  	[sflag:s13] =	ssyncadd.s32 $0xFFFFC000  }
0x224: {  	[spmem:s2] =	stream.indirect.scatter.add.f32 [tilespmem:s12], [sflag:$0x2], $0x80, s25, s11, $0xb8;
	[tilespmem:$0x7180] =	vst v63  }
0x225: {  	_ =	swait.ge [sflag:s7], $0x4000  }
0x226: {  	[sflag:s7] =	ssyncset.done $0x0  }
0x227: {  	[sflag:s7] =	ssyncadd.s32 $0xFFFFC000  }
0x228: {  	[spmem:s3] =	stream.indirect.scatter.add.f32 [tilespmem:s14], [sflag:$0x2], $0x1, s25, s11, $0xb8;
	[tilespmem:$0x7180] =	vst v63  }
0x229: {  	_ =	swait.ge [sflag:s7], $0x80  }
0x22a: {  	[sflag:s7] =	ssyncset.done $0x0  }
0x22b: {  	[sflag:s7] =	ssyncadd.s32 $0xFFFFFF80  }
0x22c: {  	[tilespmem:s12], [sflag:$0x1] =	stream.indirect.gather [hbm4b:s1+s11], $0x80, s26, s11, $0xb8;
	[tilespmem:$0x7180] =	vst v63  }
0x22d: {  	_ =	swait.ge [sflag:s13], $0x4000  }
0x22e: {  	[sflag:s13] =	ssyncset.done $0x0  }
0x22f: {  	[sflag:s13] =	ssyncadd.s32 $0xFFFFC000  }
0x230: {  	[spmem:s2] =	stream.indirect.scatter.add.f32 [tilespmem:s12], [sflag:$0x2], $0x80, s28, s11, $0xb8;
	[tilespmem:$0x7180] =	vst v63  }
0x231: {  	_ =	swait.ge [sflag:s7], $0x4000  }
0x232: {  	[sflag:s7] =	ssyncset.done $0x0  }
0x233: {  	[sflag:s7] =	ssyncadd.s32 $0xFFFFC000  }
0x234: {  	[spmem:s3] =	stream.indirect.scatter.add.f32 [tilespmem:s14], [sflag:$0x2], $0x1, s28, s11, $0xb8;
	[tilespmem:$0x7180] =	vst v63  }
0x235: {  	_ =	swait.ge [sflag:s7], $0x80  }
0x236: {  	[sflag:s7] =	ssyncset.done $0x0  }
0x237: {  	[sflag:s7] =	ssyncadd.s32 $0xFFFFFF80  }
0x238: {  	[bflag:$0x0] =	sbarrier.arrive $0xFFFF  }
0x239: {  	[tilespmem:s12], [sflag:$0x2] =	stream.linear.gather [spmem:s6], $0x2000, $0x38;
	[tilespmem:$0x7180] =	vst v63  }
0x23a: {  	_ =	swait.ge [sflag:s7], $0x2000  }
0x23b: {  	[sflag:s7] =	ssyncset.done $0x0  }
0x23c: {  	[sflag:s7] =	ssyncadd.s32 $0xFFFFE000  }
0x23d: {  	[hbm4b:s29+s4] =	stream.linear.scatter [tilespmem:s12], [sflag:$0x2], $0x2000, $0x38;
	[tilespmem:$0x7180] =	vst v63  }
0x23e: {  	_ =	swait.ge [sflag:s7], $0x2000  }
0x23f: {  	[sflag:s7] =	ssyncset.done $0x0  }
0x240: {  	[sflag:s7] =	ssyncadd.s32 $0xFFFFE000  }
0x241: {  	[tilespmem:s9], [sflag:$0x2] =	stream.linear.gather [spmem:s30], $0x40, $0x38;
	[tilespmem:$0x7180] =	vst v63  }
0x242: {  	p0 =	sne.s32 s0, $0x1;
	_ =	swait.ge [sflag:s7], $0x40  }
.Ltmp1:
0x243: {  	[sflag:s7] =	ssyncset.done $0x0;
	(pc) =	sbr.rel @p0 .LBB2_1-.Ltmp1, $4  }
0x244: {  	[sflag:s7] =	ssyncadd.s32 $0xFFFFFFC0  }
0x245: {  	[hbm4b:s31+s4] =	stream.linear.scatter [tilespmem:s9], [sflag:$0x2], $0x40, $0x38;
	[tilespmem:$0x7180] =	vst v63  }
0x246: {  	_ =	swait.ge [sflag:s7], $0x40  }
0x247: {  	s0 =	sadd.s32 $0xFFFFFFFF, s0;
	[sflag:s7] =	ssyncset.done $0x0  }
.LBB2_2:
0x248: {  	[sflag:s7] =	ssyncadd.s32 $0xFFFFFFC0  }
0x249: {  	_ =	sfence.sel $0x180000  }
0x24a: {  	[bflag:$0x0] =	sbarrier.arrive $0xFFFF  }
0x24b: {  	_ =	strace $0x9000004A  }
0x24c: {  	s0 =	stileid.u32;
	[bflag:$0x2] =	sbarrier.arrive $0xFFFF  }
0x24d: {  	p0 =	sne.s32 s0, $0x0;
	s0 =	rddreg [dreg:$0x4]  }
0x24e: {  	s0 =	sadd.s32 @!p0 $0x100000, s0  }
0x24f: {  	[sflag:s0] =	ssyncadd.tile.s32 @!p0 $0x1;
	_ =	shalt  }
.Lfunc_end2:
_tile_overlayer_lowered:
.L_overlay_start_2:
0x250: {  	(tag) =	ssettag $0x2  }
0x251: {  	s0 =	rddreg [dreg:$0x0];
	s2 =	stileid.u32  }
0x252: {  	s1 =	rddreg [dreg:$0x1];
	p0 =	sne.s32 s2, $0x0  }
0x253: {  	s3 =	rddreg [dreg:$0x2];
	[bflag:$0x3] =	sbarrier.arrive $0xFFFF;
	s2 =	simm.s32 @!p0 $0x1C02  }
0x254: {  	[timem:s3], [sflag:s2] =	dma.local @!p0 [hbm:s0], s1  }
0x255: {  	s0 =	simm.s32 @!p0 $0x2  }
0x256: {  	_ =	swait.ge @!p0 [sflag:s0], s1  }
0x257: {  	s1 =	ssub.s32 @!p0 $0x0, s1;
	[sflag:s0] =	ssyncset.done @!p0 $0x0  }
0x258: {  	[sflag:s0] =	ssyncadd.s32 @!p0 s1  }
0x259: {  	[bflag:$0x3] =	sbarrier.arrive $0xFFFF  }
0x25a: {  	_ =	shalt  }

</sc_bundles>
